<compile_context>
chip_gen: v7x
topology: tpu7x:2x2x1
jax: 0.10.2.dev20260603
libtpu: 0.0.44.dev20260713+nightly
codegen_flags: <defaults>
</compile_context>

<pallas_src>
import functools

import jax
import jax.numpy as jnp
import numpy as np
from jax import lax
from jax.experimental import pallas as pl
from jax.experimental.pallas import tpu as pltpu
from jax.experimental.pallas import tpu_sc as plsc

_SC_PARAMS = pltpu.CompilerParams(use_tc_tiling_on_sc=False)

NC = 2
NS = 16
NW = NC * NS
L = 16
CHUNK = 128
NBUF = 8


def _load_idx(er_hbm, pad_hbm, row, wid, idx_v, n_chunks, real_rows):
  wb = real_rows // n_chunks
  rem = real_rows % n_chunks

  @pl.when(wid < wb)
  def _():
    pltpu.sync_copy(er_hbm.at[row, pl.ds(wid * n_chunks, n_chunks)], idx_v)

  if rem:
    @pl.when(wid == wb)
    def _():
      pltpu.sync_copy(er_hbm.at[row, pl.ds(wb * n_chunks, rem)],
                      idx_v.at[pl.ds(0, rem)])
      pltpu.sync_copy(pad_hbm.at[row],
                      idx_v.at[pl.ds(rem, n_chunks - rem)])


def _sc_hist(er, pads, zeros_np, ones_chunk, n_pad, n_chunks, real_rows):
  mesh = plsc.VectorSubcoreMesh(core_axis_name="c", subcore_axis_name="s")
  rpt = n_pad // NS

  @functools.partial(
      pl.kernel,
      out_type=jax.ShapeDtypeStruct((NC, n_pad, L), jnp.float32),
      mesh=mesh,
      compiler_params=_SC_PARAMS,
      scratch_types=[
          pltpu.VMEM((n_chunks, CHUNK), jnp.int32),
          pltpu.VMEM((CHUNK, L), jnp.float32),
          pltpu.VMEM_SHARED((n_pad, L), jnp.float32),
          pltpu.SemaphoreType.DMA,
      ],
  )
  def hist(er_hbm, pad_hbm, zeros_hbm, ones_hbm, out_hbm,
           dst_v, ones_v, acc, sem):
    c = lax.axis_index("c")
    s = lax.axis_index("s")
    wid = c * NS + s
    rows = pl.ds(s * rpt, rpt)
    _load_idx(er_hbm, pad_hbm, 1, wid, dst_v, n_chunks, real_rows)
    pltpu.sync_copy(ones_hbm, ones_v)
    pltpu.sync_copy(zeros_hbm.at[rows], acc.at[rows])
    plsc.subcore_barrier()

    @pl.loop(0, n_chunks)
    def _(j):
      pltpu.async_copy(ones_v, acc.at[dst_v.at[j]], sem, add=True)

    @pl.loop(0, n_chunks)
    def _(j):
      pltpu.make_async_copy(ones_v, acc.at[dst_v.at[j]], sem).wait()

    plsc.subcore_barrier()
    pltpu.sync_copy(acc.at[rows], out_hbm.at[c, rows])

  return hist(er, pads, zeros_np, ones_chunk)


def _sc_edge_pass(table, er, pads, zeros_np, n_pad, n_chunks, real_rows):
  mesh = plsc.VectorSubcoreMesh(core_axis_name="c", subcore_axis_name="s")
  rpt = n_pad // NS
  outer = n_chunks // NBUF

  @functools.partial(
      pl.kernel,
      out_type=jax.ShapeDtypeStruct((NC, n_pad, L), jnp.float32),
      mesh=mesh,
      compiler_params=_SC_PARAMS,
      scratch_types=[
          pltpu.VMEM((n_chunks, CHUNK), jnp.int32),
          pltpu.VMEM((n_chunks, CHUNK), jnp.int32),
          pltpu.VMEM((NBUF, CHUNK, L), jnp.float32),
          pltpu.VMEM_SHARED((n_pad, L), jnp.float32),
          pltpu.SemaphoreType.DMA((NBUF,)),
          pltpu.SemaphoreType.DMA((NBUF,)),
      ],
  )
  def edge_pass(tab_hbm, er_hbm, pad_hbm, zeros_hbm, out_hbm,
                src_v, dst_v, bufs, acc, gsem, ssem):
    c = lax.axis_index("c")
    s = lax.axis_index("s")
    wid = c * NS + s
    rows = pl.ds(s * rpt, rpt)
    _load_idx(er_hbm, pad_hbm, 0, wid, src_v, n_chunks, real_rows)
    _load_idx(er_hbm, pad_hbm, 1, wid, dst_v, n_chunks, real_rows)
    pltpu.sync_copy(zeros_hbm.at[rows], acc.at[rows])
    plsc.subcore_barrier()

    for b in range(NBUF):
      pltpu.async_copy(tab_hbm.at[src_v.at[b]], bufs.at[b], gsem.at[b])

    @pl.loop(0, outer)
    def _(t):
      base = t * NBUF
      for b in range(NBUF):
        j = base + b
        pltpu.make_async_copy(
            tab_hbm.at[src_v.at[j]], bufs.at[b], gsem.at[b]).wait()
        pltpu.async_copy(bufs.at[b], acc.at[dst_v.at[j]], ssem.at[b],
                         add=True)
      for b in range(NBUF):
        j = base + b
        pltpu.make_async_copy(
            bufs.at[b], acc.at[dst_v.at[j]], ssem.at[b]).wait()

        @pl.when(t + 1 < outer)
        def _():
          pltpu.async_copy(
              tab_hbm.at[src_v.at[j + NBUF]], bufs.at[b], gsem.at[b])

    plsc.subcore_barrier()
    pltpu.sync_copy(acc.at[rows], out_hbm.at[c, rows])

  return edge_pass(table, er, pads, zeros_np)


def _tc_mm1(x_pk, w1_blk, pblk):
  m, kdim = x_pk.shape
  grid = (m // pblk,)

  def body(x_ref, w1_ref, out_ref):
    out_ref[...] = jnp.dot(x_ref[...], w1_ref[...],
                           preferred_element_type=jnp.float32)

  return pl.pallas_call(
      body,
      grid=grid,
      compiler_params=pltpu.CompilerParams(
          dimension_semantics=("parallel",)),
      in_specs=[
          pl.BlockSpec((pblk, kdim), lambda i: (i, 0)),
          pl.BlockSpec((kdim, 128), lambda i: (0, 0)),
      ],
      out_specs=pl.BlockSpec((pblk, 128), lambda i: (i, 0)),
      out_shape=jax.ShapeDtypeStruct((m, 128), jnp.float32),
  )(x_pk, w1_blk)


def _tc_scale(xw_pk, cpart_pk, pblk):
  m = xw_pk.shape[0]
  grid = (m // pblk,)

  def body(xw_ref, cp_ref, dis_ref, xws_ref):
    deg = cp_ref[0] + cp_ref[1] + 1.0
    dis = lax.rsqrt(deg)
    dis_ref[...] = dis
    xws_ref[...] = xw_ref[...] * dis

  return pl.pallas_call(
      body,
      grid=grid,
      compiler_params=pltpu.CompilerParams(
          dimension_semantics=("parallel",)),
      in_specs=[
          pl.BlockSpec((pblk, 128), lambda i: (i, 0)),
          pl.BlockSpec((2, pblk, 128), lambda i: (0, i, 0)),
      ],
      out_specs=[
          pl.BlockSpec((pblk, 128), lambda i: (i, 0)),
          pl.BlockSpec((pblk, 128), lambda i: (i, 0)),
      ],
      out_shape=[
          jax.ShapeDtypeStruct((m, 128), jnp.float32),
          jax.ShapeDtypeStruct((m, 128), jnp.float32),
      ],
  )(xw_pk, cpart_pk)


def _tc_mid(s1_pk, xws1_pk, dis_pk, b1_row, w2_blk, pblk):
  m = xws1_pk.shape[0]
  grid = (m // pblk,)

  def body(s_ref, xws_ref, dis_ref, b1_ref, w2_ref, out_ref):
    dis = dis_ref[...]
    h = (s_ref[0] + s_ref[1] + xws_ref[...]) * dis + b1_ref[...]
    h = jnp.maximum(h, 0.0)
    xw2 = jnp.dot(h, w2_ref[...], preferred_element_type=jnp.float32)
    out_ref[...] = xw2 * dis

  return pl.pallas_call(
      body,
      grid=grid,
      compiler_params=pltpu.CompilerParams(
          dimension_semantics=("parallel",)),
      in_specs=[
          pl.BlockSpec((2, pblk, 128), lambda i: (0, i, 0)),
          pl.BlockSpec((pblk, 128), lambda i: (i, 0)),
          pl.BlockSpec((pblk, 128), lambda i: (i, 0)),
          pl.BlockSpec((1, 128), lambda i: (0, 0)),
          pl.BlockSpec((128, 128), lambda i: (0, 0)),
      ],
      out_specs=pl.BlockSpec((pblk, 128), lambda i: (i, 0)),
      out_shape=jax.ShapeDtypeStruct((m, 128), jnp.float32),
  )(s1_pk, xws1_pk, dis_pk, b1_row, w2_blk)


def _tc_fin(s2_pk, xws2_pk, dis_pk, b2_row, pblk):
  m = xws2_pk.shape[0]
  grid = (m // pblk,)

  def body(s_ref, xws_ref, dis_ref, b2_ref, out_ref):
    out_ref[...] = ((s_ref[0] + s_ref[1] + xws_ref[...]) * dis_ref[...]
                    + b2_ref[...])

  return pl.pallas_call(
      body,
      grid=grid,
      compiler_params=pltpu.CompilerParams(
          dimension_semantics=("parallel",)),
      in_specs=[
          pl.BlockSpec((2, pblk, 128), lambda i: (0, i, 0)),
          pl.BlockSpec((pblk, 128), lambda i: (i, 0)),
          pl.BlockSpec((pblk, 128), lambda i: (i, 0)),
          pl.BlockSpec((1, 128), lambda i: (0, 0)),
      ],
      out_specs=pl.BlockSpec((pblk, 128), lambda i: (i, 0)),
      out_shape=jax.ShapeDtypeStruct((m, 128), jnp.float32),
  )(s2_pk, xws2_pk, dis_pk, b2_row)


def kernel(x, edge_index, W1, b1, W2, b2):
  n, d_in = x.shape
  e = edge_index.shape[1]

  blk = 1280
  n_pad = -(-n // blk) * blk
  m_pk = n_pad // 8

  assert e % CHUNK == 0
  real_rows = e // CHUNK
  n_chunks = -(-real_rows // NW)
  n_chunks = -(-n_chunks // NBUF) * NBUF
  pad_rows = n_chunks - real_rows % n_chunks if real_rows % n_chunks else 0

  er = edge_index.reshape(2, real_rows, CHUNK)
  pad_idx = np.arange(pad_rows * CHUNK, dtype=np.int32)
  pads = jnp.asarray(
      np.stack([pad_idx % n, n + pad_idx % (n_pad - n)]).astype(
          np.int32).reshape(2, pad_rows, CHUNK))

  zeros_np = jnp.asarray(np.zeros((n_pad, L), np.float32))
  ones_chunk = jnp.asarray(np.ones((CHUNK, L), np.float32))
  x_pk = jnp.concatenate(
      [x, jnp.zeros((n_pad - n, d_in), x.dtype)]).reshape(m_pk, 8 * d_in)

  d_hid = W1.shape[1]
  mask1 = np.zeros((8 * d_in, 128), np.float32)
  mask2 = np.zeros((128, 128), np.float32)
  for i in range(8):
    mask1[i * d_in:(i + 1) * d_in, i * d_hid:(i + 1) * d_hid] = 1.0
    mask2[i * L:(i + 1) * L, i * L:(i + 1) * L] = 1.0
  w1_blk = jnp.tile(W1, (8, 8)) * jnp.asarray(mask1)
  w2_blk = jnp.tile(W2, (8, 8)) * jnp.asarray(mask2)
  b1_row = jnp.tile(b1, 8).reshape(1, 128)
  b2_row = jnp.tile(b2, 8).reshape(1, 128)

  xw_pk = _tc_mm1(x_pk, w1_blk, pblk=640)
  cpart = _sc_hist(er, pads, zeros_np, ones_chunk, n_pad, n_chunks,
                   real_rows)
  cpart_pk = cpart.reshape(NC, m_pk, 128)
  dis_pk, xws1_pk = _tc_scale(xw_pk, cpart_pk, pblk=640)

  s1 = _sc_edge_pass(xws1_pk.reshape(n_pad, L), er, pads, zeros_np,
                     n_pad, n_chunks, real_rows)
  xws2_pk = _tc_mid(s1.reshape(NC, m_pk, 128), xws1_pk, dis_pk,
                    b1_row, w2_blk, pblk=640)

  s2 = _sc_edge_pass(xws2_pk.reshape(n_pad, L), er, pads, zeros_np,
                     n_pad, n_chunks, real_rows)
  out_pk = _tc_fin(s2.reshape(NC, m_pk, 128), xws2_pk, dis_pk, b2_row,
                   pblk=640)
  return out_pk.reshape(n_pad, L)[:n]

# --- scband reference (transcript-rebuilt; emitter-appended) ---
"""Pipeline reference for scband-gcn-16673063043610 (READ-ONLY COPY).

The authoritative reference and input builder live on the scoring server;
editing this copy changes nothing except your own understanding.
"""

import jax, jax.numpy as jnp
import numpy as np

N = 10000
E = 320000
D_IN = 128
D_HID = 16
D_OUT = 16


def setup_inputs(seed: int = 0) -> dict:
    key = jax.random.key(seed)
    k1, k2, k3, k4, k5, k6 = jax.random.split(key, 6)
    x = jax.random.normal(k1, (N, D_IN), dtype=jnp.float32)
    edge_index = jax.random.randint(k2, (2, E), 0, N, dtype=jnp.int32)
    W1 = jax.random.normal(k3, (D_IN, D_HID), dtype=jnp.float32) * (1.0 / np.sqrt(D_IN))
    b1 = jnp.zeros((D_HID,), dtype=jnp.float32)
    W2 = jax.random.normal(k4, (D_HID, D_OUT), dtype=jnp.float32) * (1.0 / np.sqrt(D_HID))
    b2 = jnp.zeros((D_OUT,), dtype=jnp.float32)
    return {"x": x, "edge_index": edge_index, "W1": W1, "b1": b1, "W2": W2, "b2": b2}


def _gcn_conv(x, src, dst, W, b):
    # PyG GCNConv: linear transform, then aggregate with symmetric normalization
    xw = x @ W
    deg = jnp.zeros((N,), dtype=x.dtype).at[dst].add(1.0)
    dis = jnp.where(deg > 0, jax.lax.rsqrt(jnp.maximum(deg, 1e-12)), 0.0)
    norm = dis[src] * dis[dst]
    msg = xw[src] * norm[:, None]
    out = jnp.zeros((N, W.shape[1]), dtype=x.dtype).at[dst].add(msg)
    return out + b


def reference(x, edge_index, W1, b1, W2, b2):
    # add self-loops once (same graph used by every layer)
    loop = jnp.arange(N, dtype=edge_index.dtype)
    src = jnp.concatenate([edge_index[0], loop])
    dst = jnp.concatenate([edge_index[1], loop])
    h = jax.nn.relu(_gcn_conv(x, src, dst, W1, b1))
    out = _gcn_conv(h, src, dst, W2, b2)
    return out  # output_activation is identity

if __name__ == "__main__":
    import jax
    _d = setup_inputs()
    print(jax.jit(kernel)(*tuple(_d.values())))

</pallas_src>

<mosaic_0001>
#map = affine_map<(d0, d1) -> (0, 0)>
#map1 = affine_map<(d0, d1) -> (0, 0, 0)>
module attributes {stable_mosaic.version = 14 : i64} {
  func.func @edge_pass(%arg0: i32, %arg1: i32, %arg2: memref<10240x16xf32, #tpu.memory_space<hbm>>, %arg3: memref<2x2500x128xi32, #tpu.memory_space<hbm>>, %arg4: memref<2x60x128xi32, #tpu.memory_space<hbm>>, %arg5: memref<10240x16xf32, #tpu.memory_space<hbm>>, %arg6: memref<2x10240x16xf32, #tpu.memory_space<hbm>>, %arg7: memref<80x128xi32, #tpu.memory_space<vmem>>, %arg8: memref<80x128xi32, #tpu.memory_space<vmem>>, %arg9: memref<8x128x16xf32, #tpu.memory_space<vmem>>, %arg10: memref<10240x16xf32, #tpu.memory_space<vmem_shared>>, %arg11: memref<8x!tpu.dma_semaphore, #tpu.memory_space<semaphore_mem>>, %arg12: memref<8x!tpu.dma_semaphore, #tpu.memory_space<semaphore_mem>>) attributes {dimension_semantics = [#tpu.dimension_semantics<core_parallel>, #tpu.dimension_semantics<subcore_parallel>], iteration_bounds = array<i64: 2, 16>, scalar_prefetch = 0 : i64, scratch_operands = 6 : i64, tpu.core_type = #tpu.core_type<sc_vector_subcore>, window_params = [{transform_indices = #map}, {transform_indices = #map1}, {transform_indices = #map1}, {transform_indices = #map}, {transform_indices = #map1}]} {
    %mul3A = arith.constant 16 : i32
    %mul3A_0 = arith.muli %arg0, %mul3A : i32
    %add3A = arith.addi %mul3A_0, %arg1 : i32
    %mul3A_1 = arith.constant 640 : i32
    %mul3A_2 = arith.muli %arg1, %mul3A_1 : i32
    %lt3A = arith.constant 31 : i32
    %lt3A_3 = arith.cmpi slt, %add3A, %lt3A : i32
    %convert_element_type3A = arith.extui %lt3A_3 : i1 to i32
    %cond3A = arith.constant 0 : i32
    %cond3A_4 = arith.cmpi ne, %convert_element_type3A, %cond3A : i32
    scf.if %cond3A_4 {
      %mul3A_143 = arith.constant 80 : i32
      %mul3A_144 = arith.muli %add3A, %mul3A_143 : i32
      %run_scoped3A = arith.constant 0 : i32
      "tpu.region"() ({
        %run_scoped3A_145 = tpu.sem_alloc : memref<!tpu.dma_semaphore, #tpu.memory_space<semaphore_mem>>
        %dma_start3A_146 = arith.constant 0 : i32
        %dma_start3A_147 = tpu.memref_slice %arg3[%run_scoped3A, %mul3A_144, %dma_start3A_146] : memref<2x2500x128xi32, #tpu.memory_space<hbm>> -> memref<1x80x128xi32, #tpu.memory_space<hbm>>
        %dma_start3A_148 = tpu.memref_squeeze %dma_start3A_147 : memref<1x80x128xi32, #tpu.memory_space<hbm>> -> memref<80x128xi32, #tpu.memory_space<hbm>>
        %dma_start3A_149 = arith.constant 0 : i32
        %dma_start3A_150 = tpu.memref_slice %arg3[%run_scoped3A, %mul3A_144, %dma_start3A_149] : memref<2x2500x128xi32, #tpu.memory_space<hbm>> -> memref<1x80x128xi32, #tpu.memory_space<hbm>>
        %dma_start3A_151 = tpu.memref_squeeze %dma_start3A_150 : memref<1x80x128xi32, #tpu.memory_space<hbm>> -> memref<80x128xi32, #tpu.memory_space<hbm>>
        tpu.enqueue_dma source(%dma_start3A_151 : memref<80x128xi32, #tpu.memory_space<hbm>>) target(%arg7 : memref<80x128xi32, #tpu.memory_space<vmem>>) target_semaphore(%run_scoped3A_145 : memref<!tpu.dma_semaphore, #tpu.memory_space<semaphore_mem>>)
        %dma_wait3A = arith.constant 0 : i32
        %dma_wait3A_152 = tpu.memref_slice %arg3[%run_scoped3A, %mul3A_144, %dma_wait3A] : memref<2x2500x128xi32, #tpu.memory_space<hbm>> -> memref<1x80x128xi32, #tpu.memory_space<hbm>>
        %dma_wait3A_153 = tpu.memref_squeeze %dma_wait3A_152 : memref<1x80x128xi32, #tpu.memory_space<hbm>> -> memref<80x128xi32, #tpu.memory_space<hbm>>
        %dma_wait3A_154 = arith.constant 0 : i32
        %dma_wait3A_155 = tpu.memref_slice %arg3[%run_scoped3A, %mul3A_144, %dma_wait3A_154] : memref<2x2500x128xi32, #tpu.memory_space<hbm>> -> memref<1x80x128xi32, #tpu.memory_space<hbm>>
        %dma_wait3A_156 = tpu.memref_squeeze %dma_wait3A_155 : memref<1x80x128xi32, #tpu.memory_space<hbm>> -> memref<80x128xi32, #tpu.memory_space<hbm>>
        tpu.wait_dma2 semaphore(%run_scoped3A_145 : memref<!tpu.dma_semaphore, #tpu.memory_space<semaphore_mem>>) src(%dma_wait3A_156 : memref<80x128xi32, #tpu.memory_space<hbm>>) dst(%arg7 : memref<80x128xi32, #tpu.memory_space<vmem>>)
        tpu.yield
      }) : () -> ()
    } else {
    }
    %eq3A = arith.constant 31 : i32
    %eq3A_5 = arith.cmpi eq, %add3A, %eq3A : i32
    %convert_element_type3A_6 = arith.extui %eq3A_5 : i1 to i32
    %cond3A_7 = arith.constant 0 : i32
    %cond3A_8 = arith.cmpi ne, %convert_element_type3A_6, %cond3A_7 : i32
    scf.if %cond3A_8 {
      %run_scoped3A = arith.constant 0 : i32
      "tpu.region"() ({
        %run_scoped3A_144 = tpu.sem_alloc : memref<!tpu.dma_semaphore, #tpu.memory_space<semaphore_mem>>
        %dma_start3A_145 = arith.constant 0 : i32
        %dma_start3A_146 = arith.constant 0 : i32
        %dma_start3A_147 = tpu.memref_slice %arg7[%dma_start3A_145, %dma_start3A_146] : memref<80x128xi32, #tpu.memory_space<vmem>> -> memref<20x128xi32, #tpu.memory_space<vmem>>
        %dma_start3A_148 = arith.constant 2480 : i32
        %dma_start3A_149 = arith.constant 0 : i32
        %dma_start3A_150 = tpu.memref_slice %arg3[%run_scoped3A, %dma_start3A_148, %dma_start3A_149] : memref<2x2500x128xi32, #tpu.memory_space<hbm>> -> memref<1x20x128xi32, #tpu.memory_space<hbm>>
        %dma_start3A_151 = tpu.memref_squeeze %dma_start3A_150 : memref<1x20x128xi32, #tpu.memory_space<hbm>> -> memref<20x128xi32, #tpu.memory_space<hbm>>
        %dma_start3A_152 = arith.constant 0 : i32
        %dma_start3A_153 = arith.constant 0 : i32
        %dma_start3A_154 = tpu.memref_slice %arg7[%dma_start3A_152, %dma_start3A_153] : memref<80x128xi32, #tpu.memory_space<vmem>> -> memref<20x128xi32, #tpu.memory_space<vmem>>
        %dma_start3A_155 = arith.constant 2480 : i32
        %dma_start3A_156 = arith.constant 0 : i32
        %dma_start3A_157 = tpu.memref_slice %arg3[%run_scoped3A, %dma_start3A_155, %dma_start3A_156] : memref<2x2500x128xi32, #tpu.memory_space<hbm>> -> memref<1x20x128xi32, #tpu.memory_space<hbm>>
        %dma_start3A_158 = tpu.memref_squeeze %dma_start3A_157 : memref<1x20x128xi32, #tpu.memory_space<hbm>> -> memref<20x128xi32, #tpu.memory_space<hbm>>
        tpu.enqueue_dma source(%dma_start3A_158 : memref<20x128xi32, #tpu.memory_space<hbm>>) target(%dma_start3A_154 : memref<20x128xi32, #tpu.memory_space<vmem>>) target_semaphore(%run_scoped3A_144 : memref<!tpu.dma_semaphore, #tpu.memory_space<semaphore_mem>>)
        %dma_wait3A = arith.constant 0 : i32
        %dma_wait3A_159 = arith.constant 0 : i32
        %dma_wait3A_160 = tpu.memref_slice %arg7[%dma_wait3A, %dma_wait3A_159] : memref<80x128xi32, #tpu.memory_space<vmem>> -> memref<20x128xi32, #tpu.memory_space<vmem>>
        %dma_wait3A_161 = arith.constant 2480 : i32
        %dma_wait3A_162 = arith.constant 0 : i32
        %dma_wait3A_163 = tpu.memref_slice %arg3[%run_scoped3A, %dma_wait3A_161, %dma_wait3A_162] : memref<2x2500x128xi32, #tpu.memory_space<hbm>> -> memref<1x20x128xi32, #tpu.memory_space<hbm>>
        %dma_wait3A_164 = tpu.memref_squeeze %dma_wait3A_163 : memref<1x20x128xi32, #tpu.memory_space<hbm>> -> memref<20x128xi32, #tpu.memory_space<hbm>>
        %dma_wait3A_165 = arith.constant 0 : i32
        %dma_wait3A_166 = arith.constant 0 : i32
        %dma_wait3A_167 = tpu.memref_slice %arg7[%dma_wait3A_165, %dma_wait3A_166] : memref<80x128xi32, #tpu.memory_space<vmem>> -> memref<20x128xi32, #tpu.memory_space<vmem>>
        %dma_wait3A_168 = arith.constant 2480 : i32
        %dma_wait3A_169 = arith.constant 0 : i32
        %dma_wait3A_170 = tpu.memref_slice %arg3[%run_scoped3A, %dma_wait3A_168, %dma_wait3A_169] : memref<2x2500x128xi32, #tpu.memory_space<hbm>> -> memref<1x20x128xi32, #tpu.memory_space<hbm>>
        %dma_wait3A_171 = tpu.memref_squeeze %dma_wait3A_170 : memref<1x20x128xi32, #tpu.memory_space<hbm>> -> memref<20x128xi32, #tpu.memory_space<hbm>>
        tpu.wait_dma2 semaphore(%run_scoped3A_144 : memref<!tpu.dma_semaphore, #tpu.memory_space<semaphore_mem>>) src(%dma_wait3A_171 : memref<20x128xi32, #tpu.memory_space<hbm>>) dst(%dma_wait3A_167 : memref<20x128xi32, #tpu.memory_space<vmem>>)
        tpu.yield
      }) : () -> ()
      %run_scoped3A_143 = arith.constant 0 : i32
      "tpu.region"() ({
        %run_scoped3A_144 = tpu.sem_alloc : memref<!tpu.dma_semaphore, #tpu.memory_space<semaphore_mem>>
        %dma_start3A_145 = arith.constant 20 : i32
        %dma_start3A_146 = arith.constant 0 : i32
        %dma_start3A_147 = tpu.memref_slice %arg7[%dma_start3A_145, %dma_start3A_146] : memref<80x128xi32, #tpu.memory_space<vmem>> -> memref<60x128xi32, #tpu.memory_space<vmem>>
        %dma_start3A_148 = arith.constant 0 : i32
        %dma_start3A_149 = arith.constant 0 : i32
        %dma_start3A_150 = tpu.memref_slice %arg4[%run_scoped3A_143, %dma_start3A_148, %dma_start3A_149] : memref<2x60x128xi32, #tpu.memory_space<hbm>> -> memref<1x60x128xi32, #tpu.memory_space<hbm>>
        %dma_start3A_151 = tpu.memref_squeeze %dma_start3A_150 : memref<1x60x128xi32, #tpu.memory_space<hbm>> -> memref<60x128xi32, #tpu.memory_space<hbm>>
        %dma_start3A_152 = arith.constant 20 : i32
        %dma_start3A_153 = arith.constant 0 : i32
        %dma_start3A_154 = tpu.memref_slice %arg7[%dma_start3A_152, %dma_start3A_153] : memref<80x128xi32, #tpu.memory_space<vmem>> -> memref<60x128xi32, #tpu.memory_space<vmem>>
        %dma_start3A_155 = arith.constant 0 : i32
        %dma_start3A_156 = arith.constant 0 : i32
        %dma_start3A_157 = tpu.memref_slice %arg4[%run_scoped3A_143, %dma_start3A_155, %dma_start3A_156] : memref<2x60x128xi32, #tpu.memory_space<hbm>> -> memref<1x60x128xi32, #tpu.memory_space<hbm>>
        %dma_start3A_158 = tpu.memref_squeeze %dma_start3A_157 : memref<1x60x128xi32, #tpu.memory_space<hbm>> -> memref<60x128xi32, #tpu.memory_space<hbm>>
        tpu.enqueue_dma source(%dma_start3A_158 : memref<60x128xi32, #tpu.memory_space<hbm>>) target(%dma_start3A_154 : memref<60x128xi32, #tpu.memory_space<vmem>>) target_semaphore(%run_scoped3A_144 : memref<!tpu.dma_semaphore, #tpu.memory_space<semaphore_mem>>)
        %dma_wait3A = arith.constant 20 : i32
        %dma_wait3A_159 = arith.constant 0 : i32
        %dma_wait3A_160 = tpu.memref_slice %arg7[%dma_wait3A, %dma_wait3A_159] : memref<80x128xi32, #tpu.memory_space<vmem>> -> memref<60x128xi32, #tpu.memory_space<vmem>>
        %dma_wait3A_161 = arith.constant 0 : i32
        %dma_wait3A_162 = arith.constant 0 : i32
        %dma_wait3A_163 = tpu.memref_slice %arg4[%run_scoped3A_143, %dma_wait3A_161, %dma_wait3A_162] : memref<2x60x128xi32, #tpu.memory_space<hbm>> -> memref<1x60x128xi32, #tpu.memory_space<hbm>>
        %dma_wait3A_164 = tpu.memref_squeeze %dma_wait3A_163 : memref<1x60x128xi32, #tpu.memory_space<hbm>> -> memref<60x128xi32, #tpu.memory_space<hbm>>
        %dma_wait3A_165 = arith.constant 20 : i32
        %dma_wait3A_166 = arith.constant 0 : i32
        %dma_wait3A_167 = tpu.memref_slice %arg7[%dma_wait3A_165, %dma_wait3A_166] : memref<80x128xi32, #tpu.memory_space<vmem>> -> memref<60x128xi32, #tpu.memory_space<vmem>>
        %dma_wait3A_168 = arith.constant 0 : i32
        %dma_wait3A_169 = arith.constant 0 : i32
        %dma_wait3A_170 = tpu.memref_slice %arg4[%run_scoped3A_143, %dma_wait3A_168, %dma_wait3A_169] : memref<2x60x128xi32, #tpu.memory_space<hbm>> -> memref<1x60x128xi32, #tpu.memory_space<hbm>>
        %dma_wait3A_171 = tpu.memref_squeeze %dma_wait3A_170 : memref<1x60x128xi32, #tpu.memory_space<hbm>> -> memref<60x128xi32, #tpu.memory_space<hbm>>
        tpu.wait_dma2 semaphore(%run_scoped3A_144 : memref<!tpu.dma_semaphore, #tpu.memory_space<semaphore_mem>>) src(%dma_wait3A_171 : memref<60x128xi32, #tpu.memory_space<hbm>>) dst(%dma_wait3A_167 : memref<60x128xi32, #tpu.memory_space<vmem>>)
        tpu.yield
      }) : () -> ()
    } else {
    }
    %lt3A_9 = arith.constant 31 : i32
    %lt3A_10 = arith.cmpi slt, %add3A, %lt3A_9 : i32
    %convert_element_type3A_11 = arith.extui %lt3A_10 : i1 to i32
    %cond3A_12 = arith.constant 0 : i32
    %cond3A_13 = arith.cmpi ne, %convert_element_type3A_11, %cond3A_12 : i32
    scf.if %cond3A_13 {
      %mul3A_143 = arith.constant 80 : i32
      %mul3A_144 = arith.muli %add3A, %mul3A_143 : i32
      %run_scoped3A = arith.constant 1 : i32
      "tpu.region"() ({
        %run_scoped3A_145 = tpu.sem_alloc : memref<!tpu.dma_semaphore, #tpu.memory_space<semaphore_mem>>
        %dma_start3A_146 = arith.constant 0 : i32
        %dma_start3A_147 = tpu.memref_slice %arg3[%run_scoped3A, %mul3A_144, %dma_start3A_146] : memref<2x2500x128xi32, #tpu.memory_space<hbm>> -> memref<1x80x128xi32, #tpu.memory_space<hbm>>
        %dma_start3A_148 = tpu.memref_squeeze %dma_start3A_147 : memref<1x80x128xi32, #tpu.memory_space<hbm>> -> memref<80x128xi32, #tpu.memory_space<hbm>>
        %dma_start3A_149 = arith.constant 0 : i32
        %dma_start3A_150 = tpu.memref_slice %arg3[%run_scoped3A, %mul3A_144, %dma_start3A_149] : memref<2x2500x128xi32, #tpu.memory_space<hbm>> -> memref<1x80x128xi32, #tpu.memory_space<hbm>>
        %dma_start3A_151 = tpu.memref_squeeze %dma_start3A_150 : memref<1x80x128xi32, #tpu.memory_space<hbm>> -> memref<80x128xi32, #tpu.memory_space<hbm>>
        tpu.enqueue_dma source(%dma_start3A_151 : memref<80x128xi32, #tpu.memory_space<hbm>>) target(%arg8 : memref<80x128xi32, #tpu.memory_space<vmem>>) target_semaphore(%run_scoped3A_145 : memref<!tpu.dma_semaphore, #tpu.memory_space<semaphore_mem>>)
        %dma_wait3A = arith.constant 0 : i32
        %dma_wait3A_152 = tpu.memref_slice %arg3[%run_scoped3A, %mul3A_144, %dma_wait3A] : memref<2x2500x128xi32, #tpu.memory_space<hbm>> -> memref<1x80x128xi32, #tpu.memory_space<hbm>>
        %dma_wait3A_153 = tpu.memref_squeeze %dma_wait3A_152 : memref<1x80x128xi32, #tpu.memory_space<hbm>> -> memref<80x128xi32, #tpu.memory_space<hbm>>
        %dma_wait3A_154 = arith.constant 0 : i32
        %dma_wait3A_155 = tpu.memref_slice %arg3[%run_scoped3A, %mul3A_144, %dma_wait3A_154] : memref<2x2500x128xi32, #tpu.memory_space<hbm>> -> memref<1x80x128xi32, #tpu.memory_space<hbm>>
        %dma_wait3A_156 = tpu.memref_squeeze %dma_wait3A_155 : memref<1x80x128xi32, #tpu.memory_space<hbm>> -> memref<80x128xi32, #tpu.memory_space<hbm>>
        tpu.wait_dma2 semaphore(%run_scoped3A_145 : memref<!tpu.dma_semaphore, #tpu.memory_space<semaphore_mem>>) src(%dma_wait3A_156 : memref<80x128xi32, #tpu.memory_space<hbm>>) dst(%arg8 : memref<80x128xi32, #tpu.memory_space<vmem>>)
        tpu.yield
      }) : () -> ()
    } else {
    }
    %eq3A_14 = arith.constant 31 : i32
    %eq3A_15 = arith.cmpi eq, %add3A, %eq3A_14 : i32
    %convert_element_type3A_16 = arith.extui %eq3A_15 : i1 to i32
    %cond3A_17 = arith.constant 0 : i32
    %cond3A_18 = arith.cmpi ne, %convert_element_type3A_16, %cond3A_17 : i32
    scf.if %cond3A_18 {
      %run_scoped3A = arith.constant 1 : i32
      "tpu.region"() ({
        %run_scoped3A_144 = tpu.sem_alloc : memref<!tpu.dma_semaphore, #tpu.memory_space<semaphore_mem>>
        %dma_start3A_145 = arith.constant 0 : i32
        %dma_start3A_146 = arith.constant 0 : i32
        %dma_start3A_147 = tpu.memref_slice %arg8[%dma_start3A_145, %dma_start3A_146] : memref<80x128xi32, #tpu.memory_space<vmem>> -> memref<20x128xi32, #tpu.memory_space<vmem>>
        %dma_start3A_148 = arith.constant 2480 : i32
        %dma_start3A_149 = arith.constant 0 : i32
        %dma_start3A_150 = tpu.memref_slice %arg3[%run_scoped3A, %dma_start3A_148, %dma_start3A_149] : memref<2x2500x128xi32, #tpu.memory_space<hbm>> -> memref<1x20x128xi32, #tpu.memory_space<hbm>>
        %dma_start3A_151 = tpu.memref_squeeze %dma_start3A_150 : memref<1x20x128xi32, #tpu.memory_space<hbm>> -> memref<20x128xi32, #tpu.memory_space<hbm>>
        %dma_start3A_152 = arith.constant 0 : i32
        %dma_start3A_153 = arith.constant 0 : i32
        %dma_start3A_154 = tpu.memref_slice %arg8[%dma_start3A_152, %dma_start3A_153] : memref<80x128xi32, #tpu.memory_space<vmem>> -> memref<20x128xi32, #tpu.memory_space<vmem>>
        %dma_start3A_155 = arith.constant 2480 : i32
        %dma_start3A_156 = arith.constant 0 : i32
        %dma_start3A_157 = tpu.memref_slice %arg3[%run_scoped3A, %dma_start3A_155, %dma_start3A_156] : memref<2x2500x128xi32, #tpu.memory_space<hbm>> -> memref<1x20x128xi32, #tpu.memory_space<hbm>>
        %dma_start3A_158 = tpu.memref_squeeze %dma_start3A_157 : memref<1x20x128xi32, #tpu.memory_space<hbm>> -> memref<20x128xi32, #tpu.memory_space<hbm>>
        tpu.enqueue_dma source(%dma_start3A_158 : memref<20x128xi32, #tpu.memory_space<hbm>>) target(%dma_start3A_154 : memref<20x128xi32, #tpu.memory_space<vmem>>) target_semaphore(%run_scoped3A_144 : memref<!tpu.dma_semaphore, #tpu.memory_space<semaphore_mem>>)
        %dma_wait3A = arith.constant 0 : i32
        %dma_wait3A_159 = arith.constant 0 : i32
        %dma_wait3A_160 = tpu.memref_slice %arg8[%dma_wait3A, %dma_wait3A_159] : memref<80x128xi32, #tpu.memory_space<vmem>> -> memref<20x128xi32, #tpu.memory_space<vmem>>
        %dma_wait3A_161 = arith.constant 2480 : i32
        %dma_wait3A_162 = arith.constant 0 : i32
        %dma_wait3A_163 = tpu.memref_slice %arg3[%run_scoped3A, %dma_wait3A_161, %dma_wait3A_162] : memref<2x2500x128xi32, #tpu.memory_space<hbm>> -> memref<1x20x128xi32, #tpu.memory_space<hbm>>
        %dma_wait3A_164 = tpu.memref_squeeze %dma_wait3A_163 : memref<1x20x128xi32, #tpu.memory_space<hbm>> -> memref<20x128xi32, #tpu.memory_space<hbm>>
        %dma_wait3A_165 = arith.constant 0 : i32
        %dma_wait3A_166 = arith.constant 0 : i32
        %dma_wait3A_167 = tpu.memref_slice %arg8[%dma_wait3A_165, %dma_wait3A_166] : memref<80x128xi32, #tpu.memory_space<vmem>> -> memref<20x128xi32, #tpu.memory_space<vmem>>
        %dma_wait3A_168 = arith.constant 2480 : i32
        %dma_wait3A_169 = arith.constant 0 : i32
        %dma_wait3A_170 = tpu.memref_slice %arg3[%run_scoped3A, %dma_wait3A_168, %dma_wait3A_169] : memref<2x2500x128xi32, #tpu.memory_space<hbm>> -> memref<1x20x128xi32, #tpu.memory_space<hbm>>
        %dma_wait3A_171 = tpu.memref_squeeze %dma_wait3A_170 : memref<1x20x128xi32, #tpu.memory_space<hbm>> -> memref<20x128xi32, #tpu.memory_space<hbm>>
        tpu.wait_dma2 semaphore(%run_scoped3A_144 : memref<!tpu.dma_semaphore, #tpu.memory_space<semaphore_mem>>) src(%dma_wait3A_171 : memref<20x128xi32, #tpu.memory_space<hbm>>) dst(%dma_wait3A_167 : memref<20x128xi32, #tpu.memory_space<vmem>>)
        tpu.yield
      }) : () -> ()
      %run_scoped3A_143 = arith.constant 1 : i32
      "tpu.region"() ({
        %run_scoped3A_144 = tpu.sem_alloc : memref<!tpu.dma_semaphore, #tpu.memory_space<semaphore_mem>>
        %dma_start3A_145 = arith.constant 20 : i32
        %dma_start3A_146 = arith.constant 0 : i32
        %dma_start3A_147 = tpu.memref_slice %arg8[%dma_start3A_145, %dma_start3A_146] : memref<80x128xi32, #tpu.memory_space<vmem>> -> memref<60x128xi32, #tpu.memory_space<vmem>>
        %dma_start3A_148 = arith.constant 0 : i32
        %dma_start3A_149 = arith.constant 0 : i32
        %dma_start3A_150 = tpu.memref_slice %arg4[%run_scoped3A_143, %dma_start3A_148, %dma_start3A_149] : memref<2x60x128xi32, #tpu.memory_space<hbm>> -> memref<1x60x128xi32, #tpu.memory_space<hbm>>
        %dma_start3A_151 = tpu.memref_squeeze %dma_start3A_150 : memref<1x60x128xi32, #tpu.memory_space<hbm>> -> memref<60x128xi32, #tpu.memory_space<hbm>>
        %dma_start3A_152 = arith.constant 20 : i32
        %dma_start3A_153 = arith.constant 0 : i32
        %dma_start3A_154 = tpu.memref_slice %arg8[%dma_start3A_152, %dma_start3A_153] : memref<80x128xi32, #tpu.memory_space<vmem>> -> memref<60x128xi32, #tpu.memory_space<vmem>>
        %dma_start3A_155 = arith.constant 0 : i32
        %dma_start3A_156 = arith.constant 0 : i32
        %dma_start3A_157 = tpu.memref_slice %arg4[%run_scoped3A_143, %dma_start3A_155, %dma_start3A_156] : memref<2x60x128xi32, #tpu.memory_space<hbm>> -> memref<1x60x128xi32, #tpu.memory_space<hbm>>
        %dma_start3A_158 = tpu.memref_squeeze %dma_start3A_157 : memref<1x60x128xi32, #tpu.memory_space<hbm>> -> memref<60x128xi32, #tpu.memory_space<hbm>>
        tpu.enqueue_dma source(%dma_start3A_158 : memref<60x128xi32, #tpu.memory_space<hbm>>) target(%dma_start3A_154 : memref<60x128xi32, #tpu.memory_space<vmem>>) target_semaphore(%run_scoped3A_144 : memref<!tpu.dma_semaphore, #tpu.memory_space<semaphore_mem>>)
        %dma_wait3A = arith.constant 20 : i32
        %dma_wait3A_159 = arith.constant 0 : i32
        %dma_wait3A_160 = tpu.memref_slice %arg8[%dma_wait3A, %dma_wait3A_159] : memref<80x128xi32, #tpu.memory_space<vmem>> -> memref<60x128xi32, #tpu.memory_space<vmem>>
        %dma_wait3A_161 = arith.constant 0 : i32
        %dma_wait3A_162 = arith.constant 0 : i32
        %dma_wait3A_163 = tpu.memref_slice %arg4[%run_scoped3A_143, %dma_wait3A_161, %dma_wait3A_162] : memref<2x60x128xi32, #tpu.memory_space<hbm>> -> memref<1x60x128xi32, #tpu.memory_space<hbm>>
        %dma_wait3A_164 = tpu.memref_squeeze %dma_wait3A_163 : memref<1x60x128xi32, #tpu.memory_space<hbm>> -> memref<60x128xi32, #tpu.memory_space<hbm>>
        %dma_wait3A_165 = arith.constant 20 : i32
        %dma_wait3A_166 = arith.constant 0 : i32
        %dma_wait3A_167 = tpu.memref_slice %arg8[%dma_wait3A_165, %dma_wait3A_166] : memref<80x128xi32, #tpu.memory_space<vmem>> -> memref<60x128xi32, #tpu.memory_space<vmem>>
        %dma_wait3A_168 = arith.constant 0 : i32
        %dma_wait3A_169 = arith.constant 0 : i32
        %dma_wait3A_170 = tpu.memref_slice %arg4[%run_scoped3A_143, %dma_wait3A_168, %dma_wait3A_169] : memref<2x60x128xi32, #tpu.memory_space<hbm>> -> memref<1x60x128xi32, #tpu.memory_space<hbm>>
        %dma_wait3A_171 = tpu.memref_squeeze %dma_wait3A_170 : memref<1x60x128xi32, #tpu.memory_space<hbm>> -> memref<60x128xi32, #tpu.memory_space<hbm>>
        tpu.wait_dma2 semaphore(%run_scoped3A_144 : memref<!tpu.dma_semaphore, #tpu.memory_space<semaphore_mem>>) src(%dma_wait3A_171 : memref<60x128xi32, #tpu.memory_space<hbm>>) dst(%dma_wait3A_167 : memref<60x128xi32, #tpu.memory_space<vmem>>)
        tpu.yield
      }) : () -> ()
    } else {
    }
    "tpu.region"() ({
      %run_scoped3A = tpu.sem_alloc : memref<!tpu.dma_semaphore, #tpu.memory_space<semaphore_mem>>
      %dma_start3A_143 = arith.constant 0 : i32
      %dma_start3A_144 = tpu.memref_slice %arg10[%mul3A_2, %dma_start3A_143] : memref<10240x16xf32, #tpu.memory_space<vmem_shared>> -> memref<640x16xf32, #tpu.memory_space<vmem_shared>>
      %dma_start3A_145 = arith.constant 0 : i32
      %dma_start3A_146 = tpu.memref_slice %arg5[%mul3A_2, %dma_start3A_145] : memref<10240x16xf32, #tpu.memory_space<hbm>> -> memref<640x16xf32, #tpu.memory_space<hbm>>
      tpu.enqueue_dma source(%dma_start3A_146 : memref<640x16xf32, #tpu.memory_space<hbm>>) target(%dma_start3A_144 : memref<640x16xf32, #tpu.memory_space<vmem_shared>>) target_semaphore(%run_scoped3A : memref<!tpu.dma_semaphore, #tpu.memory_space<semaphore_mem>>)
      %dma_wait3A = arith.constant 0 : i32
      %dma_wait3A_147 = tpu.memref_slice %arg10[%mul3A_2, %dma_wait3A] : memref<10240x16xf32, #tpu.memory_space<vmem_shared>> -> memref<640x16xf32, #tpu.memory_space<vmem_shared>>
      %dma_wait3A_148 = arith.constant 0 : i32
      %dma_wait3A_149 = tpu.memref_slice %arg5[%mul3A_2, %dma_wait3A_148] : memref<10240x16xf32, #tpu.memory_space<hbm>> -> memref<640x16xf32, #tpu.memory_space<hbm>>
      tpu.wait_dma2 semaphore(%run_scoped3A : memref<!tpu.dma_semaphore, #tpu.memory_space<semaphore_mem>>) src(%dma_wait3A_149 : memref<640x16xf32, #tpu.memory_space<hbm>>) dst(%dma_wait3A_147 : memref<640x16xf32, #tpu.memory_space<vmem_shared>>)
      tpu.yield
    }) : () -> ()
    %barrier3A = arith.constant 0 : index
    tpu.barrier barrier_id(%barrier3A)
    %dma_start3A = arith.constant 0 : i32
    %dma_start3A_19 = arith.constant 0 : i32
    %dma_start3A_20 = arith.constant 0 : i32
    %dma_start3A_21 = arith.constant 0 : i32
    %dma_start3A_22 = arith.constant 0 : i32
    %dma_start3A_23 = tpu.memref_slice %arg9[%dma_start3A_19, %dma_start3A_21, %dma_start3A_22] : memref<8x128x16xf32, #tpu.memory_space<vmem>> -> memref<1x128x16xf32, #tpu.memory_space<vmem>>
    %dma_start3A_24 = tpu.memref_squeeze %dma_start3A_23 : memref<1x128x16xf32, #tpu.memory_space<vmem>> -> memref<128x16xf32, #tpu.memory_space<vmem>>
    %dma_start3A_25 = arith.constant 0 : i32
    %dma_start3A_26 = tpu.memref_slice %arg7[%dma_start3A, %dma_start3A_25] : memref<80x128xi32, #tpu.memory_space<vmem>> -> memref<1x128xi32, #tpu.memory_space<vmem>>
    %dma_start3A_27 = tpu.memref_squeeze %dma_start3A_26 : memref<1x128xi32, #tpu.memory_space<vmem>> -> memref<128xi32, #tpu.memory_space<vmem>>
    %dma_start3A_28 = arith.constant 0 : i32
    %dma_start3A_29 = arith.constant 0 : i32
    %dma_start3A_30 = tpu.memref_slice %arg2[%dma_start3A_28, %dma_start3A_29] : memref<10240x16xf32, #tpu.memory_space<hbm>> -> memref<10240x16xf32, #tpu.memory_space<hbm>>
    %dma_start3A_31 = tpu.memref_slice %arg11[%dma_start3A_20] : memref<8x!tpu.dma_semaphore, #tpu.memory_space<semaphore_mem>> -> memref<1x!tpu.dma_semaphore, #tpu.memory_space<semaphore_mem>>
    %dma_start3A_32 = tpu.memref_squeeze %dma_start3A_31 : memref<1x!tpu.dma_semaphore, #tpu.memory_space<semaphore_mem>> -> memref<!tpu.dma_semaphore, #tpu.memory_space<semaphore_mem>>
    tpu.enqueue_indirect_dma source(%dma_start3A_30 : memref<10240x16xf32, #tpu.memory_space<hbm>>) target(%dma_start3A_24 : memref<128x16xf32, #tpu.memory_space<vmem>>) offsets(%dma_start3A_27 : memref<128xi32, #tpu.memory_space<vmem>>) semaphore(%dma_start3A_32 : memref<!tpu.dma_semaphore, #tpu.memory_space<semaphore_mem>>)
    %dma_start3A_33 = arith.constant 1 : i32
    %dma_start3A_34 = arith.constant 1 : i32
    %dma_start3A_35 = arith.constant 1 : i32
    %dma_start3A_36 = arith.constant 0 : i32
    %dma_start3A_37 = arith.constant 0 : i32
    %dma_start3A_38 = tpu.memref_slice %arg9[%dma_start3A_34, %dma_start3A_36, %dma_start3A_37] : memref<8x128x16xf32, #tpu.memory_space<vmem>> -> memref<1x128x16xf32, #tpu.memory_space<vmem>>
    %dma_start3A_39 = tpu.memref_squeeze %dma_start3A_38 : memref<1x128x16xf32, #tpu.memory_space<vmem>> -> memref<128x16xf32, #tpu.memory_space<vmem>>
    %dma_start3A_40 = arith.constant 0 : i32
    %dma_start3A_41 = tpu.memref_slice %arg7[%dma_start3A_33, %dma_start3A_40] : memref<80x128xi32, #tpu.memory_space<vmem>> -> memref<1x128xi32, #tpu.memory_space<vmem>>
    %dma_start3A_42 = tpu.memref_squeeze %dma_start3A_41 : memref<1x128xi32, #tpu.memory_space<vmem>> -> memref<128xi32, #tpu.memory_space<vmem>>
    %dma_start3A_43 = arith.constant 0 : i32
    %dma_start3A_44 = arith.constant 0 : i32
    %dma_start3A_45 = tpu.memref_slice %arg2[%dma_start3A_43, %dma_start3A_44] : memref<10240x16xf32, #tpu.memory_space<hbm>> -> memref<10240x16xf32, #tpu.memory_space<hbm>>
    %dma_start3A_46 = tpu.memref_slice %arg11[%dma_start3A_35] : memref<8x!tpu.dma_semaphore, #tpu.memory_space<semaphore_mem>> -> memref<1x!tpu.dma_semaphore, #tpu.memory_space<semaphore_mem>>
    %dma_start3A_47 = tpu.memref_squeeze %dma_start3A_46 : memref<1x!tpu.dma_semaphore, #tpu.memory_space<semaphore_mem>> -> memref<!tpu.dma_semaphore, #tpu.memory_space<semaphore_mem>>
    tpu.enqueue_indirect_dma source(%dma_start3A_45 : memref<10240x16xf32, #tpu.memory_space<hbm>>) target(%dma_start3A_39 : memref<128x16xf32, #tpu.memory_space<vmem>>) offsets(%dma_start3A_42 : memref<128xi32, #tpu.memory_space<vmem>>) semaphore(%dma_start3A_47 : memref<!tpu.dma_semaphore, #tpu.memory_space<semaphore_mem>>)
    %dma_start3A_48 = arith.constant 2 : i32
    %dma_start3A_49 = arith.constant 2 : i32
    %dma_start3A_50 = arith.constant 2 : i32
    %dma_start3A_51 = arith.constant 0 : i32
    %dma_start3A_52 = arith.constant 0 : i32
    %dma_start3A_53 = tpu.memref_slice %arg9[%dma_start3A_49, %dma_start3A_51, %dma_start3A_52] : memref<8x128x16xf32, #tpu.memory_space<vmem>> -> memref<1x128x16xf32, #tpu.memory_space<vmem>>
    %dma_start3A_54 = tpu.memref_squeeze %dma_start3A_53 : memref<1x128x16xf32, #tpu.memory_space<vmem>> -> memref<128x16xf32, #tpu.memory_space<vmem>>
    %dma_start3A_55 = arith.constant 0 : i32
    %dma_start3A_56 = tpu.memref_slice %arg7[%dma_start3A_48, %dma_start3A_55] : memref<80x128xi32, #tpu.memory_space<vmem>> -> memref<1x128xi32, #tpu.memory_space<vmem>>
    %dma_start3A_57 = tpu.memref_squeeze %dma_start3A_56 : memref<1x128xi32, #tpu.memory_space<vmem>> -> memref<128xi32, #tpu.memory_space<vmem>>
    %dma_start3A_58 = arith.constant 0 : i32
    %dma_start3A_59 = arith.constant 0 : i32
    %dma_start3A_60 = tpu.memref_slice %arg2[%dma_start3A_58, %dma_start3A_59] : memref<10240x16xf32, #tpu.memory_space<hbm>> -> memref<10240x16xf32, #tpu.memory_space<hbm>>
    %dma_start3A_61 = tpu.memref_slice %arg11[%dma_start3A_50] : memref<8x!tpu.dma_semaphore, #tpu.memory_space<semaphore_mem>> -> memref<1x!tpu.dma_semaphore, #tpu.memory_space<semaphore_mem>>
    %dma_start3A_62 = tpu.memref_squeeze %dma_start3A_61 : memref<1x!tpu.dma_semaphore, #tpu.memory_space<semaphore_mem>> -> memref<!tpu.dma_semaphore, #tpu.memory_space<semaphore_mem>>
    tpu.enqueue_indirect_dma source(%dma_start3A_60 : memref<10240x16xf32, #tpu.memory_space<hbm>>) target(%dma_start3A_54 : memref<128x16xf32, #tpu.memory_space<vmem>>) offsets(%dma_start3A_57 : memref<128xi32, #tpu.memory_space<vmem>>) semaphore(%dma_start3A_62 : memref<!tpu.dma_semaphore, #tpu.memory_space<semaphore_mem>>)
    %dma_start3A_63 = arith.constant 3 : i32
    %dma_start3A_64 = arith.constant 3 : i32
    %dma_start3A_65 = arith.constant 3 : i32
    %dma_start3A_66 = arith.constant 0 : i32
    %dma_start3A_67 = arith.constant 0 : i32
    %dma_start3A_68 = tpu.memref_slice %arg9[%dma_start3A_64, %dma_start3A_66, %dma_start3A_67] : memref<8x128x16xf32, #tpu.memory_space<vmem>> -> memref<1x128x16xf32, #tpu.memory_space<vmem>>
    %dma_start3A_69 = tpu.memref_squeeze %dma_start3A_68 : memref<1x128x16xf32, #tpu.memory_space<vmem>> -> memref<128x16xf32, #tpu.memory_space<vmem>>
    %dma_start3A_70 = arith.constant 0 : i32
    %dma_start3A_71 = tpu.memref_slice %arg7[%dma_start3A_63, %dma_start3A_70] : memref<80x128xi32, #tpu.memory_space<vmem>> -> memref<1x128xi32, #tpu.memory_space<vmem>>
    %dma_start3A_72 = tpu.memref_squeeze %dma_start3A_71 : memref<1x128xi32, #tpu.memory_space<vmem>> -> memref<128xi32, #tpu.memory_space<vmem>>
    %dma_start3A_73 = arith.constant 0 : i32
    %dma_start3A_74 = arith.constant 0 : i32
    %dma_start3A_75 = tpu.memref_slice %arg2[%dma_start3A_73, %dma_start3A_74] : memref<10240x16xf32, #tpu.memory_space<hbm>> -> memref<10240x16xf32, #tpu.memory_space<hbm>>
    %dma_start3A_76 = tpu.memref_slice %arg11[%dma_start3A_65] : memref<8x!tpu.dma_semaphore, #tpu.memory_space<semaphore_mem>> -> memref<1x!tpu.dma_semaphore, #tpu.memory_space<semaphore_mem>>
    %dma_start3A_77 = tpu.memref_squeeze %dma_start3A_76 : memref<1x!tpu.dma_semaphore, #tpu.memory_space<semaphore_mem>> -> memref<!tpu.dma_semaphore, #tpu.memory_space<semaphore_mem>>
    tpu.enqueue_indirect_dma source(%dma_start3A_75 : memref<10240x16xf32, #tpu.memory_space<hbm>>) target(%dma_start3A_69 : memref<128x16xf32, #tpu.memory_space<vmem>>) offsets(%dma_start3A_72 : memref<128xi32, #tpu.memory_space<vmem>>) semaphore(%dma_start3A_77 : memref<!tpu.dma_semaphore, #tpu.memory_space<semaphore_mem>>)
    %dma_start3A_78 = arith.constant 4 : i32
    %dma_start3A_79 = arith.constant 4 : i32
    %dma_start3A_80 = arith.constant 4 : i32
    %dma_start3A_81 = arith.constant 0 : i32
    %dma_start3A_82 = arith.constant 0 : i32
    %dma_start3A_83 = tpu.memref_slice %arg9[%dma_start3A_79, %dma_start3A_81, %dma_start3A_82] : memref<8x128x16xf32, #tpu.memory_space<vmem>> -> memref<1x128x16xf32, #tpu.memory_space<vmem>>
    %dma_start3A_84 = tpu.memref_squeeze %dma_start3A_83 : memref<1x128x16xf32, #tpu.memory_space<vmem>> -> memref<128x16xf32, #tpu.memory_space<vmem>>
    %dma_start3A_85 = arith.constant 0 : i32
    %dma_start3A_86 = tpu.memref_slice %arg7[%dma_start3A_78, %dma_start3A_85] : memref<80x128xi32, #tpu.memory_space<vmem>> -> memref<1x128xi32, #tpu.memory_space<vmem>>
    %dma_start3A_87 = tpu.memref_squeeze %dma_start3A_86 : memref<1x128xi32, #tpu.memory_space<vmem>> -> memref<128xi32, #tpu.memory_space<vmem>>
    %dma_start3A_88 = arith.constant 0 : i32
    %dma_start3A_89 = arith.constant 0 : i32
    %dma_start3A_90 = tpu.memref_slice %arg2[%dma_start3A_88, %dma_start3A_89] : memref<10240x16xf32, #tpu.memory_space<hbm>> -> memref<10240x16xf32, #tpu.memory_space<hbm>>
    %dma_start3A_91 = tpu.memref_slice %arg11[%dma_start3A_80] : memref<8x!tpu.dma_semaphore, #tpu.memory_space<semaphore_mem>> -> memref<1x!tpu.dma_semaphore, #tpu.memory_space<semaphore_mem>>
    %dma_start3A_92 = tpu.memref_squeeze %dma_start3A_91 : memref<1x!tpu.dma_semaphore, #tpu.memory_space<semaphore_mem>> -> memref<!tpu.dma_semaphore, #tpu.memory_space<semaphore_mem>>
    tpu.enqueue_indirect_dma source(%dma_start3A_90 : memref<10240x16xf32, #tpu.memory_space<hbm>>) target(%dma_start3A_84 : memref<128x16xf32, #tpu.memory_space<vmem>>) offsets(%dma_start3A_87 : memref<128xi32, #tpu.memory_space<vmem>>) semaphore(%dma_start3A_92 : memref<!tpu.dma_semaphore, #tpu.memory_space<semaphore_mem>>)
    %dma_start3A_93 = arith.constant 5 : i32
    %dma_start3A_94 = arith.constant 5 : i32
    %dma_start3A_95 = arith.constant 5 : i32
    %dma_start3A_96 = arith.constant 0 : i32
    %dma_start3A_97 = arith.constant 0 : i32
    %dma_start3A_98 = tpu.memref_slice %arg9[%dma_start3A_94, %dma_start3A_96, %dma_start3A_97] : memref<8x128x16xf32, #tpu.memory_space<vmem>> -> memref<1x128x16xf32, #tpu.memory_space<vmem>>
    %dma_start3A_99 = tpu.memref_squeeze %dma_start3A_98 : memref<1x128x16xf32, #tpu.memory_space<vmem>> -> memref<128x16xf32, #tpu.memory_space<vmem>>
    %dma_start3A_100 = arith.constant 0 : i32
    %dma_start3A_101 = tpu.memref_slice %arg7[%dma_start3A_93, %dma_start3A_100] : memref<80x128xi32, #tpu.memory_space<vmem>> -> memref<1x128xi32, #tpu.memory_space<vmem>>
    %dma_start3A_102 = tpu.memref_squeeze %dma_start3A_101 : memref<1x128xi32, #tpu.memory_space<vmem>> -> memref<128xi32, #tpu.memory_space<vmem>>
    %dma_start3A_103 = arith.constant 0 : i32
    %dma_start3A_104 = arith.constant 0 : i32
    %dma_start3A_105 = tpu.memref_slice %arg2[%dma_start3A_103, %dma_start3A_104] : memref<10240x16xf32, #tpu.memory_space<hbm>> -> memref<10240x16xf32, #tpu.memory_space<hbm>>
    %dma_start3A_106 = tpu.memref_slice %arg11[%dma_start3A_95] : memref<8x!tpu.dma_semaphore, #tpu.memory_space<semaphore_mem>> -> memref<1x!tpu.dma_semaphore, #tpu.memory_space<semaphore_mem>>
    %dma_start3A_107 = tpu.memref_squeeze %dma_start3A_106 : memref<1x!tpu.dma_semaphore, #tpu.memory_space<semaphore_mem>> -> memref<!tpu.dma_semaphore, #tpu.memory_space<semaphore_mem>>
    tpu.enqueue_indirect_dma source(%dma_start3A_105 : memref<10240x16xf32, #tpu.memory_space<hbm>>) target(%dma_start3A_99 : memref<128x16xf32, #tpu.memory_space<vmem>>) offsets(%dma_start3A_102 : memref<128xi32, #tpu.memory_space<vmem>>) semaphore(%dma_start3A_107 : memref<!tpu.dma_semaphore, #tpu.memory_space<semaphore_mem>>)
    %dma_start3A_108 = arith.constant 6 : i32
    %dma_start3A_109 = arith.constant 6 : i32
    %dma_start3A_110 = arith.constant 6 : i32
    %dma_start3A_111 = arith.constant 0 : i32
    %dma_start3A_112 = arith.constant 0 : i32
    %dma_start3A_113 = tpu.memref_slice %arg9[%dma_start3A_109, %dma_start3A_111, %dma_start3A_112] : memref<8x128x16xf32, #tpu.memory_space<vmem>> -> memref<1x128x16xf32, #tpu.memory_space<vmem>>
    %dma_start3A_114 = tpu.memref_squeeze %dma_start3A_113 : memref<1x128x16xf32, #tpu.memory_space<vmem>> -> memref<128x16xf32, #tpu.memory_space<vmem>>
    %dma_start3A_115 = arith.constant 0 : i32
    %dma_start3A_116 = tpu.memref_slice %arg7[%dma_start3A_108, %dma_start3A_115] : memref<80x128xi32, #tpu.memory_space<vmem>> -> memref<1x128xi32, #tpu.memory_space<vmem>>
    %dma_start3A_117 = tpu.memref_squeeze %dma_start3A_116 : memref<1x128xi32, #tpu.memory_space<vmem>> -> memref<128xi32, #tpu.memory_space<vmem>>
    %dma_start3A_118 = arith.constant 0 : i32
    %dma_start3A_119 = arith.constant 0 : i32
    %dma_start3A_120 = tpu.memref_slice %arg2[%dma_start3A_118, %dma_start3A_119] : memref<10240x16xf32, #tpu.memory_space<hbm>> -> memref<10240x16xf32, #tpu.memory_space<hbm>>
    %dma_start3A_121 = tpu.memref_slice %arg11[%dma_start3A_110] : memref<8x!tpu.dma_semaphore, #tpu.memory_space<semaphore_mem>> -> memref<1x!tpu.dma_semaphore, #tpu.memory_space<semaphore_mem>>
    %dma_start3A_122 = tpu.memref_squeeze %dma_start3A_121 : memref<1x!tpu.dma_semaphore, #tpu.memory_space<semaphore_mem>> -> memref<!tpu.dma_semaphore, #tpu.memory_space<semaphore_mem>>
    tpu.enqueue_indirect_dma source(%dma_start3A_120 : memref<10240x16xf32, #tpu.memory_space<hbm>>) target(%dma_start3A_114 : memref<128x16xf32, #tpu.memory_space<vmem>>) offsets(%dma_start3A_117 : memref<128xi32, #tpu.memory_space<vmem>>) semaphore(%dma_start3A_122 : memref<!tpu.dma_semaphore, #tpu.memory_space<semaphore_mem>>)
    %dma_start3A_123 = arith.constant 7 : i32
    %dma_start3A_124 = arith.constant 7 : i32
    %dma_start3A_125 = arith.constant 7 : i32
    %dma_start3A_126 = arith.constant 0 : i32
    %dma_start3A_127 = arith.constant 0 : i32
    %dma_start3A_128 = tpu.memref_slice %arg9[%dma_start3A_124, %dma_start3A_126, %dma_start3A_127] : memref<8x128x16xf32, #tpu.memory_space<vmem>> -> memref<1x128x16xf32, #tpu.memory_space<vmem>>
    %dma_start3A_129 = tpu.memref_squeeze %dma_start3A_128 : memref<1x128x16xf32, #tpu.memory_space<vmem>> -> memref<128x16xf32, #tpu.memory_space<vmem>>
    %dma_start3A_130 = arith.constant 0 : i32
    %dma_start3A_131 = tpu.memref_slice %arg7[%dma_start3A_123, %dma_start3A_130] : memref<80x128xi32, #tpu.memory_space<vmem>> -> memref<1x128xi32, #tpu.memory_space<vmem>>
    %dma_start3A_132 = tpu.memref_squeeze %dma_start3A_131 : memref<1x128xi32, #tpu.memory_space<vmem>> -> memref<128xi32, #tpu.memory_space<vmem>>
    %dma_start3A_133 = arith.constant 0 : i32
    %dma_start3A_134 = arith.constant 0 : i32
    %dma_start3A_135 = tpu.memref_slice %arg2[%dma_start3A_133, %dma_start3A_134] : memref<10240x16xf32, #tpu.memory_space<hbm>> -> memref<10240x16xf32, #tpu.memory_space<hbm>>
    %dma_start3A_136 = tpu.memref_slice %arg11[%dma_start3A_125] : memref<8x!tpu.dma_semaphore, #tpu.memory_space<semaphore_mem>> -> memref<1x!tpu.dma_semaphore, #tpu.memory_space<semaphore_mem>>
    %dma_start3A_137 = tpu.memref_squeeze %dma_start3A_136 : memref<1x!tpu.dma_semaphore, #tpu.memory_space<semaphore_mem>> -> memref<!tpu.dma_semaphore, #tpu.memory_space<semaphore_mem>>
    tpu.enqueue_indirect_dma source(%dma_start3A_135 : memref<10240x16xf32, #tpu.memory_space<hbm>>) target(%dma_start3A_129 : memref<128x16xf32, #tpu.memory_space<vmem>>) offsets(%dma_start3A_132 : memref<128xi32, #tpu.memory_space<vmem>>) semaphore(%dma_start3A_137 : memref<!tpu.dma_semaphore, #tpu.memory_space<semaphore_mem>>)
    %scan3A = arith.constant 0 : i32
    %scan3A_138 = arith.constant 10 : i32
    %scan3A_139 = arith.addi %scan3A, %scan3A_138 : i32
    %scan3A_140 = arith.constant 1 : i32
    scf.for %scan3A_143 = %scan3A to %scan3A_139 step %scan3A_140  : i32 {
      %mul3A_144 = arith.constant 1 : i32
      %mul3A_145 = arith.muli %scan3A_143, %mul3A_144 : i32
      %add3A_146 = arith.constant 0 : i32
      %add3A_147 = arith.addi %add3A_146, %mul3A_145 : i32
      %mul3A_148 = arith.constant 8 : i32
      %mul3A_149 = arith.muli %add3A_147, %mul3A_148 : i32
      %add3A_150 = arith.constant 0 : i32
      %add3A_151 = arith.addi %mul3A_149, %add3A_150 : i32
      %dma_wait3A = arith.constant 0 : i32
      %dma_wait3A_152 = arith.constant 0 : i32
      %dma_wait3A_153 = arith.constant 0 : i32
      %dma_wait3A_154 = arith.constant 0 : i32
      %dma_wait3A_155 = tpu.memref_slice %arg9[%dma_wait3A, %dma_wait3A_153, %dma_wait3A_154] : memref<8x128x16xf32, #tpu.memory_space<vmem>> -> memref<1x128x16xf32, #tpu.memory_space<vmem>>
      %dma_wait3A_156 = tpu.memref_squeeze %dma_wait3A_155 : memref<1x128x16xf32, #tpu.memory_space<vmem>> -> memref<128x16xf32, #tpu.memory_space<vmem>>
      %dma_wait3A_157 = arith.constant 0 : i32
      %dma_wait3A_158 = tpu.memref_slice %arg7[%add3A_151, %dma_wait3A_157] : memref<80x128xi32, #tpu.memory_space<vmem>> -> memref<1x128xi32, #tpu.memory_space<vmem>>
      %dma_wait3A_159 = tpu.memref_squeeze %dma_wait3A_158 : memref<1x128xi32, #tpu.memory_space<vmem>> -> memref<128xi32, #tpu.memory_space<vmem>>
      %dma_wait3A_160 = arith.constant 0 : i32
      %dma_wait3A_161 = arith.constant 0 : i32
      %dma_wait3A_162 = tpu.memref_slice %arg2[%dma_wait3A_160, %dma_wait3A_161] : memref<10240x16xf32, #tpu.memory_space<hbm>> -> memref<10240x16xf32, #tpu.memory_space<hbm>>
      %dma_wait3A_163 = tpu.memref_slice %arg11[%dma_wait3A_152] : memref<8x!tpu.dma_semaphore, #tpu.memory_space<semaphore_mem>> -> memref<1x!tpu.dma_semaphore, #tpu.memory_space<semaphore_mem>>
      %dma_wait3A_164 = tpu.memref_squeeze %dma_wait3A_163 : memref<1x!tpu.dma_semaphore, #tpu.memory_space<semaphore_mem>> -> memref<!tpu.dma_semaphore, #tpu.memory_space<semaphore_mem>>
      tpu.wait_indirect_dma semaphore(%dma_wait3A_164 : memref<!tpu.dma_semaphore, #tpu.memory_space<semaphore_mem>>) src(%dma_wait3A_162 : memref<10240x16xf32, #tpu.memory_space<hbm>>) dst(%dma_wait3A_156 : memref<128x16xf32, #tpu.memory_space<vmem>>)
      %dma_start3A_165 = arith.constant 0 : i32
      %dma_start3A_166 = arith.constant 0 : i32
      %dma_start3A_167 = arith.constant 0 : i32
      %dma_start3A_168 = arith.constant 0 : i32
      %dma_start3A_169 = tpu.memref_slice %arg9[%dma_start3A_165, %dma_start3A_167, %dma_start3A_168] : memref<8x128x16xf32, #tpu.memory_space<vmem>> -> memref<1x128x16xf32, #tpu.memory_space<vmem>>
      %dma_start3A_170 = tpu.memref_squeeze %dma_start3A_169 : memref<1x128x16xf32, #tpu.memory_space<vmem>> -> memref<128x16xf32, #tpu.memory_space<vmem>>
      %dma_start3A_171 = arith.constant 0 : i32
      %dma_start3A_172 = tpu.memref_slice %arg8[%add3A_151, %dma_start3A_171] : memref<80x128xi32, #tpu.memory_space<vmem>> -> memref<1x128xi32, #tpu.memory_space<vmem>>
      %dma_start3A_173 = tpu.memref_squeeze %dma_start3A_172 : memref<1x128xi32, #tpu.memory_space<vmem>> -> memref<128xi32, #tpu.memory_space<vmem>>
      %dma_start3A_174 = arith.constant 0 : i32
      %dma_start3A_175 = arith.constant 0 : i32
      %dma_start3A_176 = tpu.memref_slice %arg10[%dma_start3A_174, %dma_start3A_175] : memref<10240x16xf32, #tpu.memory_space<vmem_shared>> -> memref<10240x16xf32, #tpu.memory_space<vmem_shared>>
      %dma_start3A_177 = tpu.memref_slice %arg12[%dma_start3A_166] : memref<8x!tpu.dma_semaphore, #tpu.memory_space<semaphore_mem>> -> memref<1x!tpu.dma_semaphore, #tpu.memory_space<semaphore_mem>>
      %dma_start3A_178 = tpu.memref_squeeze %dma_start3A_177 : memref<1x!tpu.dma_semaphore, #tpu.memory_space<semaphore_mem>> -> memref<!tpu.dma_semaphore, #tpu.memory_space<semaphore_mem>>
      tpu.enqueue_indirect_dma source(%dma_start3A_170 : memref<128x16xf32, #tpu.memory_space<vmem>>) target(%dma_start3A_176 : memref<10240x16xf32, #tpu.memory_space<vmem_shared>>) offsets(%dma_start3A_173 : memref<128xi32, #tpu.memory_space<vmem>>) semaphore(%dma_start3A_178 : memref<!tpu.dma_semaphore, #tpu.memory_space<semaphore_mem>>) {add = true}
      %add3A_179 = arith.constant 1 : i32
      %add3A_180 = arith.addi %mul3A_149, %add3A_179 : i32
      %dma_wait3A_181 = arith.constant 1 : i32
      %dma_wait3A_182 = arith.constant 1 : i32
      %dma_wait3A_183 = arith.constant 0 : i32
      %dma_wait3A_184 = arith.constant 0 : i32
      %dma_wait3A_185 = tpu.memref_slice %arg9[%dma_wait3A_181, %dma_wait3A_183, %dma_wait3A_184] : memref<8x128x16xf32, #tpu.memory_space<vmem>> -> memref<1x128x16xf32, #tpu.memory_space<vmem>>
      %dma_wait3A_186 = tpu.memref_squeeze %dma_wait3A_185 : memref<1x128x16xf32, #tpu.memory_space<vmem>> -> memref<128x16xf32, #tpu.memory_space<vmem>>
      %dma_wait3A_187 = arith.constant 0 : i32
      %dma_wait3A_188 = tpu.memref_slice %arg7[%add3A_180, %dma_wait3A_187] : memref<80x128xi32, #tpu.memory_space<vmem>> -> memref<1x128xi32, #tpu.memory_space<vmem>>
      %dma_wait3A_189 = tpu.memref_squeeze %dma_wait3A_188 : memref<1x128xi32, #tpu.memory_space<vmem>> -> memref<128xi32, #tpu.memory_space<vmem>>
      %dma_wait3A_190 = arith.constant 0 : i32
      %dma_wait3A_191 = arith.constant 0 : i32
      %dma_wait3A_192 = tpu.memref_slice %arg2[%dma_wait3A_190, %dma_wait3A_191] : memref<10240x16xf32, #tpu.memory_space<hbm>> -> memref<10240x16xf32, #tpu.memory_space<hbm>>
      %dma_wait3A_193 = tpu.memref_slice %arg11[%dma_wait3A_182] : memref<8x!tpu.dma_semaphore, #tpu.memory_space<semaphore_mem>> -> memref<1x!tpu.dma_semaphore, #tpu.memory_space<semaphore_mem>>
      %dma_wait3A_194 = tpu.memref_squeeze %dma_wait3A_193 : memref<1x!tpu.dma_semaphore, #tpu.memory_space<semaphore_mem>> -> memref<!tpu.dma_semaphore, #tpu.memory_space<semaphore_mem>>
      tpu.wait_indirect_dma semaphore(%dma_wait3A_194 : memref<!tpu.dma_semaphore, #tpu.memory_space<semaphore_mem>>) src(%dma_wait3A_192 : memref<10240x16xf32, #tpu.memory_space<hbm>>) dst(%dma_wait3A_186 : memref<128x16xf32, #tpu.memory_space<vmem>>)
      %dma_start3A_195 = arith.constant 1 : i32
      %dma_start3A_196 = arith.constant 1 : i32
      %dma_start3A_197 = arith.constant 0 : i32
      %dma_start3A_198 = arith.constant 0 : i32
      %dma_start3A_199 = tpu.memref_slice %arg9[%dma_start3A_195, %dma_start3A_197, %dma_start3A_198] : memref<8x128x16xf32, #tpu.memory_space<vmem>> -> memref<1x128x16xf32, #tpu.memory_space<vmem>>
      %dma_start3A_200 = tpu.memref_squeeze %dma_start3A_199 : memref<1x128x16xf32, #tpu.memory_space<vmem>> -> memref<128x16xf32, #tpu.memory_space<vmem>>
      %dma_start3A_201 = arith.constant 0 : i32
      %dma_start3A_202 = tpu.memref_slice %arg8[%add3A_180, %dma_start3A_201] : memref<80x128xi32, #tpu.memory_space<vmem>> -> memref<1x128xi32, #tpu.memory_space<vmem>>
      %dma_start3A_203 = tpu.memref_squeeze %dma_start3A_202 : memref<1x128xi32, #tpu.memory_space<vmem>> -> memref<128xi32, #tpu.memory_space<vmem>>
      %dma_start3A_204 = arith.constant 0 : i32
      %dma_start3A_205 = arith.constant 0 : i32
      %dma_start3A_206 = tpu.memref_slice %arg10[%dma_start3A_204, %dma_start3A_205] : memref<10240x16xf32, #tpu.memory_space<vmem_shared>> -> memref<10240x16xf32, #tpu.memory_space<vmem_shared>>
      %dma_start3A_207 = tpu.memref_slice %arg12[%dma_start3A_196] : memref<8x!tpu.dma_semaphore, #tpu.memory_space<semaphore_mem>> -> memref<1x!tpu.dma_semaphore, #tpu.memory_space<semaphore_mem>>
      %dma_start3A_208 = tpu.memref_squeeze %dma_start3A_207 : memref<1x!tpu.dma_semaphore, #tpu.memory_space<semaphore_mem>> -> memref<!tpu.dma_semaphore, #tpu.memory_space<semaphore_mem>>
      tpu.enqueue_indirect_dma source(%dma_start3A_200 : memref<128x16xf32, #tpu.memory_space<vmem>>) target(%dma_start3A_206 : memref<10240x16xf32, #tpu.memory_space<vmem_shared>>) offsets(%dma_start3A_203 : memref<128xi32, #tpu.memory_space<vmem>>) semaphore(%dma_start3A_208 : memref<!tpu.dma_semaphore, #tpu.memory_space<semaphore_mem>>) {add = true}
      %add3A_209 = arith.constant 2 : i32
      %add3A_210 = arith.addi %mul3A_149, %add3A_209 : i32
      %dma_wait3A_211 = arith.constant 2 : i32
      %dma_wait3A_212 = arith.constant 2 : i32
      %dma_wait3A_213 = arith.constant 0 : i32
      %dma_wait3A_214 = arith.constant 0 : i32
      %dma_wait3A_215 = tpu.memref_slice %arg9[%dma_wait3A_211, %dma_wait3A_213, %dma_wait3A_214] : memref<8x128x16xf32, #tpu.memory_space<vmem>> -> memref<1x128x16xf32, #tpu.memory_space<vmem>>
      %dma_wait3A_216 = tpu.memref_squeeze %dma_wait3A_215 : memref<1x128x16xf32, #tpu.memory_space<vmem>> -> memref<128x16xf32, #tpu.memory_space<vmem>>
      %dma_wait3A_217 = arith.constant 0 : i32
      %dma_wait3A_218 = tpu.memref_slice %arg7[%add3A_210, %dma_wait3A_217] : memref<80x128xi32, #tpu.memory_space<vmem>> -> memref<1x128xi32, #tpu.memory_space<vmem>>
      %dma_wait3A_219 = tpu.memref_squeeze %dma_wait3A_218 : memref<1x128xi32, #tpu.memory_space<vmem>> -> memref<128xi32, #tpu.memory_space<vmem>>
      %dma_wait3A_220 = arith.constant 0 : i32
      %dma_wait3A_221 = arith.constant 0 : i32
      %dma_wait3A_222 = tpu.memref_slice %arg2[%dma_wait3A_220, %dma_wait3A_221] : memref<10240x16xf32, #tpu.memory_space<hbm>> -> memref<10240x16xf32, #tpu.memory_space<hbm>>
      %dma_wait3A_223 = tpu.memref_slice %arg11[%dma_wait3A_212] : memref<8x!tpu.dma_semaphore, #tpu.memory_space<semaphore_mem>> -> memref<1x!tpu.dma_semaphore, #tpu.memory_space<semaphore_mem>>
      %dma_wait3A_224 = tpu.memref_squeeze %dma_wait3A_223 : memref<1x!tpu.dma_semaphore, #tpu.memory_space<semaphore_mem>> -> memref<!tpu.dma_semaphore, #tpu.memory_space<semaphore_mem>>
      tpu.wait_indirect_dma semaphore(%dma_wait3A_224 : memref<!tpu.dma_semaphore, #tpu.memory_space<semaphore_mem>>) src(%dma_wait3A_222 : memref<10240x16xf32, #tpu.memory_space<hbm>>) dst(%dma_wait3A_216 : memref<128x16xf32, #tpu.memory_space<vmem>>)
      %dma_start3A_225 = arith.constant 2 : i32
      %dma_start3A_226 = arith.constant 2 : i32
      %dma_start3A_227 = arith.constant 0 : i32
      %dma_start3A_228 = arith.constant 0 : i32
      %dma_start3A_229 = tpu.memref_slice %arg9[%dma_start3A_225, %dma_start3A_227, %dma_start3A_228] : memref<8x128x16xf32, #tpu.memory_space<vmem>> -> memref<1x128x16xf32, #tpu.memory_space<vmem>>
      %dma_start3A_230 = tpu.memref_squeeze %dma_start3A_229 : memref<1x128x16xf32, #tpu.memory_space<vmem>> -> memref<128x16xf32, #tpu.memory_space<vmem>>
      %dma_start3A_231 = arith.constant 0 : i32
      %dma_start3A_232 = tpu.memref_slice %arg8[%add3A_210, %dma_start3A_231] : memref<80x128xi32, #tpu.memory_space<vmem>> -> memref<1x128xi32, #tpu.memory_space<vmem>>
      %dma_start3A_233 = tpu.memref_squeeze %dma_start3A_232 : memref<1x128xi32, #tpu.memory_space<vmem>> -> memref<128xi32, #tpu.memory_space<vmem>>
      %dma_start3A_234 = arith.constant 0 : i32
      %dma_start3A_235 = arith.constant 0 : i32
      %dma_start3A_236 = tpu.memref_slice %arg10[%dma_start3A_234, %dma_start3A_235] : memref<10240x16xf32, #tpu.memory_space<vmem_shared>> -> memref<10240x16xf32, #tpu.memory_space<vmem_shared>>
      %dma_start3A_237 = tpu.memref_slice %arg12[%dma_start3A_226] : memref<8x!tpu.dma_semaphore, #tpu.memory_space<semaphore_mem>> -> memref<1x!tpu.dma_semaphore, #tpu.memory_space<semaphore_mem>>
      %dma_start3A_238 = tpu.memref_squeeze %dma_start3A_237 : memref<1x!tpu.dma_semaphore, #tpu.memory_space<semaphore_mem>> -> memref<!tpu.dma_semaphore, #tpu.memory_space<semaphore_mem>>
      tpu.enqueue_indirect_dma source(%dma_start3A_230 : memref<128x16xf32, #tpu.memory_space<vmem>>) target(%dma_start3A_236 : memref<10240x16xf32, #tpu.memory_space<vmem_shared>>) offsets(%dma_start3A_233 : memref<128xi32, #tpu.memory_space<vmem>>) semaphore(%dma_start3A_238 : memref<!tpu.dma_semaphore, #tpu.memory_space<semaphore_mem>>) {add = true}
      %add3A_239 = arith.constant 3 : i32
      %add3A_240 = arith.addi %mul3A_149, %add3A_239 : i32
      %dma_wait3A_241 = arith.constant 3 : i32
      %dma_wait3A_242 = arith.constant 3 : i32
      %dma_wait3A_243 = arith.constant 0 : i32
      %dma_wait3A_244 = arith.constant 0 : i32
      %dma_wait3A_245 = tpu.memref_slice %arg9[%dma_wait3A_241, %dma_wait3A_243, %dma_wait3A_244] : memref<8x128x16xf32, #tpu.memory_space<vmem>> -> memref<1x128x16xf32, #tpu.memory_space<vmem>>
      %dma_wait3A_246 = tpu.memref_squeeze %dma_wait3A_245 : memref<1x128x16xf32, #tpu.memory_space<vmem>> -> memref<128x16xf32, #tpu.memory_space<vmem>>
      %dma_wait3A_247 = arith.constant 0 : i32
      %dma_wait3A_248 = tpu.memref_slice %arg7[%add3A_240, %dma_wait3A_247] : memref<80x128xi32, #tpu.memory_space<vmem>> -> memref<1x128xi32, #tpu.memory_space<vmem>>
      %dma_wait3A_249 = tpu.memref_squeeze %dma_wait3A_248 : memref<1x128xi32, #tpu.memory_space<vmem>> -> memref<128xi32, #tpu.memory_space<vmem>>
      %dma_wait3A_250 = arith.constant 0 : i32
      %dma_wait3A_251 = arith.constant 0 : i32
      %dma_wait3A_252 = tpu.memref_slice %arg2[%dma_wait3A_250, %dma_wait3A_251] : memref<10240x16xf32, #tpu.memory_space<hbm>> -> memref<10240x16xf32, #tpu.memory_space<hbm>>
      %dma_wait3A_253 = tpu.memref_slice %arg11[%dma_wait3A_242] : memref<8x!tpu.dma_semaphore, #tpu.memory_space<semaphore_mem>> -> memref<1x!tpu.dma_semaphore, #tpu.memory_space<semaphore_mem>>
      %dma_wait3A_254 = tpu.memref_squeeze %dma_wait3A_253 : memref<1x!tpu.dma_semaphore, #tpu.memory_space<semaphore_mem>> -> memref<!tpu.dma_semaphore, #tpu.memory_space<semaphore_mem>>
      tpu.wait_indirect_dma semaphore(%dma_wait3A_254 : memref<!tpu.dma_semaphore, #tpu.memory_space<semaphore_mem>>) src(%dma_wait3A_252 : memref<10240x16xf32, #tpu.memory_space<hbm>>) dst(%dma_wait3A_246 : memref<128x16xf32, #tpu.memory_space<vmem>>)
      %dma_start3A_255 = arith.constant 3 : i32
      %dma_start3A_256 = arith.constant 3 : i32
      %dma_start3A_257 = arith.constant 0 : i32
      %dma_start3A_258 = arith.constant 0 : i32
      %dma_start3A_259 = tpu.memref_slice %arg9[%dma_start3A_255, %dma_start3A_257, %dma_start3A_258] : memref<8x128x16xf32, #tpu.memory_space<vmem>> -> memref<1x128x16xf32, #tpu.memory_space<vmem>>
      %dma_start3A_260 = tpu.memref_squeeze %dma_start3A_259 : memref<1x128x16xf32, #tpu.memory_space<vmem>> -> memref<128x16xf32, #tpu.memory_space<vmem>>
      %dma_start3A_261 = arith.constant 0 : i32
      %dma_start3A_262 = tpu.memref_slice %arg8[%add3A_240, %dma_start3A_261] : memref<80x128xi32, #tpu.memory_space<vmem>> -> memref<1x128xi32, #tpu.memory_space<vmem>>
      %dma_start3A_263 = tpu.memref_squeeze %dma_start3A_262 : memref<1x128xi32, #tpu.memory_space<vmem>> -> memref<128xi32, #tpu.memory_space<vmem>>
      %dma_start3A_264 = arith.constant 0 : i32
      %dma_start3A_265 = arith.constant 0 : i32
      %dma_start3A_266 = tpu.memref_slice %arg10[%dma_start3A_264, %dma_start3A_265] : memref<10240x16xf32, #tpu.memory_space<vmem_shared>> -> memref<10240x16xf32, #tpu.memory_space<vmem_shared>>
      %dma_start3A_267 = tpu.memref_slice %arg12[%dma_start3A_256] : memref<8x!tpu.dma_semaphore, #tpu.memory_space<semaphore_mem>> -> memref<1x!tpu.dma_semaphore, #tpu.memory_space<semaphore_mem>>
      %dma_start3A_268 = tpu.memref_squeeze %dma_start3A_267 : memref<1x!tpu.dma_semaphore, #tpu.memory_space<semaphore_mem>> -> memref<!tpu.dma_semaphore, #tpu.memory_space<semaphore_mem>>
      tpu.enqueue_indirect_dma source(%dma_start3A_260 : memref<128x16xf32, #tpu.memory_space<vmem>>) target(%dma_start3A_266 : memref<10240x16xf32, #tpu.memory_space<vmem_shared>>) offsets(%dma_start3A_263 : memref<128xi32, #tpu.memory_space<vmem>>) semaphore(%dma_start3A_268 : memref<!tpu.dma_semaphore, #tpu.memory_space<semaphore_mem>>) {add = true}
      %add3A_269 = arith.constant 4 : i32
      %add3A_270 = arith.addi %mul3A_149, %add3A_269 : i32
      %dma_wait3A_271 = arith.constant 4 : i32
      %dma_wait3A_272 = arith.constant 4 : i32
      %dma_wait3A_273 = arith.constant 0 : i32
      %dma_wait3A_274 = arith.constant 0 : i32
      %dma_wait3A_275 = tpu.memref_slice %arg9[%dma_wait3A_271, %dma_wait3A_273, %dma_wait3A_274] : memref<8x128x16xf32, #tpu.memory_space<vmem>> -> memref<1x128x16xf32, #tpu.memory_space<vmem>>
      %dma_wait3A_276 = tpu.memref_squeeze %dma_wait3A_275 : memref<1x128x16xf32, #tpu.memory_space<vmem>> -> memref<128x16xf32, #tpu.memory_space<vmem>>
      %dma_wait3A_277 = arith.constant 0 : i32
      %dma_wait3A_278 = tpu.memref_slice %arg7[%add3A_270, %dma_wait3A_277] : memref<80x128xi32, #tpu.memory_space<vmem>> -> memref<1x128xi32, #tpu.memory_space<vmem>>
      %dma_wait3A_279 = tpu.memref_squeeze %dma_wait3A_278 : memref<1x128xi32, #tpu.memory_space<vmem>> -> memref<128xi32, #tpu.memory_space<vmem>>
      %dma_wait3A_280 = arith.constant 0 : i32
      %dma_wait3A_281 = arith.constant 0 : i32
      %dma_wait3A_282 = tpu.memref_slice %arg2[%dma_wait3A_280, %dma_wait3A_281] : memref<10240x16xf32, #tpu.memory_space<hbm>> -> memref<10240x16xf32, #tpu.memory_space<hbm>>
      %dma_wait3A_283 = tpu.memref_slice %arg11[%dma_wait3A_272] : memref<8x!tpu.dma_semaphore, #tpu.memory_space<semaphore_mem>> -> memref<1x!tpu.dma_semaphore, #tpu.memory_space<semaphore_mem>>
      %dma_wait3A_284 = tpu.memref_squeeze %dma_wait3A_283 : memref<1x!tpu.dma_semaphore, #tpu.memory_space<semaphore_mem>> -> memref<!tpu.dma_semaphore, #tpu.memory_space<semaphore_mem>>
      tpu.wait_indirect_dma semaphore(%dma_wait3A_284 : memref<!tpu.dma_semaphore, #tpu.memory_space<semaphore_mem>>) src(%dma_wait3A_282 : memref<10240x16xf32, #tpu.memory_space<hbm>>) dst(%dma_wait3A_276 : memref<128x16xf32, #tpu.memory_space<vmem>>)
      %dma_start3A_285 = arith.constant 4 : i32
      %dma_start3A_286 = arith.constant 4 : i32
      %dma_start3A_287 = arith.constant 0 : i32
      %dma_start3A_288 = arith.constant 0 : i32
      %dma_start3A_289 = tpu.memref_slice %arg9[%dma_start3A_285, %dma_start3A_287, %dma_start3A_288] : memref<8x128x16xf32, #tpu.memory_space<vmem>> -> memref<1x128x16xf32, #tpu.memory_space<vmem>>
      %dma_start3A_290 = tpu.memref_squeeze %dma_start3A_289 : memref<1x128x16xf32, #tpu.memory_space<vmem>> -> memref<128x16xf32, #tpu.memory_space<vmem>>
      %dma_start3A_291 = arith.constant 0 : i32
      %dma_start3A_292 = tpu.memref_slice %arg8[%add3A_270, %dma_start3A_291] : memref<80x128xi32, #tpu.memory_space<vmem>> -> memref<1x128xi32, #tpu.memory_space<vmem>>
      %dma_start3A_293 = tpu.memref_squeeze %dma_start3A_292 : memref<1x128xi32, #tpu.memory_space<vmem>> -> memref<128xi32, #tpu.memory_space<vmem>>
      %dma_start3A_294 = arith.constant 0 : i32
      %dma_start3A_295 = arith.constant 0 : i32
      %dma_start3A_296 = tpu.memref_slice %arg10[%dma_start3A_294, %dma_start3A_295] : memref<10240x16xf32, #tpu.memory_space<vmem_shared>> -> memref<10240x16xf32, #tpu.memory_space<vmem_shared>>
      %dma_start3A_297 = tpu.memref_slice %arg12[%dma_start3A_286] : memref<8x!tpu.dma_semaphore, #tpu.memory_space<semaphore_mem>> -> memref<1x!tpu.dma_semaphore, #tpu.memory_space<semaphore_mem>>
      %dma_start3A_298 = tpu.memref_squeeze %dma_start3A_297 : memref<1x!tpu.dma_semaphore, #tpu.memory_space<semaphore_mem>> -> memref<!tpu.dma_semaphore, #tpu.memory_space<semaphore_mem>>
      tpu.enqueue_indirect_dma source(%dma_start3A_290 : memref<128x16xf32, #tpu.memory_space<vmem>>) target(%dma_start3A_296 : memref<10240x16xf32, #tpu.memory_space<vmem_shared>>) offsets(%dma_start3A_293 : memref<128xi32, #tpu.memory_space<vmem>>) semaphore(%dma_start3A_298 : memref<!tpu.dma_semaphore, #tpu.memory_space<semaphore_mem>>) {add = true}
      %add3A_299 = arith.constant 5 : i32
      %add3A_300 = arith.addi %mul3A_149, %add3A_299 : i32
      %dma_wait3A_301 = arith.constant 5 : i32
      %dma_wait3A_302 = arith.constant 5 : i32
      %dma_wait3A_303 = arith.constant 0 : i32
      %dma_wait3A_304 = arith.constant 0 : i32
      %dma_wait3A_305 = tpu.memref_slice %arg9[%dma_wait3A_301, %dma_wait3A_303, %dma_wait3A_304] : memref<8x128x16xf32, #tpu.memory_space<vmem>> -> memref<1x128x16xf32, #tpu.memory_space<vmem>>
      %dma_wait3A_306 = tpu.memref_squeeze %dma_wait3A_305 : memref<1x128x16xf32, #tpu.memory_space<vmem>> -> memref<128x16xf32, #tpu.memory_space<vmem>>
      %dma_wait3A_307 = arith.constant 0 : i32
      %dma_wait3A_308 = tpu.memref_slice %arg7[%add3A_300, %dma_wait3A_307] : memref<80x128xi32, #tpu.memory_space<vmem>> -> memref<1x128xi32, #tpu.memory_space<vmem>>
      %dma_wait3A_309 = tpu.memref_squeeze %dma_wait3A_308 : memref<1x128xi32, #tpu.memory_space<vmem>> -> memref<128xi32, #tpu.memory_space<vmem>>
      %dma_wait3A_310 = arith.constant 0 : i32
      %dma_wait3A_311 = arith.constant 0 : i32
      %dma_wait3A_312 = tpu.memref_slice %arg2[%dma_wait3A_310, %dma_wait3A_311] : memref<10240x16xf32, #tpu.memory_space<hbm>> -> memref<10240x16xf32, #tpu.memory_space<hbm>>
      %dma_wait3A_313 = tpu.memref_slice %arg11[%dma_wait3A_302] : memref<8x!tpu.dma_semaphore, #tpu.memory_space<semaphore_mem>> -> memref<1x!tpu.dma_semaphore, #tpu.memory_space<semaphore_mem>>
      %dma_wait3A_314 = tpu.memref_squeeze %dma_wait3A_313 : memref<1x!tpu.dma_semaphore, #tpu.memory_space<semaphore_mem>> -> memref<!tpu.dma_semaphore, #tpu.memory_space<semaphore_mem>>
      tpu.wait_indirect_dma semaphore(%dma_wait3A_314 : memref<!tpu.dma_semaphore, #tpu.memory_space<semaphore_mem>>) src(%dma_wait3A_312 : memref<10240x16xf32, #tpu.memory_space<hbm>>) dst(%dma_wait3A_306 : memref<128x16xf32, #tpu.memory_space<vmem>>)
      %dma_start3A_315 = arith.constant 5 : i32
      %dma_start3A_316 = arith.constant 5 : i32
      %dma_start3A_317 = arith.constant 0 : i32
      %dma_start3A_318 = arith.constant 0 : i32
      %dma_start3A_319 = tpu.memref_slice %arg9[%dma_start3A_315, %dma_start3A_317, %dma_start3A_318] : memref<8x128x16xf32, #tpu.memory_space<vmem>> -> memref<1x128x16xf32, #tpu.memory_space<vmem>>
      %dma_start3A_320 = tpu.memref_squeeze %dma_start3A_319 : memref<1x128x16xf32, #tpu.memory_space<vmem>> -> memref<128x16xf32, #tpu.memory_space<vmem>>
      %dma_start3A_321 = arith.constant 0 : i32
      %dma_start3A_322 = tpu.memref_slice %arg8[%add3A_300, %dma_start3A_321] : memref<80x128xi32, #tpu.memory_space<vmem>> -> memref<1x128xi32, #tpu.memory_space<vmem>>
      %dma_start3A_323 = tpu.memref_squeeze %dma_start3A_322 : memref<1x128xi32, #tpu.memory_space<vmem>> -> memref<128xi32, #tpu.memory_space<vmem>>
      %dma_start3A_324 = arith.constant 0 : i32
      %dma_start3A_325 = arith.constant 0 : i32
      %dma_start3A_326 = tpu.memref_slice %arg10[%dma_start3A_324, %dma_start3A_325] : memref<10240x16xf32, #tpu.memory_space<vmem_shared>> -> memref<10240x16xf32, #tpu.memory_space<vmem_shared>>
      %dma_start3A_327 = tpu.memref_slice %arg12[%dma_start3A_316] : memref<8x!tpu.dma_semaphore, #tpu.memory_space<semaphore_mem>> -> memref<1x!tpu.dma_semaphore, #tpu.memory_space<semaphore_mem>>
      %dma_start3A_328 = tpu.memref_squeeze %dma_start3A_327 : memref<1x!tpu.dma_semaphore, #tpu.memory_space<semaphore_mem>> -> memref<!tpu.dma_semaphore, #tpu.memory_space<semaphore_mem>>
      tpu.enqueue_indirect_dma source(%dma_start3A_320 : memref<128x16xf32, #tpu.memory_space<vmem>>) target(%dma_start3A_326 : memref<10240x16xf32, #tpu.memory_space<vmem_shared>>) offsets(%dma_start3A_323 : memref<128xi32, #tpu.memory_space<vmem>>) semaphore(%dma_start3A_328 : memref<!tpu.dma_semaphore, #tpu.memory_space<semaphore_mem>>) {add = true}
      %add3A_329 = arith.constant 6 : i32
      %add3A_330 = arith.addi %mul3A_149, %add3A_329 : i32
      %dma_wait3A_331 = arith.constant 6 : i32
      %dma_wait3A_332 = arith.constant 6 : i32
      %dma_wait3A_333 = arith.constant 0 : i32
      %dma_wait3A_334 = arith.constant 0 : i32
      %dma_wait3A_335 = tpu.memref_slice %arg9[%dma_wait3A_331, %dma_wait3A_333, %dma_wait3A_334] : memref<8x128x16xf32, #tpu.memory_space<vmem>> -> memref<1x128x16xf32, #tpu.memory_space<vmem>>
      %dma_wait3A_336 = tpu.memref_squeeze %dma_wait3A_335 : memref<1x128x16xf32, #tpu.memory_space<vmem>> -> memref<128x16xf32, #tpu.memory_space<vmem>>
      %dma_wait3A_337 = arith.constant 0 : i32
      %dma_wait3A_338 = tpu.memref_slice %arg7[%add3A_330, %dma_wait3A_337] : memref<80x128xi32, #tpu.memory_space<vmem>> -> memref<1x128xi32, #tpu.memory_space<vmem>>
      %dma_wait3A_339 = tpu.memref_squeeze %dma_wait3A_338 : memref<1x128xi32, #tpu.memory_space<vmem>> -> memref<128xi32, #tpu.memory_space<vmem>>
      %dma_wait3A_340 = arith.constant 0 : i32
      %dma_wait3A_341 = arith.constant 0 : i32
      %dma_wait3A_342 = tpu.memref_slice %arg2[%dma_wait3A_340, %dma_wait3A_341] : memref<10240x16xf32, #tpu.memory_space<hbm>> -> memref<10240x16xf32, #tpu.memory_space<hbm>>
      %dma_wait3A_343 = tpu.memref_slice %arg11[%dma_wait3A_332] : memref<8x!tpu.dma_semaphore, #tpu.memory_space<semaphore_mem>> -> memref<1x!tpu.dma_semaphore, #tpu.memory_space<semaphore_mem>>
      %dma_wait3A_344 = tpu.memref_squeeze %dma_wait3A_343 : memref<1x!tpu.dma_semaphore, #tpu.memory_space<semaphore_mem>> -> memref<!tpu.dma_semaphore, #tpu.memory_space<semaphore_mem>>
      tpu.wait_indirect_dma semaphore(%dma_wait3A_344 : memref<!tpu.dma_semaphore, #tpu.memory_space<semaphore_mem>>) src(%dma_wait3A_342 : memref<10240x16xf32, #tpu.memory_space<hbm>>) dst(%dma_wait3A_336 : memref<128x16xf32, #tpu.memory_space<vmem>>)
      %dma_start3A_345 = arith.constant 6 : i32
      %dma_start3A_346 = arith.constant 6 : i32
      %dma_start3A_347 = arith.constant 0 : i32
      %dma_start3A_348 = arith.constant 0 : i32
      %dma_start3A_349 = tpu.memref_slice %arg9[%dma_start3A_345, %dma_start3A_347, %dma_start3A_348] : memref<8x128x16xf32, #tpu.memory_space<vmem>> -> memref<1x128x16xf32, #tpu.memory_space<vmem>>
      %dma_start3A_350 = tpu.memref_squeeze %dma_start3A_349 : memref<1x128x16xf32, #tpu.memory_space<vmem>> -> memref<128x16xf32, #tpu.memory_space<vmem>>
      %dma_start3A_351 = arith.constant 0 : i32
      %dma_start3A_352 = tpu.memref_slice %arg8[%add3A_330, %dma_start3A_351] : memref<80x128xi32, #tpu.memory_space<vmem>> -> memref<1x128xi32, #tpu.memory_space<vmem>>
      %dma_start3A_353 = tpu.memref_squeeze %dma_start3A_352 : memref<1x128xi32, #tpu.memory_space<vmem>> -> memref<128xi32, #tpu.memory_space<vmem>>
      %dma_start3A_354 = arith.constant 0 : i32
      %dma_start3A_355 = arith.constant 0 : i32
      %dma_start3A_356 = tpu.memref_slice %arg10[%dma_start3A_354, %dma_start3A_355] : memref<10240x16xf32, #tpu.memory_space<vmem_shared>> -> memref<10240x16xf32, #tpu.memory_space<vmem_shared>>
      %dma_start3A_357 = tpu.memref_slice %arg12[%dma_start3A_346] : memref<8x!tpu.dma_semaphore, #tpu.memory_space<semaphore_mem>> -> memref<1x!tpu.dma_semaphore, #tpu.memory_space<semaphore_mem>>
      %dma_start3A_358 = tpu.memref_squeeze %dma_start3A_357 : memref<1x!tpu.dma_semaphore, #tpu.memory_space<semaphore_mem>> -> memref<!tpu.dma_semaphore, #tpu.memory_space<semaphore_mem>>
      tpu.enqueue_indirect_dma source(%dma_start3A_350 : memref<128x16xf32, #tpu.memory_space<vmem>>) target(%dma_start3A_356 : memref<10240x16xf32, #tpu.memory_space<vmem_shared>>) offsets(%dma_start3A_353 : memref<128xi32, #tpu.memory_space<vmem>>) semaphore(%dma_start3A_358 : memref<!tpu.dma_semaphore, #tpu.memory_space<semaphore_mem>>) {add = true}
      %add3A_359 = arith.constant 7 : i32
      %add3A_360 = arith.addi %mul3A_149, %add3A_359 : i32
      %dma_wait3A_361 = arith.constant 7 : i32
      %dma_wait3A_362 = arith.constant 7 : i32
      %dma_wait3A_363 = arith.constant 0 : i32
      %dma_wait3A_364 = arith.constant 0 : i32
      %dma_wait3A_365 = tpu.memref_slice %arg9[%dma_wait3A_361, %dma_wait3A_363, %dma_wait3A_364] : memref<8x128x16xf32, #tpu.memory_space<vmem>> -> memref<1x128x16xf32, #tpu.memory_space<vmem>>
      %dma_wait3A_366 = tpu.memref_squeeze %dma_wait3A_365 : memref<1x128x16xf32, #tpu.memory_space<vmem>> -> memref<128x16xf32, #tpu.memory_space<vmem>>
      %dma_wait3A_367 = arith.constant 0 : i32
      %dma_wait3A_368 = tpu.memref_slice %arg7[%add3A_360, %dma_wait3A_367] : memref<80x128xi32, #tpu.memory_space<vmem>> -> memref<1x128xi32, #tpu.memory_space<vmem>>
      %dma_wait3A_369 = tpu.memref_squeeze %dma_wait3A_368 : memref<1x128xi32, #tpu.memory_space<vmem>> -> memref<128xi32, #tpu.memory_space<vmem>>
      %dma_wait3A_370 = arith.constant 0 : i32
      %dma_wait3A_371 = arith.constant 0 : i32
      %dma_wait3A_372 = tpu.memref_slice %arg2[%dma_wait3A_370, %dma_wait3A_371] : memref<10240x16xf32, #tpu.memory_space<hbm>> -> memref<10240x16xf32, #tpu.memory_space<hbm>>
      %dma_wait3A_373 = tpu.memref_slice %arg11[%dma_wait3A_362] : memref<8x!tpu.dma_semaphore, #tpu.memory_space<semaphore_mem>> -> memref<1x!tpu.dma_semaphore, #tpu.memory_space<semaphore_mem>>
      %dma_wait3A_374 = tpu.memref_squeeze %dma_wait3A_373 : memref<1x!tpu.dma_semaphore, #tpu.memory_space<semaphore_mem>> -> memref<!tpu.dma_semaphore, #tpu.memory_space<semaphore_mem>>
      tpu.wait_indirect_dma semaphore(%dma_wait3A_374 : memref<!tpu.dma_semaphore, #tpu.memory_space<semaphore_mem>>) src(%dma_wait3A_372 : memref<10240x16xf32, #tpu.memory_space<hbm>>) dst(%dma_wait3A_366 : memref<128x16xf32, #tpu.memory_space<vmem>>)
      %dma_start3A_375 = arith.constant 7 : i32
      %dma_start3A_376 = arith.constant 7 : i32
      %dma_start3A_377 = arith.constant 0 : i32
      %dma_start3A_378 = arith.constant 0 : i32
      %dma_start3A_379 = tpu.memref_slice %arg9[%dma_start3A_375, %dma_start3A_377, %dma_start3A_378] : memref<8x128x16xf32, #tpu.memory_space<vmem>> -> memref<1x128x16xf32, #tpu.memory_space<vmem>>
      %dma_start3A_380 = tpu.memref_squeeze %dma_start3A_379 : memref<1x128x16xf32, #tpu.memory_space<vmem>> -> memref<128x16xf32, #tpu.memory_space<vmem>>
      %dma_start3A_381 = arith.constant 0 : i32
      %dma_start3A_382 = tpu.memref_slice %arg8[%add3A_360, %dma_start3A_381] : memref<80x128xi32, #tpu.memory_space<vmem>> -> memref<1x128xi32, #tpu.memory_space<vmem>>
      %dma_start3A_383 = tpu.memref_squeeze %dma_start3A_382 : memref<1x128xi32, #tpu.memory_space<vmem>> -> memref<128xi32, #tpu.memory_space<vmem>>
      %dma_start3A_384 = arith.constant 0 : i32
      %dma_start3A_385 = arith.constant 0 : i32
      %dma_start3A_386 = tpu.memref_slice %arg10[%dma_start3A_384, %dma_start3A_385] : memref<10240x16xf32, #tpu.memory_space<vmem_shared>> -> memref<10240x16xf32, #tpu.memory_space<vmem_shared>>
      %dma_start3A_387 = tpu.memref_slice %arg12[%dma_start3A_376] : memref<8x!tpu.dma_semaphore, #tpu.memory_space<semaphore_mem>> -> memref<1x!tpu.dma_semaphore, #tpu.memory_space<semaphore_mem>>
      %dma_start3A_388 = tpu.memref_squeeze %dma_start3A_387 : memref<1x!tpu.dma_semaphore, #tpu.memory_space<semaphore_mem>> -> memref<!tpu.dma_semaphore, #tpu.memory_space<semaphore_mem>>
      tpu.enqueue_indirect_dma source(%dma_start3A_380 : memref<128x16xf32, #tpu.memory_space<vmem>>) target(%dma_start3A_386 : memref<10240x16xf32, #tpu.memory_space<vmem_shared>>) offsets(%dma_start3A_383 : memref<128xi32, #tpu.memory_space<vmem>>) semaphore(%dma_start3A_388 : memref<!tpu.dma_semaphore, #tpu.memory_space<semaphore_mem>>) {add = true}
      %add3A_389 = arith.constant 0 : i32
      %add3A_390 = arith.addi %mul3A_149, %add3A_389 : i32
      %dma_wait3A_391 = arith.constant 0 : i32
      %dma_wait3A_392 = arith.constant 0 : i32
      %dma_wait3A_393 = arith.constant 0 : i32
      %dma_wait3A_394 = arith.constant 0 : i32
      %dma_wait3A_395 = tpu.memref_slice %arg9[%dma_wait3A_391, %dma_wait3A_393, %dma_wait3A_394] : memref<8x128x16xf32, #tpu.memory_space<vmem>> -> memref<1x128x16xf32, #tpu.memory_space<vmem>>
      %dma_wait3A_396 = tpu.memref_squeeze %dma_wait3A_395 : memref<1x128x16xf32, #tpu.memory_space<vmem>> -> memref<128x16xf32, #tpu.memory_space<vmem>>
      %dma_wait3A_397 = arith.constant 0 : i32
      %dma_wait3A_398 = tpu.memref_slice %arg8[%add3A_390, %dma_wait3A_397] : memref<80x128xi32, #tpu.memory_space<vmem>> -> memref<1x128xi32, #tpu.memory_space<vmem>>
      %dma_wait3A_399 = tpu.memref_squeeze %dma_wait3A_398 : memref<1x128xi32, #tpu.memory_space<vmem>> -> memref<128xi32, #tpu.memory_space<vmem>>
      %dma_wait3A_400 = arith.constant 0 : i32
      %dma_wait3A_401 = arith.constant 0 : i32
      %dma_wait3A_402 = tpu.memref_slice %arg10[%dma_wait3A_400, %dma_wait3A_401] : memref<10240x16xf32, #tpu.memory_space<vmem_shared>> -> memref<10240x16xf32, #tpu.memory_space<vmem_shared>>
      %dma_wait3A_403 = tpu.memref_slice %arg12[%dma_wait3A_392] : memref<8x!tpu.dma_semaphore, #tpu.memory_space<semaphore_mem>> -> memref<1x!tpu.dma_semaphore, #tpu.memory_space<semaphore_mem>>
      %dma_wait3A_404 = tpu.memref_squeeze %dma_wait3A_403 : memref<1x!tpu.dma_semaphore, #tpu.memory_space<semaphore_mem>> -> memref<!tpu.dma_semaphore, #tpu.memory_space<semaphore_mem>>
      tpu.wait_indirect_dma semaphore(%dma_wait3A_404 : memref<!tpu.dma_semaphore, #tpu.memory_space<semaphore_mem>>) src(%dma_wait3A_396 : memref<128x16xf32, #tpu.memory_space<vmem>>) dst(%dma_wait3A_402 : memref<10240x16xf32, #tpu.memory_space<vmem_shared>>)
      %add3A_405 = arith.constant 1 : i32
      %add3A_406 = arith.addi %add3A_147, %add3A_405 : i32
      %lt3A_407 = arith.constant 10 : i32
      %lt3A_408 = arith.cmpi slt, %add3A_406, %lt3A_407 : i32
      %convert_element_type3A_409 = arith.extui %lt3A_408 : i1 to i32
      %cond3A_410 = arith.constant 0 : i32
      %cond3A_411 = arith.cmpi ne, %convert_element_type3A_409, %cond3A_410 : i32
      scf.if %cond3A_411 {
        %add3A_573 = arith.constant 8 : i32
        %add3A_574 = arith.addi %add3A_390, %add3A_573 : i32
        %dma_start3A_575 = arith.constant 0 : i32
        %dma_start3A_576 = arith.constant 0 : i32
        %dma_start3A_577 = arith.constant 0 : i32
        %dma_start3A_578 = arith.constant 0 : i32
        %dma_start3A_579 = tpu.memref_slice %arg9[%dma_start3A_575, %dma_start3A_577, %dma_start3A_578] : memref<8x128x16xf32, #tpu.memory_space<vmem>> -> memref<1x128x16xf32, #tpu.memory_space<vmem>>
        %dma_start3A_580 = tpu.memref_squeeze %dma_start3A_579 : memref<1x128x16xf32, #tpu.memory_space<vmem>> -> memref<128x16xf32, #tpu.memory_space<vmem>>
        %dma_start3A_581 = arith.constant 0 : i32
        %dma_start3A_582 = tpu.memref_slice %arg7[%add3A_574, %dma_start3A_581] : memref<80x128xi32, #tpu.memory_space<vmem>> -> memref<1x128xi32, #tpu.memory_space<vmem>>
        %dma_start3A_583 = tpu.memref_squeeze %dma_start3A_582 : memref<1x128xi32, #tpu.memory_space<vmem>> -> memref<128xi32, #tpu.memory_space<vmem>>
        %dma_start3A_584 = arith.constant 0 : i32
        %dma_start3A_585 = arith.constant 0 : i32
        %dma_start3A_586 = tpu.memref_slice %arg2[%dma_start3A_584, %dma_start3A_585] : memref<10240x16xf32, #tpu.memory_space<hbm>> -> memref<10240x16xf32, #tpu.memory_space<hbm>>
        %dma_start3A_587 = tpu.memref_slice %arg11[%dma_start3A_576] : memref<8x!tpu.dma_semaphore, #tpu.memory_space<semaphore_mem>> -> memref<1x!tpu.dma_semaphore, #tpu.memory_space<semaphore_mem>>
        %dma_start3A_588 = tpu.memref_squeeze %dma_start3A_587 : memref<1x!tpu.dma_semaphore, #tpu.memory_space<semaphore_mem>> -> memref<!tpu.dma_semaphore, #tpu.memory_space<semaphore_mem>>
        tpu.enqueue_indirect_dma source(%dma_start3A_586 : memref<10240x16xf32, #tpu.memory_space<hbm>>) target(%dma_start3A_580 : memref<128x16xf32, #tpu.memory_space<vmem>>) offsets(%dma_start3A_583 : memref<128xi32, #tpu.memory_space<vmem>>) semaphore(%dma_start3A_588 : memref<!tpu.dma_semaphore, #tpu.memory_space<semaphore_mem>>)
      } else {
      }
      %add3A_412 = arith.constant 1 : i32
      %add3A_413 = arith.addi %mul3A_149, %add3A_412 : i32
      %dma_wait3A_414 = arith.constant 1 : i32
      %dma_wait3A_415 = arith.constant 1 : i32
      %dma_wait3A_416 = arith.constant 0 : i32
      %dma_wait3A_417 = arith.constant 0 : i32
      %dma_wait3A_418 = tpu.memref_slice %arg9[%dma_wait3A_414, %dma_wait3A_416, %dma_wait3A_417] : memref<8x128x16xf32, #tpu.memory_space<vmem>> -> memref<1x128x16xf32, #tpu.memory_space<vmem>>
      %dma_wait3A_419 = tpu.memref_squeeze %dma_wait3A_418 : memref<1x128x16xf32, #tpu.memory_space<vmem>> -> memref<128x16xf32, #tpu.memory_space<vmem>>
      %dma_wait3A_420 = arith.constant 0 : i32
      %dma_wait3A_421 = tpu.memref_slice %arg8[%add3A_413, %dma_wait3A_420] : memref<80x128xi32, #tpu.memory_space<vmem>> -> memref<1x128xi32, #tpu.memory_space<vmem>>
      %dma_wait3A_422 = tpu.memref_squeeze %dma_wait3A_421 : memref<1x128xi32, #tpu.memory_space<vmem>> -> memref<128xi32, #tpu.memory_space<vmem>>
      %dma_wait3A_423 = arith.constant 0 : i32
      %dma_wait3A_424 = arith.constant 0 : i32
      %dma_wait3A_425 = tpu.memref_slice %arg10[%dma_wait3A_423, %dma_wait3A_424] : memref<10240x16xf32, #tpu.memory_space<vmem_shared>> -> memref<10240x16xf32, #tpu.memory_space<vmem_shared>>
      %dma_wait3A_426 = tpu.memref_slice %arg12[%dma_wait3A_415] : memref<8x!tpu.dma_semaphore, #tpu.memory_space<semaphore_mem>> -> memref<1x!tpu.dma_semaphore, #tpu.memory_space<semaphore_mem>>
      %dma_wait3A_427 = tpu.memref_squeeze %dma_wait3A_426 : memref<1x!tpu.dma_semaphore, #tpu.memory_space<semaphore_mem>> -> memref<!tpu.dma_semaphore, #tpu.memory_space<semaphore_mem>>
      tpu.wait_indirect_dma semaphore(%dma_wait3A_427 : memref<!tpu.dma_semaphore, #tpu.memory_space<semaphore_mem>>) src(%dma_wait3A_419 : memref<128x16xf32, #tpu.memory_space<vmem>>) dst(%dma_wait3A_425 : memref<10240x16xf32, #tpu.memory_space<vmem_shared>>)
      %add3A_428 = arith.constant 1 : i32
      %add3A_429 = arith.addi %add3A_147, %add3A_428 : i32
      %lt3A_430 = arith.constant 10 : i32
      %lt3A_431 = arith.cmpi slt, %add3A_429, %lt3A_430 : i32
      %convert_element_type3A_432 = arith.extui %lt3A_431 : i1 to i32
      %cond3A_433 = arith.constant 0 : i32
      %cond3A_434 = arith.cmpi ne, %convert_element_type3A_432, %cond3A_433 : i32
      scf.if %cond3A_434 {
        %add3A_573 = arith.constant 8 : i32
        %add3A_574 = arith.addi %add3A_413, %add3A_573 : i32
        %dma_start3A_575 = arith.constant 1 : i32
        %dma_start3A_576 = arith.constant 1 : i32
        %dma_start3A_577 = arith.constant 0 : i32
        %dma_start3A_578 = arith.constant 0 : i32
        %dma_start3A_579 = tpu.memref_slice %arg9[%dma_start3A_575, %dma_start3A_577, %dma_start3A_578] : memref<8x128x16xf32, #tpu.memory_space<vmem>> -> memref<1x128x16xf32, #tpu.memory_space<vmem>>
        %dma_start3A_580 = tpu.memref_squeeze %dma_start3A_579 : memref<1x128x16xf32, #tpu.memory_space<vmem>> -> memref<128x16xf32, #tpu.memory_space<vmem>>
        %dma_start3A_581 = arith.constant 0 : i32
        %dma_start3A_582 = tpu.memref_slice %arg7[%add3A_574, %dma_start3A_581] : memref<80x128xi32, #tpu.memory_space<vmem>> -> memref<1x128xi32, #tpu.memory_space<vmem>>
        %dma_start3A_583 = tpu.memref_squeeze %dma_start3A_582 : memref<1x128xi32, #tpu.memory_space<vmem>> -> memref<128xi32, #tpu.memory_space<vmem>>
        %dma_start3A_584 = arith.constant 0 : i32
        %dma_start3A_585 = arith.constant 0 : i32
        %dma_start3A_586 = tpu.memref_slice %arg2[%dma_start3A_584, %dma_start3A_585] : memref<10240x16xf32, #tpu.memory_space<hbm>> -> memref<10240x16xf32, #tpu.memory_space<hbm>>
        %dma_start3A_587 = tpu.memref_slice %arg11[%dma_start3A_576] : memref<8x!tpu.dma_semaphore, #tpu.memory_space<semaphore_mem>> -> memref<1x!tpu.dma_semaphore, #tpu.memory_space<semaphore_mem>>
        %dma_start3A_588 = tpu.memref_squeeze %dma_start3A_587 : memref<1x!tpu.dma_semaphore, #tpu.memory_space<semaphore_mem>> -> memref<!tpu.dma_semaphore, #tpu.memory_space<semaphore_mem>>
        tpu.enqueue_indirect_dma source(%dma_start3A_586 : memref<10240x16xf32, #tpu.memory_space<hbm>>) target(%dma_start3A_580 : memref<128x16xf32, #tpu.memory_space<vmem>>) offsets(%dma_start3A_583 : memref<128xi32, #tpu.memory_space<vmem>>) semaphore(%dma_start3A_588 : memref<!tpu.dma_semaphore, #tpu.memory_space<semaphore_mem>>)
      } else {
      }
      %add3A_435 = arith.constant 2 : i32
      %add3A_436 = arith.addi %mul3A_149, %add3A_435 : i32
      %dma_wait3A_437 = arith.constant 2 : i32
      %dma_wait3A_438 = arith.constant 2 : i32
      %dma_wait3A_439 = arith.constant 0 : i32
      %dma_wait3A_440 = arith.constant 0 : i32
      %dma_wait3A_441 = tpu.memref_slice %arg9[%dma_wait3A_437, %dma_wait3A_439, %dma_wait3A_440] : memref<8x128x16xf32, #tpu.memory_space<vmem>> -> memref<1x128x16xf32, #tpu.memory_space<vmem>>
      %dma_wait3A_442 = tpu.memref_squeeze %dma_wait3A_441 : memref<1x128x16xf32, #tpu.memory_space<vmem>> -> memref<128x16xf32, #tpu.memory_space<vmem>>
      %dma_wait3A_443 = arith.constant 0 : i32
      %dma_wait3A_444 = tpu.memref_slice %arg8[%add3A_436, %dma_wait3A_443] : memref<80x128xi32, #tpu.memory_space<vmem>> -> memref<1x128xi32, #tpu.memory_space<vmem>>
      %dma_wait3A_445 = tpu.memref_squeeze %dma_wait3A_444 : memref<1x128xi32, #tpu.memory_space<vmem>> -> memref<128xi32, #tpu.memory_space<vmem>>
      %dma_wait3A_446 = arith.constant 0 : i32
      %dma_wait3A_447 = arith.constant 0 : i32
      %dma_wait3A_448 = tpu.memref_slice %arg10[%dma_wait3A_446, %dma_wait3A_447] : memref<10240x16xf32, #tpu.memory_space<vmem_shared>> -> memref<10240x16xf32, #tpu.memory_space<vmem_shared>>
      %dma_wait3A_449 = tpu.memref_slice %arg12[%dma_wait3A_438] : memref<8x!tpu.dma_semaphore, #tpu.memory_space<semaphore_mem>> -> memref<1x!tpu.dma_semaphore, #tpu.memory_space<semaphore_mem>>
      %dma_wait3A_450 = tpu.memref_squeeze %dma_wait3A_449 : memref<1x!tpu.dma_semaphore, #tpu.memory_space<semaphore_mem>> -> memref<!tpu.dma_semaphore, #tpu.memory_space<semaphore_mem>>
      tpu.wait_indirect_dma semaphore(%dma_wait3A_450 : memref<!tpu.dma_semaphore, #tpu.memory_space<semaphore_mem>>) src(%dma_wait3A_442 : memref<128x16xf32, #tpu.memory_space<vmem>>) dst(%dma_wait3A_448 : memref<10240x16xf32, #tpu.memory_space<vmem_shared>>)
      %add3A_451 = arith.constant 1 : i32
      %add3A_452 = arith.addi %add3A_147, %add3A_451 : i32
      %lt3A_453 = arith.constant 10 : i32
      %lt3A_454 = arith.cmpi slt, %add3A_452, %lt3A_453 : i32
      %convert_element_type3A_455 = arith.extui %lt3A_454 : i1 to i32
      %cond3A_456 = arith.constant 0 : i32
      %cond3A_457 = arith.cmpi ne, %convert_element_type3A_455, %cond3A_456 : i32
      scf.if %cond3A_457 {
        %add3A_573 = arith.constant 8 : i32
        %add3A_574 = arith.addi %add3A_436, %add3A_573 : i32
        %dma_start3A_575 = arith.constant 2 : i32
        %dma_start3A_576 = arith.constant 2 : i32
        %dma_start3A_577 = arith.constant 0 : i32
        %dma_start3A_578 = arith.constant 0 : i32
        %dma_start3A_579 = tpu.memref_slice %arg9[%dma_start3A_575, %dma_start3A_577, %dma_start3A_578] : memref<8x128x16xf32, #tpu.memory_space<vmem>> -> memref<1x128x16xf32, #tpu.memory_space<vmem>>
        %dma_start3A_580 = tpu.memref_squeeze %dma_start3A_579 : memref<1x128x16xf32, #tpu.memory_space<vmem>> -> memref<128x16xf32, #tpu.memory_space<vmem>>
        %dma_start3A_581 = arith.constant 0 : i32
        %dma_start3A_582 = tpu.memref_slice %arg7[%add3A_574, %dma_start3A_581] : memref<80x128xi32, #tpu.memory_space<vmem>> -> memref<1x128xi32, #tpu.memory_space<vmem>>
        %dma_start3A_583 = tpu.memref_squeeze %dma_start3A_582 : memref<1x128xi32, #tpu.memory_space<vmem>> -> memref<128xi32, #tpu.memory_space<vmem>>
        %dma_start3A_584 = arith.constant 0 : i32
        %dma_start3A_585 = arith.constant 0 : i32
        %dma_start3A_586 = tpu.memref_slice %arg2[%dma_start3A_584, %dma_start3A_585] : memref<10240x16xf32, #tpu.memory_space<hbm>> -> memref<10240x16xf32, #tpu.memory_space<hbm>>
        %dma_start3A_587 = tpu.memref_slice %arg11[%dma_start3A_576] : memref<8x!tpu.dma_semaphore, #tpu.memory_space<semaphore_mem>> -> memref<1x!tpu.dma_semaphore, #tpu.memory_space<semaphore_mem>>
        %dma_start3A_588 = tpu.memref_squeeze %dma_start3A_587 : memref<1x!tpu.dma_semaphore, #tpu.memory_space<semaphore_mem>> -> memref<!tpu.dma_semaphore, #tpu.memory_space<semaphore_mem>>
        tpu.enqueue_indirect_dma source(%dma_start3A_586 : memref<10240x16xf32, #tpu.memory_space<hbm>>) target(%dma_start3A_580 : memref<128x16xf32, #tpu.memory_space<vmem>>) offsets(%dma_start3A_583 : memref<128xi32, #tpu.memory_space<vmem>>) semaphore(%dma_start3A_588 : memref<!tpu.dma_semaphore, #tpu.memory_space<semaphore_mem>>)
      } else {
      }
      %add3A_458 = arith.constant 3 : i32
      %add3A_459 = arith.addi %mul3A_149, %add3A_458 : i32
      %dma_wait3A_460 = arith.constant 3 : i32
      %dma_wait3A_461 = arith.constant 3 : i32
      %dma_wait3A_462 = arith.constant 0 : i32
      %dma_wait3A_463 = arith.constant 0 : i32
      %dma_wait3A_464 = tpu.memref_slice %arg9[%dma_wait3A_460, %dma_wait3A_462, %dma_wait3A_463] : memref<8x128x16xf32, #tpu.memory_space<vmem>> -> memref<1x128x16xf32, #tpu.memory_space<vmem>>
      %dma_wait3A_465 = tpu.memref_squeeze %dma_wait3A_464 : memref<1x128x16xf32, #tpu.memory_space<vmem>> -> memref<128x16xf32, #tpu.memory_space<vmem>>
      %dma_wait3A_466 = arith.constant 0 : i32
      %dma_wait3A_467 = tpu.memref_slice %arg8[%add3A_459, %dma_wait3A_466] : memref<80x128xi32, #tpu.memory_space<vmem>> -> memref<1x128xi32, #tpu.memory_space<vmem>>
      %dma_wait3A_468 = tpu.memref_squeeze %dma_wait3A_467 : memref<1x128xi32, #tpu.memory_space<vmem>> -> memref<128xi32, #tpu.memory_space<vmem>>
      %dma_wait3A_469 = arith.constant 0 : i32
      %dma_wait3A_470 = arith.constant 0 : i32
      %dma_wait3A_471 = tpu.memref_slice %arg10[%dma_wait3A_469, %dma_wait3A_470] : memref<10240x16xf32, #tpu.memory_space<vmem_shared>> -> memref<10240x16xf32, #tpu.memory_space<vmem_shared>>
      %dma_wait3A_472 = tpu.memref_slice %arg12[%dma_wait3A_461] : memref<8x!tpu.dma_semaphore, #tpu.memory_space<semaphore_mem>> -> memref<1x!tpu.dma_semaphore, #tpu.memory_space<semaphore_mem>>
      %dma_wait3A_473 = tpu.memref_squeeze %dma_wait3A_472 : memref<1x!tpu.dma_semaphore, #tpu.memory_space<semaphore_mem>> -> memref<!tpu.dma_semaphore, #tpu.memory_space<semaphore_mem>>
      tpu.wait_indirect_dma semaphore(%dma_wait3A_473 : memref<!tpu.dma_semaphore, #tpu.memory_space<semaphore_mem>>) src(%dma_wait3A_465 : memref<128x16xf32, #tpu.memory_space<vmem>>) dst(%dma_wait3A_471 : memref<10240x16xf32, #tpu.memory_space<vmem_shared>>)
      %add3A_474 = arith.constant 1 : i32
      %add3A_475 = arith.addi %add3A_147, %add3A_474 : i32
      %lt3A_476 = arith.constant 10 : i32
      %lt3A_477 = arith.cmpi slt, %add3A_475, %lt3A_476 : i32
      %convert_element_type3A_478 = arith.extui %lt3A_477 : i1 to i32
      %cond3A_479 = arith.constant 0 : i32
      %cond3A_480 = arith.cmpi ne, %convert_element_type3A_478, %cond3A_479 : i32
      scf.if %cond3A_480 {
        %add3A_573 = arith.constant 8 : i32
        %add3A_574 = arith.addi %add3A_459, %add3A_573 : i32
        %dma_start3A_575 = arith.constant 3 : i32
        %dma_start3A_576 = arith.constant 3 : i32
        %dma_start3A_577 = arith.constant 0 : i32
        %dma_start3A_578 = arith.constant 0 : i32
        %dma_start3A_579 = tpu.memref_slice %arg9[%dma_start3A_575, %dma_start3A_577, %dma_start3A_578] : memref<8x128x16xf32, #tpu.memory_space<vmem>> -> memref<1x128x16xf32, #tpu.memory_space<vmem>>
        %dma_start3A_580 = tpu.memref_squeeze %dma_start3A_579 : memref<1x128x16xf32, #tpu.memory_space<vmem>> -> memref<128x16xf32, #tpu.memory_space<vmem>>
        %dma_start3A_581 = arith.constant 0 : i32
        %dma_start3A_582 = tpu.memref_slice %arg7[%add3A_574, %dma_start3A_581] : memref<80x128xi32, #tpu.memory_space<vmem>> -> memref<1x128xi32, #tpu.memory_space<vmem>>
        %dma_start3A_583 = tpu.memref_squeeze %dma_start3A_582 : memref<1x128xi32, #tpu.memory_space<vmem>> -> memref<128xi32, #tpu.memory_space<vmem>>
        %dma_start3A_584 = arith.constant 0 : i32
        %dma_start3A_585 = arith.constant 0 : i32
        %dma_start3A_586 = tpu.memref_slice %arg2[%dma_start3A_584, %dma_start3A_585] : memref<10240x16xf32, #tpu.memory_space<hbm>> -> memref<10240x16xf32, #tpu.memory_space<hbm>>
        %dma_start3A_587 = tpu.memref_slice %arg11[%dma_start3A_576] : memref<8x!tpu.dma_semaphore, #tpu.memory_space<semaphore_mem>> -> memref<1x!tpu.dma_semaphore, #tpu.memory_space<semaphore_mem>>
        %dma_start3A_588 = tpu.memref_squeeze %dma_start3A_587 : memref<1x!tpu.dma_semaphore, #tpu.memory_space<semaphore_mem>> -> memref<!tpu.dma_semaphore, #tpu.memory_space<semaphore_mem>>
        tpu.enqueue_indirect_dma source(%dma_start3A_586 : memref<10240x16xf32, #tpu.memory_space<hbm>>) target(%dma_start3A_580 : memref<128x16xf32, #tpu.memory_space<vmem>>) offsets(%dma_start3A_583 : memref<128xi32, #tpu.memory_space<vmem>>) semaphore(%dma_start3A_588 : memref<!tpu.dma_semaphore, #tpu.memory_space<semaphore_mem>>)
      } else {
      }
      %add3A_481 = arith.constant 4 : i32
      %add3A_482 = arith.addi %mul3A_149, %add3A_481 : i32
      %dma_wait3A_483 = arith.constant 4 : i32
      %dma_wait3A_484 = arith.constant 4 : i32
      %dma_wait3A_485 = arith.constant 0 : i32
      %dma_wait3A_486 = arith.constant 0 : i32
      %dma_wait3A_487 = tpu.memref_slice %arg9[%dma_wait3A_483, %dma_wait3A_485, %dma_wait3A_486] : memref<8x128x16xf32, #tpu.memory_space<vmem>> -> memref<1x128x16xf32, #tpu.memory_space<vmem>>
      %dma_wait3A_488 = tpu.memref_squeeze %dma_wait3A_487 : memref<1x128x16xf32, #tpu.memory_space<vmem>> -> memref<128x16xf32, #tpu.memory_space<vmem>>
      %dma_wait3A_489 = arith.constant 0 : i32
      %dma_wait3A_490 = tpu.memref_slice %arg8[%add3A_482, %dma_wait3A_489] : memref<80x128xi32, #tpu.memory_space<vmem>> -> memref<1x128xi32, #tpu.memory_space<vmem>>
      %dma_wait3A_491 = tpu.memref_squeeze %dma_wait3A_490 : memref<1x128xi32, #tpu.memory_space<vmem>> -> memref<128xi32, #tpu.memory_space<vmem>>
      %dma_wait3A_492 = arith.constant 0 : i32
      %dma_wait3A_493 = arith.constant 0 : i32
      %dma_wait3A_494 = tpu.memref_slice %arg10[%dma_wait3A_492, %dma_wait3A_493] : memref<10240x16xf32, #tpu.memory_space<vmem_shared>> -> memref<10240x16xf32, #tpu.memory_space<vmem_shared>>
      %dma_wait3A_495 = tpu.memref_slice %arg12[%dma_wait3A_484] : memref<8x!tpu.dma_semaphore, #tpu.memory_space<semaphore_mem>> -> memref<1x!tpu.dma_semaphore, #tpu.memory_space<semaphore_mem>>
      %dma_wait3A_496 = tpu.memref_squeeze %dma_wait3A_495 : memref<1x!tpu.dma_semaphore, #tpu.memory_space<semaphore_mem>> -> memref<!tpu.dma_semaphore, #tpu.memory_space<semaphore_mem>>
      tpu.wait_indirect_dma semaphore(%dma_wait3A_496 : memref<!tpu.dma_semaphore, #tpu.memory_space<semaphore_mem>>) src(%dma_wait3A_488 : memref<128x16xf32, #tpu.memory_space<vmem>>) dst(%dma_wait3A_494 : memref<10240x16xf32, #tpu.memory_space<vmem_shared>>)
      %add3A_497 = arith.constant 1 : i32
      %add3A_498 = arith.addi %add3A_147, %add3A_497 : i32
      %lt3A_499 = arith.constant 10 : i32
      %lt3A_500 = arith.cmpi slt, %add3A_498, %lt3A_499 : i32
      %convert_element_type3A_501 = arith.extui %lt3A_500 : i1 to i32
      %cond3A_502 = arith.constant 0 : i32
      %cond3A_503 = arith.cmpi ne, %convert_element_type3A_501, %cond3A_502 : i32
      scf.if %cond3A_503 {
        %add3A_573 = arith.constant 8 : i32
        %add3A_574 = arith.addi %add3A_482, %add3A_573 : i32
        %dma_start3A_575 = arith.constant 4 : i32
        %dma_start3A_576 = arith.constant 4 : i32
        %dma_start3A_577 = arith.constant 0 : i32
        %dma_start3A_578 = arith.constant 0 : i32
        %dma_start3A_579 = tpu.memref_slice %arg9[%dma_start3A_575, %dma_start3A_577, %dma_start3A_578] : memref<8x128x16xf32, #tpu.memory_space<vmem>> -> memref<1x128x16xf32, #tpu.memory_space<vmem>>
        %dma_start3A_580 = tpu.memref_squeeze %dma_start3A_579 : memref<1x128x16xf32, #tpu.memory_space<vmem>> -> memref<128x16xf32, #tpu.memory_space<vmem>>
        %dma_start3A_581 = arith.constant 0 : i32
        %dma_start3A_582 = tpu.memref_slice %arg7[%add3A_574, %dma_start3A_581] : memref<80x128xi32, #tpu.memory_space<vmem>> -> memref<1x128xi32, #tpu.memory_space<vmem>>
        %dma_start3A_583 = tpu.memref_squeeze %dma_start3A_582 : memref<1x128xi32, #tpu.memory_space<vmem>> -> memref<128xi32, #tpu.memory_space<vmem>>
        %dma_start3A_584 = arith.constant 0 : i32
        %dma_start3A_585 = arith.constant 0 : i32
        %dma_start3A_586 = tpu.memref_slice %arg2[%dma_start3A_584, %dma_start3A_585] : memref<10240x16xf32, #tpu.memory_space<hbm>> -> memref<10240x16xf32, #tpu.memory_space<hbm>>
        %dma_start3A_587 = tpu.memref_slice %arg11[%dma_start3A_576] : memref<8x!tpu.dma_semaphore, #tpu.memory_space<semaphore_mem>> -> memref<1x!tpu.dma_semaphore, #tpu.memory_space<semaphore_mem>>
        %dma_start3A_588 = tpu.memref_squeeze %dma_start3A_587 : memref<1x!tpu.dma_semaphore, #tpu.memory_space<semaphore_mem>> -> memref<!tpu.dma_semaphore, #tpu.memory_space<semaphore_mem>>
        tpu.enqueue_indirect_dma source(%dma_start3A_586 : memref<10240x16xf32, #tpu.memory_space<hbm>>) target(%dma_start3A_580 : memref<128x16xf32, #tpu.memory_space<vmem>>) offsets(%dma_start3A_583 : memref<128xi32, #tpu.memory_space<vmem>>) semaphore(%dma_start3A_588 : memref<!tpu.dma_semaphore, #tpu.memory_space<semaphore_mem>>)
      } else {
      }
      %add3A_504 = arith.constant 5 : i32
      %add3A_505 = arith.addi %mul3A_149, %add3A_504 : i32
      %dma_wait3A_506 = arith.constant 5 : i32
      %dma_wait3A_507 = arith.constant 5 : i32
      %dma_wait3A_508 = arith.constant 0 : i32
      %dma_wait3A_509 = arith.constant 0 : i32
      %dma_wait3A_510 = tpu.memref_slice %arg9[%dma_wait3A_506, %dma_wait3A_508, %dma_wait3A_509] : memref<8x128x16xf32, #tpu.memory_space<vmem>> -> memref<1x128x16xf32, #tpu.memory_space<vmem>>
      %dma_wait3A_511 = tpu.memref_squeeze %dma_wait3A_510 : memref<1x128x16xf32, #tpu.memory_space<vmem>> -> memref<128x16xf32, #tpu.memory_space<vmem>>
      %dma_wait3A_512 = arith.constant 0 : i32
      %dma_wait3A_513 = tpu.memref_slice %arg8[%add3A_505, %dma_wait3A_512] : memref<80x128xi32, #tpu.memory_space<vmem>> -> memref<1x128xi32, #tpu.memory_space<vmem>>
      %dma_wait3A_514 = tpu.memref_squeeze %dma_wait3A_513 : memref<1x128xi32, #tpu.memory_space<vmem>> -> memref<128xi32, #tpu.memory_space<vmem>>
      %dma_wait3A_515 = arith.constant 0 : i32
      %dma_wait3A_516 = arith.constant 0 : i32
      %dma_wait3A_517 = tpu.memref_slice %arg10[%dma_wait3A_515, %dma_wait3A_516] : memref<10240x16xf32, #tpu.memory_space<vmem_shared>> -> memref<10240x16xf32, #tpu.memory_space<vmem_shared>>
      %dma_wait3A_518 = tpu.memref_slice %arg12[%dma_wait3A_507] : memref<8x!tpu.dma_semaphore, #tpu.memory_space<semaphore_mem>> -> memref<1x!tpu.dma_semaphore, #tpu.memory_space<semaphore_mem>>
      %dma_wait3A_519 = tpu.memref_squeeze %dma_wait3A_518 : memref<1x!tpu.dma_semaphore, #tpu.memory_space<semaphore_mem>> -> memref<!tpu.dma_semaphore, #tpu.memory_space<semaphore_mem>>
      tpu.wait_indirect_dma semaphore(%dma_wait3A_519 : memref<!tpu.dma_semaphore, #tpu.memory_space<semaphore_mem>>) src(%dma_wait3A_511 : memref<128x16xf32, #tpu.memory_space<vmem>>) dst(%dma_wait3A_517 : memref<10240x16xf32, #tpu.memory_space<vmem_shared>>)
      %add3A_520 = arith.constant 1 : i32
      %add3A_521 = arith.addi %add3A_147, %add3A_520 : i32
      %lt3A_522 = arith.constant 10 : i32
      %lt3A_523 = arith.cmpi slt, %add3A_521, %lt3A_522 : i32
      %convert_element_type3A_524 = arith.extui %lt3A_523 : i1 to i32
      %cond3A_525 = arith.constant 0 : i32
      %cond3A_526 = arith.cmpi ne, %convert_element_type3A_524, %cond3A_525 : i32
      scf.if %cond3A_526 {
        %add3A_573 = arith.constant 8 : i32
        %add3A_574 = arith.addi %add3A_505, %add3A_573 : i32
        %dma_start3A_575 = arith.constant 5 : i32
        %dma_start3A_576 = arith.constant 5 : i32
        %dma_start3A_577 = arith.constant 0 : i32
        %dma_start3A_578 = arith.constant 0 : i32
        %dma_start3A_579 = tpu.memref_slice %arg9[%dma_start3A_575, %dma_start3A_577, %dma_start3A_578] : memref<8x128x16xf32, #tpu.memory_space<vmem>> -> memref<1x128x16xf32, #tpu.memory_space<vmem>>
        %dma_start3A_580 = tpu.memref_squeeze %dma_start3A_579 : memref<1x128x16xf32, #tpu.memory_space<vmem>> -> memref<128x16xf32, #tpu.memory_space<vmem>>
        %dma_start3A_581 = arith.constant 0 : i32
        %dma_start3A_582 = tpu.memref_slice %arg7[%add3A_574, %dma_start3A_581] : memref<80x128xi32, #tpu.memory_space<vmem>> -> memref<1x128xi32, #tpu.memory_space<vmem>>
        %dma_start3A_583 = tpu.memref_squeeze %dma_start3A_582 : memref<1x128xi32, #tpu.memory_space<vmem>> -> memref<128xi32, #tpu.memory_space<vmem>>
        %dma_start3A_584 = arith.constant 0 : i32
        %dma_start3A_585 = arith.constant 0 : i32
        %dma_start3A_586 = tpu.memref_slice %arg2[%dma_start3A_584, %dma_start3A_585] : memref<10240x16xf32, #tpu.memory_space<hbm>> -> memref<10240x16xf32, #tpu.memory_space<hbm>>
        %dma_start3A_587 = tpu.memref_slice %arg11[%dma_start3A_576] : memref<8x!tpu.dma_semaphore, #tpu.memory_space<semaphore_mem>> -> memref<1x!tpu.dma_semaphore, #tpu.memory_space<semaphore_mem>>
        %dma_start3A_588 = tpu.memref_squeeze %dma_start3A_587 : memref<1x!tpu.dma_semaphore, #tpu.memory_space<semaphore_mem>> -> memref<!tpu.dma_semaphore, #tpu.memory_space<semaphore_mem>>
        tpu.enqueue_indirect_dma source(%dma_start3A_586 : memref<10240x16xf32, #tpu.memory_space<hbm>>) target(%dma_start3A_580 : memref<128x16xf32, #tpu.memory_space<vmem>>) offsets(%dma_start3A_583 : memref<128xi32, #tpu.memory_space<vmem>>) semaphore(%dma_start3A_588 : memref<!tpu.dma_semaphore, #tpu.memory_space<semaphore_mem>>)
      } else {
      }
      %add3A_527 = arith.constant 6 : i32
      %add3A_528 = arith.addi %mul3A_149, %add3A_527 : i32
      %dma_wait3A_529 = arith.constant 6 : i32
      %dma_wait3A_530 = arith.constant 6 : i32
      %dma_wait3A_531 = arith.constant 0 : i32
      %dma_wait3A_532 = arith.constant 0 : i32
      %dma_wait3A_533 = tpu.memref_slice %arg9[%dma_wait3A_529, %dma_wait3A_531, %dma_wait3A_532] : memref<8x128x16xf32, #tpu.memory_space<vmem>> -> memref<1x128x16xf32, #tpu.memory_space<vmem>>
      %dma_wait3A_534 = tpu.memref_squeeze %dma_wait3A_533 : memref<1x128x16xf32, #tpu.memory_space<vmem>> -> memref<128x16xf32, #tpu.memory_space<vmem>>
      %dma_wait3A_535 = arith.constant 0 : i32
      %dma_wait3A_536 = tpu.memref_slice %arg8[%add3A_528, %dma_wait3A_535] : memref<80x128xi32, #tpu.memory_space<vmem>> -> memref<1x128xi32, #tpu.memory_space<vmem>>
      %dma_wait3A_537 = tpu.memref_squeeze %dma_wait3A_536 : memref<1x128xi32, #tpu.memory_space<vmem>> -> memref<128xi32, #tpu.memory_space<vmem>>
      %dma_wait3A_538 = arith.constant 0 : i32
      %dma_wait3A_539 = arith.constant 0 : i32
      %dma_wait3A_540 = tpu.memref_slice %arg10[%dma_wait3A_538, %dma_wait3A_539] : memref<10240x16xf32, #tpu.memory_space<vmem_shared>> -> memref<10240x16xf32, #tpu.memory_space<vmem_shared>>
      %dma_wait3A_541 = tpu.memref_slice %arg12[%dma_wait3A_530] : memref<8x!tpu.dma_semaphore, #tpu.memory_space<semaphore_mem>> -> memref<1x!tpu.dma_semaphore, #tpu.memory_space<semaphore_mem>>
      %dma_wait3A_542 = tpu.memref_squeeze %dma_wait3A_541 : memref<1x!tpu.dma_semaphore, #tpu.memory_space<semaphore_mem>> -> memref<!tpu.dma_semaphore, #tpu.memory_space<semaphore_mem>>
      tpu.wait_indirect_dma semaphore(%dma_wait3A_542 : memref<!tpu.dma_semaphore, #tpu.memory_space<semaphore_mem>>) src(%dma_wait3A_534 : memref<128x16xf32, #tpu.memory_space<vmem>>) dst(%dma_wait3A_540 : memref<10240x16xf32, #tpu.memory_space<vmem_shared>>)
      %add3A_543 = arith.constant 1 : i32
      %add3A_544 = arith.addi %add3A_147, %add3A_543 : i32
      %lt3A_545 = arith.constant 10 : i32
      %lt3A_546 = arith.cmpi slt, %add3A_544, %lt3A_545 : i32
      %convert_element_type3A_547 = arith.extui %lt3A_546 : i1 to i32
      %cond3A_548 = arith.constant 0 : i32
      %cond3A_549 = arith.cmpi ne, %convert_element_type3A_547, %cond3A_548 : i32
      scf.if %cond3A_549 {
        %add3A_573 = arith.constant 8 : i32
        %add3A_574 = arith.addi %add3A_528, %add3A_573 : i32
        %dma_start3A_575 = arith.constant 6 : i32
        %dma_start3A_576 = arith.constant 6 : i32
        %dma_start3A_577 = arith.constant 0 : i32
        %dma_start3A_578 = arith.constant 0 : i32
        %dma_start3A_579 = tpu.memref_slice %arg9[%dma_start3A_575, %dma_start3A_577, %dma_start3A_578] : memref<8x128x16xf32, #tpu.memory_space<vmem>> -> memref<1x128x16xf32, #tpu.memory_space<vmem>>
        %dma_start3A_580 = tpu.memref_squeeze %dma_start3A_579 : memref<1x128x16xf32, #tpu.memory_space<vmem>> -> memref<128x16xf32, #tpu.memory_space<vmem>>
        %dma_start3A_581 = arith.constant 0 : i32
        %dma_start3A_582 = tpu.memref_slice %arg7[%add3A_574, %dma_start3A_581] : memref<80x128xi32, #tpu.memory_space<vmem>> -> memref<1x128xi32, #tpu.memory_space<vmem>>
        %dma_start3A_583 = tpu.memref_squeeze %dma_start3A_582 : memref<1x128xi32, #tpu.memory_space<vmem>> -> memref<128xi32, #tpu.memory_space<vmem>>
        %dma_start3A_584 = arith.constant 0 : i32
        %dma_start3A_585 = arith.constant 0 : i32
        %dma_start3A_586 = tpu.memref_slice %arg2[%dma_start3A_584, %dma_start3A_585] : memref<10240x16xf32, #tpu.memory_space<hbm>> -> memref<10240x16xf32, #tpu.memory_space<hbm>>
        %dma_start3A_587 = tpu.memref_slice %arg11[%dma_start3A_576] : memref<8x!tpu.dma_semaphore, #tpu.memory_space<semaphore_mem>> -> memref<1x!tpu.dma_semaphore, #tpu.memory_space<semaphore_mem>>
        %dma_start3A_588 = tpu.memref_squeeze %dma_start3A_587 : memref<1x!tpu.dma_semaphore, #tpu.memory_space<semaphore_mem>> -> memref<!tpu.dma_semaphore, #tpu.memory_space<semaphore_mem>>
        tpu.enqueue_indirect_dma source(%dma_start3A_586 : memref<10240x16xf32, #tpu.memory_space<hbm>>) target(%dma_start3A_580 : memref<128x16xf32, #tpu.memory_space<vmem>>) offsets(%dma_start3A_583 : memref<128xi32, #tpu.memory_space<vmem>>) semaphore(%dma_start3A_588 : memref<!tpu.dma_semaphore, #tpu.memory_space<semaphore_mem>>)
      } else {
      }
      %add3A_550 = arith.constant 7 : i32
      %add3A_551 = arith.addi %mul3A_149, %add3A_550 : i32
      %dma_wait3A_552 = arith.constant 7 : i32
      %dma_wait3A_553 = arith.constant 7 : i32
      %dma_wait3A_554 = arith.constant 0 : i32
      %dma_wait3A_555 = arith.constant 0 : i32
      %dma_wait3A_556 = tpu.memref_slice %arg9[%dma_wait3A_552, %dma_wait3A_554, %dma_wait3A_555] : memref<8x128x16xf32, #tpu.memory_space<vmem>> -> memref<1x128x16xf32, #tpu.memory_space<vmem>>
      %dma_wait3A_557 = tpu.memref_squeeze %dma_wait3A_556 : memref<1x128x16xf32, #tpu.memory_space<vmem>> -> memref<128x16xf32, #tpu.memory_space<vmem>>
      %dma_wait3A_558 = arith.constant 0 : i32
      %dma_wait3A_559 = tpu.memref_slice %arg8[%add3A_551, %dma_wait3A_558] : memref<80x128xi32, #tpu.memory_space<vmem>> -> memref<1x128xi32, #tpu.memory_space<vmem>>
      %dma_wait3A_560 = tpu.memref_squeeze %dma_wait3A_559 : memref<1x128xi32, #tpu.memory_space<vmem>> -> memref<128xi32, #tpu.memory_space<vmem>>
      %dma_wait3A_561 = arith.constant 0 : i32
      %dma_wait3A_562 = arith.constant 0 : i32
      %dma_wait3A_563 = tpu.memref_slice %arg10[%dma_wait3A_561, %dma_wait3A_562] : memref<10240x16xf32, #tpu.memory_space<vmem_shared>> -> memref<10240x16xf32, #tpu.memory_space<vmem_shared>>
      %dma_wait3A_564 = tpu.memref_slice %arg12[%dma_wait3A_553] : memref<8x!tpu.dma_semaphore, #tpu.memory_space<semaphore_mem>> -> memref<1x!tpu.dma_semaphore, #tpu.memory_space<semaphore_mem>>
      %dma_wait3A_565 = tpu.memref_squeeze %dma_wait3A_564 : memref<1x!tpu.dma_semaphore, #tpu.memory_space<semaphore_mem>> -> memref<!tpu.dma_semaphore, #tpu.memory_space<semaphore_mem>>
      tpu.wait_indirect_dma semaphore(%dma_wait3A_565 : memref<!tpu.dma_semaphore, #tpu.memory_space<semaphore_mem>>) src(%dma_wait3A_557 : memref<128x16xf32, #tpu.memory_space<vmem>>) dst(%dma_wait3A_563 : memref<10240x16xf32, #tpu.memory_space<vmem_shared>>)
      %add3A_566 = arith.constant 1 : i32
      %add3A_567 = arith.addi %add3A_147, %add3A_566 : i32
      %lt3A_568 = arith.constant 10 : i32
      %lt3A_569 = arith.cmpi slt, %add3A_567, %lt3A_568 : i32
      %convert_element_type3A_570 = arith.extui %lt3A_569 : i1 to i32
      %cond3A_571 = arith.constant 0 : i32
      %cond3A_572 = arith.cmpi ne, %convert_element_type3A_570, %cond3A_571 : i32
      scf.if %cond3A_572 {
        %add3A_573 = arith.constant 8 : i32
        %add3A_574 = arith.addi %add3A_551, %add3A_573 : i32
        %dma_start3A_575 = arith.constant 7 : i32
        %dma_start3A_576 = arith.constant 7 : i32
        %dma_start3A_577 = arith.constant 0 : i32
        %dma_start3A_578 = arith.constant 0 : i32
        %dma_start3A_579 = tpu.memref_slice %arg9[%dma_start3A_575, %dma_start3A_577, %dma_start3A_578] : memref<8x128x16xf32, #tpu.memory_space<vmem>> -> memref<1x128x16xf32, #tpu.memory_space<vmem>>
        %dma_start3A_580 = tpu.memref_squeeze %dma_start3A_579 : memref<1x128x16xf32, #tpu.memory_space<vmem>> -> memref<128x16xf32, #tpu.memory_space<vmem>>
        %dma_start3A_581 = arith.constant 0 : i32
        %dma_start3A_582 = tpu.memref_slice %arg7[%add3A_574, %dma_start3A_581] : memref<80x128xi32, #tpu.memory_space<vmem>> -> memref<1x128xi32, #tpu.memory_space<vmem>>
        %dma_start3A_583 = tpu.memref_squeeze %dma_start3A_582 : memref<1x128xi32, #tpu.memory_space<vmem>> -> memref<128xi32, #tpu.memory_space<vmem>>
        %dma_start3A_584 = arith.constant 0 : i32
        %dma_start3A_585 = arith.constant 0 : i32
        %dma_start3A_586 = tpu.memref_slice %arg2[%dma_start3A_584, %dma_start3A_585] : memref<10240x16xf32, #tpu.memory_space<hbm>> -> memref<10240x16xf32, #tpu.memory_space<hbm>>
        %dma_start3A_587 = tpu.memref_slice %arg11[%dma_start3A_576] : memref<8x!tpu.dma_semaphore, #tpu.memory_space<semaphore_mem>> -> memref<1x!tpu.dma_semaphore, #tpu.memory_space<semaphore_mem>>
        %dma_start3A_588 = tpu.memref_squeeze %dma_start3A_587 : memref<1x!tpu.dma_semaphore, #tpu.memory_space<semaphore_mem>> -> memref<!tpu.dma_semaphore, #tpu.memory_space<semaphore_mem>>
        tpu.enqueue_indirect_dma source(%dma_start3A_586 : memref<10240x16xf32, #tpu.memory_space<hbm>>) target(%dma_start3A_580 : memref<128x16xf32, #tpu.memory_space<vmem>>) offsets(%dma_start3A_583 : memref<128xi32, #tpu.memory_space<vmem>>) semaphore(%dma_start3A_588 : memref<!tpu.dma_semaphore, #tpu.memory_space<semaphore_mem>>)
      } else {
      }
    }
    %scan3A_141 = arith.constant 10 : i32
    %barrier3A_142 = arith.constant 0 : index
    tpu.barrier barrier_id(%barrier3A_142)
    "tpu.region"() ({
      %run_scoped3A = tpu.sem_alloc : memref<!tpu.dma_semaphore, #tpu.memory_space<semaphore_mem>>
      %dma_start3A_143 = arith.constant 0 : i32
      %dma_start3A_144 = tpu.memref_slice %arg6[%arg0, %mul3A_2, %dma_start3A_143] : memref<2x10240x16xf32, #tpu.memory_space<hbm>> -> memref<1x640x16xf32, #tpu.memory_space<hbm>>
      %dma_start3A_145 = tpu.memref_squeeze %dma_start3A_144 : memref<1x640x16xf32, #tpu.memory_space<hbm>> -> memref<640x16xf32, #tpu.memory_space<hbm>>
      %dma_start3A_146 = arith.constant 0 : i32
      %dma_start3A_147 = tpu.memref_slice %arg10[%mul3A_2, %dma_start3A_146] : memref<10240x16xf32, #tpu.memory_space<vmem_shared>> -> memref<640x16xf32, #tpu.memory_space<vmem_shared>>
      tpu.enqueue_dma source(%dma_start3A_147 : memref<640x16xf32, #tpu.memory_space<vmem_shared>>) target(%dma_start3A_145 : memref<640x16xf32, #tpu.memory_space<hbm>>) target_semaphore(%run_scoped3A : memref<!tpu.dma_semaphore, #tpu.memory_space<semaphore_mem>>)
      %dma_wait3A = arith.constant 0 : i32
      %dma_wait3A_148 = tpu.memref_slice %arg6[%arg0, %mul3A_2, %dma_wait3A] : memref<2x10240x16xf32, #tpu.memory_space<hbm>> -> memref<1x640x16xf32, #tpu.memory_space<hbm>>
      %dma_wait3A_149 = tpu.memref_squeeze %dma_wait3A_148 : memref<1x640x16xf32, #tpu.memory_space<hbm>> -> memref<640x16xf32, #tpu.memory_space<hbm>>
      %dma_wait3A_150 = arith.constant 0 : i32
      %dma_wait3A_151 = tpu.memref_slice %arg10[%mul3A_2, %dma_wait3A_150] : memref<10240x16xf32, #tpu.memory_space<vmem_shared>> -> memref<640x16xf32, #tpu.memory_space<vmem_shared>>
      tpu.wait_dma2 semaphore(%run_scoped3A : memref<!tpu.dma_semaphore, #tpu.memory_space<semaphore_mem>>) src(%dma_wait3A_151 : memref<640x16xf32, #tpu.memory_space<vmem_shared>>) dst(%dma_wait3A_149 : memref<640x16xf32, #tpu.memory_space<hbm>>)
      tpu.yield
    }) : () -> ()
    return
  }
}

#map = affine_map<(d0, d1) -> (0, 0, 0)>
#map1 = affine_map<(d0, d1) -> (0, 0)>
module attributes {stable_mosaic.version = 14 : i64} {
  func.func @hist(%arg0: i32, %arg1: i32, %arg2: memref<2x2500x128xi32, #tpu.memory_space<hbm>>, %arg3: memref<2x60x128xi32, #tpu.memory_space<hbm>>, %arg4: memref<10240x16xf32, #tpu.memory_space<hbm>>, %arg5: memref<128x16xf32, #tpu.memory_space<hbm>>, %arg6: memref<2x10240x16xf32, #tpu.memory_space<hbm>>, %arg7: memref<80x128xi32, #tpu.memory_space<vmem>>, %arg8: memref<128x16xf32, #tpu.memory_space<vmem>>, %arg9: memref<10240x16xf32, #tpu.memory_space<vmem_shared>>, %arg10: memref<!tpu.dma_semaphore, #tpu.memory_space<semaphore_mem>>) attributes {dimension_semantics = [#tpu.dimension_semantics<core_parallel>, #tpu.dimension_semantics<subcore_parallel>], iteration_bounds = array<i64: 2, 16>, scalar_prefetch = 0 : i64, scratch_operands = 4 : i64, tpu.core_type = #tpu.core_type<sc_vector_subcore>, window_params = [{transform_indices = #map}, {transform_indices = #map}, {transform_indices = #map1}, {transform_indices = #map1}, {transform_indices = #map}]} {
    %mul3A = arith.constant 16 : i32
    %mul3A_0 = arith.muli %arg0, %mul3A : i32
    %add3A = arith.addi %mul3A_0, %arg1 : i32
    %mul3A_1 = arith.constant 640 : i32
    %mul3A_2 = arith.muli %arg1, %mul3A_1 : i32
    %lt3A = arith.constant 31 : i32
    %lt3A_3 = arith.cmpi slt, %add3A, %lt3A : i32
    %convert_element_type3A = arith.extui %lt3A_3 : i1 to i32
    %cond3A = arith.constant 0 : i32
    %cond3A_4 = arith.cmpi ne, %convert_element_type3A, %cond3A : i32
    scf.if %cond3A_4 {
      %mul3A_19 = arith.constant 80 : i32
      %mul3A_20 = arith.muli %add3A, %mul3A_19 : i32
      %run_scoped3A = arith.constant 1 : i32
      "tpu.region"() ({
        %run_scoped3A_21 = tpu.sem_alloc : memref<!tpu.dma_semaphore, #tpu.memory_space<semaphore_mem>>
        %dma_start3A = arith.constant 0 : i32
        %dma_start3A_22 = tpu.memref_slice %arg2[%run_scoped3A, %mul3A_20, %dma_start3A] : memref<2x2500x128xi32, #tpu.memory_space<hbm>> -> memref<1x80x128xi32, #tpu.memory_space<hbm>>
        %dma_start3A_23 = tpu.memref_squeeze %dma_start3A_22 : memref<1x80x128xi32, #tpu.memory_space<hbm>> -> memref<80x128xi32, #tpu.memory_space<hbm>>
        %dma_start3A_24 = arith.constant 0 : i32
        %dma_start3A_25 = tpu.memref_slice %arg2[%run_scoped3A, %mul3A_20, %dma_start3A_24] : memref<2x2500x128xi32, #tpu.memory_space<hbm>> -> memref<1x80x128xi32, #tpu.memory_space<hbm>>
        %dma_start3A_26 = tpu.memref_squeeze %dma_start3A_25 : memref<1x80x128xi32, #tpu.memory_space<hbm>> -> memref<80x128xi32, #tpu.memory_space<hbm>>
        tpu.enqueue_dma source(%dma_start3A_26 : memref<80x128xi32, #tpu.memory_space<hbm>>) target(%arg7 : memref<80x128xi32, #tpu.memory_space<vmem>>) target_semaphore(%run_scoped3A_21 : memref<!tpu.dma_semaphore, #tpu.memory_space<semaphore_mem>>)
        %dma_wait3A = arith.constant 0 : i32
        %dma_wait3A_27 = tpu.memref_slice %arg2[%run_scoped3A, %mul3A_20, %dma_wait3A] : memref<2x2500x128xi32, #tpu.memory_space<hbm>> -> memref<1x80x128xi32, #tpu.memory_space<hbm>>
        %dma_wait3A_28 = tpu.memref_squeeze %dma_wait3A_27 : memref<1x80x128xi32, #tpu.memory_space<hbm>> -> memref<80x128xi32, #tpu.memory_space<hbm>>
        %dma_wait3A_29 = arith.constant 0 : i32
        %dma_wait3A_30 = tpu.memref_slice %arg2[%run_scoped3A, %mul3A_20, %dma_wait3A_29] : memref<2x2500x128xi32, #tpu.memory_space<hbm>> -> memref<1x80x128xi32, #tpu.memory_space<hbm>>
        %dma_wait3A_31 = tpu.memref_squeeze %dma_wait3A_30 : memref<1x80x128xi32, #tpu.memory_space<hbm>> -> memref<80x128xi32, #tpu.memory_space<hbm>>
        tpu.wait_dma2 semaphore(%run_scoped3A_21 : memref<!tpu.dma_semaphore, #tpu.memory_space<semaphore_mem>>) src(%dma_wait3A_31 : memref<80x128xi32, #tpu.memory_space<hbm>>) dst(%arg7 : memref<80x128xi32, #tpu.memory_space<vmem>>)
        tpu.yield
      }) : () -> ()
    } else {
    }
    %eq3A = arith.constant 31 : i32
    %eq3A_5 = arith.cmpi eq, %add3A, %eq3A : i32
    %convert_element_type3A_6 = arith.extui %eq3A_5 : i1 to i32
    %cond3A_7 = arith.constant 0 : i32
    %cond3A_8 = arith.cmpi ne, %convert_element_type3A_6, %cond3A_7 : i32
    scf.if %cond3A_8 {
      %run_scoped3A = arith.constant 1 : i32
      "tpu.region"() ({
        %run_scoped3A_20 = tpu.sem_alloc : memref<!tpu.dma_semaphore, #tpu.memory_space<semaphore_mem>>
        %dma_start3A = arith.constant 0 : i32
        %dma_start3A_21 = arith.constant 0 : i32
        %dma_start3A_22 = tpu.memref_slice %arg7[%dma_start3A, %dma_start3A_21] : memref<80x128xi32, #tpu.memory_space<vmem>> -> memref<20x128xi32, #tpu.memory_space<vmem>>
        %dma_start3A_23 = arith.constant 2480 : i32
        %dma_start3A_24 = arith.constant 0 : i32
        %dma_start3A_25 = tpu.memref_slice %arg2[%run_scoped3A, %dma_start3A_23, %dma_start3A_24] : memref<2x2500x128xi32, #tpu.memory_space<hbm>> -> memref<1x20x128xi32, #tpu.memory_space<hbm>>
        %dma_start3A_26 = tpu.memref_squeeze %dma_start3A_25 : memref<1x20x128xi32, #tpu.memory_space<hbm>> -> memref<20x128xi32, #tpu.memory_space<hbm>>
        %dma_start3A_27 = arith.constant 0 : i32
        %dma_start3A_28 = arith.constant 0 : i32
        %dma_start3A_29 = tpu.memref_slice %arg7[%dma_start3A_27, %dma_start3A_28] : memref<80x128xi32, #tpu.memory_space<vmem>> -> memref<20x128xi32, #tpu.memory_space<vmem>>
        %dma_start3A_30 = arith.constant 2480 : i32
        %dma_start3A_31 = arith.constant 0 : i32
        %dma_start3A_32 = tpu.memref_slice %arg2[%run_scoped3A, %dma_start3A_30, %dma_start3A_31] : memref<2x2500x128xi32, #tpu.memory_space<hbm>> -> memref<1x20x128xi32, #tpu.memory_space<hbm>>
        %dma_start3A_33 = tpu.memref_squeeze %dma_start3A_32 : memref<1x20x128xi32, #tpu.memory_space<hbm>> -> memref<20x128xi32, #tpu.memory_space<hbm>>
        tpu.enqueue_dma source(%dma_start3A_33 : memref<20x128xi32, #tpu.memory_space<hbm>>) target(%dma_start3A_29 : memref<20x128xi32, #tpu.memory_space<vmem>>) target_semaphore(%run_scoped3A_20 : memref<!tpu.dma_semaphore, #tpu.memory_space<semaphore_mem>>)
        %dma_wait3A = arith.constant 0 : i32
        %dma_wait3A_34 = arith.constant 0 : i32
        %dma_wait3A_35 = tpu.memref_slice %arg7[%dma_wait3A, %dma_wait3A_34] : memref<80x128xi32, #tpu.memory_space<vmem>> -> memref<20x128xi32, #tpu.memory_space<vmem>>
        %dma_wait3A_36 = arith.constant 2480 : i32
        %dma_wait3A_37 = arith.constant 0 : i32
        %dma_wait3A_38 = tpu.memref_slice %arg2[%run_scoped3A, %dma_wait3A_36, %dma_wait3A_37] : memref<2x2500x128xi32, #tpu.memory_space<hbm>> -> memref<1x20x128xi32, #tpu.memory_space<hbm>>
        %dma_wait3A_39 = tpu.memref_squeeze %dma_wait3A_38 : memref<1x20x128xi32, #tpu.memory_space<hbm>> -> memref<20x128xi32, #tpu.memory_space<hbm>>
        %dma_wait3A_40 = arith.constant 0 : i32
        %dma_wait3A_41 = arith.constant 0 : i32
        %dma_wait3A_42 = tpu.memref_slice %arg7[%dma_wait3A_40, %dma_wait3A_41] : memref<80x128xi32, #tpu.memory_space<vmem>> -> memref<20x128xi32, #tpu.memory_space<vmem>>
        %dma_wait3A_43 = arith.constant 2480 : i32
        %dma_wait3A_44 = arith.constant 0 : i32
        %dma_wait3A_45 = tpu.memref_slice %arg2[%run_scoped3A, %dma_wait3A_43, %dma_wait3A_44] : memref<2x2500x128xi32, #tpu.memory_space<hbm>> -> memref<1x20x128xi32, #tpu.memory_space<hbm>>
        %dma_wait3A_46 = tpu.memref_squeeze %dma_wait3A_45 : memref<1x20x128xi32, #tpu.memory_space<hbm>> -> memref<20x128xi32, #tpu.memory_space<hbm>>
        tpu.wait_dma2 semaphore(%run_scoped3A_20 : memref<!tpu.dma_semaphore, #tpu.memory_space<semaphore_mem>>) src(%dma_wait3A_46 : memref<20x128xi32, #tpu.memory_space<hbm>>) dst(%dma_wait3A_42 : memref<20x128xi32, #tpu.memory_space<vmem>>)
        tpu.yield
      }) : () -> ()
      %run_scoped3A_19 = arith.constant 1 : i32
      "tpu.region"() ({
        %run_scoped3A_20 = tpu.sem_alloc : memref<!tpu.dma_semaphore, #tpu.memory_space<semaphore_mem>>
        %dma_start3A = arith.constant 20 : i32
        %dma_start3A_21 = arith.constant 0 : i32
        %dma_start3A_22 = tpu.memref_slice %arg7[%dma_start3A, %dma_start3A_21] : memref<80x128xi32, #tpu.memory_space<vmem>> -> memref<60x128xi32, #tpu.memory_space<vmem>>
        %dma_start3A_23 = arith.constant 0 : i32
        %dma_start3A_24 = arith.constant 0 : i32
        %dma_start3A_25 = tpu.memref_slice %arg3[%run_scoped3A_19, %dma_start3A_23, %dma_start3A_24] : memref<2x60x128xi32, #tpu.memory_space<hbm>> -> memref<1x60x128xi32, #tpu.memory_space<hbm>>
        %dma_start3A_26 = tpu.memref_squeeze %dma_start3A_25 : memref<1x60x128xi32, #tpu.memory_space<hbm>> -> memref<60x128xi32, #tpu.memory_space<hbm>>
        %dma_start3A_27 = arith.constant 20 : i32
        %dma_start3A_28 = arith.constant 0 : i32
        %dma_start3A_29 = tpu.memref_slice %arg7[%dma_start3A_27, %dma_start3A_28] : memref<80x128xi32, #tpu.memory_space<vmem>> -> memref<60x128xi32, #tpu.memory_space<vmem>>
        %dma_start3A_30 = arith.constant 0 : i32
        %dma_start3A_31 = arith.constant 0 : i32
        %dma_start3A_32 = tpu.memref_slice %arg3[%run_scoped3A_19, %dma_start3A_30, %dma_start3A_31] : memref<2x60x128xi32, #tpu.memory_space<hbm>> -> memref<1x60x128xi32, #tpu.memory_space<hbm>>
        %dma_start3A_33 = tpu.memref_squeeze %dma_start3A_32 : memref<1x60x128xi32, #tpu.memory_space<hbm>> -> memref<60x128xi32, #tpu.memory_space<hbm>>
        tpu.enqueue_dma source(%dma_start3A_33 : memref<60x128xi32, #tpu.memory_space<hbm>>) target(%dma_start3A_29 : memref<60x128xi32, #tpu.memory_space<vmem>>) target_semaphore(%run_scoped3A_20 : memref<!tpu.dma_semaphore, #tpu.memory_space<semaphore_mem>>)
        %dma_wait3A = arith.constant 20 : i32
        %dma_wait3A_34 = arith.constant 0 : i32
        %dma_wait3A_35 = tpu.memref_slice %arg7[%dma_wait3A, %dma_wait3A_34] : memref<80x128xi32, #tpu.memory_space<vmem>> -> memref<60x128xi32, #tpu.memory_space<vmem>>
        %dma_wait3A_36 = arith.constant 0 : i32
        %dma_wait3A_37 = arith.constant 0 : i32
        %dma_wait3A_38 = tpu.memref_slice %arg3[%run_scoped3A_19, %dma_wait3A_36, %dma_wait3A_37] : memref<2x60x128xi32, #tpu.memory_space<hbm>> -> memref<1x60x128xi32, #tpu.memory_space<hbm>>
        %dma_wait3A_39 = tpu.memref_squeeze %dma_wait3A_38 : memref<1x60x128xi32, #tpu.memory_space<hbm>> -> memref<60x128xi32, #tpu.memory_space<hbm>>
        %dma_wait3A_40 = arith.constant 20 : i32
        %dma_wait3A_41 = arith.constant 0 : i32
        %dma_wait3A_42 = tpu.memref_slice %arg7[%dma_wait3A_40, %dma_wait3A_41] : memref<80x128xi32, #tpu.memory_space<vmem>> -> memref<60x128xi32, #tpu.memory_space<vmem>>
        %dma_wait3A_43 = arith.constant 0 : i32
        %dma_wait3A_44 = arith.constant 0 : i32
        %dma_wait3A_45 = tpu.memref_slice %arg3[%run_scoped3A_19, %dma_wait3A_43, %dma_wait3A_44] : memref<2x60x128xi32, #tpu.memory_space<hbm>> -> memref<1x60x128xi32, #tpu.memory_space<hbm>>
        %dma_wait3A_46 = tpu.memref_squeeze %dma_wait3A_45 : memref<1x60x128xi32, #tpu.memory_space<hbm>> -> memref<60x128xi32, #tpu.memory_space<hbm>>
        tpu.wait_dma2 semaphore(%run_scoped3A_20 : memref<!tpu.dma_semaphore, #tpu.memory_space<semaphore_mem>>) src(%dma_wait3A_46 : memref<60x128xi32, #tpu.memory_space<hbm>>) dst(%dma_wait3A_42 : memref<60x128xi32, #tpu.memory_space<vmem>>)
        tpu.yield
      }) : () -> ()
    } else {
    }
    "tpu.region"() ({
      %run_scoped3A = tpu.sem_alloc : memref<!tpu.dma_semaphore, #tpu.memory_space<semaphore_mem>>
      tpu.enqueue_dma source(%arg5 : memref<128x16xf32, #tpu.memory_space<hbm>>) target(%arg8 : memref<128x16xf32, #tpu.memory_space<vmem>>) target_semaphore(%run_scoped3A : memref<!tpu.dma_semaphore, #tpu.memory_space<semaphore_mem>>)
      tpu.wait_dma2 semaphore(%run_scoped3A : memref<!tpu.dma_semaphore, #tpu.memory_space<semaphore_mem>>) src(%arg5 : memref<128x16xf32, #tpu.memory_space<hbm>>) dst(%arg8 : memref<128x16xf32, #tpu.memory_space<vmem>>)
      tpu.yield
    }) : () -> ()
    "tpu.region"() ({
      %run_scoped3A = tpu.sem_alloc : memref<!tpu.dma_semaphore, #tpu.memory_space<semaphore_mem>>
      %dma_start3A = arith.constant 0 : i32
      %dma_start3A_19 = tpu.memref_slice %arg9[%mul3A_2, %dma_start3A] : memref<10240x16xf32, #tpu.memory_space<vmem_shared>> -> memref<640x16xf32, #tpu.memory_space<vmem_shared>>
      %dma_start3A_20 = arith.constant 0 : i32
      %dma_start3A_21 = tpu.memref_slice %arg4[%mul3A_2, %dma_start3A_20] : memref<10240x16xf32, #tpu.memory_space<hbm>> -> memref<640x16xf32, #tpu.memory_space<hbm>>
      tpu.enqueue_dma source(%dma_start3A_21 : memref<640x16xf32, #tpu.memory_space<hbm>>) target(%dma_start3A_19 : memref<640x16xf32, #tpu.memory_space<vmem_shared>>) target_semaphore(%run_scoped3A : memref<!tpu.dma_semaphore, #tpu.memory_space<semaphore_mem>>)
      %dma_wait3A = arith.constant 0 : i32
      %dma_wait3A_22 = tpu.memref_slice %arg9[%mul3A_2, %dma_wait3A] : memref<10240x16xf32, #tpu.memory_space<vmem_shared>> -> memref<640x16xf32, #tpu.memory_space<vmem_shared>>
      %dma_wait3A_23 = arith.constant 0 : i32
      %dma_wait3A_24 = tpu.memref_slice %arg4[%mul3A_2, %dma_wait3A_23] : memref<10240x16xf32, #tpu.memory_space<hbm>> -> memref<640x16xf32, #tpu.memory_space<hbm>>
      tpu.wait_dma2 semaphore(%run_scoped3A : memref<!tpu.dma_semaphore, #tpu.memory_space<semaphore_mem>>) src(%dma_wait3A_24 : memref<640x16xf32, #tpu.memory_space<hbm>>) dst(%dma_wait3A_22 : memref<640x16xf32, #tpu.memory_space<vmem_shared>>)
      tpu.yield
    }) : () -> ()
    %barrier3A = arith.constant 0 : index
    tpu.barrier barrier_id(%barrier3A)
    %scan3A = arith.constant 0 : i32
    %scan3A_9 = arith.constant 80 : i32
    %scan3A_10 = arith.addi %scan3A, %scan3A_9 : i32
    %scan3A_11 = arith.constant 1 : i32
    scf.for %scan3A_19 = %scan3A to %scan3A_10 step %scan3A_11  : i32 {
      %mul3A_20 = arith.constant 1 : i32
      %mul3A_21 = arith.muli %scan3A_19, %mul3A_20 : i32
      %add3A_22 = arith.constant 0 : i32
      %add3A_23 = arith.addi %add3A_22, %mul3A_21 : i32
      %dma_start3A = arith.constant 0 : i32
      %dma_start3A_24 = tpu.memref_slice %arg7[%add3A_23, %dma_start3A] : memref<80x128xi32, #tpu.memory_space<vmem>> -> memref<1x128xi32, #tpu.memory_space<vmem>>
      %dma_start3A_25 = tpu.memref_squeeze %dma_start3A_24 : memref<1x128xi32, #tpu.memory_space<vmem>> -> memref<128xi32, #tpu.memory_space<vmem>>
      %dma_start3A_26 = arith.constant 0 : i32
      %dma_start3A_27 = arith.constant 0 : i32
      %dma_start3A_28 = tpu.memref_slice %arg9[%dma_start3A_26, %dma_start3A_27] : memref<10240x16xf32, #tpu.memory_space<vmem_shared>> -> memref<10240x16xf32, #tpu.memory_space<vmem_shared>>
      tpu.enqueue_indirect_dma source(%arg8 : memref<128x16xf32, #tpu.memory_space<vmem>>) target(%dma_start3A_28 : memref<10240x16xf32, #tpu.memory_space<vmem_shared>>) offsets(%dma_start3A_25 : memref<128xi32, #tpu.memory_space<vmem>>) semaphore(%arg10 : memref<!tpu.dma_semaphore, #tpu.memory_space<semaphore_mem>>) {add = true}
    }
    %scan3A_12 = arith.constant 80 : i32
    %scan3A_13 = arith.constant 0 : i32
    %scan3A_14 = arith.constant 80 : i32
    %scan3A_15 = arith.addi %scan3A_13, %scan3A_14 : i32
    %scan3A_16 = arith.constant 1 : i32
    scf.for %scan3A_19 = %scan3A_13 to %scan3A_15 step %scan3A_16  : i32 {
      %mul3A_20 = arith.constant 1 : i32
      %mul3A_21 = arith.muli %scan3A_19, %mul3A_20 : i32
      %add3A_22 = arith.constant 0 : i32
      %add3A_23 = arith.addi %add3A_22, %mul3A_21 : i32
      %dma_wait3A = arith.constant 0 : i32
      %dma_wait3A_24 = tpu.memref_slice %arg7[%add3A_23, %dma_wait3A] : memref<80x128xi32, #tpu.memory_space<vmem>> -> memref<1x128xi32, #tpu.memory_space<vmem>>
      %dma_wait3A_25 = tpu.memref_squeeze %dma_wait3A_24 : memref<1x128xi32, #tpu.memory_space<vmem>> -> memref<128xi32, #tpu.memory_space<vmem>>
      %dma_wait3A_26 = arith.constant 0 : i32
      %dma_wait3A_27 = arith.constant 0 : i32
      %dma_wait3A_28 = tpu.memref_slice %arg9[%dma_wait3A_26, %dma_wait3A_27] : memref<10240x16xf32, #tpu.memory_space<vmem_shared>> -> memref<10240x16xf32, #tpu.memory_space<vmem_shared>>
      tpu.wait_indirect_dma semaphore(%arg10 : memref<!tpu.dma_semaphore, #tpu.memory_space<semaphore_mem>>) src(%arg8 : memref<128x16xf32, #tpu.memory_space<vmem>>) dst(%dma_wait3A_28 : memref<10240x16xf32, #tpu.memory_space<vmem_shared>>)
    }
    %scan3A_17 = arith.constant 80 : i32
    %barrier3A_18 = arith.constant 0 : index
    tpu.barrier barrier_id(%barrier3A_18)
    "tpu.region"() ({
      %run_scoped3A = tpu.sem_alloc : memref<!tpu.dma_semaphore, #tpu.memory_space<semaphore_mem>>
      %dma_start3A = arith.constant 0 : i32
      %dma_start3A_19 = tpu.memref_slice %arg6[%arg0, %mul3A_2, %dma_start3A] : memref<2x10240x16xf32, #tpu.memory_space<hbm>> -> memref<1x640x16xf32, #tpu.memory_space<hbm>>
      %dma_start3A_20 = tpu.memref_squeeze %dma_start3A_19 : memref<1x640x16xf32, #tpu.memory_space<hbm>> -> memref<640x16xf32, #tpu.memory_space<hbm>>
      %dma_start3A_21 = arith.constant 0 : i32
      %dma_start3A_22 = tpu.memref_slice %arg9[%mul3A_2, %dma_start3A_21] : memref<10240x16xf32, #tpu.memory_space<vmem_shared>> -> memref<640x16xf32, #tpu.memory_space<vmem_shared>>
      tpu.enqueue_dma source(%dma_start3A_22 : memref<640x16xf32, #tpu.memory_space<vmem_shared>>) target(%dma_start3A_20 : memref<640x16xf32, #tpu.memory_space<hbm>>) target_semaphore(%run_scoped3A : memref<!tpu.dma_semaphore, #tpu.memory_space<semaphore_mem>>)
      %dma_wait3A = arith.constant 0 : i32
      %dma_wait3A_23 = tpu.memref_slice %arg6[%arg0, %mul3A_2, %dma_wait3A] : memref<2x10240x16xf32, #tpu.memory_space<hbm>> -> memref<1x640x16xf32, #tpu.memory_space<hbm>>
      %dma_wait3A_24 = tpu.memref_squeeze %dma_wait3A_23 : memref<1x640x16xf32, #tpu.memory_space<hbm>> -> memref<640x16xf32, #tpu.memory_space<hbm>>
      %dma_wait3A_25 = arith.constant 0 : i32
      %dma_wait3A_26 = tpu.memref_slice %arg9[%mul3A_2, %dma_wait3A_25] : memref<10240x16xf32, #tpu.memory_space<vmem_shared>> -> memref<640x16xf32, #tpu.memory_space<vmem_shared>>
      tpu.wait_dma2 semaphore(%run_scoped3A : memref<!tpu.dma_semaphore, #tpu.memory_space<semaphore_mem>>) src(%dma_wait3A_26 : memref<640x16xf32, #tpu.memory_space<vmem_shared>>) dst(%dma_wait3A_24 : memref<640x16xf32, #tpu.memory_space<hbm>>)
      tpu.yield
    }) : () -> ()
    return
  }
}

#map = affine_map<(d0, d1) -> (0, 0)>
#map1 = affine_map<(d0, d1) -> (0, 0, 0)>
module attributes {stable_mosaic.version = 14 : i64} {
  func.func @edge_pass(%arg0: i32, %arg1: i32, %arg2: memref<10240x16xf32, #tpu.memory_space<hbm>>, %arg3: memref<2x2500x128xi32, #tpu.memory_space<hbm>>, %arg4: memref<2x60x128xi32, #tpu.memory_space<hbm>>, %arg5: memref<10240x16xf32, #tpu.memory_space<hbm>>, %arg6: memref<2x10240x16xf32, #tpu.memory_space<hbm>>, %arg7: memref<80x128xi32, #tpu.memory_space<vmem>>, %arg8: memref<80x128xi32, #tpu.memory_space<vmem>>, %arg9: memref<8x128x16xf32, #tpu.memory_space<vmem>>, %arg10: memref<10240x16xf32, #tpu.memory_space<vmem_shared>>, %arg11: memref<8x!tpu.dma_semaphore, #tpu.memory_space<semaphore_mem>>, %arg12: memref<8x!tpu.dma_semaphore, #tpu.memory_space<semaphore_mem>>) attributes {dimension_semantics = [#tpu.dimension_semantics<core_parallel>, #tpu.dimension_semantics<subcore_parallel>], iteration_bounds = array<i64: 2, 16>, scalar_prefetch = 0 : i64, scratch_operands = 6 : i64, tpu.core_type = #tpu.core_type<sc_vector_subcore>, window_params = [{transform_indices = #map}, {transform_indices = #map1}, {transform_indices = #map1}, {transform_indices = #map}, {transform_indices = #map1}]} {
    %mul3A = arith.constant 16 : i32
    %mul3A_0 = arith.muli %arg0, %mul3A : i32
    %add3A = arith.addi %mul3A_0, %arg1 : i32
    %mul3A_1 = arith.constant 640 : i32
    %mul3A_2 = arith.muli %arg1, %mul3A_1 : i32
    %lt3A = arith.constant 31 : i32
    %lt3A_3 = arith.cmpi slt, %add3A, %lt3A : i32
    %convert_element_type3A = arith.extui %lt3A_3 : i1 to i32
    %cond3A = arith.constant 0 : i32
    %cond3A_4 = arith.cmpi ne, %convert_element_type3A, %cond3A : i32
    scf.if %cond3A_4 {
      %mul3A_143 = arith.constant 80 : i32
      %mul3A_144 = arith.muli %add3A, %mul3A_143 : i32
      %run_scoped3A = arith.constant 0 : i32
      "tpu.region"() ({
        %run_scoped3A_145 = tpu.sem_alloc : memref<!tpu.dma_semaphore, #tpu.memory_space<semaphore_mem>>
        %dma_start3A_146 = arith.constant 0 : i32
        %dma_start3A_147 = tpu.memref_slice %arg3[%run_scoped3A, %mul3A_144, %dma_start3A_146] : memref<2x2500x128xi32, #tpu.memory_space<hbm>> -> memref<1x80x128xi32, #tpu.memory_space<hbm>>
        %dma_start3A_148 = tpu.memref_squeeze %dma_start3A_147 : memref<1x80x128xi32, #tpu.memory_space<hbm>> -> memref<80x128xi32, #tpu.memory_space<hbm>>
        %dma_start3A_149 = arith.constant 0 : i32
        %dma_start3A_150 = tpu.memref_slice %arg3[%run_scoped3A, %mul3A_144, %dma_start3A_149] : memref<2x2500x128xi32, #tpu.memory_space<hbm>> -> memref<1x80x128xi32, #tpu.memory_space<hbm>>
        %dma_start3A_151 = tpu.memref_squeeze %dma_start3A_150 : memref<1x80x128xi32, #tpu.memory_space<hbm>> -> memref<80x128xi32, #tpu.memory_space<hbm>>
        tpu.enqueue_dma source(%dma_start3A_151 : memref<80x128xi32, #tpu.memory_space<hbm>>) target(%arg7 : memref<80x128xi32, #tpu.memory_space<vmem>>) target_semaphore(%run_scoped3A_145 : memref<!tpu.dma_semaphore, #tpu.memory_space<semaphore_mem>>)
        %dma_wait3A = arith.constant 0 : i32
        %dma_wait3A_152 = tpu.memref_slice %arg3[%run_scoped3A, %mul3A_144, %dma_wait3A] : memref<2x2500x128xi32, #tpu.memory_space<hbm>> -> memref<1x80x128xi32, #tpu.memory_space<hbm>>
        %dma_wait3A_153 = tpu.memref_squeeze %dma_wait3A_152 : memref<1x80x128xi32, #tpu.memory_space<hbm>> -> memref<80x128xi32, #tpu.memory_space<hbm>>
        %dma_wait3A_154 = arith.constant 0 : i32
        %dma_wait3A_155 = tpu.memref_slice %arg3[%run_scoped3A, %mul3A_144, %dma_wait3A_154] : memref<2x2500x128xi32, #tpu.memory_space<hbm>> -> memref<1x80x128xi32, #tpu.memory_space<hbm>>
        %dma_wait3A_156 = tpu.memref_squeeze %dma_wait3A_155 : memref<1x80x128xi32, #tpu.memory_space<hbm>> -> memref<80x128xi32, #tpu.memory_space<hbm>>
        tpu.wait_dma2 semaphore(%run_scoped3A_145 : memref<!tpu.dma_semaphore, #tpu.memory_space<semaphore_mem>>) src(%dma_wait3A_156 : memref<80x128xi32, #tpu.memory_space<hbm>>) dst(%arg7 : memref<80x128xi32, #tpu.memory_space<vmem>>)
        tpu.yield
      }) : () -> ()
    } else {
    }
    %eq3A = arith.constant 31 : i32
    %eq3A_5 = arith.cmpi eq, %add3A, %eq3A : i32
    %convert_element_type3A_6 = arith.extui %eq3A_5 : i1 to i32
    %cond3A_7 = arith.constant 0 : i32
    %cond3A_8 = arith.cmpi ne, %convert_element_type3A_6, %cond3A_7 : i32
    scf.if %cond3A_8 {
      %run_scoped3A = arith.constant 0 : i32
      "tpu.region"() ({
        %run_scoped3A_144 = tpu.sem_alloc : memref<!tpu.dma_semaphore, #tpu.memory_space<semaphore_mem>>
        %dma_start3A_145 = arith.constant 0 : i32
        %dma_start3A_146 = arith.constant 0 : i32
        %dma_start3A_147 = tpu.memref_slice %arg7[%dma_start3A_145, %dma_start3A_146] : memref<80x128xi32, #tpu.memory_space<vmem>> -> memref<20x128xi32, #tpu.memory_space<vmem>>
        %dma_start3A_148 = arith.constant 2480 : i32
        %dma_start3A_149 = arith.constant 0 : i32
        %dma_start3A_150 = tpu.memref_slice %arg3[%run_scoped3A, %dma_start3A_148, %dma_start3A_149] : memref<2x2500x128xi32, #tpu.memory_space<hbm>> -> memref<1x20x128xi32, #tpu.memory_space<hbm>>
        %dma_start3A_151 = tpu.memref_squeeze %dma_start3A_150 : memref<1x20x128xi32, #tpu.memory_space<hbm>> -> memref<20x128xi32, #tpu.memory_space<hbm>>
        %dma_start3A_152 = arith.constant 0 : i32
        %dma_start3A_153 = arith.constant 0 : i32
        %dma_start3A_154 = tpu.memref_slice %arg7[%dma_start3A_152, %dma_start3A_153] : memref<80x128xi32, #tpu.memory_space<vmem>> -> memref<20x128xi32, #tpu.memory_space<vmem>>
        %dma_start3A_155 = arith.constant 2480 : i32
        %dma_start3A_156 = arith.constant 0 : i32
        %dma_start3A_157 = tpu.memref_slice %arg3[%run_scoped3A, %dma_start3A_155, %dma_start3A_156] : memref<2x2500x128xi32, #tpu.memory_space<hbm>> -> memref<1x20x128xi32, #tpu.memory_space<hbm>>
        %dma_start3A_158 = tpu.memref_squeeze %dma_start3A_157 : memref<1x20x128xi32, #tpu.memory_space<hbm>> -> memref<20x128xi32, #tpu.memory_space<hbm>>
        tpu.enqueue_dma source(%dma_start3A_158 : memref<20x128xi32, #tpu.memory_space<hbm>>) target(%dma_start3A_154 : memref<20x128xi32, #tpu.memory_space<vmem>>) target_semaphore(%run_scoped3A_144 : memref<!tpu.dma_semaphore, #tpu.memory_space<semaphore_mem>>)
        %dma_wait3A = arith.constant 0 : i32
        %dma_wait3A_159 = arith.constant 0 : i32
        %dma_wait3A_160 = tpu.memref_slice %arg7[%dma_wait3A, %dma_wait3A_159] : memref<80x128xi32, #tpu.memory_space<vmem>> -> memref<20x128xi32, #tpu.memory_space<vmem>>
        %dma_wait3A_161 = arith.constant 2480 : i32
        %dma_wait3A_162 = arith.constant 0 : i32
        %dma_wait3A_163 = tpu.memref_slice %arg3[%run_scoped3A, %dma_wait3A_161, %dma_wait3A_162] : memref<2x2500x128xi32, #tpu.memory_space<hbm>> -> memref<1x20x128xi32, #tpu.memory_space<hbm>>
        %dma_wait3A_164 = tpu.memref_squeeze %dma_wait3A_163 : memref<1x20x128xi32, #tpu.memory_space<hbm>> -> memref<20x128xi32, #tpu.memory_space<hbm>>
        %dma_wait3A_165 = arith.constant 0 : i32
        %dma_wait3A_166 = arith.constant 0 : i32
        %dma_wait3A_167 = tpu.memref_slice %arg7[%dma_wait3A_165, %dma_wait3A_166] : memref<80x128xi32, #tpu.memory_space<vmem>> -> memref<20x128xi32, #tpu.memory_space<vmem>>
        %dma_wait3A_168 = arith.constant 2480 : i32
        %dma_wait3A_169 = arith.constant 0 : i32
        %dma_wait3A_170 = tpu.memref_slice %arg3[%run_scoped3A, %dma_wait3A_168, %dma_wait3A_169] : memref<2x2500x128xi32, #tpu.memory_space<hbm>> -> memref<1x20x128xi32, #tpu.memory_space<hbm>>
        %dma_wait3A_171 = tpu.memref_squeeze %dma_wait3A_170 : memref<1x20x128xi32, #tpu.memory_space<hbm>> -> memref<20x128xi32, #tpu.memory_space<hbm>>
        tpu.wait_dma2 semaphore(%run_scoped3A_144 : memref<!tpu.dma_semaphore, #tpu.memory_space<semaphore_mem>>) src(%dma_wait3A_171 : memref<20x128xi32, #tpu.memory_space<hbm>>) dst(%dma_wait3A_167 : memref<20x128xi32, #tpu.memory_space<vmem>>)
        tpu.yield
      }) : () -> ()
      %run_scoped3A_143 = arith.constant 0 : i32
      "tpu.region"() ({
        %run_scoped3A_144 = tpu.sem_alloc : memref<!tpu.dma_semaphore, #tpu.memory_space<semaphore_mem>>
        %dma_start3A_145 = arith.constant 20 : i32
        %dma_start3A_146 = arith.constant 0 : i32
        %dma_start3A_147 = tpu.memref_slice %arg7[%dma_start3A_145, %dma_start3A_146] : memref<80x128xi32, #tpu.memory_space<vmem>> -> memref<60x128xi32, #tpu.memory_space<vmem>>
        %dma_start3A_148 = arith.constant 0 : i32
        %dma_start3A_149 = arith.constant 0 : i32
        %dma_start3A_150 = tpu.memref_slice %arg4[%run_scoped3A_143, %dma_start3A_148, %dma_start3A_149] : memref<2x60x128xi32, #tpu.memory_space<hbm>> -> memref<1x60x128xi32, #tpu.memory_space<hbm>>
        %dma_start3A_151 = tpu.memref_squeeze %dma_start3A_150 : memref<1x60x128xi32, #tpu.memory_space<hbm>> -> memref<60x128xi32, #tpu.memory_space<hbm>>
        %dma_start3A_152 = arith.constant 20 : i32
        %dma_start3A_153 = arith.constant 0 : i32
        %dma_start3A_154 = tpu.memref_slice %arg7[%dma_start3A_152, %dma_start3A_153] : memref<80x128xi32, #tpu.memory_space<vmem>> -> memref<60x128xi32, #tpu.memory_space<vmem>>
        %dma_start3A_155 = arith.constant 0 : i32
        %dma_start3A_156 = arith.constant 0 : i32
        %dma_start3A_157 = tpu.memref_slice %arg4[%run_scoped3A_143, %dma_start3A_155, %dma_start3A_156] : memref<2x60x128xi32, #tpu.memory_space<hbm>> -> memref<1x60x128xi32, #tpu.memory_space<hbm>>
        %dma_start3A_158 = tpu.memref_squeeze %dma_start3A_157 : memref<1x60x128xi32, #tpu.memory_space<hbm>> -> memref<60x128xi32, #tpu.memory_space<hbm>>
        tpu.enqueue_dma source(%dma_start3A_158 : memref<60x128xi32, #tpu.memory_space<hbm>>) target(%dma_start3A_154 : memref<60x128xi32, #tpu.memory_space<vmem>>) target_semaphore(%run_scoped3A_144 : memref<!tpu.dma_semaphore, #tpu.memory_space<semaphore_mem>>)
        %dma_wait3A = arith.constant 20 : i32
        %dma_wait3A_159 = arith.constant 0 : i32
        %dma_wait3A_160 = tpu.memref_slice %arg7[%dma_wait3A, %dma_wait3A_159] : memref<80x128xi32, #tpu.memory_space<vmem>> -> memref<60x128xi32, #tpu.memory_space<vmem>>
        %dma_wait3A_161 = arith.constant 0 : i32
        %dma_wait3A_162 = arith.constant 0 : i32
        %dma_wait3A_163 = tpu.memref_slice %arg4[%run_scoped3A_143, %dma_wait3A_161, %dma_wait3A_162] : memref<2x60x128xi32, #tpu.memory_space<hbm>> -> memref<1x60x128xi32, #tpu.memory_space<hbm>>
        %dma_wait3A_164 = tpu.memref_squeeze %dma_wait3A_163 : memref<1x60x128xi32, #tpu.memory_space<hbm>> -> memref<60x128xi32, #tpu.memory_space<hbm>>
        %dma_wait3A_165 = arith.constant 20 : i32
        %dma_wait3A_166 = arith.constant 0 : i32
        %dma_wait3A_167 = tpu.memref_slice %arg7[%dma_wait3A_165, %dma_wait3A_166] : memref<80x128xi32, #tpu.memory_space<vmem>> -> memref<60x128xi32, #tpu.memory_space<vmem>>
        %dma_wait3A_168 = arith.constant 0 : i32
        %dma_wait3A_169 = arith.constant 0 : i32
        %dma_wait3A_170 = tpu.memref_slice %arg4[%run_scoped3A_143, %dma_wait3A_168, %dma_wait3A_169] : memref<2x60x128xi32, #tpu.memory_space<hbm>> -> memref<1x60x128xi32, #tpu.memory_space<hbm>>
        %dma_wait3A_171 = tpu.memref_squeeze %dma_wait3A_170 : memref<1x60x128xi32, #tpu.memory_space<hbm>> -> memref<60x128xi32, #tpu.memory_space<hbm>>
        tpu.wait_dma2 semaphore(%run_scoped3A_144 : memref<!tpu.dma_semaphore, #tpu.memory_space<semaphore_mem>>) src(%dma_wait3A_171 : memref<60x128xi32, #tpu.memory_space<hbm>>) dst(%dma_wait3A_167 : memref<60x128xi32, #tpu.memory_space<vmem>>)
        tpu.yield
      }) : () -> ()
    } else {
    }
    %lt3A_9 = arith.constant 31 : i32
    %lt3A_10 = arith.cmpi slt, %add3A, %lt3A_9 : i32
    %convert_element_type3A_11 = arith.extui %lt3A_10 : i1 to i32
    %cond3A_12 = arith.constant 0 : i32
    %cond3A_13 = arith.cmpi ne, %convert_element_type3A_11, %cond3A_12 : i32
    scf.if %cond3A_13 {
      %mul3A_143 = arith.constant 80 : i32
      %mul3A_144 = arith.muli %add3A, %mul3A_143 : i32
      %run_scoped3A = arith.constant 1 : i32
      "tpu.region"() ({
        %run_scoped3A_145 = tpu.sem_alloc : memref<!tpu.dma_semaphore, #tpu.memory_space<semaphore_mem>>
        %dma_start3A_146 = arith.constant 0 : i32
        %dma_start3A_147 = tpu.memref_slice %arg3[%run_scoped3A, %mul3A_144, %dma_start3A_146] : memref<2x2500x128xi32, #tpu.memory_space<hbm>> -> memref<1x80x128xi32, #tpu.memory_space<hbm>>
        %dma_start3A_148 = tpu.memref_squeeze %dma_start3A_147 : memref<1x80x128xi32, #tpu.memory_space<hbm>> -> memref<80x128xi32, #tpu.memory_space<hbm>>
        %dma_start3A_149 = arith.constant 0 : i32
        %dma_start3A_150 = tpu.memref_slice %arg3[%run_scoped3A, %mul3A_144, %dma_start3A_149] : memref<2x2500x128xi32, #tpu.memory_space<hbm>> -> memref<1x80x128xi32, #tpu.memory_space<hbm>>
        %dma_start3A_151 = tpu.memref_squeeze %dma_start3A_150 : memref<1x80x128xi32, #tpu.memory_space<hbm>> -> memref<80x128xi32, #tpu.memory_space<hbm>>
        tpu.enqueue_dma source(%dma_start3A_151 : memref<80x128xi32, #tpu.memory_space<hbm>>) target(%arg8 : memref<80x128xi32, #tpu.memory_space<vmem>>) target_semaphore(%run_scoped3A_145 : memref<!tpu.dma_semaphore, #tpu.memory_space<semaphore_mem>>)
        %dma_wait3A = arith.constant 0 : i32
        %dma_wait3A_152 = tpu.memref_slice %arg3[%run_scoped3A, %mul3A_144, %dma_wait3A] : memref<2x2500x128xi32, #tpu.memory_space<hbm>> -> memref<1x80x128xi32, #tpu.memory_space<hbm>>
        %dma_wait3A_153 = tpu.memref_squeeze %dma_wait3A_152 : memref<1x80x128xi32, #tpu.memory_space<hbm>> -> memref<80x128xi32, #tpu.memory_space<hbm>>
        %dma_wait3A_154 = arith.constant 0 : i32
        %dma_wait3A_155 = tpu.memref_slice %arg3[%run_scoped3A, %mul3A_144, %dma_wait3A_154] : memref<2x2500x128xi32, #tpu.memory_space<hbm>> -> memref<1x80x128xi32, #tpu.memory_space<hbm>>
        %dma_wait3A_156 = tpu.memref_squeeze %dma_wait3A_155 : memref<1x80x128xi32, #tpu.memory_space<hbm>> -> memref<80x128xi32, #tpu.memory_space<hbm>>
        tpu.wait_dma2 semaphore(%run_scoped3A_145 : memref<!tpu.dma_semaphore, #tpu.memory_space<semaphore_mem>>) src(%dma_wait3A_156 : memref<80x128xi32, #tpu.memory_space<hbm>>) dst(%arg8 : memref<80x128xi32, #tpu.memory_space<vmem>>)
        tpu.yield
      }) : () -> ()
    } else {
    }
    %eq3A_14 = arith.constant 31 : i32
    %eq3A_15 = arith.cmpi eq, %add3A, %eq3A_14 : i32
    %convert_element_type3A_16 = arith.extui %eq3A_15 : i1 to i32
    %cond3A_17 = arith.constant 0 : i32
    %cond3A_18 = arith.cmpi ne, %convert_element_type3A_16, %cond3A_17 : i32
    scf.if %cond3A_18 {
      %run_scoped3A = arith.constant 1 : i32
      "tpu.region"() ({
        %run_scoped3A_144 = tpu.sem_alloc : memref<!tpu.dma_semaphore, #tpu.memory_space<semaphore_mem>>
        %dma_start3A_145 = arith.constant 0 : i32
        %dma_start3A_146 = arith.constant 0 : i32
        %dma_start3A_147 = tpu.memref_slice %arg8[%dma_start3A_145, %dma_start3A_146] : memref<80x128xi32, #tpu.memory_space<vmem>> -> memref<20x128xi32, #tpu.memory_space<vmem>>
        %dma_start3A_148 = arith.constant 2480 : i32
        %dma_start3A_149 = arith.constant 0 : i32
        %dma_start3A_150 = tpu.memref_slice %arg3[%run_scoped3A, %dma_start3A_148, %dma_start3A_149] : memref<2x2500x128xi32, #tpu.memory_space<hbm>> -> memref<1x20x128xi32, #tpu.memory_space<hbm>>
        %dma_start3A_151 = tpu.memref_squeeze %dma_start3A_150 : memref<1x20x128xi32, #tpu.memory_space<hbm>> -> memref<20x128xi32, #tpu.memory_space<hbm>>
        %dma_start3A_152 = arith.constant 0 : i32
        %dma_start3A_153 = arith.constant 0 : i32
        %dma_start3A_154 = tpu.memref_slice %arg8[%dma_start3A_152, %dma_start3A_153] : memref<80x128xi32, #tpu.memory_space<vmem>> -> memref<20x128xi32, #tpu.memory_space<vmem>>
        %dma_start3A_155 = arith.constant 2480 : i32
        %dma_start3A_156 = arith.constant 0 : i32
        %dma_start3A_157 = tpu.memref_slice %arg3[%run_scoped3A, %dma_start3A_155, %dma_start3A_156] : memref<2x2500x128xi32, #tpu.memory_space<hbm>> -> memref<1x20x128xi32, #tpu.memory_space<hbm>>
        %dma_start3A_158 = tpu.memref_squeeze %dma_start3A_157 : memref<1x20x128xi32, #tpu.memory_space<hbm>> -> memref<20x128xi32, #tpu.memory_space<hbm>>
        tpu.enqueue_dma source(%dma_start3A_158 : memref<20x128xi32, #tpu.memory_space<hbm>>) target(%dma_start3A_154 : memref<20x128xi32, #tpu.memory_space<vmem>>) target_semaphore(%run_scoped3A_144 : memref<!tpu.dma_semaphore, #tpu.memory_space<semaphore_mem>>)
        %dma_wait3A = arith.constant 0 : i32
        %dma_wait3A_159 = arith.constant 0 : i32
        %dma_wait3A_160 = tpu.memref_slice %arg8[%dma_wait3A, %dma_wait3A_159] : memref<80x128xi32, #tpu.memory_space<vmem>> -> memref<20x128xi32, #tpu.memory_space<vmem>>
        %dma_wait3A_161 = arith.constant 2480 : i32
        %dma_wait3A_162 = arith.constant 0 : i32
        %dma_wait3A_163 = tpu.memref_slice %arg3[%run_scoped3A, %dma_wait3A_161, %dma_wait3A_162] : memref<2x2500x128xi32, #tpu.memory_space<hbm>> -> memref<1x20x128xi32, #tpu.memory_space<hbm>>
        %dma_wait3A_164 = tpu.memref_squeeze %dma_wait3A_163 : memref<1x20x128xi32, #tpu.memory_space<hbm>> -> memref<20x128xi32, #tpu.memory_space<hbm>>
        %dma_wait3A_165 = arith.constant 0 : i32
        %dma_wait3A_166 = arith.constant 0 : i32
        %dma_wait3A_167 = tpu.memref_slice %arg8[%dma_wait3A_165, %dma_wait3A_166] : memref<80x128xi32, #tpu.memory_space<vmem>> -> memref<20x128xi32, #tpu.memory_space<vmem>>
        %dma_wait3A_168 = arith.constant 2480 : i32
        %dma_wait3A_169 = arith.constant 0 : i32
        %dma_wait3A_170 = tpu.memref_slice %arg3[%run_scoped3A, %dma_wait3A_168, %dma_wait3A_169] : memref<2x2500x128xi32, #tpu.memory_space<hbm>> -> memref<1x20x128xi32, #tpu.memory_space<hbm>>
        %dma_wait3A_171 = tpu.memref_squeeze %dma_wait3A_170 : memref<1x20x128xi32, #tpu.memory_space<hbm>> -> memref<20x128xi32, #tpu.memory_space<hbm>>
        tpu.wait_dma2 semaphore(%run_scoped3A_144 : memref<!tpu.dma_semaphore, #tpu.memory_space<semaphore_mem>>) src(%dma_wait3A_171 : memref<20x128xi32, #tpu.memory_space<hbm>>) dst(%dma_wait3A_167 : memref<20x128xi32, #tpu.memory_space<vmem>>)
        tpu.yield
      }) : () -> ()
      %run_scoped3A_143 = arith.constant 1 : i32
      "tpu.region"() ({
        %run_scoped3A_144 = tpu.sem_alloc : memref<!tpu.dma_semaphore, #tpu.memory_space<semaphore_mem>>
        %dma_start3A_145 = arith.constant 20 : i32
        %dma_start3A_146 = arith.constant 0 : i32
        %dma_start3A_147 = tpu.memref_slice %arg8[%dma_start3A_145, %dma_start3A_146] : memref<80x128xi32, #tpu.memory_space<vmem>> -> memref<60x128xi32, #tpu.memory_space<vmem>>
        %dma_start3A_148 = arith.constant 0 : i32
        %dma_start3A_149 = arith.constant 0 : i32
        %dma_start3A_150 = tpu.memref_slice %arg4[%run_scoped3A_143, %dma_start3A_148, %dma_start3A_149] : memref<2x60x128xi32, #tpu.memory_space<hbm>> -> memref<1x60x128xi32, #tpu.memory_space<hbm>>
        %dma_start3A_151 = tpu.memref_squeeze %dma_start3A_150 : memref<1x60x128xi32, #tpu.memory_space<hbm>> -> memref<60x128xi32, #tpu.memory_space<hbm>>
        %dma_start3A_152 = arith.constant 20 : i32
        %dma_start3A_153 = arith.constant 0 : i32
        %dma_start3A_154 = tpu.memref_slice %arg8[%dma_start3A_152, %dma_start3A_153] : memref<80x128xi32, #tpu.memory_space<vmem>> -> memref<60x128xi32, #tpu.memory_space<vmem>>
        %dma_start3A_155 = arith.constant 0 : i32
        %dma_start3A_156 = arith.constant 0 : i32
        %dma_start3A_157 = tpu.memref_slice %arg4[%run_scoped3A_143, %dma_start3A_155, %dma_start3A_156] : memref<2x60x128xi32, #tpu.memory_space<hbm>> -> memref<1x60x128xi32, #tpu.memory_space<hbm>>
        %dma_start3A_158 = tpu.memref_squeeze %dma_start3A_157 : memref<1x60x128xi32, #tpu.memory_space<hbm>> -> memref<60x128xi32, #tpu.memory_space<hbm>>
        tpu.enqueue_dma source(%dma_start3A_158 : memref<60x128xi32, #tpu.memory_space<hbm>>) target(%dma_start3A_154 : memref<60x128xi32, #tpu.memory_space<vmem>>) target_semaphore(%run_scoped3A_144 : memref<!tpu.dma_semaphore, #tpu.memory_space<semaphore_mem>>)
        %dma_wait3A = arith.constant 20 : i32
        %dma_wait3A_159 = arith.constant 0 : i32
        %dma_wait3A_160 = tpu.memref_slice %arg8[%dma_wait3A, %dma_wait3A_159] : memref<80x128xi32, #tpu.memory_space<vmem>> -> memref<60x128xi32, #tpu.memory_space<vmem>>
        %dma_wait3A_161 = arith.constant 0 : i32
        %dma_wait3A_162 = arith.constant 0 : i32
        %dma_wait3A_163 = tpu.memref_slice %arg4[%run_scoped3A_143, %dma_wait3A_161, %dma_wait3A_162] : memref<2x60x128xi32, #tpu.memory_space<hbm>> -> memref<1x60x128xi32, #tpu.memory_space<hbm>>
        %dma_wait3A_164 = tpu.memref_squeeze %dma_wait3A_163 : memref<1x60x128xi32, #tpu.memory_space<hbm>> -> memref<60x128xi32, #tpu.memory_space<hbm>>
        %dma_wait3A_165 = arith.constant 20 : i32
        %dma_wait3A_166 = arith.constant 0 : i32
        %dma_wait3A_167 = tpu.memref_slice %arg8[%dma_wait3A_165, %dma_wait3A_166] : memref<80x128xi32, #tpu.memory_space<vmem>> -> memref<60x128xi32, #tpu.memory_space<vmem>>
        %dma_wait3A_168 = arith.constant 0 : i32
        %dma_wait3A_169 = arith.constant 0 : i32
        %dma_wait3A_170 = tpu.memref_slice %arg4[%run_scoped3A_143, %dma_wait3A_168, %dma_wait3A_169] : memref<2x60x128xi32, #tpu.memory_space<hbm>> -> memref<1x60x128xi32, #tpu.memory_space<hbm>>
        %dma_wait3A_171 = tpu.memref_squeeze %dma_wait3A_170 : memref<1x60x128xi32, #tpu.memory_space<hbm>> -> memref<60x128xi32, #tpu.memory_space<hbm>>
        tpu.wait_dma2 semaphore(%run_scoped3A_144 : memref<!tpu.dma_semaphore, #tpu.memory_space<semaphore_mem>>) src(%dma_wait3A_171 : memref<60x128xi32, #tpu.memory_space<hbm>>) dst(%dma_wait3A_167 : memref<60x128xi32, #tpu.memory_space<vmem>>)
        tpu.yield
      }) : () -> ()
    } else {
    }
    "tpu.region"() ({
      %run_scoped3A = tpu.sem_alloc : memref<!tpu.dma_semaphore, #tpu.memory_space<semaphore_mem>>
      %dma_start3A_143 = arith.constant 0 : i32
      %dma_start3A_144 = tpu.memref_slice %arg10[%mul3A_2, %dma_start3A_143] : memref<10240x16xf32, #tpu.memory_space<vmem_shared>> -> memref<640x16xf32, #tpu.memory_space<vmem_shared>>
      %dma_start3A_145 = arith.constant 0 : i32
      %dma_start3A_146 = tpu.memref_slice %arg5[%mul3A_2, %dma_start3A_145] : memref<10240x16xf32, #tpu.memory_space<hbm>> -> memref<640x16xf32, #tpu.memory_space<hbm>>
      tpu.enqueue_dma source(%dma_start3A_146 : memref<640x16xf32, #tpu.memory_space<hbm>>) target(%dma_start3A_144 : memref<640x16xf32, #tpu.memory_space<vmem_shared>>) target_semaphore(%run_scoped3A : memref<!tpu.dma_semaphore, #tpu.memory_space<semaphore_mem>>)
      %dma_wait3A = arith.constant 0 : i32
      %dma_wait3A_147 = tpu.memref_slice %arg10[%mul3A_2, %dma_wait3A] : memref<10240x16xf32, #tpu.memory_space<vmem_shared>> -> memref<640x16xf32, #tpu.memory_space<vmem_shared>>
      %dma_wait3A_148 = arith.constant 0 : i32
      %dma_wait3A_149 = tpu.memref_slice %arg5[%mul3A_2, %dma_wait3A_148] : memref<10240x16xf32, #tpu.memory_space<hbm>> -> memref<640x16xf32, #tpu.memory_space<hbm>>
      tpu.wait_dma2 semaphore(%run_scoped3A : memref<!tpu.dma_semaphore, #tpu.memory_space<semaphore_mem>>) src(%dma_wait3A_149 : memref<640x16xf32, #tpu.memory_space<hbm>>) dst(%dma_wait3A_147 : memref<640x16xf32, #tpu.memory_space<vmem_shared>>)
      tpu.yield
    }) : () -> ()
    %barrier3A = arith.constant 0 : index
    tpu.barrier barrier_id(%barrier3A)
    %dma_start3A = arith.constant 0 : i32
    %dma_start3A_19 = arith.constant 0 : i32
    %dma_start3A_20 = arith.constant 0 : i32
    %dma_start3A_21 = arith.constant 0 : i32
    %dma_start3A_22 = arith.constant 0 : i32
    %dma_start3A_23 = tpu.memref_slice %arg9[%dma_start3A_19, %dma_start3A_21, %dma_start3A_22] : memref<8x128x16xf32, #tpu.memory_space<vmem>> -> memref<1x128x16xf32, #tpu.memory_space<vmem>>
    %dma_start3A_24 = tpu.memref_squeeze %dma_start3A_23 : memref<1x128x16xf32, #tpu.memory_space<vmem>> -> memref<128x16xf32, #tpu.memory_space<vmem>>
    %dma_start3A_25 = arith.constant 0 : i32
    %dma_start3A_26 = tpu.memref_slice %arg7[%dma_start3A, %dma_start3A_25] : memref<80x128xi32, #tpu.memory_space<vmem>> -> memref<1x128xi32, #tpu.memory_space<vmem>>
    %dma_start3A_27 = tpu.memref_squeeze %dma_start3A_26 : memref<1x128xi32, #tpu.memory_space<vmem>> -> memref<128xi32, #tpu.memory_space<vmem>>
    %dma_start3A_28 = arith.constant 0 : i32
    %dma_start3A_29 = arith.constant 0 : i32
    %dma_start3A_30 = tpu.memref_slice %arg2[%dma_start3A_28, %dma_start3A_29] : memref<10240x16xf32, #tpu.memory_space<hbm>> -> memref<10240x16xf32, #tpu.memory_space<hbm>>
    %dma_start3A_31 = tpu.memref_slice %arg11[%dma_start3A_20] : memref<8x!tpu.dma_semaphore, #tpu.memory_space<semaphore_mem>> -> memref<1x!tpu.dma_semaphore, #tpu.memory_space<semaphore_mem>>
    %dma_start3A_32 = tpu.memref_squeeze %dma_start3A_31 : memref<1x!tpu.dma_semaphore, #tpu.memory_space<semaphore_mem>> -> memref<!tpu.dma_semaphore, #tpu.memory_space<semaphore_mem>>
    tpu.enqueue_indirect_dma source(%dma_start3A_30 : memref<10240x16xf32, #tpu.memory_space<hbm>>) target(%dma_start3A_24 : memref<128x16xf32, #tpu.memory_space<vmem>>) offsets(%dma_start3A_27 : memref<128xi32, #tpu.memory_space<vmem>>) semaphore(%dma_start3A_32 : memref<!tpu.dma_semaphore, #tpu.memory_space<semaphore_mem>>)
    %dma_start3A_33 = arith.constant 1 : i32
    %dma_start3A_34 = arith.constant 1 : i32
    %dma_start3A_35 = arith.constant 1 : i32
    %dma_start3A_36 = arith.constant 0 : i32
    %dma_start3A_37 = arith.constant 0 : i32
    %dma_start3A_38 = tpu.memref_slice %arg9[%dma_start3A_34, %dma_start3A_36, %dma_start3A_37] : memref<8x128x16xf32, #tpu.memory_space<vmem>> -> memref<1x128x16xf32, #tpu.memory_space<vmem>>
    %dma_start3A_39 = tpu.memref_squeeze %dma_start3A_38 : memref<1x128x16xf32, #tpu.memory_space<vmem>> -> memref<128x16xf32, #tpu.memory_space<vmem>>
    %dma_start3A_40 = arith.constant 0 : i32
    %dma_start3A_41 = tpu.memref_slice %arg7[%dma_start3A_33, %dma_start3A_40] : memref<80x128xi32, #tpu.memory_space<vmem>> -> memref<1x128xi32, #tpu.memory_space<vmem>>
    %dma_start3A_42 = tpu.memref_squeeze %dma_start3A_41 : memref<1x128xi32, #tpu.memory_space<vmem>> -> memref<128xi32, #tpu.memory_space<vmem>>
    %dma_start3A_43 = arith.constant 0 : i32
    %dma_start3A_44 = arith.constant 0 : i32
    %dma_start3A_45 = tpu.memref_slice %arg2[%dma_start3A_43, %dma_start3A_44] : memref<10240x16xf32, #tpu.memory_space<hbm>> -> memref<10240x16xf32, #tpu.memory_space<hbm>>
    %dma_start3A_46 = tpu.memref_slice %arg11[%dma_start3A_35] : memref<8x!tpu.dma_semaphore, #tpu.memory_space<semaphore_mem>> -> memref<1x!tpu.dma_semaphore, #tpu.memory_space<semaphore_mem>>
    %dma_start3A_47 = tpu.memref_squeeze %dma_start3A_46 : memref<1x!tpu.dma_semaphore, #tpu.memory_space<semaphore_mem>> -> memref<!tpu.dma_semaphore, #tpu.memory_space<semaphore_mem>>
    tpu.enqueue_indirect_dma source(%dma_start3A_45 : memref<10240x16xf32, #tpu.memory_space<hbm>>) target(%dma_start3A_39 : memref<128x16xf32, #tpu.memory_space<vmem>>) offsets(%dma_start3A_42 : memref<128xi32, #tpu.memory_space<vmem>>) semaphore(%dma_start3A_47 : memref<!tpu.dma_semaphore, #tpu.memory_space<semaphore_mem>>)
    %dma_start3A_48 = arith.constant 2 : i32
    %dma_start3A_49 = arith.constant 2 : i32
    %dma_start3A_50 = arith.constant 2 : i32
    %dma_start3A_51 = arith.constant 0 : i32
    %dma_start3A_52 = arith.constant 0 : i32
    %dma_start3A_53 = tpu.memref_slice %arg9[%dma_start3A_49, %dma_start3A_51, %dma_start3A_52] : memref<8x128x16xf32, #tpu.memory_space<vmem>> -> memref<1x128x16xf32, #tpu.memory_space<vmem>>
    %dma_start3A_54 = tpu.memref_squeeze %dma_start3A_53 : memref<1x128x16xf32, #tpu.memory_space<vmem>> -> memref<128x16xf32, #tpu.memory_space<vmem>>
    %dma_start3A_55 = arith.constant 0 : i32
    %dma_start3A_56 = tpu.memref_slice %arg7[%dma_start3A_48, %dma_start3A_55] : memref<80x128xi32, #tpu.memory_space<vmem>> -> memref<1x128xi32, #tpu.memory_space<vmem>>
    %dma_start3A_57 = tpu.memref_squeeze %dma_start3A_56 : memref<1x128xi32, #tpu.memory_space<vmem>> -> memref<128xi32, #tpu.memory_space<vmem>>
    %dma_start3A_58 = arith.constant 0 : i32
    %dma_start3A_59 = arith.constant 0 : i32
    %dma_start3A_60 = tpu.memref_slice %arg2[%dma_start3A_58, %dma_start3A_59] : memref<10240x16xf32, #tpu.memory_space<hbm>> -> memref<10240x16xf32, #tpu.memory_space<hbm>>
    %dma_start3A_61 = tpu.memref_slice %arg11[%dma_start3A_50] : memref<8x!tpu.dma_semaphore, #tpu.memory_space<semaphore_mem>> -> memref<1x!tpu.dma_semaphore, #tpu.memory_space<semaphore_mem>>
    %dma_start3A_62 = tpu.memref_squeeze %dma_start3A_61 : memref<1x!tpu.dma_semaphore, #tpu.memory_space<semaphore_mem>> -> memref<!tpu.dma_semaphore, #tpu.memory_space<semaphore_mem>>
    tpu.enqueue_indirect_dma source(%dma_start3A_60 : memref<10240x16xf32, #tpu.memory_space<hbm>>) target(%dma_start3A_54 : memref<128x16xf32, #tpu.memory_space<vmem>>) offsets(%dma_start3A_57 : memref<128xi32, #tpu.memory_space<vmem>>) semaphore(%dma_start3A_62 : memref<!tpu.dma_semaphore, #tpu.memory_space<semaphore_mem>>)
    %dma_start3A_63 = arith.constant 3 : i32
    %dma_start3A_64 = arith.constant 3 : i32
    %dma_start3A_65 = arith.constant 3 : i32
    %dma_start3A_66 = arith.constant 0 : i32
    %dma_start3A_67 = arith.constant 0 : i32
    %dma_start3A_68 = tpu.memref_slice %arg9[%dma_start3A_64, %dma_start3A_66, %dma_start3A_67] : memref<8x128x16xf32, #tpu.memory_space<vmem>> -> memref<1x128x16xf32, #tpu.memory_space<vmem>>
    %dma_start3A_69 = tpu.memref_squeeze %dma_start3A_68 : memref<1x128x16xf32, #tpu.memory_space<vmem>> -> memref<128x16xf32, #tpu.memory_space<vmem>>
    %dma_start3A_70 = arith.constant 0 : i32
    %dma_start3A_71 = tpu.memref_slice %arg7[%dma_start3A_63, %dma_start3A_70] : memref<80x128xi32, #tpu.memory_space<vmem>> -> memref<1x128xi32, #tpu.memory_space<vmem>>
    %dma_start3A_72 = tpu.memref_squeeze %dma_start3A_71 : memref<1x128xi32, #tpu.memory_space<vmem>> -> memref<128xi32, #tpu.memory_space<vmem>>
    %dma_start3A_73 = arith.constant 0 : i32
    %dma_start3A_74 = arith.constant 0 : i32
    %dma_start3A_75 = tpu.memref_slice %arg2[%dma_start3A_73, %dma_start3A_74] : memref<10240x16xf32, #tpu.memory_space<hbm>> -> memref<10240x16xf32, #tpu.memory_space<hbm>>
    %dma_start3A_76 = tpu.memref_slice %arg11[%dma_start3A_65] : memref<8x!tpu.dma_semaphore, #tpu.memory_space<semaphore_mem>> -> memref<1x!tpu.dma_semaphore, #tpu.memory_space<semaphore_mem>>
    %dma_start3A_77 = tpu.memref_squeeze %dma_start3A_76 : memref<1x!tpu.dma_semaphore, #tpu.memory_space<semaphore_mem>> -> memref<!tpu.dma_semaphore, #tpu.memory_space<semaphore_mem>>
    tpu.enqueue_indirect_dma source(%dma_start3A_75 : memref<10240x16xf32, #tpu.memory_space<hbm>>) target(%dma_start3A_69 : memref<128x16xf32, #tpu.memory_space<vmem>>) offsets(%dma_start3A_72 : memref<128xi32, #tpu.memory_space<vmem>>) semaphore(%dma_start3A_77 : memref<!tpu.dma_semaphore, #tpu.memory_space<semaphore_mem>>)
    %dma_start3A_78 = arith.constant 4 : i32
    %dma_start3A_79 = arith.constant 4 : i32
    %dma_start3A_80 = arith.constant 4 : i32
    %dma_start3A_81 = arith.constant 0 : i32
    %dma_start3A_82 = arith.constant 0 : i32
    %dma_start3A_83 = tpu.memref_slice %arg9[%dma_start3A_79, %dma_start3A_81, %dma_start3A_82] : memref<8x128x16xf32, #tpu.memory_space<vmem>> -> memref<1x128x16xf32, #tpu.memory_space<vmem>>
    %dma_start3A_84 = tpu.memref_squeeze %dma_start3A_83 : memref<1x128x16xf32, #tpu.memory_space<vmem>> -> memref<128x16xf32, #tpu.memory_space<vmem>>
    %dma_start3A_85 = arith.constant 0 : i32
    %dma_start3A_86 = tpu.memref_slice %arg7[%dma_start3A_78, %dma_start3A_85] : memref<80x128xi32, #tpu.memory_space<vmem>> -> memref<1x128xi32, #tpu.memory_space<vmem>>
    %dma_start3A_87 = tpu.memref_squeeze %dma_start3A_86 : memref<1x128xi32, #tpu.memory_space<vmem>> -> memref<128xi32, #tpu.memory_space<vmem>>
    %dma_start3A_88 = arith.constant 0 : i32
    %dma_start3A_89 = arith.constant 0 : i32
    %dma_start3A_90 = tpu.memref_slice %arg2[%dma_start3A_88, %dma_start3A_89] : memref<10240x16xf32, #tpu.memory_space<hbm>> -> memref<10240x16xf32, #tpu.memory_space<hbm>>
    %dma_start3A_91 = tpu.memref_slice %arg11[%dma_start3A_80] : memref<8x!tpu.dma_semaphore, #tpu.memory_space<semaphore_mem>> -> memref<1x!tpu.dma_semaphore, #tpu.memory_space<semaphore_mem>>
    %dma_start3A_92 = tpu.memref_squeeze %dma_start3A_91 : memref<1x!tpu.dma_semaphore, #tpu.memory_space<semaphore_mem>> -> memref<!tpu.dma_semaphore, #tpu.memory_space<semaphore_mem>>
    tpu.enqueue_indirect_dma source(%dma_start3A_90 : memref<10240x16xf32, #tpu.memory_space<hbm>>) target(%dma_start3A_84 : memref<128x16xf32, #tpu.memory_space<vmem>>) offsets(%dma_start3A_87 : memref<128xi32, #tpu.memory_space<vmem>>) semaphore(%dma_start3A_92 : memref<!tpu.dma_semaphore, #tpu.memory_space<semaphore_mem>>)
    %dma_start3A_93 = arith.constant 5 : i32
    %dma_start3A_94 = arith.constant 5 : i32
    %dma_start3A_95 = arith.constant 5 : i32
    %dma_start3A_96 = arith.constant 0 : i32
    %dma_start3A_97 = arith.constant 0 : i32
    %dma_start3A_98 = tpu.memref_slice %arg9[%dma_start3A_94, %dma_start3A_96, %dma_start3A_97] : memref<8x128x16xf32, #tpu.memory_space<vmem>> -> memref<1x128x16xf32, #tpu.memory_space<vmem>>
    %dma_start3A_99 = tpu.memref_squeeze %dma_start3A_98 : memref<1x128x16xf32, #tpu.memory_space<vmem>> -> memref<128x16xf32, #tpu.memory_space<vmem>>
    %dma_start3A_100 = arith.constant 0 : i32
    %dma_start3A_101 = tpu.memref_slice %arg7[%dma_start3A_93, %dma_start3A_100] : memref<80x128xi32, #tpu.memory_space<vmem>> -> memref<1x128xi32, #tpu.memory_space<vmem>>
    %dma_start3A_102 = tpu.memref_squeeze %dma_start3A_101 : memref<1x128xi32, #tpu.memory_space<vmem>> -> memref<128xi32, #tpu.memory_space<vmem>>
    %dma_start3A_103 = arith.constant 0 : i32
    %dma_start3A_104 = arith.constant 0 : i32
    %dma_start3A_105 = tpu.memref_slice %arg2[%dma_start3A_103, %dma_start3A_104] : memref<10240x16xf32, #tpu.memory_space<hbm>> -> memref<10240x16xf32, #tpu.memory_space<hbm>>
    %dma_start3A_106 = tpu.memref_slice %arg11[%dma_start3A_95] : memref<8x!tpu.dma_semaphore, #tpu.memory_space<semaphore_mem>> -> memref<1x!tpu.dma_semaphore, #tpu.memory_space<semaphore_mem>>
    %dma_start3A_107 = tpu.memref_squeeze %dma_start3A_106 : memref<1x!tpu.dma_semaphore, #tpu.memory_space<semaphore_mem>> -> memref<!tpu.dma_semaphore, #tpu.memory_space<semaphore_mem>>
    tpu.enqueue_indirect_dma source(%dma_start3A_105 : memref<10240x16xf32, #tpu.memory_space<hbm>>) target(%dma_start3A_99 : memref<128x16xf32, #tpu.memory_space<vmem>>) offsets(%dma_start3A_102 : memref<128xi32, #tpu.memory_space<vmem>>) semaphore(%dma_start3A_107 : memref<!tpu.dma_semaphore, #tpu.memory_space<semaphore_mem>>)
    %dma_start3A_108 = arith.constant 6 : i32
    %dma_start3A_109 = arith.constant 6 : i32
    %dma_start3A_110 = arith.constant 6 : i32
    %dma_start3A_111 = arith.constant 0 : i32
    %dma_start3A_112 = arith.constant 0 : i32
    %dma_start3A_113 = tpu.memref_slice %arg9[%dma_start3A_109, %dma_start3A_111, %dma_start3A_112] : memref<8x128x16xf32, #tpu.memory_space<vmem>> -> memref<1x128x16xf32, #tpu.memory_space<vmem>>
    %dma_start3A_114 = tpu.memref_squeeze %dma_start3A_113 : memref<1x128x16xf32, #tpu.memory_space<vmem>> -> memref<128x16xf32, #tpu.memory_space<vmem>>
    %dma_start3A_115 = arith.constant 0 : i32
    %dma_start3A_116 = tpu.memref_slice %arg7[%dma_start3A_108, %dma_start3A_115] : memref<80x128xi32, #tpu.memory_space<vmem>> -> memref<1x128xi32, #tpu.memory_space<vmem>>
    %dma_start3A_117 = tpu.memref_squeeze %dma_start3A_116 : memref<1x128xi32, #tpu.memory_space<vmem>> -> memref<128xi32, #tpu.memory_space<vmem>>
    %dma_start3A_118 = arith.constant 0 : i32
    %dma_start3A_119 = arith.constant 0 : i32
    %dma_start3A_120 = tpu.memref_slice %arg2[%dma_start3A_118, %dma_start3A_119] : memref<10240x16xf32, #tpu.memory_space<hbm>> -> memref<10240x16xf32, #tpu.memory_space<hbm>>
    %dma_start3A_121 = tpu.memref_slice %arg11[%dma_start3A_110] : memref<8x!tpu.dma_semaphore, #tpu.memory_space<semaphore_mem>> -> memref<1x!tpu.dma_semaphore, #tpu.memory_space<semaphore_mem>>
    %dma_start3A_122 = tpu.memref_squeeze %dma_start3A_121 : memref<1x!tpu.dma_semaphore, #tpu.memory_space<semaphore_mem>> -> memref<!tpu.dma_semaphore, #tpu.memory_space<semaphore_mem>>
    tpu.enqueue_indirect_dma source(%dma_start3A_120 : memref<10240x16xf32, #tpu.memory_space<hbm>>) target(%dma_start3A_114 : memref<128x16xf32, #tpu.memory_space<vmem>>) offsets(%dma_start3A_117 : memref<128xi32, #tpu.memory_space<vmem>>) semaphore(%dma_start3A_122 : memref<!tpu.dma_semaphore, #tpu.memory_space<semaphore_mem>>)
    %dma_start3A_123 = arith.constant 7 : i32
    %dma_start3A_124 = arith.constant 7 : i32
    %dma_start3A_125 = arith.constant 7 : i32
    %dma_start3A_126 = arith.constant 0 : i32
    %dma_start3A_127 = arith.constant 0 : i32
    %dma_start3A_128 = tpu.memref_slice %arg9[%dma_start3A_124, %dma_start3A_126, %dma_start3A_127] : memref<8x128x16xf32, #tpu.memory_space<vmem>> -> memref<1x128x16xf32, #tpu.memory_space<vmem>>
    %dma_start3A_129 = tpu.memref_squeeze %dma_start3A_128 : memref<1x128x16xf32, #tpu.memory_space<vmem>> -> memref<128x16xf32, #tpu.memory_space<vmem>>
    %dma_start3A_130 = arith.constant 0 : i32
    %dma_start3A_131 = tpu.memref_slice %arg7[%dma_start3A_123, %dma_start3A_130] : memref<80x128xi32, #tpu.memory_space<vmem>> -> memref<1x128xi32, #tpu.memory_space<vmem>>
    %dma_start3A_132 = tpu.memref_squeeze %dma_start3A_131 : memref<1x128xi32, #tpu.memory_space<vmem>> -> memref<128xi32, #tpu.memory_space<vmem>>
    %dma_start3A_133 = arith.constant 0 : i32
    %dma_start3A_134 = arith.constant 0 : i32
    %dma_start3A_135 = tpu.memref_slice %arg2[%dma_start3A_133, %dma_start3A_134] : memref<10240x16xf32, #tpu.memory_space<hbm>> -> memref<10240x16xf32, #tpu.memory_space<hbm>>
    %dma_start3A_136 = tpu.memref_slice %arg11[%dma_start3A_125] : memref<8x!tpu.dma_semaphore, #tpu.memory_space<semaphore_mem>> -> memref<1x!tpu.dma_semaphore, #tpu.memory_space<semaphore_mem>>
    %dma_start3A_137 = tpu.memref_squeeze %dma_start3A_136 : memref<1x!tpu.dma_semaphore, #tpu.memory_space<semaphore_mem>> -> memref<!tpu.dma_semaphore, #tpu.memory_space<semaphore_mem>>
    tpu.enqueue_indirect_dma source(%dma_start3A_135 : memref<10240x16xf32, #tpu.memory_space<hbm>>) target(%dma_start3A_129 : memref<128x16xf32, #tpu.memory_space<vmem>>) offsets(%dma_start3A_132 : memref<128xi32, #tpu.memory_space<vmem>>) semaphore(%dma_start3A_137 : memref<!tpu.dma_semaphore, #tpu.memory_space<semaphore_mem>>)
    %scan3A = arith.constant 0 : i32
    %scan3A_138 = arith.constant 10 : i32
    %scan3A_139 = arith.addi %scan3A, %scan3A_138 : i32
    %scan3A_140 = arith.constant 1 : i32
    scf.for %scan3A_143 = %scan3A to %scan3A_139 step %scan3A_140  : i32 {
      %mul3A_144 = arith.constant 1 : i32
      %mul3A_145 = arith.muli %scan3A_143, %mul3A_144 : i32
      %add3A_146 = arith.constant 0 : i32
      %add3A_147 = arith.addi %add3A_146, %mul3A_145 : i32
      %mul3A_148 = arith.constant 8 : i32
      %mul3A_149 = arith.muli %add3A_147, %mul3A_148 : i32
      %add3A_150 = arith.constant 0 : i32
      %add3A_151 = arith.addi %mul3A_149, %add3A_150 : i32
      %dma_wait3A = arith.constant 0 : i32
      %dma_wait3A_152 = arith.constant 0 : i32
      %dma_wait3A_153 = arith.constant 0 : i32
      %dma_wait3A_154 = arith.constant 0 : i32
      %dma_wait3A_155 = tpu.memref_slice %arg9[%dma_wait3A, %dma_wait3A_153, %dma_wait3A_154] : memref<8x128x16xf32, #tpu.memory_space<vmem>> -> memref<1x128x16xf32, #tpu.memory_space<vmem>>
      %dma_wait3A_156 = tpu.memref_squeeze %dma_wait3A_155 : memref<1x128x16xf32, #tpu.memory_space<vmem>> -> memref<128x16xf32, #tpu.memory_space<vmem>>
      %dma_wait3A_157 = arith.constant 0 : i32
      %dma_wait3A_158 = tpu.memref_slice %arg7[%add3A_151, %dma_wait3A_157] : memref<80x128xi32, #tpu.memory_space<vmem>> -> memref<1x128xi32, #tpu.memory_space<vmem>>
      %dma_wait3A_159 = tpu.memref_squeeze %dma_wait3A_158 : memref<1x128xi32, #tpu.memory_space<vmem>> -> memref<128xi32, #tpu.memory_space<vmem>>
      %dma_wait3A_160 = arith.constant 0 : i32
      %dma_wait3A_161 = arith.constant 0 : i32
      %dma_wait3A_162 = tpu.memref_slice %arg2[%dma_wait3A_160, %dma_wait3A_161] : memref<10240x16xf32, #tpu.memory_space<hbm>> -> memref<10240x16xf32, #tpu.memory_space<hbm>>
      %dma_wait3A_163 = tpu.memref_slice %arg11[%dma_wait3A_152] : memref<8x!tpu.dma_semaphore, #tpu.memory_space<semaphore_mem>> -> memref<1x!tpu.dma_semaphore, #tpu.memory_space<semaphore_mem>>
      %dma_wait3A_164 = tpu.memref_squeeze %dma_wait3A_163 : memref<1x!tpu.dma_semaphore, #tpu.memory_space<semaphore_mem>> -> memref<!tpu.dma_semaphore, #tpu.memory_space<semaphore_mem>>
      tpu.wait_indirect_dma semaphore(%dma_wait3A_164 : memref<!tpu.dma_semaphore, #tpu.memory_space<semaphore_mem>>) src(%dma_wait3A_162 : memref<10240x16xf32, #tpu.memory_space<hbm>>) dst(%dma_wait3A_156 : memref<128x16xf32, #tpu.memory_space<vmem>>)
      %dma_start3A_165 = arith.constant 0 : i32
      %dma_start3A_166 = arith.constant 0 : i32
      %dma_start3A_167 = arith.constant 0 : i32
      %dma_start3A_168 = arith.constant 0 : i32
      %dma_start3A_169 = tpu.memref_slice %arg9[%dma_start3A_165, %dma_start3A_167, %dma_start3A_168] : memref<8x128x16xf32, #tpu.memory_space<vmem>> -> memref<1x128x16xf32, #tpu.memory_space<vmem>>
      %dma_start3A_170 = tpu.memref_squeeze %dma_start3A_169 : memref<1x128x16xf32, #tpu.memory_space<vmem>> -> memref<128x16xf32, #tpu.memory_space<vmem>>
      %dma_start3A_171 = arith.constant 0 : i32
      %dma_start3A_172 = tpu.memref_slice %arg8[%add3A_151, %dma_start3A_171] : memref<80x128xi32, #tpu.memory_space<vmem>> -> memref<1x128xi32, #tpu.memory_space<vmem>>
      %dma_start3A_173 = tpu.memref_squeeze %dma_start3A_172 : memref<1x128xi32, #tpu.memory_space<vmem>> -> memref<128xi32, #tpu.memory_space<vmem>>
      %dma_start3A_174 = arith.constant 0 : i32
      %dma_start3A_175 = arith.constant 0 : i32
      %dma_start3A_176 = tpu.memref_slice %arg10[%dma_start3A_174, %dma_start3A_175] : memref<10240x16xf32, #tpu.memory_space<vmem_shared>> -> memref<10240x16xf32, #tpu.memory_space<vmem_shared>>
      %dma_start3A_177 = tpu.memref_slice %arg12[%dma_start3A_166] : memref<8x!tpu.dma_semaphore, #tpu.memory_space<semaphore_mem>> -> memref<1x!tpu.dma_semaphore, #tpu.memory_space<semaphore_mem>>
      %dma_start3A_178 = tpu.memref_squeeze %dma_start3A_177 : memref<1x!tpu.dma_semaphore, #tpu.memory_space<semaphore_mem>> -> memref<!tpu.dma_semaphore, #tpu.memory_space<semaphore_mem>>
      tpu.enqueue_indirect_dma source(%dma_start3A_170 : memref<128x16xf32, #tpu.memory_space<vmem>>) target(%dma_start3A_176 : memref<10240x16xf32, #tpu.memory_space<vmem_shared>>) offsets(%dma_start3A_173 : memref<128xi32, #tpu.memory_space<vmem>>) semaphore(%dma_start3A_178 : memref<!tpu.dma_semaphore, #tpu.memory_space<semaphore_mem>>) {add = true}
      %add3A_179 = arith.constant 1 : i32
      %add3A_180 = arith.addi %mul3A_149, %add3A_179 : i32
      %dma_wait3A_181 = arith.constant 1 : i32
      %dma_wait3A_182 = arith.constant 1 : i32
      %dma_wait3A_183 = arith.constant 0 : i32
      %dma_wait3A_184 = arith.constant 0 : i32
      %dma_wait3A_185 = tpu.memref_slice %arg9[%dma_wait3A_181, %dma_wait3A_183, %dma_wait3A_184] : memref<8x128x16xf32, #tpu.memory_space<vmem>> -> memref<1x128x16xf32, #tpu.memory_space<vmem>>
      %dma_wait3A_186 = tpu.memref_squeeze %dma_wait3A_185 : memref<1x128x16xf32, #tpu.memory_space<vmem>> -> memref<128x16xf32, #tpu.memory_space<vmem>>
      %dma_wait3A_187 = arith.constant 0 : i32
      %dma_wait3A_188 = tpu.memref_slice %arg7[%add3A_180, %dma_wait3A_187] : memref<80x128xi32, #tpu.memory_space<vmem>> -> memref<1x128xi32, #tpu.memory_space<vmem>>
      %dma_wait3A_189 = tpu.memref_squeeze %dma_wait3A_188 : memref<1x128xi32, #tpu.memory_space<vmem>> -> memref<128xi32, #tpu.memory_space<vmem>>
      %dma_wait3A_190 = arith.constant 0 : i32
      %dma_wait3A_191 = arith.constant 0 : i32
      %dma_wait3A_192 = tpu.memref_slice %arg2[%dma_wait3A_190, %dma_wait3A_191] : memref<10240x16xf32, #tpu.memory_space<hbm>> -> memref<10240x16xf32, #tpu.memory_space<hbm>>
      %dma_wait3A_193 = tpu.memref_slice %arg11[%dma_wait3A_182] : memref<8x!tpu.dma_semaphore, #tpu.memory_space<semaphore_mem>> -> memref<1x!tpu.dma_semaphore, #tpu.memory_space<semaphore_mem>>
      %dma_wait3A_194 = tpu.memref_squeeze %dma_wait3A_193 : memref<1x!tpu.dma_semaphore, #tpu.memory_space<semaphore_mem>> -> memref<!tpu.dma_semaphore, #tpu.memory_space<semaphore_mem>>
      tpu.wait_indirect_dma semaphore(%dma_wait3A_194 : memref<!tpu.dma_semaphore, #tpu.memory_space<semaphore_mem>>) src(%dma_wait3A_192 : memref<10240x16xf32, #tpu.memory_space<hbm>>) dst(%dma_wait3A_186 : memref<128x16xf32, #tpu.memory_space<vmem>>)
      %dma_start3A_195 = arith.constant 1 : i32
      %dma_start3A_196 = arith.constant 1 : i32
      %dma_start3A_197 = arith.constant 0 : i32
      %dma_start3A_198 = arith.constant 0 : i32
      %dma_start3A_199 = tpu.memref_slice %arg9[%dma_start3A_195, %dma_start3A_197, %dma_start3A_198] : memref<8x128x16xf32, #tpu.memory_space<vmem>> -> memref<1x128x16xf32, #tpu.memory_space<vmem>>
      %dma_start3A_200 = tpu.memref_squeeze %dma_start3A_199 : memref<1x128x16xf32, #tpu.memory_space<vmem>> -> memref<128x16xf32, #tpu.memory_space<vmem>>
      %dma_start3A_201 = arith.constant 0 : i32
      %dma_start3A_202 = tpu.memref_slice %arg8[%add3A_180, %dma_start3A_201] : memref<80x128xi32, #tpu.memory_space<vmem>> -> memref<1x128xi32, #tpu.memory_space<vmem>>
      %dma_start3A_203 = tpu.memref_squeeze %dma_start3A_202 : memref<1x128xi32, #tpu.memory_space<vmem>> -> memref<128xi32, #tpu.memory_space<vmem>>
      %dma_start3A_204 = arith.constant 0 : i32
      %dma_start3A_205 = arith.constant 0 : i32
      %dma_start3A_206 = tpu.memref_slice %arg10[%dma_start3A_204, %dma_start3A_205] : memref<10240x16xf32, #tpu.memory_space<vmem_shared>> -> memref<10240x16xf32, #tpu.memory_space<vmem_shared>>
      %dma_start3A_207 = tpu.memref_slice %arg12[%dma_start3A_196] : memref<8x!tpu.dma_semaphore, #tpu.memory_space<semaphore_mem>> -> memref<1x!tpu.dma_semaphore, #tpu.memory_space<semaphore_mem>>
      %dma_start3A_208 = tpu.memref_squeeze %dma_start3A_207 : memref<1x!tpu.dma_semaphore, #tpu.memory_space<semaphore_mem>> -> memref<!tpu.dma_semaphore, #tpu.memory_space<semaphore_mem>>
      tpu.enqueue_indirect_dma source(%dma_start3A_200 : memref<128x16xf32, #tpu.memory_space<vmem>>) target(%dma_start3A_206 : memref<10240x16xf32, #tpu.memory_space<vmem_shared>>) offsets(%dma_start3A_203 : memref<128xi32, #tpu.memory_space<vmem>>) semaphore(%dma_start3A_208 : memref<!tpu.dma_semaphore, #tpu.memory_space<semaphore_mem>>) {add = true}
      %add3A_209 = arith.constant 2 : i32
      %add3A_210 = arith.addi %mul3A_149, %add3A_209 : i32
      %dma_wait3A_211 = arith.constant 2 : i32
      %dma_wait3A_212 = arith.constant 2 : i32
      %dma_wait3A_213 = arith.constant 0 : i32
      %dma_wait3A_214 = arith.constant 0 : i32
      %dma_wait3A_215 = tpu.memref_slice %arg9[%dma_wait3A_211, %dma_wait3A_213, %dma_wait3A_214] : memref<8x128x16xf32, #tpu.memory_space<vmem>> -> memref<1x128x16xf32, #tpu.memory_space<vmem>>
      %dma_wait3A_216 = tpu.memref_squeeze %dma_wait3A_215 : memref<1x128x16xf32, #tpu.memory_space<vmem>> -> memref<128x16xf32, #tpu.memory_space<vmem>>
      %dma_wait3A_217 = arith.constant 0 : i32
      %dma_wait3A_218 = tpu.memref_slice %arg7[%add3A_210, %dma_wait3A_217] : memref<80x128xi32, #tpu.memory_space<vmem>> -> memref<1x128xi32, #tpu.memory_space<vmem>>
      %dma_wait3A_219 = tpu.memref_squeeze %dma_wait3A_218 : memref<1x128xi32, #tpu.memory_space<vmem>> -> memref<128xi32, #tpu.memory_space<vmem>>
      %dma_wait3A_220 = arith.constant 0 : i32
      %dma_wait3A_221 = arith.constant 0 : i32
      %dma_wait3A_222 = tpu.memref_slice %arg2[%dma_wait3A_220, %dma_wait3A_221] : memref<10240x16xf32, #tpu.memory_space<hbm>> -> memref<10240x16xf32, #tpu.memory_space<hbm>>
      %dma_wait3A_223 = tpu.memref_slice %arg11[%dma_wait3A_212] : memref<8x!tpu.dma_semaphore, #tpu.memory_space<semaphore_mem>> -> memref<1x!tpu.dma_semaphore, #tpu.memory_space<semaphore_mem>>
      %dma_wait3A_224 = tpu.memref_squeeze %dma_wait3A_223 : memref<1x!tpu.dma_semaphore, #tpu.memory_space<semaphore_mem>> -> memref<!tpu.dma_semaphore, #tpu.memory_space<semaphore_mem>>
      tpu.wait_indirect_dma semaphore(%dma_wait3A_224 : memref<!tpu.dma_semaphore, #tpu.memory_space<semaphore_mem>>) src(%dma_wait3A_222 : memref<10240x16xf32, #tpu.memory_space<hbm>>) dst(%dma_wait3A_216 : memref<128x16xf32, #tpu.memory_space<vmem>>)
      %dma_start3A_225 = arith.constant 2 : i32
      %dma_start3A_226 = arith.constant 2 : i32
      %dma_start3A_227 = arith.constant 0 : i32
      %dma_start3A_228 = arith.constant 0 : i32
      %dma_start3A_229 = tpu.memref_slice %arg9[%dma_start3A_225, %dma_start3A_227, %dma_start3A_228] : memref<8x128x16xf32, #tpu.memory_space<vmem>> -> memref<1x128x16xf32, #tpu.memory_space<vmem>>
      %dma_start3A_230 = tpu.memref_squeeze %dma_start3A_229 : memref<1x128x16xf32, #tpu.memory_space<vmem>> -> memref<128x16xf32, #tpu.memory_space<vmem>>
      %dma_start3A_231 = arith.constant 0 : i32
      %dma_start3A_232 = tpu.memref_slice %arg8[%add3A_210, %dma_start3A_231] : memref<80x128xi32, #tpu.memory_space<vmem>> -> memref<1x128xi32, #tpu.memory_space<vmem>>
      %dma_start3A_233 = tpu.memref_squeeze %dma_start3A_232 : memref<1x128xi32, #tpu.memory_space<vmem>> -> memref<128xi32, #tpu.memory_space<vmem>>
      %dma_start3A_234 = arith.constant 0 : i32
      %dma_start3A_235 = arith.constant 0 : i32
      %dma_start3A_236 = tpu.memref_slice %arg10[%dma_start3A_234, %dma_start3A_235] : memref<10240x16xf32, #tpu.memory_space<vmem_shared>> -> memref<10240x16xf32, #tpu.memory_space<vmem_shared>>
      %dma_start3A_237 = tpu.memref_slice %arg12[%dma_start3A_226] : memref<8x!tpu.dma_semaphore, #tpu.memory_space<semaphore_mem>> -> memref<1x!tpu.dma_semaphore, #tpu.memory_space<semaphore_mem>>
      %dma_start3A_238 = tpu.memref_squeeze %dma_start3A_237 : memref<1x!tpu.dma_semaphore, #tpu.memory_space<semaphore_mem>> -> memref<!tpu.dma_semaphore, #tpu.memory_space<semaphore_mem>>
      tpu.enqueue_indirect_dma source(%dma_start3A_230 : memref<128x16xf32, #tpu.memory_space<vmem>>) target(%dma_start3A_236 : memref<10240x16xf32, #tpu.memory_space<vmem_shared>>) offsets(%dma_start3A_233 : memref<128xi32, #tpu.memory_space<vmem>>) semaphore(%dma_start3A_238 : memref<!tpu.dma_semaphore, #tpu.memory_space<semaphore_mem>>) {add = true}
      %add3A_239 = arith.constant 3 : i32
      %add3A_240 = arith.addi %mul3A_149, %add3A_239 : i32
      %dma_wait3A_241 = arith.constant 3 : i32
      %dma_wait3A_242 = arith.constant 3 : i32
      %dma_wait3A_243 = arith.constant 0 : i32
      %dma_wait3A_244 = arith.constant 0 : i32
      %dma_wait3A_245 = tpu.memref_slice %arg9[%dma_wait3A_241, %dma_wait3A_243, %dma_wait3A_244] : memref<8x128x16xf32, #tpu.memory_space<vmem>> -> memref<1x128x16xf32, #tpu.memory_space<vmem>>
      %dma_wait3A_246 = tpu.memref_squeeze %dma_wait3A_245 : memref<1x128x16xf32, #tpu.memory_space<vmem>> -> memref<128x16xf32, #tpu.memory_space<vmem>>
      %dma_wait3A_247 = arith.constant 0 : i32
      %dma_wait3A_248 = tpu.memref_slice %arg7[%add3A_240, %dma_wait3A_247] : memref<80x128xi32, #tpu.memory_space<vmem>> -> memref<1x128xi32, #tpu.memory_space<vmem>>
      %dma_wait3A_249 = tpu.memref_squeeze %dma_wait3A_248 : memref<1x128xi32, #tpu.memory_space<vmem>> -> memref<128xi32, #tpu.memory_space<vmem>>
      %dma_wait3A_250 = arith.constant 0 : i32
      %dma_wait3A_251 = arith.constant 0 : i32
      %dma_wait3A_252 = tpu.memref_slice %arg2[%dma_wait3A_250, %dma_wait3A_251] : memref<10240x16xf32, #tpu.memory_space<hbm>> -> memref<10240x16xf32, #tpu.memory_space<hbm>>
      %dma_wait3A_253 = tpu.memref_slice %arg11[%dma_wait3A_242] : memref<8x!tpu.dma_semaphore, #tpu.memory_space<semaphore_mem>> -> memref<1x!tpu.dma_semaphore, #tpu.memory_space<semaphore_mem>>
      %dma_wait3A_254 = tpu.memref_squeeze %dma_wait3A_253 : memref<1x!tpu.dma_semaphore, #tpu.memory_space<semaphore_mem>> -> memref<!tpu.dma_semaphore, #tpu.memory_space<semaphore_mem>>
      tpu.wait_indirect_dma semaphore(%dma_wait3A_254 : memref<!tpu.dma_semaphore, #tpu.memory_space<semaphore_mem>>) src(%dma_wait3A_252 : memref<10240x16xf32, #tpu.memory_space<hbm>>) dst(%dma_wait3A_246 : memref<128x16xf32, #tpu.memory_space<vmem>>)
      %dma_start3A_255 = arith.constant 3 : i32
      %dma_start3A_256 = arith.constant 3 : i32
      %dma_start3A_257 = arith.constant 0 : i32
      %dma_start3A_258 = arith.constant 0 : i32
      %dma_start3A_259 = tpu.memref_slice %arg9[%dma_start3A_255, %dma_start3A_257, %dma_start3A_258] : memref<8x128x16xf32, #tpu.memory_space<vmem>> -> memref<1x128x16xf32, #tpu.memory_space<vmem>>
      %dma_start3A_260 = tpu.memref_squeeze %dma_start3A_259 : memref<1x128x16xf32, #tpu.memory_space<vmem>> -> memref<128x16xf32, #tpu.memory_space<vmem>>
      %dma_start3A_261 = arith.constant 0 : i32
      %dma_start3A_262 = tpu.memref_slice %arg8[%add3A_240, %dma_start3A_261] : memref<80x128xi32, #tpu.memory_space<vmem>> -> memref<1x128xi32, #tpu.memory_space<vmem>>
      %dma_start3A_263 = tpu.memref_squeeze %dma_start3A_262 : memref<1x128xi32, #tpu.memory_space<vmem>> -> memref<128xi32, #tpu.memory_space<vmem>>
      %dma_start3A_264 = arith.constant 0 : i32
      %dma_start3A_265 = arith.constant 0 : i32
      %dma_start3A_266 = tpu.memref_slice %arg10[%dma_start3A_264, %dma_start3A_265] : memref<10240x16xf32, #tpu.memory_space<vmem_shared>> -> memref<10240x16xf32, #tpu.memory_space<vmem_shared>>
      %dma_start3A_267 = tpu.memref_slice %arg12[%dma_start3A_256] : memref<8x!tpu.dma_semaphore, #tpu.memory_space<semaphore_mem>> -> memref<1x!tpu.dma_semaphore, #tpu.memory_space<semaphore_mem>>
      %dma_start3A_268 = tpu.memref_squeeze %dma_start3A_267 : memref<1x!tpu.dma_semaphore, #tpu.memory_space<semaphore_mem>> -> memref<!tpu.dma_semaphore, #tpu.memory_space<semaphore_mem>>
      tpu.enqueue_indirect_dma source(%dma_start3A_260 : memref<128x16xf32, #tpu.memory_space<vmem>>) target(%dma_start3A_266 : memref<10240x16xf32, #tpu.memory_space<vmem_shared>>) offsets(%dma_start3A_263 : memref<128xi32, #tpu.memory_space<vmem>>) semaphore(%dma_start3A_268 : memref<!tpu.dma_semaphore, #tpu.memory_space<semaphore_mem>>) {add = true}
      %add3A_269 = arith.constant 4 : i32
      %add3A_270 = arith.addi %mul3A_149, %add3A_269 : i32
      %dma_wait3A_271 = arith.constant 4 : i32
      %dma_wait3A_272 = arith.constant 4 : i32
      %dma_wait3A_273 = arith.constant 0 : i32
      %dma_wait3A_274 = arith.constant 0 : i32
      %dma_wait3A_275 = tpu.memref_slice %arg9[%dma_wait3A_271, %dma_wait3A_273, %dma_wait3A_274] : memref<8x128x16xf32, #tpu.memory_space<vmem>> -> memref<1x128x16xf32, #tpu.memory_space<vmem>>
      %dma_wait3A_276 = tpu.memref_squeeze %dma_wait3A_275 : memref<1x128x16xf32, #tpu.memory_space<vmem>> -> memref<128x16xf32, #tpu.memory_space<vmem>>
      %dma_wait3A_277 = arith.constant 0 : i32
      %dma_wait3A_278 = tpu.memref_slice %arg7[%add3A_270, %dma_wait3A_277] : memref<80x128xi32, #tpu.memory_space<vmem>> -> memref<1x128xi32, #tpu.memory_space<vmem>>
      %dma_wait3A_279 = tpu.memref_squeeze %dma_wait3A_278 : memref<1x128xi32, #tpu.memory_space<vmem>> -> memref<128xi32, #tpu.memory_space<vmem>>
      %dma_wait3A_280 = arith.constant 0 : i32
      %dma_wait3A_281 = arith.constant 0 : i32
      %dma_wait3A_282 = tpu.memref_slice %arg2[%dma_wait3A_280, %dma_wait3A_281] : memref<10240x16xf32, #tpu.memory_space<hbm>> -> memref<10240x16xf32, #tpu.memory_space<hbm>>
      %dma_wait3A_283 = tpu.memref_slice %arg11[%dma_wait3A_272] : memref<8x!tpu.dma_semaphore, #tpu.memory_space<semaphore_mem>> -> memref<1x!tpu.dma_semaphore, #tpu.memory_space<semaphore_mem>>
      %dma_wait3A_284 = tpu.memref_squeeze %dma_wait3A_283 : memref<1x!tpu.dma_semaphore, #tpu.memory_space<semaphore_mem>> -> memref<!tpu.dma_semaphore, #tpu.memory_space<semaphore_mem>>
      tpu.wait_indirect_dma semaphore(%dma_wait3A_284 : memref<!tpu.dma_semaphore, #tpu.memory_space<semaphore_mem>>) src(%dma_wait3A_282 : memref<10240x16xf32, #tpu.memory_space<hbm>>) dst(%dma_wait3A_276 : memref<128x16xf32, #tpu.memory_space<vmem>>)
      %dma_start3A_285 = arith.constant 4 : i32
      %dma_start3A_286 = arith.constant 4 : i32
      %dma_start3A_287 = arith.constant 0 : i32
      %dma_start3A_288 = arith.constant 0 : i32
      %dma_start3A_289 = tpu.memref_slice %arg9[%dma_start3A_285, %dma_start3A_287, %dma_start3A_288] : memref<8x128x16xf32, #tpu.memory_space<vmem>> -> memref<1x128x16xf32, #tpu.memory_space<vmem>>
      %dma_start3A_290 = tpu.memref_squeeze %dma_start3A_289 : memref<1x128x16xf32, #tpu.memory_space<vmem>> -> memref<128x16xf32, #tpu.memory_space<vmem>>
      %dma_start3A_291 = arith.constant 0 : i32
      %dma_start3A_292 = tpu.memref_slice %arg8[%add3A_270, %dma_start3A_291] : memref<80x128xi32, #tpu.memory_space<vmem>> -> memref<1x128xi32, #tpu.memory_space<vmem>>
      %dma_start3A_293 = tpu.memref_squeeze %dma_start3A_292 : memref<1x128xi32, #tpu.memory_space<vmem>> -> memref<128xi32, #tpu.memory_space<vmem>>
      %dma_start3A_294 = arith.constant 0 : i32
      %dma_start3A_295 = arith.constant 0 : i32
      %dma_start3A_296 = tpu.memref_slice %arg10[%dma_start3A_294, %dma_start3A_295] : memref<10240x16xf32, #tpu.memory_space<vmem_shared>> -> memref<10240x16xf32, #tpu.memory_space<vmem_shared>>
      %dma_start3A_297 = tpu.memref_slice %arg12[%dma_start3A_286] : memref<8x!tpu.dma_semaphore, #tpu.memory_space<semaphore_mem>> -> memref<1x!tpu.dma_semaphore, #tpu.memory_space<semaphore_mem>>
      %dma_start3A_298 = tpu.memref_squeeze %dma_start3A_297 : memref<1x!tpu.dma_semaphore, #tpu.memory_space<semaphore_mem>> -> memref<!tpu.dma_semaphore, #tpu.memory_space<semaphore_mem>>
      tpu.enqueue_indirect_dma source(%dma_start3A_290 : memref<128x16xf32, #tpu.memory_space<vmem>>) target(%dma_start3A_296 : memref<10240x16xf32, #tpu.memory_space<vmem_shared>>) offsets(%dma_start3A_293 : memref<128xi32, #tpu.memory_space<vmem>>) semaphore(%dma_start3A_298 : memref<!tpu.dma_semaphore, #tpu.memory_space<semaphore_mem>>) {add = true}
      %add3A_299 = arith.constant 5 : i32
      %add3A_300 = arith.addi %mul3A_149, %add3A_299 : i32
      %dma_wait3A_301 = arith.constant 5 : i32
      %dma_wait3A_302 = arith.constant 5 : i32
      %dma_wait3A_303 = arith.constant 0 : i32
      %dma_wait3A_304 = arith.constant 0 : i32
      %dma_wait3A_305 = tpu.memref_slice %arg9[%dma_wait3A_301, %dma_wait3A_303, %dma_wait3A_304] : memref<8x128x16xf32, #tpu.memory_space<vmem>> -> memref<1x128x16xf32, #tpu.memory_space<vmem>>
      %dma_wait3A_306 = tpu.memref_squeeze %dma_wait3A_305 : memref<1x128x16xf32, #tpu.memory_space<vmem>> -> memref<128x16xf32, #tpu.memory_space<vmem>>
      %dma_wait3A_307 = arith.constant 0 : i32
      %dma_wait3A_308 = tpu.memref_slice %arg7[%add3A_300, %dma_wait3A_307] : memref<80x128xi32, #tpu.memory_space<vmem>> -> memref<1x128xi32, #tpu.memory_space<vmem>>
      %dma_wait3A_309 = tpu.memref_squeeze %dma_wait3A_308 : memref<1x128xi32, #tpu.memory_space<vmem>> -> memref<128xi32, #tpu.memory_space<vmem>>
      %dma_wait3A_310 = arith.constant 0 : i32
      %dma_wait3A_311 = arith.constant 0 : i32
      %dma_wait3A_312 = tpu.memref_slice %arg2[%dma_wait3A_310, %dma_wait3A_311] : memref<10240x16xf32, #tpu.memory_space<hbm>> -> memref<10240x16xf32, #tpu.memory_space<hbm>>
      %dma_wait3A_313 = tpu.memref_slice %arg11[%dma_wait3A_302] : memref<8x!tpu.dma_semaphore, #tpu.memory_space<semaphore_mem>> -> memref<1x!tpu.dma_semaphore, #tpu.memory_space<semaphore_mem>>
      %dma_wait3A_314 = tpu.memref_squeeze %dma_wait3A_313 : memref<1x!tpu.dma_semaphore, #tpu.memory_space<semaphore_mem>> -> memref<!tpu.dma_semaphore, #tpu.memory_space<semaphore_mem>>
      tpu.wait_indirect_dma semaphore(%dma_wait3A_314 : memref<!tpu.dma_semaphore, #tpu.memory_space<semaphore_mem>>) src(%dma_wait3A_312 : memref<10240x16xf32, #tpu.memory_space<hbm>>) dst(%dma_wait3A_306 : memref<128x16xf32, #tpu.memory_space<vmem>>)
      %dma_start3A_315 = arith.constant 5 : i32
      %dma_start3A_316 = arith.constant 5 : i32
      %dma_start3A_317 = arith.constant 0 : i32
      %dma_start3A_318 = arith.constant 0 : i32
      %dma_start3A_319 = tpu.memref_slice %arg9[%dma_start3A_315, %dma_start3A_317, %dma_start3A_318] : memref<8x128x16xf32, #tpu.memory_space<vmem>> -> memref<1x128x16xf32, #tpu.memory_space<vmem>>
      %dma_start3A_320 = tpu.memref_squeeze %dma_start3A_319 : memref<1x128x16xf32, #tpu.memory_space<vmem>> -> memref<128x16xf32, #tpu.memory_space<vmem>>
      %dma_start3A_321 = arith.constant 0 : i32
      %dma_start3A_322 = tpu.memref_slice %arg8[%add3A_300, %dma_start3A_321] : memref<80x128xi32, #tpu.memory_space<vmem>> -> memref<1x128xi32, #tpu.memory_space<vmem>>
      %dma_start3A_323 = tpu.memref_squeeze %dma_start3A_322 : memref<1x128xi32, #tpu.memory_space<vmem>> -> memref<128xi32, #tpu.memory_space<vmem>>
      %dma_start3A_324 = arith.constant 0 : i32
      %dma_start3A_325 = arith.constant 0 : i32
      %dma_start3A_326 = tpu.memref_slice %arg10[%dma_start3A_324, %dma_start3A_325] : memref<10240x16xf32, #tpu.memory_space<vmem_shared>> -> memref<10240x16xf32, #tpu.memory_space<vmem_shared>>
      %dma_start3A_327 = tpu.memref_slice %arg12[%dma_start3A_316] : memref<8x!tpu.dma_semaphore, #tpu.memory_space<semaphore_mem>> -> memref<1x!tpu.dma_semaphore, #tpu.memory_space<semaphore_mem>>
      %dma_start3A_328 = tpu.memref_squeeze %dma_start3A_327 : memref<1x!tpu.dma_semaphore, #tpu.memory_space<semaphore_mem>> -> memref<!tpu.dma_semaphore, #tpu.memory_space<semaphore_mem>>
      tpu.enqueue_indirect_dma source(%dma_start3A_320 : memref<128x16xf32, #tpu.memory_space<vmem>>) target(%dma_start3A_326 : memref<10240x16xf32, #tpu.memory_space<vmem_shared>>) offsets(%dma_start3A_323 : memref<128xi32, #tpu.memory_space<vmem>>) semaphore(%dma_start3A_328 : memref<!tpu.dma_semaphore, #tpu.memory_space<semaphore_mem>>) {add = true}
      %add3A_329 = arith.constant 6 : i32
      %add3A_330 = arith.addi %mul3A_149, %add3A_329 : i32
      %dma_wait3A_331 = arith.constant 6 : i32
      %dma_wait3A_332 = arith.constant 6 : i32
      %dma_wait3A_333 = arith.constant 0 : i32
      %dma_wait3A_334 = arith.constant 0 : i32
      %dma_wait3A_335 = tpu.memref_slice %arg9[%dma_wait3A_331, %dma_wait3A_333, %dma_wait3A_334] : memref<8x128x16xf32, #tpu.memory_space<vmem>> -> memref<1x128x16xf32, #tpu.memory_space<vmem>>
      %dma_wait3A_336 = tpu.memref_squeeze %dma_wait3A_335 : memref<1x128x16xf32, #tpu.memory_space<vmem>> -> memref<128x16xf32, #tpu.memory_space<vmem>>
      %dma_wait3A_337 = arith.constant 0 : i32
      %dma_wait3A_338 = tpu.memref_slice %arg7[%add3A_330, %dma_wait3A_337] : memref<80x128xi32, #tpu.memory_space<vmem>> -> memref<1x128xi32, #tpu.memory_space<vmem>>
      %dma_wait3A_339 = tpu.memref_squeeze %dma_wait3A_338 : memref<1x128xi32, #tpu.memory_space<vmem>> -> memref<128xi32, #tpu.memory_space<vmem>>
      %dma_wait3A_340 = arith.constant 0 : i32
      %dma_wait3A_341 = arith.constant 0 : i32
      %dma_wait3A_342 = tpu.memref_slice %arg2[%dma_wait3A_340, %dma_wait3A_341] : memref<10240x16xf32, #tpu.memory_space<hbm>> -> memref<10240x16xf32, #tpu.memory_space<hbm>>
      %dma_wait3A_343 = tpu.memref_slice %arg11[%dma_wait3A_332] : memref<8x!tpu.dma_semaphore, #tpu.memory_space<semaphore_mem>> -> memref<1x!tpu.dma_semaphore, #tpu.memory_space<semaphore_mem>>
      %dma_wait3A_344 = tpu.memref_squeeze %dma_wait3A_343 : memref<1x!tpu.dma_semaphore, #tpu.memory_space<semaphore_mem>> -> memref<!tpu.dma_semaphore, #tpu.memory_space<semaphore_mem>>
      tpu.wait_indirect_dma semaphore(%dma_wait3A_344 : memref<!tpu.dma_semaphore, #tpu.memory_space<semaphore_mem>>) src(%dma_wait3A_342 : memref<10240x16xf32, #tpu.memory_space<hbm>>) dst(%dma_wait3A_336 : memref<128x16xf32, #tpu.memory_space<vmem>>)
      %dma_start3A_345 = arith.constant 6 : i32
      %dma_start3A_346 = arith.constant 6 : i32
      %dma_start3A_347 = arith.constant 0 : i32
      %dma_start3A_348 = arith.constant 0 : i32
      %dma_start3A_349 = tpu.memref_slice %arg9[%dma_start3A_345, %dma_start3A_347, %dma_start3A_348] : memref<8x128x16xf32, #tpu.memory_space<vmem>> -> memref<1x128x16xf32, #tpu.memory_space<vmem>>
      %dma_start3A_350 = tpu.memref_squeeze %dma_start3A_349 : memref<1x128x16xf32, #tpu.memory_space<vmem>> -> memref<128x16xf32, #tpu.memory_space<vmem>>
      %dma_start3A_351 = arith.constant 0 : i32
      %dma_start3A_352 = tpu.memref_slice %arg8[%add3A_330, %dma_start3A_351] : memref<80x128xi32, #tpu.memory_space<vmem>> -> memref<1x128xi32, #tpu.memory_space<vmem>>
      %dma_start3A_353 = tpu.memref_squeeze %dma_start3A_352 : memref<1x128xi32, #tpu.memory_space<vmem>> -> memref<128xi32, #tpu.memory_space<vmem>>
      %dma_start3A_354 = arith.constant 0 : i32
      %dma_start3A_355 = arith.constant 0 : i32
      %dma_start3A_356 = tpu.memref_slice %arg10[%dma_start3A_354, %dma_start3A_355] : memref<10240x16xf32, #tpu.memory_space<vmem_shared>> -> memref<10240x16xf32, #tpu.memory_space<vmem_shared>>
      %dma_start3A_357 = tpu.memref_slice %arg12[%dma_start3A_346] : memref<8x!tpu.dma_semaphore, #tpu.memory_space<semaphore_mem>> -> memref<1x!tpu.dma_semaphore, #tpu.memory_space<semaphore_mem>>
      %dma_start3A_358 = tpu.memref_squeeze %dma_start3A_357 : memref<1x!tpu.dma_semaphore, #tpu.memory_space<semaphore_mem>> -> memref<!tpu.dma_semaphore, #tpu.memory_space<semaphore_mem>>
      tpu.enqueue_indirect_dma source(%dma_start3A_350 : memref<128x16xf32, #tpu.memory_space<vmem>>) target(%dma_start3A_356 : memref<10240x16xf32, #tpu.memory_space<vmem_shared>>) offsets(%dma_start3A_353 : memref<128xi32, #tpu.memory_space<vmem>>) semaphore(%dma_start3A_358 : memref<!tpu.dma_semaphore, #tpu.memory_space<semaphore_mem>>) {add = true}
      %add3A_359 = arith.constant 7 : i32
      %add3A_360 = arith.addi %mul3A_149, %add3A_359 : i32
      %dma_wait3A_361 = arith.constant 7 : i32
      %dma_wait3A_362 = arith.constant 7 : i32
      %dma_wait3A_363 = arith.constant 0 : i32
      %dma_wait3A_364 = arith.constant 0 : i32
      %dma_wait3A_365 = tpu.memref_slice %arg9[%dma_wait3A_361, %dma_wait3A_363, %dma_wait3A_364] : memref<8x128x16xf32, #tpu.memory_space<vmem>> -> memref<1x128x16xf32, #tpu.memory_space<vmem>>
      %dma_wait3A_366 = tpu.memref_squeeze %dma_wait3A_365 : memref<1x128x16xf32, #tpu.memory_space<vmem>> -> memref<128x16xf32, #tpu.memory_space<vmem>>
      %dma_wait3A_367 = arith.constant 0 : i32
      %dma_wait3A_368 = tpu.memref_slice %arg7[%add3A_360, %dma_wait3A_367] : memref<80x128xi32, #tpu.memory_space<vmem>> -> memref<1x128xi32, #tpu.memory_space<vmem>>
      %dma_wait3A_369 = tpu.memref_squeeze %dma_wait3A_368 : memref<1x128xi32, #tpu.memory_space<vmem>> -> memref<128xi32, #tpu.memory_space<vmem>>
      %dma_wait3A_370 = arith.constant 0 : i32
      %dma_wait3A_371 = arith.constant 0 : i32
      %dma_wait3A_372 = tpu.memref_slice %arg2[%dma_wait3A_370, %dma_wait3A_371] : memref<10240x16xf32, #tpu.memory_space<hbm>> -> memref<10240x16xf32, #tpu.memory_space<hbm>>
      %dma_wait3A_373 = tpu.memref_slice %arg11[%dma_wait3A_362] : memref<8x!tpu.dma_semaphore, #tpu.memory_space<semaphore_mem>> -> memref<1x!tpu.dma_semaphore, #tpu.memory_space<semaphore_mem>>
      %dma_wait3A_374 = tpu.memref_squeeze %dma_wait3A_373 : memref<1x!tpu.dma_semaphore, #tpu.memory_space<semaphore_mem>> -> memref<!tpu.dma_semaphore, #tpu.memory_space<semaphore_mem>>
      tpu.wait_indirect_dma semaphore(%dma_wait3A_374 : memref<!tpu.dma_semaphore, #tpu.memory_space<semaphore_mem>>) src(%dma_wait3A_372 : memref<10240x16xf32, #tpu.memory_space<hbm>>) dst(%dma_wait3A_366 : memref<128x16xf32, #tpu.memory_space<vmem>>)
      %dma_start3A_375 = arith.constant 7 : i32
      %dma_start3A_376 = arith.constant 7 : i32
      %dma_start3A_377 = arith.constant 0 : i32
      %dma_start3A_378 = arith.constant 0 : i32
      %dma_start3A_379 = tpu.memref_slice %arg9[%dma_start3A_375, %dma_start3A_377, %dma_start3A_378] : memref<8x128x16xf32, #tpu.memory_space<vmem>> -> memref<1x128x16xf32, #tpu.memory_space<vmem>>
      %dma_start3A_380 = tpu.memref_squeeze %dma_start3A_379 : memref<1x128x16xf32, #tpu.memory_space<vmem>> -> memref<128x16xf32, #tpu.memory_space<vmem>>
      %dma_start3A_381 = arith.constant 0 : i32
      %dma_start3A_382 = tpu.memref_slice %arg8[%add3A_360, %dma_start3A_381] : memref<80x128xi32, #tpu.memory_space<vmem>> -> memref<1x128xi32, #tpu.memory_space<vmem>>
      %dma_start3A_383 = tpu.memref_squeeze %dma_start3A_382 : memref<1x128xi32, #tpu.memory_space<vmem>> -> memref<128xi32, #tpu.memory_space<vmem>>
      %dma_start3A_384 = arith.constant 0 : i32
      %dma_start3A_385 = arith.constant 0 : i32
      %dma_start3A_386 = tpu.memref_slice %arg10[%dma_start3A_384, %dma_start3A_385] : memref<10240x16xf32, #tpu.memory_space<vmem_shared>> -> memref<10240x16xf32, #tpu.memory_space<vmem_shared>>
      %dma_start3A_387 = tpu.memref_slice %arg12[%dma_start3A_376] : memref<8x!tpu.dma_semaphore, #tpu.memory_space<semaphore_mem>> -> memref<1x!tpu.dma_semaphore, #tpu.memory_space<semaphore_mem>>
      %dma_start3A_388 = tpu.memref_squeeze %dma_start3A_387 : memref<1x!tpu.dma_semaphore, #tpu.memory_space<semaphore_mem>> -> memref<!tpu.dma_semaphore, #tpu.memory_space<semaphore_mem>>
      tpu.enqueue_indirect_dma source(%dma_start3A_380 : memref<128x16xf32, #tpu.memory_space<vmem>>) target(%dma_start3A_386 : memref<10240x16xf32, #tpu.memory_space<vmem_shared>>) offsets(%dma_start3A_383 : memref<128xi32, #tpu.memory_space<vmem>>) semaphore(%dma_start3A_388 : memref<!tpu.dma_semaphore, #tpu.memory_space<semaphore_mem>>) {add = true}
      %add3A_389 = arith.constant 0 : i32
      %add3A_390 = arith.addi %mul3A_149, %add3A_389 : i32
      %dma_wait3A_391 = arith.constant 0 : i32
      %dma_wait3A_392 = arith.constant 0 : i32
      %dma_wait3A_393 = arith.constant 0 : i32
      %dma_wait3A_394 = arith.constant 0 : i32
      %dma_wait3A_395 = tpu.memref_slice %arg9[%dma_wait3A_391, %dma_wait3A_393, %dma_wait3A_394] : memref<8x128x16xf32, #tpu.memory_space<vmem>> -> memref<1x128x16xf32, #tpu.memory_space<vmem>>
      %dma_wait3A_396 = tpu.memref_squeeze %dma_wait3A_395 : memref<1x128x16xf32, #tpu.memory_space<vmem>> -> memref<128x16xf32, #tpu.memory_space<vmem>>
      %dma_wait3A_397 = arith.constant 0 : i32
      %dma_wait3A_398 = tpu.memref_slice %arg8[%add3A_390, %dma_wait3A_397] : memref<80x128xi32, #tpu.memory_space<vmem>> -> memref<1x128xi32, #tpu.memory_space<vmem>>
      %dma_wait3A_399 = tpu.memref_squeeze %dma_wait3A_398 : memref<1x128xi32, #tpu.memory_space<vmem>> -> memref<128xi32, #tpu.memory_space<vmem>>
      %dma_wait3A_400 = arith.constant 0 : i32
      %dma_wait3A_401 = arith.constant 0 : i32
      %dma_wait3A_402 = tpu.memref_slice %arg10[%dma_wait3A_400, %dma_wait3A_401] : memref<10240x16xf32, #tpu.memory_space<vmem_shared>> -> memref<10240x16xf32, #tpu.memory_space<vmem_shared>>
      %dma_wait3A_403 = tpu.memref_slice %arg12[%dma_wait3A_392] : memref<8x!tpu.dma_semaphore, #tpu.memory_space<semaphore_mem>> -> memref<1x!tpu.dma_semaphore, #tpu.memory_space<semaphore_mem>>
      %dma_wait3A_404 = tpu.memref_squeeze %dma_wait3A_403 : memref<1x!tpu.dma_semaphore, #tpu.memory_space<semaphore_mem>> -> memref<!tpu.dma_semaphore, #tpu.memory_space<semaphore_mem>>
      tpu.wait_indirect_dma semaphore(%dma_wait3A_404 : memref<!tpu.dma_semaphore, #tpu.memory_space<semaphore_mem>>) src(%dma_wait3A_396 : memref<128x16xf32, #tpu.memory_space<vmem>>) dst(%dma_wait3A_402 : memref<10240x16xf32, #tpu.memory_space<vmem_shared>>)
      %add3A_405 = arith.constant 1 : i32
      %add3A_406 = arith.addi %add3A_147, %add3A_405 : i32
      %lt3A_407 = arith.constant 10 : i32
      %lt3A_408 = arith.cmpi slt, %add3A_406, %lt3A_407 : i32
      %convert_element_type3A_409 = arith.extui %lt3A_408 : i1 to i32
      %cond3A_410 = arith.constant 0 : i32
      %cond3A_411 = arith.cmpi ne, %convert_element_type3A_409, %cond3A_410 : i32
      scf.if %cond3A_411 {
        %add3A_573 = arith.constant 8 : i32
        %add3A_574 = arith.addi %add3A_390, %add3A_573 : i32
        %dma_start3A_575 = arith.constant 0 : i32
        %dma_start3A_576 = arith.constant 0 : i32
        %dma_start3A_577 = arith.constant 0 : i32
        %dma_start3A_578 = arith.constant 0 : i32
        %dma_start3A_579 = tpu.memref_slice %arg9[%dma_start3A_575, %dma_start3A_577, %dma_start3A_578] : memref<8x128x16xf32, #tpu.memory_space<vmem>> -> memref<1x128x16xf32, #tpu.memory_space<vmem>>
        %dma_start3A_580 = tpu.memref_squeeze %dma_start3A_579 : memref<1x128x16xf32, #tpu.memory_space<vmem>> -> memref<128x16xf32, #tpu.memory_space<vmem>>
        %dma_start3A_581 = arith.constant 0 : i32
        %dma_start3A_582 = tpu.memref_slice %arg7[%add3A_574, %dma_start3A_581] : memref<80x128xi32, #tpu.memory_space<vmem>> -> memref<1x128xi32, #tpu.memory_space<vmem>>
        %dma_start3A_583 = tpu.memref_squeeze %dma_start3A_582 : memref<1x128xi32, #tpu.memory_space<vmem>> -> memref<128xi32, #tpu.memory_space<vmem>>
        %dma_start3A_584 = arith.constant 0 : i32
        %dma_start3A_585 = arith.constant 0 : i32
        %dma_start3A_586 = tpu.memref_slice %arg2[%dma_start3A_584, %dma_start3A_585] : memref<10240x16xf32, #tpu.memory_space<hbm>> -> memref<10240x16xf32, #tpu.memory_space<hbm>>
        %dma_start3A_587 = tpu.memref_slice %arg11[%dma_start3A_576] : memref<8x!tpu.dma_semaphore, #tpu.memory_space<semaphore_mem>> -> memref<1x!tpu.dma_semaphore, #tpu.memory_space<semaphore_mem>>
        %dma_start3A_588 = tpu.memref_squeeze %dma_start3A_587 : memref<1x!tpu.dma_semaphore, #tpu.memory_space<semaphore_mem>> -> memref<!tpu.dma_semaphore, #tpu.memory_space<semaphore_mem>>
        tpu.enqueue_indirect_dma source(%dma_start3A_586 : memref<10240x16xf32, #tpu.memory_space<hbm>>) target(%dma_start3A_580 : memref<128x16xf32, #tpu.memory_space<vmem>>) offsets(%dma_start3A_583 : memref<128xi32, #tpu.memory_space<vmem>>) semaphore(%dma_start3A_588 : memref<!tpu.dma_semaphore, #tpu.memory_space<semaphore_mem>>)
      } else {
      }
      %add3A_412 = arith.constant 1 : i32
      %add3A_413 = arith.addi %mul3A_149, %add3A_412 : i32
      %dma_wait3A_414 = arith.constant 1 : i32
      %dma_wait3A_415 = arith.constant 1 : i32
      %dma_wait3A_416 = arith.constant 0 : i32
      %dma_wait3A_417 = arith.constant 0 : i32
      %dma_wait3A_418 = tpu.memref_slice %arg9[%dma_wait3A_414, %dma_wait3A_416, %dma_wait3A_417] : memref<8x128x16xf32, #tpu.memory_space<vmem>> -> memref<1x128x16xf32, #tpu.memory_space<vmem>>
      %dma_wait3A_419 = tpu.memref_squeeze %dma_wait3A_418 : memref<1x128x16xf32, #tpu.memory_space<vmem>> -> memref<128x16xf32, #tpu.memory_space<vmem>>
      %dma_wait3A_420 = arith.constant 0 : i32
      %dma_wait3A_421 = tpu.memref_slice %arg8[%add3A_413, %dma_wait3A_420] : memref<80x128xi32, #tpu.memory_space<vmem>> -> memref<1x128xi32, #tpu.memory_space<vmem>>
      %dma_wait3A_422 = tpu.memref_squeeze %dma_wait3A_421 : memref<1x128xi32, #tpu.memory_space<vmem>> -> memref<128xi32, #tpu.memory_space<vmem>>
      %dma_wait3A_423 = arith.constant 0 : i32
      %dma_wait3A_424 = arith.constant 0 : i32
      %dma_wait3A_425 = tpu.memref_slice %arg10[%dma_wait3A_423, %dma_wait3A_424] : memref<10240x16xf32, #tpu.memory_space<vmem_shared>> -> memref<10240x16xf32, #tpu.memory_space<vmem_shared>>
      %dma_wait3A_426 = tpu.memref_slice %arg12[%dma_wait3A_415] : memref<8x!tpu.dma_semaphore, #tpu.memory_space<semaphore_mem>> -> memref<1x!tpu.dma_semaphore, #tpu.memory_space<semaphore_mem>>
      %dma_wait3A_427 = tpu.memref_squeeze %dma_wait3A_426 : memref<1x!tpu.dma_semaphore, #tpu.memory_space<semaphore_mem>> -> memref<!tpu.dma_semaphore, #tpu.memory_space<semaphore_mem>>
      tpu.wait_indirect_dma semaphore(%dma_wait3A_427 : memref<!tpu.dma_semaphore, #tpu.memory_space<semaphore_mem>>) src(%dma_wait3A_419 : memref<128x16xf32, #tpu.memory_space<vmem>>) dst(%dma_wait3A_425 : memref<10240x16xf32, #tpu.memory_space<vmem_shared>>)
      %add3A_428 = arith.constant 1 : i32
      %add3A_429 = arith.addi %add3A_147, %add3A_428 : i32
      %lt3A_430 = arith.constant 10 : i32
      %lt3A_431 = arith.cmpi slt, %add3A_429, %lt3A_430 : i32
      %convert_element_type3A_432 = arith.extui %lt3A_431 : i1 to i32
      %cond3A_433 = arith.constant 0 : i32
      %cond3A_434 = arith.cmpi ne, %convert_element_type3A_432, %cond3A_433 : i32
      scf.if %cond3A_434 {
        %add3A_573 = arith.constant 8 : i32
        %add3A_574 = arith.addi %add3A_413, %add3A_573 : i32
        %dma_start3A_575 = arith.constant 1 : i32
        %dma_start3A_576 = arith.constant 1 : i32
        %dma_start3A_577 = arith.constant 0 : i32
        %dma_start3A_578 = arith.constant 0 : i32
        %dma_start3A_579 = tpu.memref_slice %arg9[%dma_start3A_575, %dma_start3A_577, %dma_start3A_578] : memref<8x128x16xf32, #tpu.memory_space<vmem>> -> memref<1x128x16xf32, #tpu.memory_space<vmem>>
        %dma_start3A_580 = tpu.memref_squeeze %dma_start3A_579 : memref<1x128x16xf32, #tpu.memory_space<vmem>> -> memref<128x16xf32, #tpu.memory_space<vmem>>
        %dma_start3A_581 = arith.constant 0 : i32
        %dma_start3A_582 = tpu.memref_slice %arg7[%add3A_574, %dma_start3A_581] : memref<80x128xi32, #tpu.memory_space<vmem>> -> memref<1x128xi32, #tpu.memory_space<vmem>>
        %dma_start3A_583 = tpu.memref_squeeze %dma_start3A_582 : memref<1x128xi32, #tpu.memory_space<vmem>> -> memref<128xi32, #tpu.memory_space<vmem>>
        %dma_start3A_584 = arith.constant 0 : i32
        %dma_start3A_585 = arith.constant 0 : i32
        %dma_start3A_586 = tpu.memref_slice %arg2[%dma_start3A_584, %dma_start3A_585] : memref<10240x16xf32, #tpu.memory_space<hbm>> -> memref<10240x16xf32, #tpu.memory_space<hbm>>
        %dma_start3A_587 = tpu.memref_slice %arg11[%dma_start3A_576] : memref<8x!tpu.dma_semaphore, #tpu.memory_space<semaphore_mem>> -> memref<1x!tpu.dma_semaphore, #tpu.memory_space<semaphore_mem>>
        %dma_start3A_588 = tpu.memref_squeeze %dma_start3A_587 : memref<1x!tpu.dma_semaphore, #tpu.memory_space<semaphore_mem>> -> memref<!tpu.dma_semaphore, #tpu.memory_space<semaphore_mem>>
        tpu.enqueue_indirect_dma source(%dma_start3A_586 : memref<10240x16xf32, #tpu.memory_space<hbm>>) target(%dma_start3A_580 : memref<128x16xf32, #tpu.memory_space<vmem>>) offsets(%dma_start3A_583 : memref<128xi32, #tpu.memory_space<vmem>>) semaphore(%dma_start3A_588 : memref<!tpu.dma_semaphore, #tpu.memory_space<semaphore_mem>>)
      } else {
      }
      %add3A_435 = arith.constant 2 : i32
      %add3A_436 = arith.addi %mul3A_149, %add3A_435 : i32
      %dma_wait3A_437 = arith.constant 2 : i32
      %dma_wait3A_438 = arith.constant 2 : i32
      %dma_wait3A_439 = arith.constant 0 : i32
      %dma_wait3A_440 = arith.constant 0 : i32
      %dma_wait3A_441 = tpu.memref_slice %arg9[%dma_wait3A_437, %dma_wait3A_439, %dma_wait3A_440] : memref<8x128x16xf32, #tpu.memory_space<vmem>> -> memref<1x128x16xf32, #tpu.memory_space<vmem>>
      %dma_wait3A_442 = tpu.memref_squeeze %dma_wait3A_441 : memref<1x128x16xf32, #tpu.memory_space<vmem>> -> memref<128x16xf32, #tpu.memory_space<vmem>>
      %dma_wait3A_443 = arith.constant 0 : i32
      %dma_wait3A_444 = tpu.memref_slice %arg8[%add3A_436, %dma_wait3A_443] : memref<80x128xi32, #tpu.memory_space<vmem>> -> memref<1x128xi32, #tpu.memory_space<vmem>>
      %dma_wait3A_445 = tpu.memref_squeeze %dma_wait3A_444 : memref<1x128xi32, #tpu.memory_space<vmem>> -> memref<128xi32, #tpu.memory_space<vmem>>
      %dma_wait3A_446 = arith.constant 0 : i32
      %dma_wait3A_447 = arith.constant 0 : i32
      %dma_wait3A_448 = tpu.memref_slice %arg10[%dma_wait3A_446, %dma_wait3A_447] : memref<10240x16xf32, #tpu.memory_space<vmem_shared>> -> memref<10240x16xf32, #tpu.memory_space<vmem_shared>>
      %dma_wait3A_449 = tpu.memref_slice %arg12[%dma_wait3A_438] : memref<8x!tpu.dma_semaphore, #tpu.memory_space<semaphore_mem>> -> memref<1x!tpu.dma_semaphore, #tpu.memory_space<semaphore_mem>>
      %dma_wait3A_450 = tpu.memref_squeeze %dma_wait3A_449 : memref<1x!tpu.dma_semaphore, #tpu.memory_space<semaphore_mem>> -> memref<!tpu.dma_semaphore, #tpu.memory_space<semaphore_mem>>
      tpu.wait_indirect_dma semaphore(%dma_wait3A_450 : memref<!tpu.dma_semaphore, #tpu.memory_space<semaphore_mem>>) src(%dma_wait3A_442 : memref<128x16xf32, #tpu.memory_space<vmem>>) dst(%dma_wait3A_448 : memref<10240x16xf32, #tpu.memory_space<vmem_shared>>)
      %add3A_451 = arith.constant 1 : i32
      %add3A_452 = arith.addi %add3A_147, %add3A_451 : i32
      %lt3A_453 = arith.constant 10 : i32
      %lt3A_454 = arith.cmpi slt, %add3A_452, %lt3A_453 : i32
      %convert_element_type3A_455 = arith.extui %lt3A_454 : i1 to i32
      %cond3A_456 = arith.constant 0 : i32
      %cond3A_457 = arith.cmpi ne, %convert_element_type3A_455, %cond3A_456 : i32
      scf.if %cond3A_457 {
        %add3A_573 = arith.constant 8 : i32
        %add3A_574 = arith.addi %add3A_436, %add3A_573 : i32
        %dma_start3A_575 = arith.constant 2 : i32
        %dma_start3A_576 = arith.constant 2 : i32
        %dma_start3A_577 = arith.constant 0 : i32
        %dma_start3A_578 = arith.constant 0 : i32
        %dma_start3A_579 = tpu.memref_slice %arg9[%dma_start3A_575, %dma_start3A_577, %dma_start3A_578] : memref<8x128x16xf32, #tpu.memory_space<vmem>> -> memref<1x128x16xf32, #tpu.memory_space<vmem>>
        %dma_start3A_580 = tpu.memref_squeeze %dma_start3A_579 : memref<1x128x16xf32, #tpu.memory_space<vmem>> -> memref<128x16xf32, #tpu.memory_space<vmem>>
        %dma_start3A_581 = arith.constant 0 : i32
        %dma_start3A_582 = tpu.memref_slice %arg7[%add3A_574, %dma_start3A_581] : memref<80x128xi32, #tpu.memory_space<vmem>> -> memref<1x128xi32, #tpu.memory_space<vmem>>
        %dma_start3A_583 = tpu.memref_squeeze %dma_start3A_582 : memref<1x128xi32, #tpu.memory_space<vmem>> -> memref<128xi32, #tpu.memory_space<vmem>>
        %dma_start3A_584 = arith.constant 0 : i32
        %dma_start3A_585 = arith.constant 0 : i32
        %dma_start3A_586 = tpu.memref_slice %arg2[%dma_start3A_584, %dma_start3A_585] : memref<10240x16xf32, #tpu.memory_space<hbm>> -> memref<10240x16xf32, #tpu.memory_space<hbm>>
        %dma_start3A_587 = tpu.memref_slice %arg11[%dma_start3A_576] : memref<8x!tpu.dma_semaphore, #tpu.memory_space<semaphore_mem>> -> memref<1x!tpu.dma_semaphore, #tpu.memory_space<semaphore_mem>>
        %dma_start3A_588 = tpu.memref_squeeze %dma_start3A_587 : memref<1x!tpu.dma_semaphore, #tpu.memory_space<semaphore_mem>> -> memref<!tpu.dma_semaphore, #tpu.memory_space<semaphore_mem>>
        tpu.enqueue_indirect_dma source(%dma_start3A_586 : memref<10240x16xf32, #tpu.memory_space<hbm>>) target(%dma_start3A_580 : memref<128x16xf32, #tpu.memory_space<vmem>>) offsets(%dma_start3A_583 : memref<128xi32, #tpu.memory_space<vmem>>) semaphore(%dma_start3A_588 : memref<!tpu.dma_semaphore, #tpu.memory_space<semaphore_mem>>)
      } else {
      }
      %add3A_458 = arith.constant 3 : i32
      %add3A_459 = arith.addi %mul3A_149, %add3A_458 : i32
      %dma_wait3A_460 = arith.constant 3 : i32
      %dma_wait3A_461 = arith.constant 3 : i32
      %dma_wait3A_462 = arith.constant 0 : i32
      %dma_wait3A_463 = arith.constant 0 : i32
      %dma_wait3A_464 = tpu.memref_slice %arg9[%dma_wait3A_460, %dma_wait3A_462, %dma_wait3A_463] : memref<8x128x16xf32, #tpu.memory_space<vmem>> -> memref<1x128x16xf32, #tpu.memory_space<vmem>>
      %dma_wait3A_465 = tpu.memref_squeeze %dma_wait3A_464 : memref<1x128x16xf32, #tpu.memory_space<vmem>> -> memref<128x16xf32, #tpu.memory_space<vmem>>
      %dma_wait3A_466 = arith.constant 0 : i32
      %dma_wait3A_467 = tpu.memref_slice %arg8[%add3A_459, %dma_wait3A_466] : memref<80x128xi32, #tpu.memory_space<vmem>> -> memref<1x128xi32, #tpu.memory_space<vmem>>
      %dma_wait3A_468 = tpu.memref_squeeze %dma_wait3A_467 : memref<1x128xi32, #tpu.memory_space<vmem>> -> memref<128xi32, #tpu.memory_space<vmem>>
      %dma_wait3A_469 = arith.constant 0 : i32
      %dma_wait3A_470 = arith.constant 0 : i32
      %dma_wait3A_471 = tpu.memref_slice %arg10[%dma_wait3A_469, %dma_wait3A_470] : memref<10240x16xf32, #tpu.memory_space<vmem_shared>> -> memref<10240x16xf32, #tpu.memory_space<vmem_shared>>
      %dma_wait3A_472 = tpu.memref_slice %arg12[%dma_wait3A_461] : memref<8x!tpu.dma_semaphore, #tpu.memory_space<semaphore_mem>> -> memref<1x!tpu.dma_semaphore, #tpu.memory_space<semaphore_mem>>
      %dma_wait3A_473 = tpu.memref_squeeze %dma_wait3A_472 : memref<1x!tpu.dma_semaphore, #tpu.memory_space<semaphore_mem>> -> memref<!tpu.dma_semaphore, #tpu.memory_space<semaphore_mem>>
      tpu.wait_indirect_dma semaphore(%dma_wait3A_473 : memref<!tpu.dma_semaphore, #tpu.memory_space<semaphore_mem>>) src(%dma_wait3A_465 : memref<128x16xf32, #tpu.memory_space<vmem>>) dst(%dma_wait3A_471 : memref<10240x16xf32, #tpu.memory_space<vmem_shared>>)
      %add3A_474 = arith.constant 1 : i32
      %add3A_475 = arith.addi %add3A_147, %add3A_474 : i32
      %lt3A_476 = arith.constant 10 : i32
      %lt3A_477 = arith.cmpi slt, %add3A_475, %lt3A_476 : i32
      %convert_element_type3A_478 = arith.extui %lt3A_477 : i1 to i32
      %cond3A_479 = arith.constant 0 : i32
      %cond3A_480 = arith.cmpi ne, %convert_element_type3A_478, %cond3A_479 : i32
      scf.if %cond3A_480 {
        %add3A_573 = arith.constant 8 : i32
        %add3A_574 = arith.addi %add3A_459, %add3A_573 : i32
        %dma_start3A_575 = arith.constant 3 : i32
        %dma_start3A_576 = arith.constant 3 : i32
        %dma_start3A_577 = arith.constant 0 : i32
        %dma_start3A_578 = arith.constant 0 : i32
        %dma_start3A_579 = tpu.memref_slice %arg9[%dma_start3A_575, %dma_start3A_577, %dma_start3A_578] : memref<8x128x16xf32, #tpu.memory_space<vmem>> -> memref<1x128x16xf32, #tpu.memory_space<vmem>>
        %dma_start3A_580 = tpu.memref_squeeze %dma_start3A_579 : memref<1x128x16xf32, #tpu.memory_space<vmem>> -> memref<128x16xf32, #tpu.memory_space<vmem>>
        %dma_start3A_581 = arith.constant 0 : i32
        %dma_start3A_582 = tpu.memref_slice %arg7[%add3A_574, %dma_start3A_581] : memref<80x128xi32, #tpu.memory_space<vmem>> -> memref<1x128xi32, #tpu.memory_space<vmem>>
        %dma_start3A_583 = tpu.memref_squeeze %dma_start3A_582 : memref<1x128xi32, #tpu.memory_space<vmem>> -> memref<128xi32, #tpu.memory_space<vmem>>
        %dma_start3A_584 = arith.constant 0 : i32
        %dma_start3A_585 = arith.constant 0 : i32
        %dma_start3A_586 = tpu.memref_slice %arg2[%dma_start3A_584, %dma_start3A_585] : memref<10240x16xf32, #tpu.memory_space<hbm>> -> memref<10240x16xf32, #tpu.memory_space<hbm>>
        %dma_start3A_587 = tpu.memref_slice %arg11[%dma_start3A_576] : memref<8x!tpu.dma_semaphore, #tpu.memory_space<semaphore_mem>> -> memref<1x!tpu.dma_semaphore, #tpu.memory_space<semaphore_mem>>
        %dma_start3A_588 = tpu.memref_squeeze %dma_start3A_587 : memref<1x!tpu.dma_semaphore, #tpu.memory_space<semaphore_mem>> -> memref<!tpu.dma_semaphore, #tpu.memory_space<semaphore_mem>>
        tpu.enqueue_indirect_dma source(%dma_start3A_586 : memref<10240x16xf32, #tpu.memory_space<hbm>>) target(%dma_start3A_580 : memref<128x16xf32, #tpu.memory_space<vmem>>) offsets(%dma_start3A_583 : memref<128xi32, #tpu.memory_space<vmem>>) semaphore(%dma_start3A_588 : memref<!tpu.dma_semaphore, #tpu.memory_space<semaphore_mem>>)
      } else {
      }
      %add3A_481 = arith.constant 4 : i32
      %add3A_482 = arith.addi %mul3A_149, %add3A_481 : i32
      %dma_wait3A_483 = arith.constant 4 : i32
      %dma_wait3A_484 = arith.constant 4 : i32
      %dma_wait3A_485 = arith.constant 0 : i32
      %dma_wait3A_486 = arith.constant 0 : i32
      %dma_wait3A_487 = tpu.memref_slice %arg9[%dma_wait3A_483, %dma_wait3A_485, %dma_wait3A_486] : memref<8x128x16xf32, #tpu.memory_space<vmem>> -> memref<1x128x16xf32, #tpu.memory_space<vmem>>
      %dma_wait3A_488 = tpu.memref_squeeze %dma_wait3A_487 : memref<1x128x16xf32, #tpu.memory_space<vmem>> -> memref<128x16xf32, #tpu.memory_space<vmem>>
      %dma_wait3A_489 = arith.constant 0 : i32
      %dma_wait3A_490 = tpu.memref_slice %arg8[%add3A_482, %dma_wait3A_489] : memref<80x128xi32, #tpu.memory_space<vmem>> -> memref<1x128xi32, #tpu.memory_space<vmem>>
      %dma_wait3A_491 = tpu.memref_squeeze %dma_wait3A_490 : memref<1x128xi32, #tpu.memory_space<vmem>> -> memref<128xi32, #tpu.memory_space<vmem>>
      %dma_wait3A_492 = arith.constant 0 : i32
      %dma_wait3A_493 = arith.constant 0 : i32
      %dma_wait3A_494 = tpu.memref_slice %arg10[%dma_wait3A_492, %dma_wait3A_493] : memref<10240x16xf32, #tpu.memory_space<vmem_shared>> -> memref<10240x16xf32, #tpu.memory_space<vmem_shared>>
      %dma_wait3A_495 = tpu.memref_slice %arg12[%dma_wait3A_484] : memref<8x!tpu.dma_semaphore, #tpu.memory_space<semaphore_mem>> -> memref<1x!tpu.dma_semaphore, #tpu.memory_space<semaphore_mem>>
      %dma_wait3A_496 = tpu.memref_squeeze %dma_wait3A_495 : memref<1x!tpu.dma_semaphore, #tpu.memory_space<semaphore_mem>> -> memref<!tpu.dma_semaphore, #tpu.memory_space<semaphore_mem>>
      tpu.wait_indirect_dma semaphore(%dma_wait3A_496 : memref<!tpu.dma_semaphore, #tpu.memory_space<semaphore_mem>>) src(%dma_wait3A_488 : memref<128x16xf32, #tpu.memory_space<vmem>>) dst(%dma_wait3A_494 : memref<10240x16xf32, #tpu.memory_space<vmem_shared>>)
      %add3A_497 = arith.constant 1 : i32
      %add3A_498 = arith.addi %add3A_147, %add3A_497 : i32
      %lt3A_499 = arith.constant 10 : i32
      %lt3A_500 = arith.cmpi slt, %add3A_498, %lt3A_499 : i32
      %convert_element_type3A_501 = arith.extui %lt3A_500 : i1 to i32
      %cond3A_502 = arith.constant 0 : i32
      %cond3A_503 = arith.cmpi ne, %convert_element_type3A_501, %cond3A_502 : i32
      scf.if %cond3A_503 {
        %add3A_573 = arith.constant 8 : i32
        %add3A_574 = arith.addi %add3A_482, %add3A_573 : i32
        %dma_start3A_575 = arith.constant 4 : i32
        %dma_start3A_576 = arith.constant 4 : i32
        %dma_start3A_577 = arith.constant 0 : i32
        %dma_start3A_578 = arith.constant 0 : i32
        %dma_start3A_579 = tpu.memref_slice %arg9[%dma_start3A_575, %dma_start3A_577, %dma_start3A_578] : memref<8x128x16xf32, #tpu.memory_space<vmem>> -> memref<1x128x16xf32, #tpu.memory_space<vmem>>
        %dma_start3A_580 = tpu.memref_squeeze %dma_start3A_579 : memref<1x128x16xf32, #tpu.memory_space<vmem>> -> memref<128x16xf32, #tpu.memory_space<vmem>>
        %dma_start3A_581 = arith.constant 0 : i32
        %dma_start3A_582 = tpu.memref_slice %arg7[%add3A_574, %dma_start3A_581] : memref<80x128xi32, #tpu.memory_space<vmem>> -> memref<1x128xi32, #tpu.memory_space<vmem>>
        %dma_start3A_583 = tpu.memref_squeeze %dma_start3A_582 : memref<1x128xi32, #tpu.memory_space<vmem>> -> memref<128xi32, #tpu.memory_space<vmem>>
        %dma_start3A_584 = arith.constant 0 : i32
        %dma_start3A_585 = arith.constant 0 : i32
        %dma_start3A_586 = tpu.memref_slice %arg2[%dma_start3A_584, %dma_start3A_585] : memref<10240x16xf32, #tpu.memory_space<hbm>> -> memref<10240x16xf32, #tpu.memory_space<hbm>>
        %dma_start3A_587 = tpu.memref_slice %arg11[%dma_start3A_576] : memref<8x!tpu.dma_semaphore, #tpu.memory_space<semaphore_mem>> -> memref<1x!tpu.dma_semaphore, #tpu.memory_space<semaphore_mem>>
        %dma_start3A_588 = tpu.memref_squeeze %dma_start3A_587 : memref<1x!tpu.dma_semaphore, #tpu.memory_space<semaphore_mem>> -> memref<!tpu.dma_semaphore, #tpu.memory_space<semaphore_mem>>
        tpu.enqueue_indirect_dma source(%dma_start3A_586 : memref<10240x16xf32, #tpu.memory_space<hbm>>) target(%dma_start3A_580 : memref<128x16xf32, #tpu.memory_space<vmem>>) offsets(%dma_start3A_583 : memref<128xi32, #tpu.memory_space<vmem>>) semaphore(%dma_start3A_588 : memref<!tpu.dma_semaphore, #tpu.memory_space<semaphore_mem>>)
      } else {
      }
      %add3A_504 = arith.constant 5 : i32
      %add3A_505 = arith.addi %mul3A_149, %add3A_504 : i32
      %dma_wait3A_506 = arith.constant 5 : i32
      %dma_wait3A_507 = arith.constant 5 : i32
      %dma_wait3A_508 = arith.constant 0 : i32
      %dma_wait3A_509 = arith.constant 0 : i32
      %dma_wait3A_510 = tpu.memref_slice %arg9[%dma_wait3A_506, %dma_wait3A_508, %dma_wait3A_509] : memref<8x128x16xf32, #tpu.memory_space<vmem>> -> memref<1x128x16xf32, #tpu.memory_space<vmem>>
      %dma_wait3A_511 = tpu.memref_squeeze %dma_wait3A_510 : memref<1x128x16xf32, #tpu.memory_space<vmem>> -> memref<128x16xf32, #tpu.memory_space<vmem>>
      %dma_wait3A_512 = arith.constant 0 : i32
      %dma_wait3A_513 = tpu.memref_slice %arg8[%add3A_505, %dma_wait3A_512] : memref<80x128xi32, #tpu.memory_space<vmem>> -> memref<1x128xi32, #tpu.memory_space<vmem>>
      %dma_wait3A_514 = tpu.memref_squeeze %dma_wait3A_513 : memref<1x128xi32, #tpu.memory_space<vmem>> -> memref<128xi32, #tpu.memory_space<vmem>>
      %dma_wait3A_515 = arith.constant 0 : i32
      %dma_wait3A_516 = arith.constant 0 : i32
      %dma_wait3A_517 = tpu.memref_slice %arg10[%dma_wait3A_515, %dma_wait3A_516] : memref<10240x16xf32, #tpu.memory_space<vmem_shared>> -> memref<10240x16xf32, #tpu.memory_space<vmem_shared>>
      %dma_wait3A_518 = tpu.memref_slice %arg12[%dma_wait3A_507] : memref<8x!tpu.dma_semaphore, #tpu.memory_space<semaphore_mem>> -> memref<1x!tpu.dma_semaphore, #tpu.memory_space<semaphore_mem>>
      %dma_wait3A_519 = tpu.memref_squeeze %dma_wait3A_518 : memref<1x!tpu.dma_semaphore, #tpu.memory_space<semaphore_mem>> -> memref<!tpu.dma_semaphore, #tpu.memory_space<semaphore_mem>>
      tpu.wait_indirect_dma semaphore(%dma_wait3A_519 : memref<!tpu.dma_semaphore, #tpu.memory_space<semaphore_mem>>) src(%dma_wait3A_511 : memref<128x16xf32, #tpu.memory_space<vmem>>) dst(%dma_wait3A_517 : memref<10240x16xf32, #tpu.memory_space<vmem_shared>>)
      %add3A_520 = arith.constant 1 : i32
      %add3A_521 = arith.addi %add3A_147, %add3A_520 : i32
      %lt3A_522 = arith.constant 10 : i32
      %lt3A_523 = arith.cmpi slt, %add3A_521, %lt3A_522 : i32
      %convert_element_type3A_524 = arith.extui %lt3A_523 : i1 to i32
      %cond3A_525 = arith.constant 0 : i32
      %cond3A_526 = arith.cmpi ne, %convert_element_type3A_524, %cond3A_525 : i32
      scf.if %cond3A_526 {
        %add3A_573 = arith.constant 8 : i32
        %add3A_574 = arith.addi %add3A_505, %add3A_573 : i32
        %dma_start3A_575 = arith.constant 5 : i32
        %dma_start3A_576 = arith.constant 5 : i32
        %dma_start3A_577 = arith.constant 0 : i32
        %dma_start3A_578 = arith.constant 0 : i32
        %dma_start3A_579 = tpu.memref_slice %arg9[%dma_start3A_575, %dma_start3A_577, %dma_start3A_578] : memref<8x128x16xf32, #tpu.memory_space<vmem>> -> memref<1x128x16xf32, #tpu.memory_space<vmem>>
        %dma_start3A_580 = tpu.memref_squeeze %dma_start3A_579 : memref<1x128x16xf32, #tpu.memory_space<vmem>> -> memref<128x16xf32, #tpu.memory_space<vmem>>
        %dma_start3A_581 = arith.constant 0 : i32
        %dma_start3A_582 = tpu.memref_slice %arg7[%add3A_574, %dma_start3A_581] : memref<80x128xi32, #tpu.memory_space<vmem>> -> memref<1x128xi32, #tpu.memory_space<vmem>>
        %dma_start3A_583 = tpu.memref_squeeze %dma_start3A_582 : memref<1x128xi32, #tpu.memory_space<vmem>> -> memref<128xi32, #tpu.memory_space<vmem>>
        %dma_start3A_584 = arith.constant 0 : i32
        %dma_start3A_585 = arith.constant 0 : i32
        %dma_start3A_586 = tpu.memref_slice %arg2[%dma_start3A_584, %dma_start3A_585] : memref<10240x16xf32, #tpu.memory_space<hbm>> -> memref<10240x16xf32, #tpu.memory_space<hbm>>
        %dma_start3A_587 = tpu.memref_slice %arg11[%dma_start3A_576] : memref<8x!tpu.dma_semaphore, #tpu.memory_space<semaphore_mem>> -> memref<1x!tpu.dma_semaphore, #tpu.memory_space<semaphore_mem>>
        %dma_start3A_588 = tpu.memref_squeeze %dma_start3A_587 : memref<1x!tpu.dma_semaphore, #tpu.memory_space<semaphore_mem>> -> memref<!tpu.dma_semaphore, #tpu.memory_space<semaphore_mem>>
        tpu.enqueue_indirect_dma source(%dma_start3A_586 : memref<10240x16xf32, #tpu.memory_space<hbm>>) target(%dma_start3A_580 : memref<128x16xf32, #tpu.memory_space<vmem>>) offsets(%dma_start3A_583 : memref<128xi32, #tpu.memory_space<vmem>>) semaphore(%dma_start3A_588 : memref<!tpu.dma_semaphore, #tpu.memory_space<semaphore_mem>>)
      } else {
      }
      %add3A_527 = arith.constant 6 : i32
      %add3A_528 = arith.addi %mul3A_149, %add3A_527 : i32
      %dma_wait3A_529 = arith.constant 6 : i32
      %dma_wait3A_530 = arith.constant 6 : i32
      %dma_wait3A_531 = arith.constant 0 : i32
      %dma_wait3A_532 = arith.constant 0 : i32
      %dma_wait3A_533 = tpu.memref_slice %arg9[%dma_wait3A_529, %dma_wait3A_531, %dma_wait3A_532] : memref<8x128x16xf32, #tpu.memory_space<vmem>> -> memref<1x128x16xf32, #tpu.memory_space<vmem>>
      %dma_wait3A_534 = tpu.memref_squeeze %dma_wait3A_533 : memref<1x128x16xf32, #tpu.memory_space<vmem>> -> memref<128x16xf32, #tpu.memory_space<vmem>>
      %dma_wait3A_535 = arith.constant 0 : i32
      %dma_wait3A_536 = tpu.memref_slice %arg8[%add3A_528, %dma_wait3A_535] : memref<80x128xi32, #tpu.memory_space<vmem>> -> memref<1x128xi32, #tpu.memory_space<vmem>>
      %dma_wait3A_537 = tpu.memref_squeeze %dma_wait3A_536 : memref<1x128xi32, #tpu.memory_space<vmem>> -> memref<128xi32, #tpu.memory_space<vmem>>
      %dma_wait3A_538 = arith.constant 0 : i32
      %dma_wait3A_539 = arith.constant 0 : i32
      %dma_wait3A_540 = tpu.memref_slice %arg10[%dma_wait3A_538, %dma_wait3A_539] : memref<10240x16xf32, #tpu.memory_space<vmem_shared>> -> memref<10240x16xf32, #tpu.memory_space<vmem_shared>>
      %dma_wait3A_541 = tpu.memref_slice %arg12[%dma_wait3A_530] : memref<8x!tpu.dma_semaphore, #tpu.memory_space<semaphore_mem>> -> memref<1x!tpu.dma_semaphore, #tpu.memory_space<semaphore_mem>>
      %dma_wait3A_542 = tpu.memref_squeeze %dma_wait3A_541 : memref<1x!tpu.dma_semaphore, #tpu.memory_space<semaphore_mem>> -> memref<!tpu.dma_semaphore, #tpu.memory_space<semaphore_mem>>
      tpu.wait_indirect_dma semaphore(%dma_wait3A_542 : memref<!tpu.dma_semaphore, #tpu.memory_space<semaphore_mem>>) src(%dma_wait3A_534 : memref<128x16xf32, #tpu.memory_space<vmem>>) dst(%dma_wait3A_540 : memref<10240x16xf32, #tpu.memory_space<vmem_shared>>)
      %add3A_543 = arith.constant 1 : i32
      %add3A_544 = arith.addi %add3A_147, %add3A_543 : i32
      %lt3A_545 = arith.constant 10 : i32
      %lt3A_546 = arith.cmpi slt, %add3A_544, %lt3A_545 : i32
      %convert_element_type3A_547 = arith.extui %lt3A_546 : i1 to i32
      %cond3A_548 = arith.constant 0 : i32
      %cond3A_549 = arith.cmpi ne, %convert_element_type3A_547, %cond3A_548 : i32
      scf.if %cond3A_549 {
        %add3A_573 = arith.constant 8 : i32
        %add3A_574 = arith.addi %add3A_528, %add3A_573 : i32
        %dma_start3A_575 = arith.constant 6 : i32
        %dma_start3A_576 = arith.constant 6 : i32
        %dma_start3A_577 = arith.constant 0 : i32
        %dma_start3A_578 = arith.constant 0 : i32
        %dma_start3A_579 = tpu.memref_slice %arg9[%dma_start3A_575, %dma_start3A_577, %dma_start3A_578] : memref<8x128x16xf32, #tpu.memory_space<vmem>> -> memref<1x128x16xf32, #tpu.memory_space<vmem>>
        %dma_start3A_580 = tpu.memref_squeeze %dma_start3A_579 : memref<1x128x16xf32, #tpu.memory_space<vmem>> -> memref<128x16xf32, #tpu.memory_space<vmem>>
        %dma_start3A_581 = arith.constant 0 : i32
        %dma_start3A_582 = tpu.memref_slice %arg7[%add3A_574, %dma_start3A_581] : memref<80x128xi32, #tpu.memory_space<vmem>> -> memref<1x128xi32, #tpu.memory_space<vmem>>
        %dma_start3A_583 = tpu.memref_squeeze %dma_start3A_582 : memref<1x128xi32, #tpu.memory_space<vmem>> -> memref<128xi32, #tpu.memory_space<vmem>>
        %dma_start3A_584 = arith.constant 0 : i32
        %dma_start3A_585 = arith.constant 0 : i32
        %dma_start3A_586 = tpu.memref_slice %arg2[%dma_start3A_584, %dma_start3A_585] : memref<10240x16xf32, #tpu.memory_space<hbm>> -> memref<10240x16xf32, #tpu.memory_space<hbm>>
        %dma_start3A_587 = tpu.memref_slice %arg11[%dma_start3A_576] : memref<8x!tpu.dma_semaphore, #tpu.memory_space<semaphore_mem>> -> memref<1x!tpu.dma_semaphore, #tpu.memory_space<semaphore_mem>>
        %dma_start3A_588 = tpu.memref_squeeze %dma_start3A_587 : memref<1x!tpu.dma_semaphore, #tpu.memory_space<semaphore_mem>> -> memref<!tpu.dma_semaphore, #tpu.memory_space<semaphore_mem>>
        tpu.enqueue_indirect_dma source(%dma_start3A_586 : memref<10240x16xf32, #tpu.memory_space<hbm>>) target(%dma_start3A_580 : memref<128x16xf32, #tpu.memory_space<vmem>>) offsets(%dma_start3A_583 : memref<128xi32, #tpu.memory_space<vmem>>) semaphore(%dma_start3A_588 : memref<!tpu.dma_semaphore, #tpu.memory_space<semaphore_mem>>)
      } else {
      }
      %add3A_550 = arith.constant 7 : i32
      %add3A_551 = arith.addi %mul3A_149, %add3A_550 : i32
      %dma_wait3A_552 = arith.constant 7 : i32
      %dma_wait3A_553 = arith.constant 7 : i32
      %dma_wait3A_554 = arith.constant 0 : i32
      %dma_wait3A_555 = arith.constant 0 : i32
      %dma_wait3A_556 = tpu.memref_slice %arg9[%dma_wait3A_552, %dma_wait3A_554, %dma_wait3A_555] : memref<8x128x16xf32, #tpu.memory_space<vmem>> -> memref<1x128x16xf32, #tpu.memory_space<vmem>>
      %dma_wait3A_557 = tpu.memref_squeeze %dma_wait3A_556 : memref<1x128x16xf32, #tpu.memory_space<vmem>> -> memref<128x16xf32, #tpu.memory_space<vmem>>
      %dma_wait3A_558 = arith.constant 0 : i32
      %dma_wait3A_559 = tpu.memref_slice %arg8[%add3A_551, %dma_wait3A_558] : memref<80x128xi32, #tpu.memory_space<vmem>> -> memref<1x128xi32, #tpu.memory_space<vmem>>
      %dma_wait3A_560 = tpu.memref_squeeze %dma_wait3A_559 : memref<1x128xi32, #tpu.memory_space<vmem>> -> memref<128xi32, #tpu.memory_space<vmem>>
      %dma_wait3A_561 = arith.constant 0 : i32
      %dma_wait3A_562 = arith.constant 0 : i32
      %dma_wait3A_563 = tpu.memref_slice %arg10[%dma_wait3A_561, %dma_wait3A_562] : memref<10240x16xf32, #tpu.memory_space<vmem_shared>> -> memref<10240x16xf32, #tpu.memory_space<vmem_shared>>
      %dma_wait3A_564 = tpu.memref_slice %arg12[%dma_wait3A_553] : memref<8x!tpu.dma_semaphore, #tpu.memory_space<semaphore_mem>> -> memref<1x!tpu.dma_semaphore, #tpu.memory_space<semaphore_mem>>
      %dma_wait3A_565 = tpu.memref_squeeze %dma_wait3A_564 : memref<1x!tpu.dma_semaphore, #tpu.memory_space<semaphore_mem>> -> memref<!tpu.dma_semaphore, #tpu.memory_space<semaphore_mem>>
      tpu.wait_indirect_dma semaphore(%dma_wait3A_565 : memref<!tpu.dma_semaphore, #tpu.memory_space<semaphore_mem>>) src(%dma_wait3A_557 : memref<128x16xf32, #tpu.memory_space<vmem>>) dst(%dma_wait3A_563 : memref<10240x16xf32, #tpu.memory_space<vmem_shared>>)
      %add3A_566 = arith.constant 1 : i32
      %add3A_567 = arith.addi %add3A_147, %add3A_566 : i32
      %lt3A_568 = arith.constant 10 : i32
      %lt3A_569 = arith.cmpi slt, %add3A_567, %lt3A_568 : i32
      %convert_element_type3A_570 = arith.extui %lt3A_569 : i1 to i32
      %cond3A_571 = arith.constant 0 : i32
      %cond3A_572 = arith.cmpi ne, %convert_element_type3A_570, %cond3A_571 : i32
      scf.if %cond3A_572 {
        %add3A_573 = arith.constant 8 : i32
        %add3A_574 = arith.addi %add3A_551, %add3A_573 : i32
        %dma_start3A_575 = arith.constant 7 : i32
        %dma_start3A_576 = arith.constant 7 : i32
        %dma_start3A_577 = arith.constant 0 : i32
        %dma_start3A_578 = arith.constant 0 : i32
        %dma_start3A_579 = tpu.memref_slice %arg9[%dma_start3A_575, %dma_start3A_577, %dma_start3A_578] : memref<8x128x16xf32, #tpu.memory_space<vmem>> -> memref<1x128x16xf32, #tpu.memory_space<vmem>>
        %dma_start3A_580 = tpu.memref_squeeze %dma_start3A_579 : memref<1x128x16xf32, #tpu.memory_space<vmem>> -> memref<128x16xf32, #tpu.memory_space<vmem>>
        %dma_start3A_581 = arith.constant 0 : i32
        %dma_start3A_582 = tpu.memref_slice %arg7[%add3A_574, %dma_start3A_581] : memref<80x128xi32, #tpu.memory_space<vmem>> -> memref<1x128xi32, #tpu.memory_space<vmem>>
        %dma_start3A_583 = tpu.memref_squeeze %dma_start3A_582 : memref<1x128xi32, #tpu.memory_space<vmem>> -> memref<128xi32, #tpu.memory_space<vmem>>
        %dma_start3A_584 = arith.constant 0 : i32
        %dma_start3A_585 = arith.constant 0 : i32
        %dma_start3A_586 = tpu.memref_slice %arg2[%dma_start3A_584, %dma_start3A_585] : memref<10240x16xf32, #tpu.memory_space<hbm>> -> memref<10240x16xf32, #tpu.memory_space<hbm>>
        %dma_start3A_587 = tpu.memref_slice %arg11[%dma_start3A_576] : memref<8x!tpu.dma_semaphore, #tpu.memory_space<semaphore_mem>> -> memref<1x!tpu.dma_semaphore, #tpu.memory_space<semaphore_mem>>
        %dma_start3A_588 = tpu.memref_squeeze %dma_start3A_587 : memref<1x!tpu.dma_semaphore, #tpu.memory_space<semaphore_mem>> -> memref<!tpu.dma_semaphore, #tpu.memory_space<semaphore_mem>>
        tpu.enqueue_indirect_dma source(%dma_start3A_586 : memref<10240x16xf32, #tpu.memory_space<hbm>>) target(%dma_start3A_580 : memref<128x16xf32, #tpu.memory_space<vmem>>) offsets(%dma_start3A_583 : memref<128xi32, #tpu.memory_space<vmem>>) semaphore(%dma_start3A_588 : memref<!tpu.dma_semaphore, #tpu.memory_space<semaphore_mem>>)
      } else {
      }
    }
    %scan3A_141 = arith.constant 10 : i32
    %barrier3A_142 = arith.constant 0 : index
    tpu.barrier barrier_id(%barrier3A_142)
    "tpu.region"() ({
      %run_scoped3A = tpu.sem_alloc : memref<!tpu.dma_semaphore, #tpu.memory_space<semaphore_mem>>
      %dma_start3A_143 = arith.constant 0 : i32
      %dma_start3A_144 = tpu.memref_slice %arg6[%arg0, %mul3A_2, %dma_start3A_143] : memref<2x10240x16xf32, #tpu.memory_space<hbm>> -> memref<1x640x16xf32, #tpu.memory_space<hbm>>
      %dma_start3A_145 = tpu.memref_squeeze %dma_start3A_144 : memref<1x640x16xf32, #tpu.memory_space<hbm>> -> memref<640x16xf32, #tpu.memory_space<hbm>>
      %dma_start3A_146 = arith.constant 0 : i32
      %dma_start3A_147 = tpu.memref_slice %arg10[%mul3A_2, %dma_start3A_146] : memref<10240x16xf32, #tpu.memory_space<vmem_shared>> -> memref<640x16xf32, #tpu.memory_space<vmem_shared>>
      tpu.enqueue_dma source(%dma_start3A_147 : memref<640x16xf32, #tpu.memory_space<vmem_shared>>) target(%dma_start3A_145 : memref<640x16xf32, #tpu.memory_space<hbm>>) target_semaphore(%run_scoped3A : memref<!tpu.dma_semaphore, #tpu.memory_space<semaphore_mem>>)
      %dma_wait3A = arith.constant 0 : i32
      %dma_wait3A_148 = tpu.memref_slice %arg6[%arg0, %mul3A_2, %dma_wait3A] : memref<2x10240x16xf32, #tpu.memory_space<hbm>> -> memref<1x640x16xf32, #tpu.memory_space<hbm>>
      %dma_wait3A_149 = tpu.memref_squeeze %dma_wait3A_148 : memref<1x640x16xf32, #tpu.memory_space<hbm>> -> memref<640x16xf32, #tpu.memory_space<hbm>>
      %dma_wait3A_150 = arith.constant 0 : i32
      %dma_wait3A_151 = tpu.memref_slice %arg10[%mul3A_2, %dma_wait3A_150] : memref<10240x16xf32, #tpu.memory_space<vmem_shared>> -> memref<640x16xf32, #tpu.memory_space<vmem_shared>>
      tpu.wait_dma2 semaphore(%run_scoped3A : memref<!tpu.dma_semaphore, #tpu.memory_space<semaphore_mem>>) src(%dma_wait3A_151 : memref<640x16xf32, #tpu.memory_space<vmem_shared>>) dst(%dma_wait3A_149 : memref<640x16xf32, #tpu.memory_space<hbm>>)
      tpu.yield
    }) : () -> ()
    return
  }
}

module attributes {stable_mosaic.version = 14 : i64} {
  func.func @body(%arg0: i32, %arg1: memref<640x1024xf32, #tpu.memory_space<vmem>>, %arg2: memref<1024x128xf32, #tpu.memory_space<vmem>>, %arg3: memref<640x128xf32, #tpu.memory_space<vmem>>) attributes {dimension_semantics = [#tpu.dimension_semantics<parallel>], iteration_bounds = array<i64: 2>, scalar_prefetch = 0 : i64, scratch_operands = 0 : i64, tpu.core_type = #tpu.core_type<tc>, window_params = [{transform_indices = @transform_0, window_bounds = array<i64: 640, 1024>}, {pipeline_mode = #tpu.pipeline_mode<synchronous>, transform_indices = @transform_1, window_bounds = array<i64: 1024, 128>}, {transform_indices = @transform_2, window_bounds = array<i64: 640, 128>}]} {
    %get3A = arith.constant 0 : index
    %get3A_0 = arith.constant 0 : index
    %get3A_1 = vector.load %arg1[%get3A, %get3A_0] : memref<640x1024xf32, #tpu.memory_space<vmem>>, vector<640x1024xf32>
    %get3A_2 = arith.constant 0 : index
    %get3A_3 = arith.constant 0 : index
    %get3A_4 = vector.load %arg2[%get3A_2, %get3A_3] : memref<1024x128xf32, #tpu.memory_space<vmem>>, vector<1024x128xf32>
    %dot_general3A = arith.constant dense<0.000000e+00> : vector<640x128xf32>
    %dot_general3A_5 = tpu.matmul %get3A_1, %get3A_4, %dot_general3A {dimension_numbers = #tpu.dot_dimension_numbers<[1], [0], [0], [1], [0, 0, 1, 1], [], []>, transpose_lhs_hint = false} : vector<640x1024xf32>, vector<1024x128xf32>, vector<640x128xf32> -> vector<640x128xf32>
    %swap3A = arith.constant 0 : index
    %swap3A_6 = arith.constant 0 : index
    %swap3A_7 = vector.load %arg3[%swap3A, %swap3A_6] : memref<640x128xf32, #tpu.memory_space<vmem>>, vector<640x128xf32>
    tpu.vector_store %arg3[%swap3A, %swap3A_6], %dot_general3A_5 {strides = array<i32>} : memref<640x128xf32, #tpu.memory_space<vmem>>, vector<640x128xf32>,
    return
  }
  func.func @transform_0(%arg0: i32) -> (i32, i32) {
    %c0_i32 = arith.constant 0 : i32
    %c0_i32_0 = arith.constant 0 : i32
    return %arg0, %c0_i32 : i32, i32
  }
  func.func @transform_1(%arg0: i32) -> (i32, i32) {
    %c0_i32 = arith.constant 0 : i32
    %c0_i32_0 = arith.constant 0 : i32
    %c0_i32_1 = arith.constant 0 : i32
    return %c0_i32, %c0_i32_0 : i32, i32
  }
  func.func @transform_2(%arg0: i32) -> (i32, i32) {
    %c0_i32 = arith.constant 0 : i32
    %c0_i32_0 = arith.constant 0 : i32
    return %arg0, %c0_i32 : i32, i32
  }
}

module attributes {stable_mosaic.version = 14 : i64} {
  func.func @body(%arg0: i32, %arg1: memref<640x128xf32, #tpu.memory_space<vmem>>, %arg2: memref<2x640x128xf32, #tpu.memory_space<vmem>>, %arg3: memref<640x128xf32, #tpu.memory_space<vmem>>, %arg4: memref<640x128xf32, #tpu.memory_space<vmem>>) attributes {dimension_semantics = [#tpu.dimension_semantics<parallel>], iteration_bounds = array<i64: 2>, scalar_prefetch = 0 : i64, scratch_operands = 0 : i64, tpu.core_type = #tpu.core_type<tc>, window_params = [{transform_indices = @transform_0, window_bounds = array<i64: 640, 128>}, {transform_indices = @transform_1, window_bounds = array<i64: 2, 640, 128>}, {transform_indices = @transform_2, window_bounds = array<i64: 640, 128>}, {transform_indices = @transform_3, window_bounds = array<i64: 640, 128>}]} {
    %get3A = arith.constant 0 : index
    %get3A_0 = arith.constant 0 : index
    %get3A_1 = arith.constant 0 : index
    %get3A_2 = vector.load %arg2[%get3A, %get3A_0, %get3A_1] : memref<2x640x128xf32, #tpu.memory_space<vmem>>, vector<1x640x128xf32>
    %get3A_3 = vector.shape_cast %get3A_2 : vector<1x640x128xf32> to vector<640x128xf32>
    %get3A_4 = arith.constant 1 : index
    %get3A_5 = arith.constant 0 : index
    %get3A_6 = arith.constant 0 : index
    %get3A_7 = vector.load %arg2[%get3A_4, %get3A_5, %get3A_6] : memref<2x640x128xf32, #tpu.memory_space<vmem>>, vector<1x640x128xf32>
    %get3A_8 = vector.shape_cast %get3A_7 : vector<1x640x128xf32> to vector<640x128xf32>
    %add3A = arith.addf %get3A_3, %get3A_8 : vector<640x128xf32>
    %add3A_9 = arith.constant 1.000000e+00 : f32
    %add3A_10 = vector.broadcast %add3A_9 : f32 to vector<640x128xf32>
    %add3A_11 = arith.addf %add3A, %add3A_10 : vector<640x128xf32>
    %rsqrt3A = math.rsqrt %add3A_11 : vector<640x128xf32>
    %swap3A = arith.constant 0 : index
    %swap3A_12 = arith.constant 0 : index
    %swap3A_13 = vector.load %arg3[%swap3A, %swap3A_12] : memref<640x128xf32, #tpu.memory_space<vmem>>, vector<640x128xf32>
    tpu.vector_store %arg3[%swap3A, %swap3A_12], %rsqrt3A {strides = array<i32>} : memref<640x128xf32, #tpu.memory_space<vmem>>, vector<640x128xf32>,
    %get3A_14 = arith.constant 0 : index
    %get3A_15 = arith.constant 0 : index
    %get3A_16 = vector.load %arg1[%get3A_14, %get3A_15] : memref<640x128xf32, #tpu.memory_space<vmem>>, vector<640x128xf32>
    %mul3A = arith.mulf %get3A_16, %rsqrt3A : vector<640x128xf32>
    %swap3A_17 = arith.constant 0 : index
    %swap3A_18 = arith.constant 0 : index
    %swap3A_19 = vector.load %arg4[%swap3A_17, %swap3A_18] : memref<640x128xf32, #tpu.memory_space<vmem>>, vector<640x128xf32>
    tpu.vector_store %arg4[%swap3A_17, %swap3A_18], %mul3A {strides = array<i32>} : memref<640x128xf32, #tpu.memory_space<vmem>>, vector<640x128xf32>,
    return
  }
  func.func @transform_0(%arg0: i32) -> (i32, i32) {
    %c0_i32 = arith.constant 0 : i32
    %c0_i32_0 = arith.constant 0 : i32
    return %arg0, %c0_i32 : i32, i32
  }
  func.func @transform_1(%arg0: i32) -> (i32, i32, i32) {
    %c0_i32 = arith.constant 0 : i32
    %c0_i32_0 = arith.constant 0 : i32
    %c0_i32_1 = arith.constant 0 : i32
    return %c0_i32, %arg0, %c0_i32_0 : i32, i32, i32
  }
  func.func @transform_2(%arg0: i32) -> (i32, i32) {
    %c0_i32 = arith.constant 0 : i32
    %c0_i32_0 = arith.constant 0 : i32
    return %arg0, %c0_i32 : i32, i32
  }
  func.func @transform_3(%arg0: i32) -> (i32, i32) {
    %c0_i32 = arith.constant 0 : i32
    %c0_i32_0 = arith.constant 0 : i32
    return %arg0, %c0_i32 : i32, i32
  }
}

module attributes {stable_mosaic.version = 14 : i64} {
  func.func @body(%arg0: i32, %arg1: memref<2x640x128xf32, #tpu.memory_space<vmem>>, %arg2: memref<640x128xf32, #tpu.memory_space<vmem>>, %arg3: memref<640x128xf32, #tpu.memory_space<vmem>>, %arg4: memref<1x128xf32, #tpu.memory_space<vmem>>, %arg5: memref<128x128xf32, #tpu.memory_space<vmem>>, %arg6: memref<640x128xf32, #tpu.memory_space<vmem>>) attributes {dimension_semantics = [#tpu.dimension_semantics<parallel>], iteration_bounds = array<i64: 2>, scalar_prefetch = 0 : i64, scratch_operands = 0 : i64, tpu.core_type = #tpu.core_type<tc>, window_params = [{transform_indices = @transform_0, window_bounds = array<i64: 2, 640, 128>}, {transform_indices = @transform_1, window_bounds = array<i64: 640, 128>}, {transform_indices = @transform_2, window_bounds = array<i64: 640, 128>}, {pipeline_mode = #tpu.pipeline_mode<synchronous>, transform_indices = @transform_3, window_bounds = array<i64: 1, 128>}, {pipeline_mode = #tpu.pipeline_mode<synchronous>, transform_indices = @transform_4, window_bounds = array<i64: 128, 128>}, {transform_indices = @transform_5, window_bounds = array<i64: 640, 128>}]} {
    %get3A = arith.constant 0 : index
    %get3A_0 = arith.constant 0 : index
    %get3A_1 = vector.load %arg3[%get3A, %get3A_0] : memref<640x128xf32, #tpu.memory_space<vmem>>, vector<640x128xf32>
    %get3A_2 = arith.constant 0 : index
    %get3A_3 = arith.constant 0 : index
    %get3A_4 = arith.constant 0 : index
    %get3A_5 = vector.load %arg1[%get3A_2, %get3A_3, %get3A_4] : memref<2x640x128xf32, #tpu.memory_space<vmem>>, vector<1x640x128xf32>
    %get3A_6 = vector.shape_cast %get3A_5 : vector<1x640x128xf32> to vector<640x128xf32>
    %get3A_7 = arith.constant 1 : index
    %get3A_8 = arith.constant 0 : index
    %get3A_9 = arith.constant 0 : index
    %get3A_10 = vector.load %arg1[%get3A_7, %get3A_8, %get3A_9] : memref<2x640x128xf32, #tpu.memory_space<vmem>>, vector<1x640x128xf32>
    %get3A_11 = vector.shape_cast %get3A_10 : vector<1x640x128xf32> to vector<640x128xf32>
    %add3A = arith.addf %get3A_6, %get3A_11 : vector<640x128xf32>
    %get3A_12 = arith.constant 0 : index
    %get3A_13 = arith.constant 0 : index
    %get3A_14 = vector.load %arg2[%get3A_12, %get3A_13] : memref<640x128xf32, #tpu.memory_space<vmem>>, vector<640x128xf32>
    %add3A_15 = arith.addf %add3A, %get3A_14 : vector<640x128xf32>
    %mul3A = arith.mulf %add3A_15, %get3A_1 : vector<640x128xf32>
    %get3A_16 = arith.constant 0 : index
    %get3A_17 = arith.constant 0 : index
    %get3A_18 = vector.load %arg4[%get3A_16, %get3A_17] : memref<1x128xf32, #tpu.memory_space<vmem>>, vector<1x128xf32>
    %add3A_19 = vector.broadcast %get3A_18 : vector<1x128xf32> to vector<640x128xf32>
    %add3A_20 = arith.addf %mul3A, %add3A_19 : vector<640x128xf32>
    %max3A = arith.constant 0.000000e+00 : f32
    %max3A_21 = vector.broadcast %max3A : f32 to vector<640x128xf32>
    %max3A_22 = arith.maximumf %add3A_20, %max3A_21 : vector<640x128xf32>
    %get3A_23 = arith.constant 0 : index
    %get3A_24 = arith.constant 0 : index
    %get3A_25 = vector.load %arg5[%get3A_23, %get3A_24] : memref<128x128xf32, #tpu.memory_space<vmem>>, vector<128x128xf32>
    %dot_general3A = arith.constant dense<0.000000e+00> : vector<640x128xf32>
    %dot_general3A_26 = tpu.matmul %max3A_22, %get3A_25, %dot_general3A {dimension_numbers = #tpu.dot_dimension_numbers<[1], [0], [0], [1], [0, 0, 1, 1], [], []>, transpose_lhs_hint = false} : vector<640x128xf32>, vector<128x128xf32>, vector<640x128xf32> -> vector<640x128xf32>
    %mul3A_27 = arith.mulf %dot_general3A_26, %get3A_1 : vector<640x128xf32>
    %swap3A = arith.constant 0 : index
    %swap3A_28 = arith.constant 0 : index
    %swap3A_29 = vector.load %arg6[%swap3A, %swap3A_28] : memref<640x128xf32, #tpu.memory_space<vmem>>, vector<640x128xf32>
    tpu.vector_store %arg6[%swap3A, %swap3A_28], %mul3A_27 {strides = array<i32>} : memref<640x128xf32, #tpu.memory_space<vmem>>, vector<640x128xf32>,
    return
  }
  func.func @transform_0(%arg0: i32) -> (i32, i32, i32) {
    %c0_i32 = arith.constant 0 : i32
    %c0_i32_0 = arith.constant 0 : i32
    %c0_i32_1 = arith.constant 0 : i32
    return %c0_i32, %arg0, %c0_i32_0 : i32, i32, i32
  }
  func.func @transform_1(%arg0: i32) -> (i32, i32) {
    %c0_i32 = arith.constant 0 : i32
    %c0_i32_0 = arith.constant 0 : i32
    return %arg0, %c0_i32 : i32, i32
  }
  func.func @transform_2(%arg0: i32) -> (i32, i32) {
    %c0_i32 = arith.constant 0 : i32
    %c0_i32_0 = arith.constant 0 : i32
    return %arg0, %c0_i32 : i32, i32
  }
  func.func @transform_3(%arg0: i32) -> (i32, i32) {
    %c0_i32 = arith.constant 0 : i32
    %c0_i32_0 = arith.constant 0 : i32
    %c0_i32_1 = arith.constant 0 : i32
    return %c0_i32, %c0_i32_0 : i32, i32
  }
  func.func @transform_4(%arg0: i32) -> (i32, i32) {
    %c0_i32 = arith.constant 0 : i32
    %c0_i32_0 = arith.constant 0 : i32
    %c0_i32_1 = arith.constant 0 : i32
    return %c0_i32, %c0_i32_0 : i32, i32
  }
  func.func @transform_5(%arg0: i32) -> (i32, i32) {
    %c0_i32 = arith.constant 0 : i32
    %c0_i32_0 = arith.constant 0 : i32
    return %arg0, %c0_i32 : i32, i32
  }
}

module attributes {stable_mosaic.version = 14 : i64} {
  func.func @body(%arg0: i32, %arg1: memref<2x640x128xf32, #tpu.memory_space<vmem>>, %arg2: memref<640x128xf32, #tpu.memory_space<vmem>>, %arg3: memref<640x128xf32, #tpu.memory_space<vmem>>, %arg4: memref<1x128xf32, #tpu.memory_space<vmem>>, %arg5: memref<640x128xf32, #tpu.memory_space<vmem>>) attributes {dimension_semantics = [#tpu.dimension_semantics<parallel>], iteration_bounds = array<i64: 2>, scalar_prefetch = 0 : i64, scratch_operands = 0 : i64, tpu.core_type = #tpu.core_type<tc>, window_params = [{transform_indices = @transform_0, window_bounds = array<i64: 2, 640, 128>}, {transform_indices = @transform_1, window_bounds = array<i64: 640, 128>}, {transform_indices = @transform_2, window_bounds = array<i64: 640, 128>}, {pipeline_mode = #tpu.pipeline_mode<synchronous>, transform_indices = @transform_3, window_bounds = array<i64: 1, 128>}, {transform_indices = @transform_4, window_bounds = array<i64: 640, 128>}]} {
    %get3A = arith.constant 0 : index
    %get3A_0 = arith.constant 0 : index
    %get3A_1 = arith.constant 0 : index
    %get3A_2 = vector.load %arg1[%get3A, %get3A_0, %get3A_1] : memref<2x640x128xf32, #tpu.memory_space<vmem>>, vector<1x640x128xf32>
    %get3A_3 = vector.shape_cast %get3A_2 : vector<1x640x128xf32> to vector<640x128xf32>
    %get3A_4 = arith.constant 1 : index
    %get3A_5 = arith.constant 0 : index
    %get3A_6 = arith.constant 0 : index
    %get3A_7 = vector.load %arg1[%get3A_4, %get3A_5, %get3A_6] : memref<2x640x128xf32, #tpu.memory_space<vmem>>, vector<1x640x128xf32>
    %get3A_8 = vector.shape_cast %get3A_7 : vector<1x640x128xf32> to vector<640x128xf32>
    %add3A = arith.addf %get3A_3, %get3A_8 : vector<640x128xf32>
    %get3A_9 = arith.constant 0 : index
    %get3A_10 = arith.constant 0 : index
    %get3A_11 = vector.load %arg2[%get3A_9, %get3A_10] : memref<640x128xf32, #tpu.memory_space<vmem>>, vector<640x128xf32>
    %add3A_12 = arith.addf %add3A, %get3A_11 : vector<640x128xf32>
    %get3A_13 = arith.constant 0 : index
    %get3A_14 = arith.constant 0 : index
    %get3A_15 = vector.load %arg3[%get3A_13, %get3A_14] : memref<640x128xf32, #tpu.memory_space<vmem>>, vector<640x128xf32>
    %mul3A = arith.mulf %add3A_12, %get3A_15 : vector<640x128xf32>
    %get3A_16 = arith.constant 0 : index
    %get3A_17 = arith.constant 0 : index
    %get3A_18 = vector.load %arg4[%get3A_16, %get3A_17] : memref<1x128xf32, #tpu.memory_space<vmem>>, vector<1x128xf32>
    %add3A_19 = vector.broadcast %get3A_18 : vector<1x128xf32> to vector<640x128xf32>
    %add3A_20 = arith.addf %mul3A, %add3A_19 : vector<640x128xf32>
    %swap3A = arith.constant 0 : index
    %swap3A_21 = arith.constant 0 : index
    %swap3A_22 = vector.load %arg5[%swap3A, %swap3A_21] : memref<640x128xf32, #tpu.memory_space<vmem>>, vector<640x128xf32>
    tpu.vector_store %arg5[%swap3A, %swap3A_21], %add3A_20 {strides = array<i32>} : memref<640x128xf32, #tpu.memory_space<vmem>>, vector<640x128xf32>,
    return
  }
  func.func @transform_0(%arg0: i32) -> (i32, i32, i32) {
    %c0_i32 = arith.constant 0 : i32
    %c0_i32_0 = arith.constant 0 : i32
    %c0_i32_1 = arith.constant 0 : i32
    return %c0_i32, %arg0, %c0_i32_0 : i32, i32, i32
  }
  func.func @transform_1(%arg0: i32) -> (i32, i32) {
    %c0_i32 = arith.constant 0 : i32
    %c0_i32_0 = arith.constant 0 : i32
    return %arg0, %c0_i32 : i32, i32
  }
  func.func @transform_2(%arg0: i32) -> (i32, i32) {
    %c0_i32 = arith.constant 0 : i32
    %c0_i32_0 = arith.constant 0 : i32
    return %arg0, %c0_i32 : i32, i32
  }
  func.func @transform_3(%arg0: i32) -> (i32, i32) {
    %c0_i32 = arith.constant 0 : i32
    %c0_i32_0 = arith.constant 0 : i32
    %c0_i32_1 = arith.constant 0 : i32
    return %c0_i32, %c0_i32_0 : i32, i32
  }
  func.func @transform_4(%arg0: i32) -> (i32, i32) {
    %c0_i32 = arith.constant 0 : i32
    %c0_i32_0 = arith.constant 0 : i32
    return %arg0, %c0_i32 : i32, i32
  }
}

</mosaic_0001>

<sc_bundles>
// kernel: kernel.12.cloned.1.call-start
scs
__scs_entry_jumppad:
0x0: {  	(pc) =	sbr.rel $0x88, $3  }
0x1: {  	(tag) =	ssettag $0x0;
	lr =	simm.s32 $0x1  }
0x2: {  	[smem:$0x3F9B] =	sst lr;
	_ =	strace $0xD0000000  }
0x3: {  	_ = 	snop  }
0x4: {  	_ = 	snop  }
0x5: {  	_ = 	snop  }
0x6: {  	_ = 	snop  }
0x7: {  	_ = 	snop  }
__scs_overlays_trampoline_lowered:
0x8: {  	[smem:$0x3FAA] =	sst s0  }
0x9: {  	[smem:$0x3FAB] =	sst s1  }
0xa: {  	[smem:$0x3FAC] =	sst s2  }
0xb: {  	[smem:$0x3FAD] =	sst s3  }
0xc: {  	[smem:$0x3FAE] =	sst s4  }
0xd: {  	[smem:$0x3FAF] =	sst s5  }
0xe: {  	[smem:$0x3FB0] =	sst s6  }
0xf: {  	[smem:$0x3FB1] =	sst s7  }
0x10: {  	[smem:$0x3FB2] =	sst s8  }
0x11: {  	[smem:$0x3FB3] =	sst s9;
	s0 =	simm.s32 @!p0 $0x0  }
0x12: {  	s1 =	sld [smem:$0x3F99];
	s0 =	simm.s32 @p0 $0x1  }
0x13: {  	[smem:$0x3FB4] =	sst s0;
	s0 =	simm.s32 @!p1 $0x0  }
0x14: {  	s2 =	sld [smem:$0x3F98];
	s0 =	simm.s32 @p1 $0x1  }
0x15: {  	[smem:$0x3FB5] =	sst s0;
	s0 =	simm.s32 @!p2 $0x0  }
0x16: {  	s3 =	sld [smem:$0x3FDB];
	s0 =	simm.s32 @p2 $0x1  }
0x17: {  	s4 =	simm.s32 $0x1BF5;
	[smem:$0x3FB7] =	sst s0  }
0x18: {  	s0 =	sld [smem:$0x3F9A];
	_ =	swait.ge [sflag:s4], $0x0  }
0x19: {  	s7 =	sld [smem:$0x3F9B]  }
0x1a: {  	s8 =	sadd.s32 $0xFFFFE003, lr  }
0x1b: {  	s9 =	sadd.s32 $0xFFFFFEF7, lr;
	s5 =	simm.s32 $0xFFFFFFFF;
	p2 =	slt.u32 s8, $0xFFFFF086  }
0x1c: {  	p1 =	slt.u32 s9, $0xF7A;
	s5 =	simm.s32 @!p2 $0x0  }
0x1d: {  	s5 =	simm.s32 @p1 $0x1;
	p0 =	seq.s32 s7, s2  }
0x1e: {  	s7 =	smul.u32 @!p0 $0xF7A, s2;
	p2 =	seq.s32 @!p0 s5, $0x0  }
0x1f: {  	s9 =	smul.u32 $0xF7A, s1;
	s8 =	simm.s32 @!p0 $0x1BF5;
	p2 =	por !p2, p0  }
0x20: {  	[sflag:s8] =	ssyncset.s32 @!p0 $0xFFFFF086;
	s6 =	sadd.s32 @!p0 s3, s7;
	s7 =	simm.s32 @!p0 $0x108  }
0x21: {  	s3 =	sadd.s32 s3, s9;
	s6 =	sadd.s32 @!p0 $0x88, s6;
	s7 =	simm.s32 @p2 $0x1082  }
0x22: {  	[simem:s7], [sflag:s8] =	dma.local @!p0 [hbm:s6], $0xF7A  }
0x23: {  	s9 =	sor.u32 $0xD0000000, s2;
	s6 =	simm.s32 $0x108;
	_ =	swait.ge @!p0 [sflag:s8], $0x0  }
0x24: {  	s3 =	sadd.s32 $0x88, s3;
	s6 =	simm.s32 @!p1 $0x1082;
	[sflag:s4] =	ssyncset.s32 $0xFFFFF086  }
0x25: {  	[simem:s6], [sflag:s4] =	dma.local [hbm:s3], $0xF7A  }
0x26: {  	[smem:$0x3F9B] =	sst s1;
	(tag) =	ssettag s2;
	_ =	strace s9  }
0x27: {  	s1 =	sld [smem:$0x3FAB]  }
0x28: {  	s2 =	sld [smem:$0x3FAC]  }
0x29: {  	s4 =	sld [smem:$0x3FAE]  }
0x2a: {  	p0 =	seq.s32 s5, $0x0;
	s5 =	sld [smem:$0x3FAF]  }
0x2b: {  	s6 =	sld [smem:$0x3FB0]  }
0x2c: {  	s7 =	sld [smem:$0x3FB1]  }
0x2d: {  	s3 =	simm.s32 $0x108;
	s8 =	sld [smem:$0x3FB2]  }
0x2e: {  	s3 =	simm.s32 @!p0 $0x1082;
	s9 =	sld [smem:$0x3FB3]  }
0x2f: {  	lr =	sadd.s32 s0, s3;
	s0 =	sld [smem:$0x3FAA]  }
0x30: {  	s3 =	sld [smem:$0x3FAD]  }
0x31: {  	[smem:$0x3FB6] =	sst s10  }
0x32: {  	s10 =	sld [smem:$0x3FB4];
	_ =	sdelay $0x3  }
0x33: {  	p0 =	seq.s32 s10, $0x1;
	s10 =	sld [smem:$0x3FB6];
	_ =	sdelay $0x3  }
0x34: {  	[smem:$0x3FB6] =	sst s10  }
0x35: {  	s10 =	sld [smem:$0x3FB5];
	_ =	sdelay $0x3  }
0x36: {  	p1 =	seq.s32 s10, $0x1;
	s10 =	sld [smem:$0x3FB6];
	_ =	sdelay $0x3  }
0x37: {  	[smem:$0x3FB6] =	sst s10  }
0x38: {  	s10 =	sld [smem:$0x3FB7]  }
0x39: {  	_ = 	snop;
	(pc) =	sbr.ind lr, $3  }
0x3a: {  	_ = 	snop  }
0x3b: {  	_ = 	snop  }
0x3c: {  	p2 =	seq.s32 s10, $0x1;
	s10 =	sld [smem:$0x3FB6]  }
0x3d: {  	_ =	shalt  }
0x3e: {  	_ =	shalt  }
0x3f: {  	_ =	shalt  }
0x40: {  	_ =	shalt  }
0x41: {  	_ =	shalt  }
0x42: {  	_ =	shalt  }
0x43: {  	_ =	shalt  }
0x44: {  	_ =	shalt  }
0x45: {  	_ =	shalt  }
0x46: {  	_ =	shalt  }
0x47: {  	_ =	shalt  }
0x48: {  	_ =	shalt  }
0x49: {  	_ =	shalt  }
0x4a: {  	_ =	shalt  }
0x4b: {  	_ =	shalt  }
0x4c: {  	_ =	shalt  }
0x4d: {  	_ =	shalt  }
0x4e: {  	_ =	shalt  }
0x4f: {  	_ =	shalt  }
0x50: {  	_ =	shalt  }
0x51: {  	_ =	shalt  }
0x52: {  	_ =	shalt  }
0x53: {  	_ =	shalt  }
0x54: {  	_ =	shalt  }
0x55: {  	_ =	shalt  }
0x56: {  	_ =	shalt  }
0x57: {  	_ =	shalt  }
0x58: {  	_ =	shalt  }
0x59: {  	_ =	shalt  }
0x5a: {  	_ =	shalt  }
0x5b: {  	_ =	shalt  }
0x5c: {  	_ =	shalt  }
0x5d: {  	_ =	shalt  }
0x5e: {  	_ =	shalt  }
0x5f: {  	_ =	shalt  }
0x60: {  	_ =	shalt  }
0x61: {  	_ =	shalt  }
0x62: {  	_ =	shalt  }
0x63: {  	_ =	shalt  }
0x64: {  	_ =	shalt  }
0x65: {  	_ =	shalt  }
0x66: {  	_ =	shalt  }
0x67: {  	_ =	shalt  }
0x68: {  	_ =	shalt  }
0x69: {  	_ =	shalt  }
0x6a: {  	_ =	shalt  }
0x6b: {  	_ =	shalt  }
0x6c: {  	_ =	shalt  }
0x6d: {  	_ =	shalt  }
0x6e: {  	_ =	shalt  }
0x6f: {  	_ =	shalt  }
0x70: {  	_ =	shalt  }
0x71: {  	_ =	shalt  }
0x72: {  	_ =	shalt  }
0x73: {  	_ =	shalt  }
0x74: {  	_ =	shalt  }
0x75: {  	_ =	shalt  }
0x76: {  	_ =	shalt  }
0x77: {  	_ =	shalt  }
0x78: {  	_ =	shalt  }
0x79: {  	_ =	shalt  }
0x7a: {  	_ =	shalt  }
0x7b: {  	_ =	shalt  }
0x7c: {  	_ =	shalt  }
0x7d: {  	_ =	shalt  }
0x7e: {  	_ =	shalt  }
0x7f: {  	_ =	shalt  }
0x80: {  	_ =	shalt  }
0x81: {  	_ =	shalt  }
0x82: {  	_ =	shalt  }
0x83: {  	_ =	shalt  }
0x84: {  	_ =	shalt  }
0x85: {  	_ =	shalt  }
0x86: {  	_ =	shalt  }
0x87: {  	_ =	shalt  }
.Lfunc_end0:
.L_simem_size_0:
called_computation.1_lowered:
.L_overlay_start_0:
0x88: {  	s2 =	sld [smem:$0x3FD9]  }
0x89: {  	s3 =	sld [smem:$0x3FFE];
	_ =	sdelay $0x1  }
0x8a: {  	s1 =	srdreg.scid  }
0x8b: {  	s0 =	sand.u32 $0x1, s1  }
0x8c: {  	s17 =	sshll.u32 s0, $0xA;
	s2 =	sadd.s32 s3, s2  }
0x8d: {  	s2 =	sadd.s32 s2, s17  }
0x8e: {  	[smem:$0x3FC2] =	sst s2  }
0x8f: {  	_ = 	snop  }
0x90: {  	s2 =	sld [smem:$0x3FD0];
	(tm) =	ssettm $0x1  }
0x91: {  	s18 =	sld [smem:$0x3FFB];
	_ =	sdelay $0x3  }
0x92: {  	_ =	strace s18  }
0x93: {  	s3 =	sld [smem:$0x3FFC];
	_ =	sdelay $0x3  }
0x94: {  	_ =	strace s3  }
0x95: {  	s3 =	sld [smem:$0x3FFD];
	_ =	sdelay $0x3  }
0x96: {  	_ =	strace s3  }
0x97: {  	_ =	strace $0x8FFFFFFF  }
0x98: {  	s19 =	sld [smem:$0x3FDB];
	_ =	sdelay $0x1  }
0x99: {  	s4 =	simm.s32 $_scs_section_size  }
0x9a: {  	s5 =	simm.s32 $_size__tile_overlayer_lowered;
	s6 =	simm.s32 $_tile_overlayer_lowered  }
0x9b: {  	s22 =	simm.s32 $0x1BFF;
	s21 =	sshll.u32 s6, $0x1;
	s3 =	sadd.s32 s4, s19  }
0x9c: {  	s7 =	simm.s32 $0x0;
	s20 =	sshll.u32 s5, $0x1;
	s5 =	sadd.s32 s21, s3  }
0x9d: {  	[timem:s7], [sflag:s22] =	dma.local [hbm:s5], s20  }
0x9e: {  	_ =	swait.ge [sflag:s22], s20  }
0x9f: {  	s4 =	ssub.s32 $0x0, s20;
	[sflag:s22] =	ssyncset.done $0x0  }
0xa0: {  	[sflag:s22] =	ssyncadd.s32 s4;
	_ =	sdelay $0x1  }
0xa1: {  	s23 =	simm.s32 $0x1B8B  }
0xa2: {  	_ =	swait.ge [sflag:s23], $0x1  }
0xa3: {  	[sflag:s23] =	ssyncset.done $0x0  }
0xa4: {  	s25 =	simm.s32 $0x1B8E;
	s24 =	sld [smem:$0x3FFE];
	[sflag:s23] =	ssyncadd.s32 $0xFFFFFFFF  }
0xa5: {  	s26 =	simm.s32 $execute0_lowered;
	[smem:$0x3FD2] =	sst s25  }
0xa6: {  	s5 =	sshll.u32 s26, $0x1;
	_ =	strace $0x80000049;
	[dreg:$0x1] =	wrdreg $0xFFFFFFFF  }
0xa7: {  	s28 =	simm.s32 $_size_execute0_lowered;
	s3 =	sadd.s32 s3, s5;
	[dreg:$0x0] =	wrdreg $0x0  }
0xa8: {  	s5 =	sshll.u32 s28, $0x1;
	[dreg:$0x2] =	wrdreg s3  }
0xa9: {  	[dreg:$0x3] =	wrdreg s5  }
0xaa: {  	[dreg:$0x4] =	wrdreg $0xC0  }
0xab: {  	_ =	task [dreg:s7], $0x5FFFF  }
0xac: {  	[dreg:$0x1] =	wrdreg $0xFFFFFFFF  }
0xad: {  	[dreg:$0x0] =	wrdreg $0x60  }
0xae: {  	[dreg:$0x2] =	wrdreg s24  }
0xaf: {  	[dreg:$0x3] =	wrdreg s2  }
0xb0: {  	[dreg:$0x4] =	wrdreg $0x90000  }
0xb1: {  	[dreg:$0x5] =	wrdreg $0x9  }
0xb2: {  	_ =	task.clear_ibuf [dreg:s7], $0x6FFFF;
	_ =	strace $0x90000049  }
0xb3: {  	s29 =	simm.s32 $0x9;
	_ =	strace $0x8000004B  }
0xb4: {  	_ =	swait.ge [sflag:s29], $0x1  }
0xb5: {  	[sflag:s29] =	ssyncadd.s32 $0xFFFFFFFF  }
0xb6: {  	_ =	strace $0x9000004B  }
0xb7: {  	_ =	sfence  }
0xb8: {  	s30 =	sld [smem:$0x0];
	_ =	sdelay $0x2  }
0xb9: {  	s31 =	sshll.u32 s1, $0xD;
	s1 =	sshrl.u32 s1, $0x2  }
0xba: {  	s3 =	sand.u32 $0x4000, s31;
	s1 =	sadd.s32 s1, s30  }
0xbb: {  	s0 =	sor.u32 s3, s0;
	s1 =	sshll.u32 s1, $0x11  }
0xbc: {  	s0 =	sor.u32 s1, s0  }
0xbd: {  	s0 =	sadd.s32 $0x8F2B, s0  }
0xbe: {  	[sflag:s0] =	ssyncadd.remote.s32 $0x1  }
0xbf: {  	_ =	sfence.sel $0xFFFF  }
0xc0: {  	[dreg:$0x0] =	wrdreg $0xFFFFFFFF;
	(pc) =	sbr.abs _section_cstart, $3  }
0xc1: {  	[dreg:$0x1] =	wrdreg $0xFFFFFFFF  }
0xc2: {  	_ =	task.clear_ibuf [dreg:s7], $0x2FFFF;
	_ =	strace $0x9FFFFFFF  }
0xc3: {  	(tm) =	ssettm $0x7FFFFFFF  }
tec
execute0_lowered:
.L_overlay_start_1:
0x0: {  	(tag) =	ssettag $0x1  }
0x1: {  	s0 =	rddreg [dreg:$0x0]  }
0x2: {  	s12 =	rddreg [dreg:$0x1]  }
0x3: {  	s3 =	rddreg [dreg:$0x2]  }
0x4: {  	s1 =	simm.s32 $0x0;
	s13 =	stileid.u32;
	s8 =	srdreg.scid  }
0x5: {  	s17 =	simm.s32 $0x80;
	s18 =	simm.s32 $0x5000;
	s19 =	simm.s32 $0x5800  }
0x6: {  	s21 =	simm.s32 $0x6000;
	s23 =	simm.s32 $0x6800;
	s25 =	simm.s32 $0x7000  }
0x7: {  	s28 =	simm.s32 $0x7800;
	s30 =	simm.s32 $0x8000;
	s20 =	simm.s32 $0x4  }
0x8: {  	s22 =	simm.s32 $0x5;
	s24 =	simm.s32 $0x6;
	s26 =	simm.s32 $0x7  }
0x9: {  	s29 =	simm.s32 $0x8;
	s31 =	simm.s32 $0x9;
	s16 =	simm.s32 $0x0  }
0xa: {  	[smem:$0x7FF] =	sst s1;
	s2 =	smul.u32 $0x2800, s13;
	s1 =	sand.u32 $0x1, s8  }
0xb: {  	s5 =	sadd.s32 $0x1BC00, s0;
	s7 =	sadd.s32 $0x3200, s0;
	s15 =	sshll.u32 s13, $0x6  }
0xc: {  	_ =	strace $0x8000004A;
	s4 =	smul.u32 $0x28000, s1;
	s6 =	sshll.u32 s1, $0x4  }
0xd: {  	s1 =	ssub.s32 $0x2, s1;
	[dreg:$0xe] =	wrdreg s16;
	s6 =	sor.u32 s13, s6  }
0xe: {  	s8 =	sshrl.u32 s2, $0x3;
	s11 =	sshrl.u32 s1, $0x1;
	s9 =	smul.u32 $0x2800, s6  }
0xf: {  	s8 =	sadd.s32 s8, s0;
	s4 =	sadd.s32 s2, s4;
	s10 =	smul.u32 $0x500, s6  }
0x10: {  	s1 =	ssub.s32 s1, s11;
	s11 =	sadd.s32 s2, s3;
	p0 =	seq.s32 s6, $0x1F  }
0x11: {  	s2 =	simm.s32 $0x1;
	s6 =	simm.s32 $0xA;
	s4 =	sshrl.u32 s4, $0x3  }
0x12: {  	s1 =	smax.u32 s1, $0x1;
	s4 =	sadd.s32 s4, s0;
	s9 =	sshrl.u32 s9, $0x3  }
0x13: {  	s10 =	sadd.s32 s7, s10;
	[dreg:$0xb] =	wrdreg s1;
	s1 =	simm.s32 $0x2  }
0x14: {  	[dreg:$0x4] =	wrdreg s10;
	s7 =	sadd.s32 s7, s9;
	s9 =	sadd.s32 $0xCD00, s0  }
0x15: {  	s0 =	sadd.s32 $0x16940, s0;
	s10 =	sadd.s32 $0x3C0, s12;
	[dreg:$0x6] =	wrdreg s9  }
0x16: {  	s12 =	sadd.s32 $0x16C00, s8;
	s14 =	sadd.s32 $0x20C00, s4;
	[dreg:$0x7] =	wrdreg s0  }
0x17: {  	s4 =	simm.s32 $0x3;
	s8 =	simm.s32 $0xC;
	[dreg:$0x8] =	wrdreg s10  }
.Ltmp0:
0x18: {  	s7 =	sadd.s32 $0x9C40, s7;
	[dreg:$0x9] =	wrdreg s12;
	(pc) =	sbr.rel .LBB2_1-.Ltmp0, $4  }
0x19: {  	[dreg:$0xa] =	wrdreg s14;
	s14 =	sor.u32 $0x1C11, s15;
	s15 =	sshrl.u32 s11, $0x3  }
0x1a: {  	s0 =	simm.s32 $0x8800;
	s9 =	simm.s32 $0xD;
	[dreg:$0x5] =	wrdreg s7  }
0x1b: {  	s10 =	simm.s32 $0xE;
	s11 =	simm.s32 $0xF;
	[dreg:$0xc] =	wrdreg s14  }
0x1c: {  	s12 =	simm.s32 $0x10;
	s7 =	simm.s32 $0xB;
	[dreg:$0xd] =	wrdreg s15  }
.LBB2_3:
0x1d: {  	_ =	swait.ge [sflag:s6], $0x800  }
0x1e: {  	[sflag:s6] =	ssyncset.done $0x0  }
0x1f: {  	[sflag:s6] =	ssyncadd.s32 $0xFFFFF800  }
0x20: {  	_ =	swait.ge [sflag:s7], $0x800  }
0x21: {  	[sflag:s7] =	ssyncset.done $0x0  }
0x22: {  	[sflag:s7] =	ssyncadd.s32 $0xFFFFF800  }
0x23: {  	_ =	swait.ge [sflag:s8], $0x800  }
0x24: {  	[sflag:s8] =	ssyncset.done $0x0  }
0x25: {  	[sflag:s8] =	ssyncadd.s32 $0xFFFFF800  }
0x26: {  	_ =	swait.ge [sflag:s9], $0x800  }
0x27: {  	[sflag:s9] =	ssyncset.done $0x0  }
0x28: {  	[sflag:s9] =	ssyncadd.s32 $0xFFFFF800  }
0x29: {  	_ =	swait.ge [sflag:s10], $0x800  }
0x2a: {  	[sflag:s10] =	ssyncset.done $0x0  }
0x2b: {  	[sflag:s10] =	ssyncadd.s32 $0xFFFFF800  }
0x2c: {  	_ =	swait.ge [sflag:s11], $0x800  }
0x2d: {  	[sflag:s11] =	ssyncset.done $0x0  }
0x2e: {  	[sflag:s11] =	ssyncadd.s32 $0xFFFFF800  }
0x2f: {  	_ =	swait.ge [sflag:s12], $0x800  }
0x30: {  	[sflag:s12] =	ssyncset.done $0x0  }
0x31: {  	[sflag:s12] =	ssyncadd.s32 $0xFFFFF800  }
.LBB2_5:
0x32: {  	[bflag:$0x0] =	sbarrier.arrive $0xFFFF  }
0x33: {  	s13 =	rddreg [dreg:$0xa]  }
0x34: {  	s14 =	rddreg [dreg:$0xc]  }
0x35: {  	s16 =	simm.s32 $0x11;
	s15 =	rddreg [dreg:$0xd]  }
0x36: {  	[hbm:s13], [sflag:s14] =	dma.local [spmem:s15], $0x500  }
0x37: {  	_ =	swait.ge [sflag:s16], $0x500  }
0x38: {  	s18 =	rddreg [dreg:$0xe]  }
0x39: {  	s15 =	rddreg [dreg:$0xb];
	s18 =	sadd.s32 $0x1, s18  }
0x3a: {  	p1 =	sne.s32 s18, s15  }
.Ltmp1:
0x3b: {  	_ = 	snop;
	(pc) =	sbr.rel @!p1 .LBB2_6-.Ltmp1, $3  }
0x3c: {  	_ =	sdelay $0x1  }
0x3d: {  	[sflag:s16] =	ssyncset.done $0x0  }
0x3e: {  	[sflag:s16] =	ssyncadd.s32 $0xFFFFFB00;
	[dreg:$0xe] =	wrdreg s18;
	s18 =	simm.s32 $0x5000  }
.LBB2_1:
0x3f: {  	s14 =	simm.s32 @p0 $0x0;
	s13 =	rddreg [dreg:$0x6];
	s15 =	simm.s32 @p0 $0x11  }
0x40: {  	[tilespmem:s14], [sflag:$0x11] =	stream.linear.gather @p0 [hbm4b:s13+s14], $0xA00, $0x38;
	[tilespmem:$0xB800] =	vst v63  }
0x41: {  	_ =	swait.ge @p0 [sflag:s15], $0xA00  }
0x42: {  	[sflag:s15] =	ssyncset.done @p0 $0x0  }
0x43: {  	[sflag:s15] =	ssyncadd.s32 @p0 $0xFFFFF600  }
0x44: {  	s16 =	simm.s32 @p0 $0xA00;
	s13 =	rddreg [dreg:$0x1]  }
0x45: {  	[tilespmem:s16], [sflag:$0x11] =	stream.linear.gather @p0 [hbm4b:s13+s14], $0x1E00, $0x38;
	[tilespmem:$0xB800] =	vst v63  }
0x46: {  	_ =	swait.ge @p0 [sflag:s15], $0x1E00  }
0x47: {  	[sflag:s15] =	ssyncset.done @p0 $0x0  }
0x48: {  	s16 =	simm.s32 @p0 $0x2800;
	s13 =	rddreg [dreg:$0x7];
	[sflag:s15] =	ssyncadd.s32 @p0 $0xFFFFE200  }
0x49: {  	[tilespmem:s16], [sflag:$0x11] =	stream.linear.gather @p0 [hbm4b:s13+s14], $0xA00, $0x38;
	[tilespmem:$0xB800] =	vst v63  }
0x4a: {  	_ =	swait.ge @p0 [sflag:s15], $0xA00  }
0x4b: {  	[sflag:s15] =	ssyncset.done @p0 $0x0  }
0x4c: {  	s16 =	simm.s32 @p0 $0x3200;
	s13 =	rddreg [dreg:$0x8];
	[sflag:s15] =	ssyncadd.s32 @p0 $0xFFFFF600  }
0x4d: {  	[tilespmem:s16], [sflag:$0x11] =	stream.linear.gather @p0 [hbm4b:s13+s14], $0x1E00, $0x38;
	[tilespmem:$0xB800] =	vst v63  }
0x4e: {  	_ =	swait.ge @p0 [sflag:s15], $0x1E00  }
0x4f: {  	s14 =	simm.s32 @!p0 $0x0;
	[sflag:s15] =	ssyncset.done @p0 $0x0  }
0x50: {  	s13 =	rddreg [dreg:$0x4];
	[sflag:s15] =	ssyncadd.s32 @p0 $0xFFFFE200;
	s15 =	simm.s32 @!p0 $0x11  }
0x51: {  	[tilespmem:s14], [sflag:$0x11] =	stream.linear.gather @!p0 [hbm4b:s13+s14], $0x2800, $0x38;
	[tilespmem:$0xB800] =	vst v63  }
0x52: {  	_ =	swait.ge @!p0 [sflag:s15], $0x2800  }
0x53: {  	[sflag:s15] =	ssyncset.done @!p0 $0x0  }
0x54: {  	s16 =	simm.s32 @!p0 $0x2800;
	s13 =	rddreg [dreg:$0x5];
	[sflag:s15] =	ssyncadd.s32 @!p0 $0xFFFFD800  }
0x55: {  	[tilespmem:s16], [sflag:$0x11] =	stream.linear.gather @!p0 [hbm4b:s13+s14], $0x2800, $0x38;
	[tilespmem:$0xB800] =	vst v63  }
0x56: {  	_ =	swait.ge @!p0 [sflag:s15], $0x2800  }
0x57: {  	s14 =	rddreg [dreg:$0x9]  }
0x58: {  	[sflag:s15] =	ssyncset.done @!p0 $0x0;
	s16 =	rddreg [dreg:$0xd]  }
0x59: {  	[sflag:s15] =	ssyncadd.s32 @!p0 $0xFFFFD800;
	s15 =	rddreg [dreg:$0xc]  }
0x5a: {  	[spmem:s16], [sflag:s15] =	dma.local [hbm:s14], $0x500  }
0x5b: {  	s15 =	simm.s32 $0x11  }
0x5c: {  	_ =	swait.ge [sflag:s15], $0x500  }
0x5d: {  	[sflag:s15] =	ssyncset.done $0x0  }
0x5e: {  	[sflag:s15] =	ssyncadd.s32 $0xFFFFFB00  }
0x5f: {  	s16 =	simm.s32 $0x0;
	[bflag:$0x0] =	sbarrier.arrive $0xFFFF  }
0x60: {  	[tilespmem:s18], [sflag:$0x1] =	stream.indirect.gather [hbm4b:s5+s17], $0x10, s16, s17, $0xb8;
	[tilespmem:$0xB800] =	vst v63  }
0x61: {  	_ = 	snop  }
0x62: {  	[tilespmem:s19], [sflag:$0x2] =	stream.indirect.gather [hbm4b:s5+s17], $0x10, s17, s17, $0xb8;
	[tilespmem:$0xB800] =	vst v63  }
0x63: {  	s14 =	simm.s32 $0x100  }
0x64: {  	[tilespmem:s21], [sflag:$0x3] =	stream.indirect.gather [hbm4b:s5+s17], $0x10, s14, s17, $0xb8;
	[tilespmem:$0xB800] =	vst v63  }
0x65: {  	s15 =	simm.s32 $0x180  }
0x66: {  	[tilespmem:s23], [sflag:$0x4] =	stream.indirect.gather [hbm4b:s5+s17], $0x10, s15, s17, $0xb8;
	[tilespmem:$0xB800] =	vst v63  }
0x67: {  	s16 =	simm.s32 $0x200  }
0x68: {  	[tilespmem:s25], [sflag:$0x5] =	stream.indirect.gather [hbm4b:s5+s17], $0x10, s16, s17, $0xb8;
	[tilespmem:$0xB800] =	vst v63  }
0x69: {  	s14 =	simm.s32 $0x280  }
0x6a: {  	[tilespmem:s28], [sflag:$0x6] =	stream.indirect.gather [hbm4b:s5+s17], $0x10, s14, s17, $0xb8;
	[tilespmem:$0xB800] =	vst v63  }
0x6b: {  	s15 =	simm.s32 $0x300  }
0x6c: {  	[tilespmem:s30], [sflag:$0x7] =	stream.indirect.gather [hbm4b:s5+s17], $0x10, s15, s17, $0xb8;
	[tilespmem:$0xB800] =	vst v63  }
0x6d: {  	s16 =	simm.s32 $0x380;
	s14 =	simm.s32 $0x0  }
0x6e: {  	[tilespmem:s0], [sflag:$0x8] =	stream.indirect.gather [hbm4b:s5+s17], $0x10, s16, s17, $0xb8;
	[tilespmem:$0xB800] =	vst v63  }
.LBB2_2:
0x6f: {  	_ =	swait.ge [sflag:s2], $0x800  }
0x70: {  	s15 =	sshra.s32 s14, $0x2;
	[sflag:s2] =	ssyncset.done $0x0  }
0x71: {  	s16 =	sadd.s32 $0x2800, s15;
	[sflag:s2] =	ssyncadd.s32 $0xFFFFF800  }
0x72: {  	[spmem:s3] =	stream.indirect.scatter.add.f32 [tilespmem:s18], [sflag:$0x9], $0x10, s16, s17, $0xb8;
	[tilespmem:$0xB800] =	vst v63  }
0x73: {  	_ =	swait.ge [sflag:s1], $0x800  }
0x74: {  	[sflag:s1] =	ssyncset.done $0x0  }
0x75: {  	s13 =	sadd.s32 $0x2880, s15;
	[sflag:s1] =	ssyncadd.s32 $0xFFFFF800  }
0x76: {  	[spmem:s3] =	stream.indirect.scatter.add.f32 [tilespmem:s19], [sflag:$0xA], $0x10, s13, s17, $0xb8;
	[tilespmem:$0xB800] =	vst v63  }
0x77: {  	_ =	swait.ge [sflag:s4], $0x800  }
0x78: {  	[sflag:s4] =	ssyncset.done $0x0  }
0x79: {  	s13 =	sadd.s32 $0x2900, s15;
	[sflag:s4] =	ssyncadd.s32 $0xFFFFF800  }
0x7a: {  	[spmem:s3] =	stream.indirect.scatter.add.f32 [tilespmem:s21], [sflag:$0xB], $0x10, s13, s17, $0xb8;
	[tilespmem:$0xB800] =	vst v63  }
0x7b: {  	_ =	swait.ge [sflag:s20], $0x800  }
0x7c: {  	[sflag:s20] =	ssyncset.done $0x0  }
0x7d: {  	s13 =	sadd.s32 $0x2980, s15;
	[sflag:s20] =	ssyncadd.s32 $0xFFFFF800  }
0x7e: {  	[spmem:s3] =	stream.indirect.scatter.add.f32 [tilespmem:s23], [sflag:$0xC], $0x10, s13, s17, $0xb8;
	[tilespmem:$0xB800] =	vst v63  }
0x7f: {  	_ =	swait.ge [sflag:s22], $0x800  }
0x80: {  	[sflag:s22] =	ssyncset.done $0x0  }
0x81: {  	s13 =	sadd.s32 $0x2A00, s15;
	[sflag:s22] =	ssyncadd.s32 $0xFFFFF800  }
0x82: {  	[spmem:s3] =	stream.indirect.scatter.add.f32 [tilespmem:s25], [sflag:$0xD], $0x10, s13, s17, $0xb8;
	[tilespmem:$0xB800] =	vst v63  }
0x83: {  	_ =	swait.ge [sflag:s24], $0x800  }
0x84: {  	[sflag:s24] =	ssyncset.done $0x0  }
0x85: {  	s13 =	sadd.s32 $0x2A80, s15;
	[sflag:s24] =	ssyncadd.s32 $0xFFFFF800  }
0x86: {  	[spmem:s3] =	stream.indirect.scatter.add.f32 [tilespmem:s28], [sflag:$0xE], $0x10, s13, s17, $0xb8;
	[tilespmem:$0xB800] =	vst v63  }
0x87: {  	_ =	swait.ge [sflag:s26], $0x800  }
0x88: {  	[sflag:s26] =	ssyncset.done $0x0  }
0x89: {  	s13 =	sadd.s32 $0x2B00, s15;
	[sflag:s26] =	ssyncadd.s32 $0xFFFFF800  }
0x8a: {  	[spmem:s3] =	stream.indirect.scatter.add.f32 [tilespmem:s30], [sflag:$0xF], $0x10, s13, s17, $0xb8;
	[tilespmem:$0xB800] =	vst v63  }
0x8b: {  	_ =	swait.ge [sflag:s29], $0x800  }
0x8c: {  	p1 =	sne.s32 s14, $0x9000;
	[sflag:s29] =	ssyncset.done $0x0  }
.Ltmp2:
0x8d: {  	s13 =	sadd.s32 $0x2B80, s15;
	[sflag:s29] =	ssyncadd.s32 $0xFFFFF800;
	(pc) =	sbr.rel @!p1 .LBB2_3-.Ltmp2, $4  }
0x8e: {  	[spmem:s3] =	stream.indirect.scatter.add.f32 [tilespmem:s0], [sflag:$0x10], $0x10, s13, s17, $0xb8;
	[tilespmem:$0xB800] =	vst v63  }
0x8f: {  	_ =	swait.ge [sflag:s31], $0x800  }
0x90: {  	[sflag:s31] =	ssyncset.done $0x0  }
0x91: {  	[sflag:s31] =	ssyncadd.s32 $0xFFFFF800  }
0x92: {  	s16 =	sadd.s32 $0x400, s15  }
0x93: {  	[tilespmem:s18], [sflag:$0x1] =	stream.indirect.gather [hbm4b:s5+s17], $0x10, s16, s17, $0xb8;
	[tilespmem:$0xB800] =	vst v63  }
0x94: {  	_ =	swait.ge [sflag:s6], $0x800  }
0x95: {  	[sflag:s6] =	ssyncset.done $0x0  }
0x96: {  	s13 =	sadd.s32 $0x480, s15;
	[sflag:s6] =	ssyncadd.s32 $0xFFFFF800  }
0x97: {  	[tilespmem:s19], [sflag:$0x2] =	stream.indirect.gather [hbm4b:s5+s17], $0x10, s13, s17, $0xb8;
	[tilespmem:$0xB800] =	vst v63  }
0x98: {  	_ =	swait.ge [sflag:s7], $0x800  }
0x99: {  	[sflag:s7] =	ssyncset.done $0x0  }
0x9a: {  	s13 =	sadd.s32 $0x500, s15;
	[sflag:s7] =	ssyncadd.s32 $0xFFFFF800  }
0x9b: {  	[tilespmem:s21], [sflag:$0x3] =	stream.indirect.gather [hbm4b:s5+s17], $0x10, s13, s17, $0xb8;
	[tilespmem:$0xB800] =	vst v63  }
0x9c: {  	_ =	swait.ge [sflag:s8], $0x800  }
0x9d: {  	[sflag:s8] =	ssyncset.done $0x0  }
0x9e: {  	s13 =	sadd.s32 $0x580, s15;
	[sflag:s8] =	ssyncadd.s32 $0xFFFFF800  }
0x9f: {  	[tilespmem:s23], [sflag:$0x4] =	stream.indirect.gather [hbm4b:s5+s17], $0x10, s13, s17, $0xb8;
	[tilespmem:$0xB800] =	vst v63  }
0xa0: {  	_ =	swait.ge [sflag:s9], $0x800  }
0xa1: {  	[sflag:s9] =	ssyncset.done $0x0  }
0xa2: {  	s13 =	sadd.s32 $0x600, s15;
	[sflag:s9] =	ssyncadd.s32 $0xFFFFF800  }
0xa3: {  	[tilespmem:s25], [sflag:$0x5] =	stream.indirect.gather [hbm4b:s5+s17], $0x10, s13, s17, $0xb8;
	[tilespmem:$0xB800] =	vst v63  }
0xa4: {  	_ =	swait.ge [sflag:s10], $0x800  }
0xa5: {  	[sflag:s10] =	ssyncset.done $0x0  }
0xa6: {  	s13 =	sadd.s32 $0x680, s15;
	[sflag:s10] =	ssyncadd.s32 $0xFFFFF800  }
0xa7: {  	[tilespmem:s28], [sflag:$0x6] =	stream.indirect.gather [hbm4b:s5+s17], $0x10, s13, s17, $0xb8;
	[tilespmem:$0xB800] =	vst v63  }
0xa8: {  	_ =	swait.ge [sflag:s11], $0x800  }
0xa9: {  	s14 =	sadd.s32 $0x1000, s14;
	[sflag:s11] =	ssyncset.done $0x0  }
0xaa: {  	p1 =	sne.s32 s14, $0xA000;
	s13 =	sadd.s32 $0x700, s15;
	[sflag:s11] =	ssyncadd.s32 $0xFFFFF800  }
0xab: {  	[tilespmem:s30], [sflag:$0x7] =	stream.indirect.gather [hbm4b:s5+s17], $0x10, s13, s17, $0xb8;
	[tilespmem:$0xB800] =	vst v63  }
.Ltmp3:
0xac: {  	_ = 	snop;
	(pc) =	sbr.rel @p1 .LBB2_2-.Ltmp3, $4  }
.Ltmp4:
0xad: {  	_ =	swait.ge [sflag:s12], $0x800;
	(pc) =	sbr.rel @!p1 .LBB2_5-.Ltmp4, $4  }
0xae: {  	[sflag:s12] =	ssyncset.done $0x0  }
0xaf: {  	s16 =	sadd.s32 $0x780, s15;
	[sflag:s12] =	ssyncadd.s32 $0xFFFFF800  }
0xb0: {  	[tilespmem:s0], [sflag:$0x8] =	stream.indirect.gather [hbm4b:s5+s17], $0x10, s16, s17, $0xb8;
	[tilespmem:$0xB800] =	vst v63  }
0xb1: {  	_ = 	snop  }
.LBB2_6:
0xb2: {  	_ =	sfence.sel $0x180000  }
0xb3: {  	[bflag:$0x0] =	sbarrier.arrive $0xFFFF  }
0xb4: {  	_ =	strace $0x9000004A  }
0xb5: {  	s0 =	stileid.u32;
	[bflag:$0x2] =	sbarrier.arrive $0xFFFF  }
0xb6: {  	p0 =	sne.s32 s0, $0x0;
	s0 =	rddreg [dreg:$0x3]  }
0xb7: {  	s0 =	sadd.s32 @!p0 $0x100000, s0  }
0xb8: {  	[sflag:s0] =	ssyncadd.tile.s32 @!p0 $0x1;
	_ =	shalt  }
.Lfunc_end2:
_tile_overlayer_lowered:
.L_overlay_start_2:
0xb9: {  	(tag) =	ssettag $0x2  }
0xba: {  	s0 =	rddreg [dreg:$0x0];
	s2 =	stileid.u32  }
0xbb: {  	s1 =	rddreg [dreg:$0x1];
	p0 =	sne.s32 s2, $0x0  }
0xbc: {  	s3 =	rddreg [dreg:$0x2];
	[bflag:$0x3] =	sbarrier.arrive $0xFFFF;
	s2 =	simm.s32 @!p0 $0x1C11  }
0xbd: {  	[timem:s3], [sflag:s2] =	dma.local @!p0 [hbm:s0], s1  }
0xbe: {  	s0 =	simm.s32 @!p0 $0x11  }
0xbf: {  	_ =	swait.ge @!p0 [sflag:s0], s1  }
0xc0: {  	s1 =	ssub.s32 @!p0 $0x0, s1;
	[sflag:s0] =	ssyncset.done @!p0 $0x0  }
0xc1: {  	[sflag:s0] =	ssyncadd.s32 @!p0 s1  }
0xc2: {  	[bflag:$0x3] =	sbarrier.arrive $0xFFFF  }
0xc3: {  	_ =	shalt  }

// kernel: kernel.15.cloned.1.call-start
scs
__scs_entry_jumppad:
0x0: {  	(pc) =	sbr.rel $0x88, $3  }
0x1: {  	(tag) =	ssettag $0x0;
	lr =	simm.s32 $0x1  }
0x2: {  	[smem:$0x3F9B] =	sst lr;
	_ =	strace $0xD0000000  }
0x3: {  	_ = 	snop  }
0x4: {  	_ = 	snop  }
0x5: {  	_ = 	snop  }
0x6: {  	_ = 	snop  }
0x7: {  	_ = 	snop  }
__scs_overlays_trampoline_lowered:
0x8: {  	[smem:$0x3FAA] =	sst s0  }
0x9: {  	[smem:$0x3FAB] =	sst s1  }
0xa: {  	[smem:$0x3FAC] =	sst s2  }
0xb: {  	[smem:$0x3FAD] =	sst s3  }
0xc: {  	[smem:$0x3FAE] =	sst s4  }
0xd: {  	[smem:$0x3FAF] =	sst s5  }
0xe: {  	[smem:$0x3FB0] =	sst s6  }
0xf: {  	[smem:$0x3FB1] =	sst s7  }
0x10: {  	[smem:$0x3FB2] =	sst s8  }
0x11: {  	[smem:$0x3FB3] =	sst s9;
	s0 =	simm.s32 @!p0 $0x0  }
0x12: {  	s1 =	sld [smem:$0x3F99];
	s0 =	simm.s32 @p0 $0x1  }
0x13: {  	[smem:$0x3FB4] =	sst s0;
	s0 =	simm.s32 @!p1 $0x0  }
0x14: {  	s2 =	sld [smem:$0x3F98];
	s0 =	simm.s32 @p1 $0x1  }
0x15: {  	[smem:$0x3FB5] =	sst s0;
	s0 =	simm.s32 @!p2 $0x0  }
0x16: {  	s3 =	sld [smem:$0x3FDB];
	s0 =	simm.s32 @p2 $0x1  }
0x17: {  	s4 =	simm.s32 $0x1BF5;
	[smem:$0x3FB7] =	sst s0  }
0x18: {  	s0 =	sld [smem:$0x3F9A];
	_ =	swait.ge [sflag:s4], $0x0  }
0x19: {  	s7 =	sld [smem:$0x3F9B]  }
0x1a: {  	s8 =	sadd.s32 $0xFFFFE003, lr  }
0x1b: {  	s9 =	sadd.s32 $0xFFFFFEF7, lr;
	s5 =	simm.s32 $0xFFFFFFFF;
	p2 =	slt.u32 s8, $0xFFFFF086  }
0x1c: {  	p1 =	slt.u32 s9, $0xF7A;
	s5 =	simm.s32 @!p2 $0x0  }
0x1d: {  	s5 =	simm.s32 @p1 $0x1;
	p0 =	seq.s32 s7, s2  }
0x1e: {  	s7 =	smul.u32 @!p0 $0xF7A, s2;
	p2 =	seq.s32 @!p0 s5, $0x0  }
0x1f: {  	s9 =	smul.u32 $0xF7A, s1;
	s8 =	simm.s32 @!p0 $0x1BF5;
	p2 =	por !p2, p0  }
0x20: {  	[sflag:s8] =	ssyncset.s32 @!p0 $0xFFFFF086;
	s6 =	sadd.s32 @!p0 s3, s7;
	s7 =	simm.s32 @!p0 $0x108  }
0x21: {  	s3 =	sadd.s32 s3, s9;
	s6 =	sadd.s32 @!p0 $0x88, s6;
	s7 =	simm.s32 @p2 $0x1082  }
0x22: {  	[simem:s7], [sflag:s8] =	dma.local @!p0 [hbm:s6], $0xF7A  }
0x23: {  	s9 =	sor.u32 $0xD0000000, s2;
	s6 =	simm.s32 $0x108;
	_ =	swait.ge @!p0 [sflag:s8], $0x0  }
0x24: {  	s3 =	sadd.s32 $0x88, s3;
	s6 =	simm.s32 @!p1 $0x1082;
	[sflag:s4] =	ssyncset.s32 $0xFFFFF086  }
0x25: {  	[simem:s6], [sflag:s4] =	dma.local [hbm:s3], $0xF7A  }
0x26: {  	[smem:$0x3F9B] =	sst s1;
	(tag) =	ssettag s2;
	_ =	strace s9  }
0x27: {  	s1 =	sld [smem:$0x3FAB]  }
0x28: {  	s2 =	sld [smem:$0x3FAC]  }
0x29: {  	s4 =	sld [smem:$0x3FAE]  }
0x2a: {  	p0 =	seq.s32 s5, $0x0;
	s5 =	sld [smem:$0x3FAF]  }
0x2b: {  	s6 =	sld [smem:$0x3FB0]  }
0x2c: {  	s7 =	sld [smem:$0x3FB1]  }
0x2d: {  	s3 =	simm.s32 $0x108;
	s8 =	sld [smem:$0x3FB2]  }
0x2e: {  	s3 =	simm.s32 @!p0 $0x1082;
	s9 =	sld [smem:$0x3FB3]  }
0x2f: {  	lr =	sadd.s32 s0, s3;
	s0 =	sld [smem:$0x3FAA]  }
0x30: {  	s3 =	sld [smem:$0x3FAD]  }
0x31: {  	[smem:$0x3FB6] =	sst s10  }
0x32: {  	s10 =	sld [smem:$0x3FB4];
	_ =	sdelay $0x3  }
0x33: {  	p0 =	seq.s32 s10, $0x1;
	s10 =	sld [smem:$0x3FB6];
	_ =	sdelay $0x3  }
0x34: {  	[smem:$0x3FB6] =	sst s10  }
0x35: {  	s10 =	sld [smem:$0x3FB5];
	_ =	sdelay $0x3  }
0x36: {  	p1 =	seq.s32 s10, $0x1;
	s10 =	sld [smem:$0x3FB6];
	_ =	sdelay $0x3  }
0x37: {  	[smem:$0x3FB6] =	sst s10  }
0x38: {  	s10 =	sld [smem:$0x3FB7]  }
0x39: {  	_ = 	snop;
	(pc) =	sbr.ind lr, $3  }
0x3a: {  	_ = 	snop  }
0x3b: {  	_ = 	snop  }
0x3c: {  	p2 =	seq.s32 s10, $0x1;
	s10 =	sld [smem:$0x3FB6]  }
0x3d: {  	_ =	shalt  }
0x3e: {  	_ =	shalt  }
0x3f: {  	_ =	shalt  }
0x40: {  	_ =	shalt  }
0x41: {  	_ =	shalt  }
0x42: {  	_ =	shalt  }
0x43: {  	_ =	shalt  }
0x44: {  	_ =	shalt  }
0x45: {  	_ =	shalt  }
0x46: {  	_ =	shalt  }
0x47: {  	_ =	shalt  }
0x48: {  	_ =	shalt  }
0x49: {  	_ =	shalt  }
0x4a: {  	_ =	shalt  }
0x4b: {  	_ =	shalt  }
0x4c: {  	_ =	shalt  }
0x4d: {  	_ =	shalt  }
0x4e: {  	_ =	shalt  }
0x4f: {  	_ =	shalt  }
0x50: {  	_ =	shalt  }
0x51: {  	_ =	shalt  }
0x52: {  	_ =	shalt  }
0x53: {  	_ =	shalt  }
0x54: {  	_ =	shalt  }
0x55: {  	_ =	shalt  }
0x56: {  	_ =	shalt  }
0x57: {  	_ =	shalt  }
0x58: {  	_ =	shalt  }
0x59: {  	_ =	shalt  }
0x5a: {  	_ =	shalt  }
0x5b: {  	_ =	shalt  }
0x5c: {  	_ =	shalt  }
0x5d: {  	_ =	shalt  }
0x5e: {  	_ =	shalt  }
0x5f: {  	_ =	shalt  }
0x60: {  	_ =	shalt  }
0x61: {  	_ =	shalt  }
0x62: {  	_ =	shalt  }
0x63: {  	_ =	shalt  }
0x64: {  	_ =	shalt  }
0x65: {  	_ =	shalt  }
0x66: {  	_ =	shalt  }
0x67: {  	_ =	shalt  }
0x68: {  	_ =	shalt  }
0x69: {  	_ =	shalt  }
0x6a: {  	_ =	shalt  }
0x6b: {  	_ =	shalt  }
0x6c: {  	_ =	shalt  }
0x6d: {  	_ =	shalt  }
0x6e: {  	_ =	shalt  }
0x6f: {  	_ =	shalt  }
0x70: {  	_ =	shalt  }
0x71: {  	_ =	shalt  }
0x72: {  	_ =	shalt  }
0x73: {  	_ =	shalt  }
0x74: {  	_ =	shalt  }
0x75: {  	_ =	shalt  }
0x76: {  	_ =	shalt  }
0x77: {  	_ =	shalt  }
0x78: {  	_ =	shalt  }
0x79: {  	_ =	shalt  }
0x7a: {  	_ =	shalt  }
0x7b: {  	_ =	shalt  }
0x7c: {  	_ =	shalt  }
0x7d: {  	_ =	shalt  }
0x7e: {  	_ =	shalt  }
0x7f: {  	_ =	shalt  }
0x80: {  	_ =	shalt  }
0x81: {  	_ =	shalt  }
0x82: {  	_ =	shalt  }
0x83: {  	_ =	shalt  }
0x84: {  	_ =	shalt  }
0x85: {  	_ =	shalt  }
0x86: {  	_ =	shalt  }
0x87: {  	_ =	shalt  }
.Lfunc_end0:
.L_simem_size_0:
called_computation.2_lowered:
.L_overlay_start_0:
0x88: {  	s2 =	sld [smem:$0x3FD9]  }
0x89: {  	s3 =	sld [smem:$0x3FFE];
	_ =	sdelay $0x1  }
0x8a: {  	s1 =	srdreg.scid  }
0x8b: {  	s0 =	sand.u32 $0x1, s1  }
0x8c: {  	s17 =	sshll.u32 s0, $0xA;
	s2 =	sadd.s32 s3, s2  }
0x8d: {  	s2 =	sadd.s32 s2, s17  }
0x8e: {  	[smem:$0x3FC2] =	sst s2  }
0x8f: {  	_ = 	snop  }
0x90: {  	s2 =	sld [smem:$0x3FD0];
	(tm) =	ssettm $0x1  }
0x91: {  	s18 =	sld [smem:$0x3FFB];
	_ =	sdelay $0x3  }
0x92: {  	_ =	strace s18  }
0x93: {  	s3 =	sld [smem:$0x3FFC];
	_ =	sdelay $0x3  }
0x94: {  	_ =	strace s3  }
0x95: {  	s3 =	sld [smem:$0x3FFD];
	_ =	sdelay $0x3  }
0x96: {  	_ =	strace s3  }
0x97: {  	_ =	strace $0x8FFFFFFF  }
0x98: {  	s19 =	sld [smem:$0x3FDB];
	_ =	sdelay $0x1  }
0x99: {  	s4 =	simm.s32 $_scs_section_size  }
0x9a: {  	s5 =	simm.s32 $_size__tile_overlayer_lowered;
	s6 =	simm.s32 $_tile_overlayer_lowered  }
0x9b: {  	s22 =	simm.s32 $0x1BFF;
	s21 =	sshll.u32 s6, $0x1;
	s3 =	sadd.s32 s4, s19  }
0x9c: {  	s7 =	simm.s32 $0x0;
	s20 =	sshll.u32 s5, $0x1;
	s5 =	sadd.s32 s21, s3  }
0x9d: {  	[timem:s7], [sflag:s22] =	dma.local [hbm:s5], s20  }
0x9e: {  	_ =	swait.ge [sflag:s22], s20  }
0x9f: {  	s4 =	ssub.s32 $0x0, s20;
	[sflag:s22] =	ssyncset.done $0x0  }
0xa0: {  	[sflag:s22] =	ssyncadd.s32 s4;
	_ =	sdelay $0x1  }
0xa1: {  	s23 =	simm.s32 $0x1B8B  }
0xa2: {  	_ =	swait.ge [sflag:s23], $0x1  }
0xa3: {  	[sflag:s23] =	ssyncset.done $0x0  }
0xa4: {  	s25 =	simm.s32 $0x1B8E;
	s24 =	sld [smem:$0x3FFE];
	[sflag:s23] =	ssyncadd.s32 $0xFFFFFFFF  }
0xa5: {  	s26 =	simm.s32 $execute0_lowered;
	[smem:$0x3FD2] =	sst s25  }
0xa6: {  	s5 =	sshll.u32 s26, $0x1;
	_ =	strace $0x8000004C;
	[dreg:$0x1] =	wrdreg $0xFFFFFFFF  }
0xa7: {  	s28 =	simm.s32 $_size_execute0_lowered;
	s3 =	sadd.s32 s3, s5;
	[dreg:$0x0] =	wrdreg $0x0  }
0xa8: {  	s5 =	sshll.u32 s28, $0x1;
	[dreg:$0x2] =	wrdreg s3  }
0xa9: {  	[dreg:$0x3] =	wrdreg s5  }
0xaa: {  	[dreg:$0x4] =	wrdreg $0xC0  }
0xab: {  	_ =	task [dreg:s7], $0x5FFFF  }
0xac: {  	[dreg:$0x1] =	wrdreg $0xFFFFFFFF  }
0xad: {  	[dreg:$0x0] =	wrdreg $0x60  }
0xae: {  	[dreg:$0x2] =	wrdreg s24  }
0xaf: {  	[dreg:$0x3] =	wrdreg s2  }
0xb0: {  	[dreg:$0x4] =	wrdreg $0x90000  }
0xb1: {  	[dreg:$0x5] =	wrdreg $0x9  }
0xb2: {  	_ =	task.clear_ibuf [dreg:s7], $0x6FFFF;
	_ =	strace $0x9000004C  }
0xb3: {  	s29 =	simm.s32 $0x9;
	_ =	strace $0x8000004E  }
0xb4: {  	_ =	swait.ge [sflag:s29], $0x1  }
0xb5: {  	[sflag:s29] =	ssyncadd.s32 $0xFFFFFFFF  }
0xb6: {  	_ =	strace $0x9000004E  }
0xb7: {  	_ =	sfence  }
0xb8: {  	s30 =	sld [smem:$0x0];
	_ =	sdelay $0x2  }
0xb9: {  	s31 =	sshll.u32 s1, $0xD;
	s1 =	sshrl.u32 s1, $0x2  }
0xba: {  	s3 =	sand.u32 $0x4000, s31;
	s1 =	sadd.s32 s1, s30  }
0xbb: {  	s0 =	sor.u32 s3, s0;
	s1 =	sshll.u32 s1, $0x11  }
0xbc: {  	s0 =	sor.u32 s1, s0  }
0xbd: {  	s0 =	sadd.s32 $0x8F2B, s0  }
0xbe: {  	[sflag:s0] =	ssyncadd.remote.s32 $0x1  }
0xbf: {  	_ =	sfence.sel $0xFFFF  }
0xc0: {  	[dreg:$0x0] =	wrdreg $0xFFFFFFFF;
	(pc) =	sbr.abs _section_cstart, $3  }
0xc1: {  	[dreg:$0x1] =	wrdreg $0xFFFFFFFF  }
0xc2: {  	_ =	task.clear_ibuf [dreg:s7], $0x2FFFF;
	_ =	strace $0x9FFFFFFF  }
0xc3: {  	(tm) =	ssettm $0x7FFFFFFF  }
tec
execute0_lowered:
.L_overlay_start_1:
0x0: {  	(tag) =	ssettag $0x1  }
0x1: {  	s0 =	rddreg [dreg:$0x0]  }
0x2: {  	s12 =	rddreg [dreg:$0x1]  }
0x3: {  	s3 =	rddreg [dreg:$0x2]  }
0x4: {  	s1 =	simm.s32 $0x0;
	s13 =	stileid.u32;
	s8 =	srdreg.scid  }
0x5: {  	s17 =	simm.s32 $0x80;
	s18 =	simm.s32 $0x5000;
	s19 =	simm.s32 $0x5800  }
0x6: {  	s21 =	simm.s32 $0x6000;
	s23 =	simm.s32 $0x6800;
	s25 =	simm.s32 $0x7000  }
0x7: {  	s28 =	simm.s32 $0x7800;
	s30 =	simm.s32 $0x8000;
	s20 =	simm.s32 $0x4  }
0x8: {  	s22 =	simm.s32 $0x5;
	s24 =	simm.s32 $0x6;
	s26 =	simm.s32 $0x7  }
0x9: {  	s29 =	simm.s32 $0x8;
	s31 =	simm.s32 $0x9;
	s16 =	simm.s32 $0x0  }
0xa: {  	[smem:$0x7FF] =	sst s1;
	s2 =	smul.u32 $0x2800, s13;
	s1 =	sand.u32 $0x1, s8  }
0xb: {  	s5 =	sadd.s32 $0x1BC00, s0;
	s7 =	sadd.s32 $0x3200, s0;
	s15 =	sshll.u32 s13, $0x6  }
0xc: {  	_ =	strace $0x8000004D;
	s4 =	smul.u32 $0x28000, s1;
	s6 =	sshll.u32 s1, $0x4  }
0xd: {  	s1 =	ssub.s32 $0x2, s1;
	[dreg:$0xe] =	wrdreg s16;
	s6 =	sor.u32 s13, s6  }
0xe: {  	s8 =	sshrl.u32 s2, $0x3;
	s11 =	sshrl.u32 s1, $0x1;
	s9 =	smul.u32 $0x2800, s6  }
0xf: {  	s8 =	sadd.s32 s8, s0;
	s4 =	sadd.s32 s2, s4;
	s10 =	smul.u32 $0x500, s6  }
0x10: {  	s1 =	ssub.s32 s1, s11;
	s11 =	sadd.s32 s2, s3;
	p0 =	seq.s32 s6, $0x1F  }
0x11: {  	s2 =	simm.s32 $0x1;
	s6 =	simm.s32 $0xA;
	s4 =	sshrl.u32 s4, $0x3  }
0x12: {  	s1 =	smax.u32 s1, $0x1;
	s4 =	sadd.s32 s4, s0;
	s9 =	sshrl.u32 s9, $0x3  }
0x13: {  	s10 =	sadd.s32 s7, s10;
	[dreg:$0xb] =	wrdreg s1;
	s1 =	simm.s32 $0x2  }
0x14: {  	[dreg:$0x4] =	wrdreg s10;
	s7 =	sadd.s32 s7, s9;
	s9 =	sadd.s32 $0xCD00, s0  }
0x15: {  	s0 =	sadd.s32 $0x16940, s0;
	s10 =	sadd.s32 $0x3C0, s12;
	[dreg:$0x6] =	wrdreg s9  }
0x16: {  	s12 =	sadd.s32 $0x16C00, s8;
	s14 =	sadd.s32 $0x20C00, s4;
	[dreg:$0x7] =	wrdreg s0  }
0x17: {  	s4 =	simm.s32 $0x3;
	s8 =	simm.s32 $0xC;
	[dreg:$0x8] =	wrdreg s10  }
.Ltmp0:
0x18: {  	s7 =	sadd.s32 $0x9C40, s7;
	[dreg:$0x9] =	wrdreg s12;
	(pc) =	sbr.rel .LBB2_1-.Ltmp0, $4  }
0x19: {  	[dreg:$0xa] =	wrdreg s14;
	s14 =	sor.u32 $0x1C11, s15;
	s15 =	sshrl.u32 s11, $0x3  }
0x1a: {  	s0 =	simm.s32 $0x8800;
	s9 =	simm.s32 $0xD;
	[dreg:$0x5] =	wrdreg s7  }
0x1b: {  	s10 =	simm.s32 $0xE;
	s11 =	simm.s32 $0xF;
	[dreg:$0xc] =	wrdreg s14  }
0x1c: {  	s12 =	simm.s32 $0x10;
	s7 =	simm.s32 $0xB;
	[dreg:$0xd] =	wrdreg s15  }
.LBB2_3:
0x1d: {  	_ =	swait.ge [sflag:s6], $0x800  }
0x1e: {  	[sflag:s6] =	ssyncset.done $0x0  }
0x1f: {  	[sflag:s6] =	ssyncadd.s32 $0xFFFFF800  }
0x20: {  	_ =	swait.ge [sflag:s7], $0x800  }
0x21: {  	[sflag:s7] =	ssyncset.done $0x0  }
0x22: {  	[sflag:s7] =	ssyncadd.s32 $0xFFFFF800  }
0x23: {  	_ =	swait.ge [sflag:s8], $0x800  }
0x24: {  	[sflag:s8] =	ssyncset.done $0x0  }
0x25: {  	[sflag:s8] =	ssyncadd.s32 $0xFFFFF800  }
0x26: {  	_ =	swait.ge [sflag:s9], $0x800  }
0x27: {  	[sflag:s9] =	ssyncset.done $0x0  }
0x28: {  	[sflag:s9] =	ssyncadd.s32 $0xFFFFF800  }
0x29: {  	_ =	swait.ge [sflag:s10], $0x800  }
0x2a: {  	[sflag:s10] =	ssyncset.done $0x0  }
0x2b: {  	[sflag:s10] =	ssyncadd.s32 $0xFFFFF800  }
0x2c: {  	_ =	swait.ge [sflag:s11], $0x800  }
0x2d: {  	[sflag:s11] =	ssyncset.done $0x0  }
0x2e: {  	[sflag:s11] =	ssyncadd.s32 $0xFFFFF800  }
0x2f: {  	_ =	swait.ge [sflag:s12], $0x800  }
0x30: {  	[sflag:s12] =	ssyncset.done $0x0  }
0x31: {  	[sflag:s12] =	ssyncadd.s32 $0xFFFFF800  }
.LBB2_5:
0x32: {  	[bflag:$0x0] =	sbarrier.arrive $0xFFFF  }
0x33: {  	s13 =	rddreg [dreg:$0xa]  }
0x34: {  	s14 =	rddreg [dreg:$0xc]  }
0x35: {  	s16 =	simm.s32 $0x11;
	s15 =	rddreg [dreg:$0xd]  }
0x36: {  	[hbm:s13], [sflag:s14] =	dma.local [spmem:s15], $0x500  }
0x37: {  	_ =	swait.ge [sflag:s16], $0x500  }
0x38: {  	s18 =	rddreg [dreg:$0xe]  }
0x39: {  	s15 =	rddreg [dreg:$0xb];
	s18 =	sadd.s32 $0x1, s18  }
0x3a: {  	p1 =	sne.s32 s18, s15  }
.Ltmp1:
0x3b: {  	_ = 	snop;
	(pc) =	sbr.rel @!p1 .LBB2_6-.Ltmp1, $3  }
0x3c: {  	_ =	sdelay $0x1  }
0x3d: {  	[sflag:s16] =	ssyncset.done $0x0  }
0x3e: {  	[sflag:s16] =	ssyncadd.s32 $0xFFFFFB00;
	[dreg:$0xe] =	wrdreg s18;
	s18 =	simm.s32 $0x5000  }
.LBB2_1:
0x3f: {  	s14 =	simm.s32 @p0 $0x0;
	s13 =	rddreg [dreg:$0x6];
	s15 =	simm.s32 @p0 $0x11  }
0x40: {  	[tilespmem:s14], [sflag:$0x11] =	stream.linear.gather @p0 [hbm4b:s13+s14], $0xA00, $0x38;
	[tilespmem:$0xB800] =	vst v63  }
0x41: {  	_ =	swait.ge @p0 [sflag:s15], $0xA00  }
0x42: {  	[sflag:s15] =	ssyncset.done @p0 $0x0  }
0x43: {  	[sflag:s15] =	ssyncadd.s32 @p0 $0xFFFFF600  }
0x44: {  	s16 =	simm.s32 @p0 $0xA00;
	s13 =	rddreg [dreg:$0x1]  }
0x45: {  	[tilespmem:s16], [sflag:$0x11] =	stream.linear.gather @p0 [hbm4b:s13+s14], $0x1E00, $0x38;
	[tilespmem:$0xB800] =	vst v63  }
0x46: {  	_ =	swait.ge @p0 [sflag:s15], $0x1E00  }
0x47: {  	[sflag:s15] =	ssyncset.done @p0 $0x0  }
0x48: {  	s16 =	simm.s32 @p0 $0x2800;
	s13 =	rddreg [dreg:$0x7];
	[sflag:s15] =	ssyncadd.s32 @p0 $0xFFFFE200  }
0x49: {  	[tilespmem:s16], [sflag:$0x11] =	stream.linear.gather @p0 [hbm4b:s13+s14], $0xA00, $0x38;
	[tilespmem:$0xB800] =	vst v63  }
0x4a: {  	_ =	swait.ge @p0 [sflag:s15], $0xA00  }
0x4b: {  	[sflag:s15] =	ssyncset.done @p0 $0x0  }
0x4c: {  	s16 =	simm.s32 @p0 $0x3200;
	s13 =	rddreg [dreg:$0x8];
	[sflag:s15] =	ssyncadd.s32 @p0 $0xFFFFF600  }
0x4d: {  	[tilespmem:s16], [sflag:$0x11] =	stream.linear.gather @p0 [hbm4b:s13+s14], $0x1E00, $0x38;
	[tilespmem:$0xB800] =	vst v63  }
0x4e: {  	_ =	swait.ge @p0 [sflag:s15], $0x1E00  }
0x4f: {  	s14 =	simm.s32 @!p0 $0x0;
	[sflag:s15] =	ssyncset.done @p0 $0x0  }
0x50: {  	s13 =	rddreg [dreg:$0x4];
	[sflag:s15] =	ssyncadd.s32 @p0 $0xFFFFE200;
	s15 =	simm.s32 @!p0 $0x11  }
0x51: {  	[tilespmem:s14], [sflag:$0x11] =	stream.linear.gather @!p0 [hbm4b:s13+s14], $0x2800, $0x38;
	[tilespmem:$0xB800] =	vst v63  }
0x52: {  	_ =	swait.ge @!p0 [sflag:s15], $0x2800  }
0x53: {  	[sflag:s15] =	ssyncset.done @!p0 $0x0  }
0x54: {  	s16 =	simm.s32 @!p0 $0x2800;
	s13 =	rddreg [dreg:$0x5];
	[sflag:s15] =	ssyncadd.s32 @!p0 $0xFFFFD800  }
0x55: {  	[tilespmem:s16], [sflag:$0x11] =	stream.linear.gather @!p0 [hbm4b:s13+s14], $0x2800, $0x38;
	[tilespmem:$0xB800] =	vst v63  }
0x56: {  	_ =	swait.ge @!p0 [sflag:s15], $0x2800  }
0x57: {  	s14 =	rddreg [dreg:$0x9]  }
0x58: {  	[sflag:s15] =	ssyncset.done @!p0 $0x0;
	s16 =	rddreg [dreg:$0xd]  }
0x59: {  	[sflag:s15] =	ssyncadd.s32 @!p0 $0xFFFFD800;
	s15 =	rddreg [dreg:$0xc]  }
0x5a: {  	[spmem:s16], [sflag:s15] =	dma.local [hbm:s14], $0x500  }
0x5b: {  	s15 =	simm.s32 $0x11  }
0x5c: {  	_ =	swait.ge [sflag:s15], $0x500  }
0x5d: {  	[sflag:s15] =	ssyncset.done $0x0  }
0x5e: {  	[sflag:s15] =	ssyncadd.s32 $0xFFFFFB00  }
0x5f: {  	s16 =	simm.s32 $0x0;
	[bflag:$0x0] =	sbarrier.arrive $0xFFFF  }
0x60: {  	[tilespmem:s18], [sflag:$0x1] =	stream.indirect.gather [hbm4b:s5+s17], $0x10, s16, s17, $0xb8;
	[tilespmem:$0xB800] =	vst v63  }
0x61: {  	_ = 	snop  }
0x62: {  	[tilespmem:s19], [sflag:$0x2] =	stream.indirect.gather [hbm4b:s5+s17], $0x10, s17, s17, $0xb8;
	[tilespmem:$0xB800] =	vst v63  }
0x63: {  	s14 =	simm.s32 $0x100  }
0x64: {  	[tilespmem:s21], [sflag:$0x3] =	stream.indirect.gather [hbm4b:s5+s17], $0x10, s14, s17, $0xb8;
	[tilespmem:$0xB800] =	vst v63  }
0x65: {  	s15 =	simm.s32 $0x180  }
0x66: {  	[tilespmem:s23], [sflag:$0x4] =	stream.indirect.gather [hbm4b:s5+s17], $0x10, s15, s17, $0xb8;
	[tilespmem:$0xB800] =	vst v63  }
0x67: {  	s16 =	simm.s32 $0x200  }
0x68: {  	[tilespmem:s25], [sflag:$0x5] =	stream.indirect.gather [hbm4b:s5+s17], $0x10, s16, s17, $0xb8;
	[tilespmem:$0xB800] =	vst v63  }
0x69: {  	s14 =	simm.s32 $0x280  }
0x6a: {  	[tilespmem:s28], [sflag:$0x6] =	stream.indirect.gather [hbm4b:s5+s17], $0x10, s14, s17, $0xb8;
	[tilespmem:$0xB800] =	vst v63  }
0x6b: {  	s15 =	simm.s32 $0x300  }
0x6c: {  	[tilespmem:s30], [sflag:$0x7] =	stream.indirect.gather [hbm4b:s5+s17], $0x10, s15, s17, $0xb8;
	[tilespmem:$0xB800] =	vst v63  }
0x6d: {  	s16 =	simm.s32 $0x380;
	s14 =	simm.s32 $0x0  }
0x6e: {  	[tilespmem:s0], [sflag:$0x8] =	stream.indirect.gather [hbm4b:s5+s17], $0x10, s16, s17, $0xb8;
	[tilespmem:$0xB800] =	vst v63  }
.LBB2_2:
0x6f: {  	_ =	swait.ge [sflag:s2], $0x800  }
0x70: {  	s15 =	sshra.s32 s14, $0x2;
	[sflag:s2] =	ssyncset.done $0x0  }
0x71: {  	s16 =	sadd.s32 $0x2800, s15;
	[sflag:s2] =	ssyncadd.s32 $0xFFFFF800  }
0x72: {  	[spmem:s3] =	stream.indirect.scatter.add.f32 [tilespmem:s18], [sflag:$0x9], $0x10, s16, s17, $0xb8;
	[tilespmem:$0xB800] =	vst v63  }
0x73: {  	_ =	swait.ge [sflag:s1], $0x800  }
0x74: {  	[sflag:s1] =	ssyncset.done $0x0  }
0x75: {  	s13 =	sadd.s32 $0x2880, s15;
	[sflag:s1] =	ssyncadd.s32 $0xFFFFF800  }
0x76: {  	[spmem:s3] =	stream.indirect.scatter.add.f32 [tilespmem:s19], [sflag:$0xA], $0x10, s13, s17, $0xb8;
	[tilespmem:$0xB800] =	vst v63  }
0x77: {  	_ =	swait.ge [sflag:s4], $0x800  }
0x78: {  	[sflag:s4] =	ssyncset.done $0x0  }
0x79: {  	s13 =	sadd.s32 $0x2900, s15;
	[sflag:s4] =	ssyncadd.s32 $0xFFFFF800  }
0x7a: {  	[spmem:s3] =	stream.indirect.scatter.add.f32 [tilespmem:s21], [sflag:$0xB], $0x10, s13, s17, $0xb8;
	[tilespmem:$0xB800] =	vst v63  }
0x7b: {  	_ =	swait.ge [sflag:s20], $0x800  }
0x7c: {  	[sflag:s20] =	ssyncset.done $0x0  }
0x7d: {  	s13 =	sadd.s32 $0x2980, s15;
	[sflag:s20] =	ssyncadd.s32 $0xFFFFF800  }
0x7e: {  	[spmem:s3] =	stream.indirect.scatter.add.f32 [tilespmem:s23], [sflag:$0xC], $0x10, s13, s17, $0xb8;
	[tilespmem:$0xB800] =	vst v63  }
0x7f: {  	_ =	swait.ge [sflag:s22], $0x800  }
0x80: {  	[sflag:s22] =	ssyncset.done $0x0  }
0x81: {  	s13 =	sadd.s32 $0x2A00, s15;
	[sflag:s22] =	ssyncadd.s32 $0xFFFFF800  }
0x82: {  	[spmem:s3] =	stream.indirect.scatter.add.f32 [tilespmem:s25], [sflag:$0xD], $0x10, s13, s17, $0xb8;
	[tilespmem:$0xB800] =	vst v63  }
0x83: {  	_ =	swait.ge [sflag:s24], $0x800  }
0x84: {  	[sflag:s24] =	ssyncset.done $0x0  }
0x85: {  	s13 =	sadd.s32 $0x2A80, s15;
	[sflag:s24] =	ssyncadd.s32 $0xFFFFF800  }
0x86: {  	[spmem:s3] =	stream.indirect.scatter.add.f32 [tilespmem:s28], [sflag:$0xE], $0x10, s13, s17, $0xb8;
	[tilespmem:$0xB800] =	vst v63  }
0x87: {  	_ =	swait.ge [sflag:s26], $0x800  }
0x88: {  	[sflag:s26] =	ssyncset.done $0x0  }
0x89: {  	s13 =	sadd.s32 $0x2B00, s15;
	[sflag:s26] =	ssyncadd.s32 $0xFFFFF800  }
0x8a: {  	[spmem:s3] =	stream.indirect.scatter.add.f32 [tilespmem:s30], [sflag:$0xF], $0x10, s13, s17, $0xb8;
	[tilespmem:$0xB800] =	vst v63  }
0x8b: {  	_ =	swait.ge [sflag:s29], $0x800  }
0x8c: {  	p1 =	sne.s32 s14, $0x9000;
	[sflag:s29] =	ssyncset.done $0x0  }
.Ltmp2:
0x8d: {  	s13 =	sadd.s32 $0x2B80, s15;
	[sflag:s29] =	ssyncadd.s32 $0xFFFFF800;
	(pc) =	sbr.rel @!p1 .LBB2_3-.Ltmp2, $4  }
0x8e: {  	[spmem:s3] =	stream.indirect.scatter.add.f32 [tilespmem:s0], [sflag:$0x10], $0x10, s13, s17, $0xb8;
	[tilespmem:$0xB800] =	vst v63  }
0x8f: {  	_ =	swait.ge [sflag:s31], $0x800  }
0x90: {  	[sflag:s31] =	ssyncset.done $0x0  }
0x91: {  	[sflag:s31] =	ssyncadd.s32 $0xFFFFF800  }
0x92: {  	s16 =	sadd.s32 $0x400, s15  }
0x93: {  	[tilespmem:s18], [sflag:$0x1] =	stream.indirect.gather [hbm4b:s5+s17], $0x10, s16, s17, $0xb8;
	[tilespmem:$0xB800] =	vst v63  }
0x94: {  	_ =	swait.ge [sflag:s6], $0x800  }
0x95: {  	[sflag:s6] =	ssyncset.done $0x0  }
0x96: {  	s13 =	sadd.s32 $0x480, s15;
	[sflag:s6] =	ssyncadd.s32 $0xFFFFF800  }
0x97: {  	[tilespmem:s19], [sflag:$0x2] =	stream.indirect.gather [hbm4b:s5+s17], $0x10, s13, s17, $0xb8;
	[tilespmem:$0xB800] =	vst v63  }
0x98: {  	_ =	swait.ge [sflag:s7], $0x800  }
0x99: {  	[sflag:s7] =	ssyncset.done $0x0  }
0x9a: {  	s13 =	sadd.s32 $0x500, s15;
	[sflag:s7] =	ssyncadd.s32 $0xFFFFF800  }
0x9b: {  	[tilespmem:s21], [sflag:$0x3] =	stream.indirect.gather [hbm4b:s5+s17], $0x10, s13, s17, $0xb8;
	[tilespmem:$0xB800] =	vst v63  }
0x9c: {  	_ =	swait.ge [sflag:s8], $0x800  }
0x9d: {  	[sflag:s8] =	ssyncset.done $0x0  }
0x9e: {  	s13 =	sadd.s32 $0x580, s15;
	[sflag:s8] =	ssyncadd.s32 $0xFFFFF800  }
0x9f: {  	[tilespmem:s23], [sflag:$0x4] =	stream.indirect.gather [hbm4b:s5+s17], $0x10, s13, s17, $0xb8;
	[tilespmem:$0xB800] =	vst v63  }
0xa0: {  	_ =	swait.ge [sflag:s9], $0x800  }
0xa1: {  	[sflag:s9] =	ssyncset.done $0x0  }
0xa2: {  	s13 =	sadd.s32 $0x600, s15;
	[sflag:s9] =	ssyncadd.s32 $0xFFFFF800  }
0xa3: {  	[tilespmem:s25], [sflag:$0x5] =	stream.indirect.gather [hbm4b:s5+s17], $0x10, s13, s17, $0xb8;
	[tilespmem:$0xB800] =	vst v63  }
0xa4: {  	_ =	swait.ge [sflag:s10], $0x800  }
0xa5: {  	[sflag:s10] =	ssyncset.done $0x0  }
0xa6: {  	s13 =	sadd.s32 $0x680, s15;
	[sflag:s10] =	ssyncadd.s32 $0xFFFFF800  }
0xa7: {  	[tilespmem:s28], [sflag:$0x6] =	stream.indirect.gather [hbm4b:s5+s17], $0x10, s13, s17, $0xb8;
	[tilespmem:$0xB800] =	vst v63  }
0xa8: {  	_ =	swait.ge [sflag:s11], $0x800  }
0xa9: {  	s14 =	sadd.s32 $0x1000, s14;
	[sflag:s11] =	ssyncset.done $0x0  }
0xaa: {  	p1 =	sne.s32 s14, $0xA000;
	s13 =	sadd.s32 $0x700, s15;
	[sflag:s11] =	ssyncadd.s32 $0xFFFFF800  }
0xab: {  	[tilespmem:s30], [sflag:$0x7] =	stream.indirect.gather [hbm4b:s5+s17], $0x10, s13, s17, $0xb8;
	[tilespmem:$0xB800] =	vst v63  }
.Ltmp3:
0xac: {  	_ = 	snop;
	(pc) =	sbr.rel @p1 .LBB2_2-.Ltmp3, $4  }
.Ltmp4:
0xad: {  	_ =	swait.ge [sflag:s12], $0x800;
	(pc) =	sbr.rel @!p1 .LBB2_5-.Ltmp4, $4  }
0xae: {  	[sflag:s12] =	ssyncset.done $0x0  }
0xaf: {  	s16 =	sadd.s32 $0x780, s15;
	[sflag:s12] =	ssyncadd.s32 $0xFFFFF800  }
0xb0: {  	[tilespmem:s0], [sflag:$0x8] =	stream.indirect.gather [hbm4b:s5+s17], $0x10, s16, s17, $0xb8;
	[tilespmem:$0xB800] =	vst v63  }
0xb1: {  	_ = 	snop  }
.LBB2_6:
0xb2: {  	_ =	sfence.sel $0x180000  }
0xb3: {  	[bflag:$0x0] =	sbarrier.arrive $0xFFFF  }
0xb4: {  	_ =	strace $0x9000004D  }
0xb5: {  	s0 =	stileid.u32;
	[bflag:$0x2] =	sbarrier.arrive $0xFFFF  }
0xb6: {  	p0 =	sne.s32 s0, $0x0;
	s0 =	rddreg [dreg:$0x3]  }
0xb7: {  	s0 =	sadd.s32 @!p0 $0x100000, s0  }
0xb8: {  	[sflag:s0] =	ssyncadd.tile.s32 @!p0 $0x1;
	_ =	shalt  }
.Lfunc_end2:
_tile_overlayer_lowered:
.L_overlay_start_2:
0xb9: {  	(tag) =	ssettag $0x2  }
0xba: {  	s0 =	rddreg [dreg:$0x0];
	s2 =	stileid.u32  }
0xbb: {  	s1 =	rddreg [dreg:$0x1];
	p0 =	sne.s32 s2, $0x0  }
0xbc: {  	s3 =	rddreg [dreg:$0x2];
	[bflag:$0x3] =	sbarrier.arrive $0xFFFF;
	s2 =	simm.s32 @!p0 $0x1C11  }
0xbd: {  	[timem:s3], [sflag:s2] =	dma.local @!p0 [hbm:s0], s1  }
0xbe: {  	s0 =	simm.s32 @!p0 $0x11  }
0xbf: {  	_ =	swait.ge @!p0 [sflag:s0], s1  }
0xc0: {  	s1 =	ssub.s32 @!p0 $0x0, s1;
	[sflag:s0] =	ssyncset.done @!p0 $0x0  }
0xc1: {  	[sflag:s0] =	ssyncadd.s32 @!p0 s1  }
0xc2: {  	[bflag:$0x3] =	sbarrier.arrive $0xFFFF  }
0xc3: {  	_ =	shalt  }

// kernel: kernel.9.cloned.1.call-start
scs
__scs_entry_jumppad:
0x0: {  	(pc) =	sbr.rel $0x88, $3  }
0x1: {  	(tag) =	ssettag $0x0;
	lr =	simm.s32 $0x1  }
0x2: {  	[smem:$0x3F9B] =	sst lr;
	_ =	strace $0xD0000000  }
0x3: {  	_ = 	snop  }
0x4: {  	_ = 	snop  }
0x5: {  	_ = 	snop  }
0x6: {  	_ = 	snop  }
0x7: {  	_ = 	snop  }
__scs_overlays_trampoline_lowered:
0x8: {  	[smem:$0x3FAA] =	sst s0  }
0x9: {  	[smem:$0x3FAB] =	sst s1  }
0xa: {  	[smem:$0x3FAC] =	sst s2  }
0xb: {  	[smem:$0x3FAD] =	sst s3  }
0xc: {  	[smem:$0x3FAE] =	sst s4  }
0xd: {  	[smem:$0x3FAF] =	sst s5  }
0xe: {  	[smem:$0x3FB0] =	sst s6  }
0xf: {  	[smem:$0x3FB1] =	sst s7  }
0x10: {  	[smem:$0x3FB2] =	sst s8  }
0x11: {  	[smem:$0x3FB3] =	sst s9;
	s0 =	simm.s32 @!p0 $0x0  }
0x12: {  	s1 =	sld [smem:$0x3F99];
	s0 =	simm.s32 @p0 $0x1  }
0x13: {  	[smem:$0x3FB4] =	sst s0;
	s0 =	simm.s32 @!p1 $0x0  }
0x14: {  	s2 =	sld [smem:$0x3F98];
	s0 =	simm.s32 @p1 $0x1  }
0x15: {  	[smem:$0x3FB5] =	sst s0;
	s0 =	simm.s32 @!p2 $0x0  }
0x16: {  	s3 =	sld [smem:$0x3FDB];
	s0 =	simm.s32 @p2 $0x1  }
0x17: {  	s4 =	simm.s32 $0x1BF5;
	[smem:$0x3FB7] =	sst s0  }
0x18: {  	s0 =	sld [smem:$0x3F9A];
	_ =	swait.ge [sflag:s4], $0x0  }
0x19: {  	s7 =	sld [smem:$0x3F9B]  }
0x1a: {  	s8 =	sadd.s32 $0xFFFFE003, lr  }
0x1b: {  	s9 =	sadd.s32 $0xFFFFFEF7, lr;
	s5 =	simm.s32 $0xFFFFFFFF;
	p2 =	slt.u32 s8, $0xFFFFF086  }
0x1c: {  	p1 =	slt.u32 s9, $0xF7A;
	s5 =	simm.s32 @!p2 $0x0  }
0x1d: {  	s5 =	simm.s32 @p1 $0x1;
	p0 =	seq.s32 s7, s2  }
0x1e: {  	s7 =	smul.u32 @!p0 $0xF7A, s2;
	p2 =	seq.s32 @!p0 s5, $0x0  }
0x1f: {  	s9 =	smul.u32 $0xF7A, s1;
	s8 =	simm.s32 @!p0 $0x1BF5;
	p2 =	por !p2, p0  }
0x20: {  	[sflag:s8] =	ssyncset.s32 @!p0 $0xFFFFF086;
	s6 =	sadd.s32 @!p0 s3, s7;
	s7 =	simm.s32 @!p0 $0x108  }
0x21: {  	s3 =	sadd.s32 s3, s9;
	s6 =	sadd.s32 @!p0 $0x88, s6;
	s7 =	simm.s32 @p2 $0x1082  }
0x22: {  	[simem:s7], [sflag:s8] =	dma.local @!p0 [hbm:s6], $0xF7A  }
0x23: {  	s9 =	sor.u32 $0xD0000000, s2;
	s6 =	simm.s32 $0x108;
	_ =	swait.ge @!p0 [sflag:s8], $0x0  }
0x24: {  	s3 =	sadd.s32 $0x88, s3;
	s6 =	simm.s32 @!p1 $0x1082;
	[sflag:s4] =	ssyncset.s32 $0xFFFFF086  }
0x25: {  	[simem:s6], [sflag:s4] =	dma.local [hbm:s3], $0xF7A  }
0x26: {  	[smem:$0x3F9B] =	sst s1;
	(tag) =	ssettag s2;
	_ =	strace s9  }
0x27: {  	s1 =	sld [smem:$0x3FAB]  }
0x28: {  	s2 =	sld [smem:$0x3FAC]  }
0x29: {  	s4 =	sld [smem:$0x3FAE]  }
0x2a: {  	p0 =	seq.s32 s5, $0x0;
	s5 =	sld [smem:$0x3FAF]  }
0x2b: {  	s6 =	sld [smem:$0x3FB0]  }
0x2c: {  	s7 =	sld [smem:$0x3FB1]  }
0x2d: {  	s3 =	simm.s32 $0x108;
	s8 =	sld [smem:$0x3FB2]  }
0x2e: {  	s3 =	simm.s32 @!p0 $0x1082;
	s9 =	sld [smem:$0x3FB3]  }
0x2f: {  	lr =	sadd.s32 s0, s3;
	s0 =	sld [smem:$0x3FAA]  }
0x30: {  	s3 =	sld [smem:$0x3FAD]  }
0x31: {  	[smem:$0x3FB6] =	sst s10  }
0x32: {  	s10 =	sld [smem:$0x3FB4];
	_ =	sdelay $0x3  }
0x33: {  	p0 =	seq.s32 s10, $0x1;
	s10 =	sld [smem:$0x3FB6];
	_ =	sdelay $0x3  }
0x34: {  	[smem:$0x3FB6] =	sst s10  }
0x35: {  	s10 =	sld [smem:$0x3FB5];
	_ =	sdelay $0x3  }
0x36: {  	p1 =	seq.s32 s10, $0x1;
	s10 =	sld [smem:$0x3FB6];
	_ =	sdelay $0x3  }
0x37: {  	[smem:$0x3FB6] =	sst s10  }
0x38: {  	s10 =	sld [smem:$0x3FB7]  }
0x39: {  	_ = 	snop;
	(pc) =	sbr.ind lr, $3  }
0x3a: {  	_ = 	snop  }
0x3b: {  	_ = 	snop  }
0x3c: {  	p2 =	seq.s32 s10, $0x1;
	s10 =	sld [smem:$0x3FB6]  }
0x3d: {  	_ =	shalt  }
0x3e: {  	_ =	shalt  }
0x3f: {  	_ =	shalt  }
0x40: {  	_ =	shalt  }
0x41: {  	_ =	shalt  }
0x42: {  	_ =	shalt  }
0x43: {  	_ =	shalt  }
0x44: {  	_ =	shalt  }
0x45: {  	_ =	shalt  }
0x46: {  	_ =	shalt  }
0x47: {  	_ =	shalt  }
0x48: {  	_ =	shalt  }
0x49: {  	_ =	shalt  }
0x4a: {  	_ =	shalt  }
0x4b: {  	_ =	shalt  }
0x4c: {  	_ =	shalt  }
0x4d: {  	_ =	shalt  }
0x4e: {  	_ =	shalt  }
0x4f: {  	_ =	shalt  }
0x50: {  	_ =	shalt  }
0x51: {  	_ =	shalt  }
0x52: {  	_ =	shalt  }
0x53: {  	_ =	shalt  }
0x54: {  	_ =	shalt  }
0x55: {  	_ =	shalt  }
0x56: {  	_ =	shalt  }
0x57: {  	_ =	shalt  }
0x58: {  	_ =	shalt  }
0x59: {  	_ =	shalt  }
0x5a: {  	_ =	shalt  }
0x5b: {  	_ =	shalt  }
0x5c: {  	_ =	shalt  }
0x5d: {  	_ =	shalt  }
0x5e: {  	_ =	shalt  }
0x5f: {  	_ =	shalt  }
0x60: {  	_ =	shalt  }
0x61: {  	_ =	shalt  }
0x62: {  	_ =	shalt  }
0x63: {  	_ =	shalt  }
0x64: {  	_ =	shalt  }
0x65: {  	_ =	shalt  }
0x66: {  	_ =	shalt  }
0x67: {  	_ =	shalt  }
0x68: {  	_ =	shalt  }
0x69: {  	_ =	shalt  }
0x6a: {  	_ =	shalt  }
0x6b: {  	_ =	shalt  }
0x6c: {  	_ =	shalt  }
0x6d: {  	_ =	shalt  }
0x6e: {  	_ =	shalt  }
0x6f: {  	_ =	shalt  }
0x70: {  	_ =	shalt  }
0x71: {  	_ =	shalt  }
0x72: {  	_ =	shalt  }
0x73: {  	_ =	shalt  }
0x74: {  	_ =	shalt  }
0x75: {  	_ =	shalt  }
0x76: {  	_ =	shalt  }
0x77: {  	_ =	shalt  }
0x78: {  	_ =	shalt  }
0x79: {  	_ =	shalt  }
0x7a: {  	_ =	shalt  }
0x7b: {  	_ =	shalt  }
0x7c: {  	_ =	shalt  }
0x7d: {  	_ =	shalt  }
0x7e: {  	_ =	shalt  }
0x7f: {  	_ =	shalt  }
0x80: {  	_ =	shalt  }
0x81: {  	_ =	shalt  }
0x82: {  	_ =	shalt  }
0x83: {  	_ =	shalt  }
0x84: {  	_ =	shalt  }
0x85: {  	_ =	shalt  }
0x86: {  	_ =	shalt  }
0x87: {  	_ =	shalt  }
.Lfunc_end0:
.L_simem_size_0:
called_computation_lowered:
.L_overlay_start_0:
0x88: {  	s2 =	sld [smem:$0x3FD9]  }
0x89: {  	s3 =	sld [smem:$0x3FFE];
	_ =	sdelay $0x1  }
0x8a: {  	s1 =	srdreg.scid  }
0x8b: {  	s0 =	sand.u32 $0x1, s1  }
0x8c: {  	s17 =	sshll.u32 s0, $0xA;
	s2 =	sadd.s32 s3, s2  }
0x8d: {  	s2 =	sadd.s32 s2, s17  }
0x8e: {  	[smem:$0x3FC2] =	sst s2  }
0x8f: {  	_ = 	snop  }
0x90: {  	s2 =	sld [smem:$0x3FD0];
	(tm) =	ssettm $0x1  }
0x91: {  	s18 =	sld [smem:$0x3FFB];
	_ =	sdelay $0x3  }
0x92: {  	_ =	strace s18  }
0x93: {  	s3 =	sld [smem:$0x3FFC];
	_ =	sdelay $0x3  }
0x94: {  	_ =	strace s3  }
0x95: {  	s3 =	sld [smem:$0x3FFD];
	_ =	sdelay $0x3  }
0x96: {  	_ =	strace s3  }
0x97: {  	_ =	strace $0x8FFFFFFF  }
0x98: {  	s19 =	sld [smem:$0x3FDB];
	_ =	sdelay $0x1  }
0x99: {  	s4 =	simm.s32 $_scs_section_size  }
0x9a: {  	s5 =	simm.s32 $_size__tile_overlayer_lowered;
	s6 =	simm.s32 $_tile_overlayer_lowered  }
0x9b: {  	s22 =	simm.s32 $0x1BFF;
	s21 =	sshll.u32 s6, $0x1;
	s3 =	sadd.s32 s4, s19  }
0x9c: {  	s7 =	simm.s32 $0x0;
	s20 =	sshll.u32 s5, $0x1;
	s5 =	sadd.s32 s21, s3  }
0x9d: {  	[timem:s7], [sflag:s22] =	dma.local [hbm:s5], s20  }
0x9e: {  	_ =	swait.ge [sflag:s22], s20  }
0x9f: {  	s4 =	ssub.s32 $0x0, s20;
	[sflag:s22] =	ssyncset.done $0x0  }
0xa0: {  	[sflag:s22] =	ssyncadd.s32 s4;
	_ =	sdelay $0x1  }
0xa1: {  	s23 =	simm.s32 $0x1B8B  }
0xa2: {  	_ =	swait.ge [sflag:s23], $0x1  }
0xa3: {  	[sflag:s23] =	ssyncset.done $0x0  }
0xa4: {  	s25 =	simm.s32 $0x1B8E;
	s24 =	sld [smem:$0x3FFE];
	[sflag:s23] =	ssyncadd.s32 $0xFFFFFFFF  }
0xa5: {  	s26 =	simm.s32 $execute0_lowered;
	[smem:$0x3FD2] =	sst s25  }
0xa6: {  	s5 =	sshll.u32 s26, $0x1;
	_ =	strace $0x80000046;
	[dreg:$0x1] =	wrdreg $0xFFFFFFFF  }
0xa7: {  	s28 =	simm.s32 $_size_execute0_lowered;
	s3 =	sadd.s32 s3, s5;
	[dreg:$0x0] =	wrdreg $0x0  }
0xa8: {  	s5 =	sshll.u32 s28, $0x1;
	[dreg:$0x2] =	wrdreg s3  }
0xa9: {  	[dreg:$0x3] =	wrdreg s5  }
0xaa: {  	[dreg:$0x4] =	wrdreg $0xC0  }
0xab: {  	_ =	task [dreg:s7], $0x5FFFF  }
0xac: {  	[dreg:$0x1] =	wrdreg $0xFFFFFFFF  }
0xad: {  	[dreg:$0x0] =	wrdreg $0x60  }
0xae: {  	[dreg:$0x2] =	wrdreg s24  }
0xaf: {  	[dreg:$0x3] =	wrdreg s2  }
0xb0: {  	[dreg:$0x4] =	wrdreg $0x30000  }
0xb1: {  	[dreg:$0x5] =	wrdreg $0x9  }
0xb2: {  	_ =	task.clear_ibuf [dreg:s7], $0x6FFFF;
	_ =	strace $0x90000046  }
0xb3: {  	s29 =	simm.s32 $0x9;
	_ =	strace $0x80000048  }
0xb4: {  	_ =	swait.ge [sflag:s29], $0x1  }
0xb5: {  	[sflag:s29] =	ssyncadd.s32 $0xFFFFFFFF  }
0xb6: {  	_ =	strace $0x90000048  }
0xb7: {  	_ =	sfence  }
0xb8: {  	s30 =	sld [smem:$0x0];
	_ =	sdelay $0x2  }
0xb9: {  	s31 =	sshll.u32 s1, $0xD;
	s1 =	sshrl.u32 s1, $0x2  }
0xba: {  	s3 =	sand.u32 $0x4000, s31;
	s1 =	sadd.s32 s1, s30  }
0xbb: {  	s0 =	sor.u32 s3, s0;
	s1 =	sshll.u32 s1, $0x11  }
0xbc: {  	s0 =	sor.u32 s1, s0  }
0xbd: {  	s0 =	sadd.s32 $0x8F2B, s0  }
0xbe: {  	[sflag:s0] =	ssyncadd.remote.s32 $0x1  }
0xbf: {  	_ =	sfence.sel $0xFFFF  }
0xc0: {  	[dreg:$0x0] =	wrdreg $0xFFFFFFFF;
	(pc) =	sbr.abs _section_cstart, $3  }
0xc1: {  	[dreg:$0x1] =	wrdreg $0xFFFFFFFF  }
0xc2: {  	_ =	task.clear_ibuf [dreg:s7], $0x2FFFF;
	_ =	strace $0x9FFFFFFF  }
0xc3: {  	(tm) =	ssettm $0x7FFFFFFF  }
tec
execute0_lowered:
.L_overlay_start_1:
0x0: {  	(tag) =	ssettag $0x1  }
0x1: {  	s6 =	rddreg [dreg:$0x0]  }
0x2: {  	s7 =	rddreg [dreg:$0x1];
	s0 =	srdreg.scid  }
0x3: {  	s2 =	rddreg [dreg:$0x2];
	s1 =	stileid.u32;
	s3 =	simm.s32 $0x0  }
0x4: {  	s15 =	simm.s32 $0x80;
	s16 =	simm.s32 $0x1;
	s17 =	simm.s32 $0x0  }
0x5: {  	s5 =	sand.u32 $0x1, s0;
	s0 =	rddreg [dreg:$0x3];
	s8 =	smul.u32 $0x2800, s1  }
0x6: {  	[smem:$0x7FF] =	sst s3;
	s7 =	sadd.s32 $0x3C0, s7;
	s31 =	sshll.u32 s1, $0x6  }
0x7: {  	s4 =	sshll.u32 s5, $0x4;
	s9 =	smul.u32 $0x28000, s5;
	_ =	strace $0x80000047  }
0x8: {  	s5 =	ssub.s32 $0x2, s5;
	s11 =	sor.u32 s1, s4;
	s30 =	sshrl.u32 s8, $0x3  }
0x9: {  	s4 =	sadd.s32 $0x1BC00, s6;
	s13 =	sshrl.u32 s5, $0x1;
	s14 =	sadd.s32 s8, s2  }
0xa: {  	s10 =	smul.u32 $0x2800, s11;
	s12 =	sadd.s32 s30, s6;
	s9 =	sadd.s32 s8, s9  }
0xb: {  	s13 =	ssub.s32 s5, s13;
	p0 =	seq.s32 s11, $0x1F;
	s11 =	simm.s32 $0x2800  }
0xc: {  	s14 =	sshrl.u32 s14, $0x3;
	s9 =	sshrl.u32 s9, $0x3;
	s8 =	sadd.s32 $0x16C00, s12  }
0xd: {  	s12 =	simm.s32 $0x2;
	s10 =	sshrl.u32 s10, $0x3;
	s9 =	sadd.s32 s9, s6  }
0xe: {  	s10 =	sadd.s32 s6, s10;
	s6 =	sadd.s32 $0x16940, s6;
	s9 =	sadd.s32 $0x1BE00, s9  }
0xf: {  	s5 =	sadd.s32 $0xCE40, s10;
	s10 =	smax.u32 s13, $0x1;
	s13 =	sor.u32 $0x1C02, s31  }
.LBB2_1:
0x10: {  	s18 =	simm.s32 @p0 $0x0;
	s19 =	simm.s32 @p0 $0x2  }
0x11: {  	[tilespmem:s18], [sflag:$0x2] =	stream.linear.gather @p0 [hbm4b:s6+s18], $0xA00, $0x38;
	[tilespmem:$0x5800] =	vst v63  }
0x12: {  	_ =	swait.ge @p0 [sflag:s19], $0xA00  }
0x13: {  	[sflag:s19] =	ssyncset.done @p0 $0x0  }
0x14: {  	s20 =	simm.s32 @p0 $0xA00;
	[sflag:s19] =	ssyncadd.s32 @p0 $0xFFFFF600  }
0x15: {  	[tilespmem:s20], [sflag:$0x2] =	stream.linear.gather @p0 [hbm4b:s7+s18], $0x1E00, $0x38;
	[tilespmem:$0x5800] =	vst v63  }
0x16: {  	_ =	swait.ge @p0 [sflag:s19], $0x1E00  }
0x17: {  	[sflag:s19] =	ssyncset.done @p0 $0x0  }
0x18: {  	s18 =	simm.s32 @!p0 $0x0;
	[sflag:s19] =	ssyncadd.s32 @p0 $0xFFFFE200  }
0x19: {  	[tilespmem:s18], [sflag:$0x2] =	stream.linear.gather @!p0 [hbm4b:s5+s18], $0x2800, $0x38;
	[tilespmem:$0x5800] =	vst v63  }
0x1a: {  	s18 =	simm.s32 @!p0 $0x2  }
0x1b: {  	_ =	swait.ge @!p0 [sflag:s18], $0x2800  }
0x1c: {  	[sflag:s18] =	ssyncset.done @!p0 $0x0  }
0x1d: {  	[sflag:s18] =	ssyncadd.s32 @!p0 $0xFFFFD800  }
0x1e: {  	[tilespmem:s11], [sflag:$0x2] =	stream.linear.gather [hbm4b:s4+s3], $0x800, $0x38;
	[tilespmem:$0x5800] =	vst v63  }
0x1f: {  	_ =	swait.ge [sflag:s12], $0x800  }
0x20: {  	[sflag:s12] =	ssyncset.done $0x0  }
0x21: {  	[sflag:s12] =	ssyncadd.s32 $0xFFFFF800  }
0x22: {  	[spmem:s14], [sflag:s13] =	dma.local [hbm:s8], $0x500  }
0x23: {  	_ =	swait.ge [sflag:s12], $0x500  }
0x24: {  	[sflag:s12] =	ssyncset.done $0x0  }
0x25: {  	[sflag:s12] =	ssyncadd.s32 $0xFFFFFB00  }
0x26: {  	s18 =	simm.s32 $0x0;
	[bflag:$0x0] =	sbarrier.arrive $0xFFFF  }
.LBB2_2:
0x27: {  	p1 =	sne.s32 s18, $0x9E00  }
.Ltmp0:
0x28: {  	_ = 	snop;
	(pc) =	sbr.rel @p1 .LBB2_2-.Ltmp0, $3  }
0x29: {  	_ =	sdelay $0x1  }
0x2a: {  	s19 =	sshra.s32 s18, $0x2;
	s18 =	sadd.s32 $0x200, s18  }
0x2b: {  	[spmem:s2] =	stream.indirect.scatter.add.f32 [tilespmem:s11], [sflag:$0x1], $0x10, s19, s15, $0xb8;
	[tilespmem:$0x5800] =	vst v63  }
0x2c: {  	_ =	swait.ge [sflag:s16], $0x800  }
0x2d: {  	s18 =	simm.s32 $0x4F;
	[sflag:s16] =	ssyncset.done $0x0  }
.LBB2_4:
0x2e: {  	p1 =	sne.s32 s18, $0x1;
	s18 =	sadd.s32 $0xFFFFFFFF, s18;
	[sflag:s16] =	ssyncadd.s32 $0xFFFFF800  }
.Ltmp1:
0x2f: {  	(pc) =	sbr.rel @p1 .LBB2_4-.Ltmp1, $3  }
0x30: {  	_ =	sdelay $0x1  }
0x31: {  	_ =	swait.ge [sflag:s16], $0x800  }
0x32: {  	[sflag:s16] =	ssyncset.done $0x0  }
0x33: {  	s17 =	sadd.s32 $0x1, s17  }
0x34: {  	[sflag:s16] =	ssyncadd.s32 $0xFFFFF800;
	p1 =	sne.s32 s17, s10  }
.Ltmp2:
0x35: {  	[bflag:$0x0] =	sbarrier.arrive $0xFFFF;
	(pc) =	sbr.rel @p1 .LBB2_1-.Ltmp2, $4  }
0x36: {  	[hbm:s9], [sflag:s13] =	dma.local [spmem:s14], $0x500  }
0x37: {  	_ =	swait.ge [sflag:s12], $0x500  }
0x38: {  	[sflag:s12] =	ssyncset.done $0x0  }
0x39: {  	[sflag:s12] =	ssyncadd.s32 $0xFFFFFB00  }
0x3a: {  	_ =	sfence.sel $0x180000  }
0x3b: {  	[bflag:$0x0] =	sbarrier.arrive $0xFFFF  }
0x3c: {  	p0 =	sne.s32 s1, $0x0;
	_ =	strace $0x90000047  }
0x3d: {  	s0 =	sadd.s32 @!p0 $0x100000, s0;
	[bflag:$0x2] =	sbarrier.arrive $0xFFFF  }
0x3e: {  	[sflag:s0] =	ssyncadd.tile.s32 @!p0 $0x1;
	_ =	shalt  }
.Lfunc_end2:
_tile_overlayer_lowered:
.L_overlay_start_2:
0x3f: {  	(tag) =	ssettag $0x2  }
0x40: {  	s0 =	rddreg [dreg:$0x0];
	s2 =	stileid.u32  }
0x41: {  	s1 =	rddreg [dreg:$0x1];
	p0 =	sne.s32 s2, $0x0  }
0x42: {  	s3 =	rddreg [dreg:$0x2];
	[bflag:$0x3] =	sbarrier.arrive $0xFFFF;
	s2 =	simm.s32 @!p0 $0x1C02  }
0x43: {  	[timem:s3], [sflag:s2] =	dma.local @!p0 [hbm:s0], s1  }
0x44: {  	s0 =	simm.s32 @!p0 $0x2  }
0x45: {  	_ =	swait.ge @!p0 [sflag:s0], s1  }
0x46: {  	s1 =	ssub.s32 @!p0 $0x0, s1;
	[sflag:s0] =	ssyncset.done @!p0 $0x0  }
0x47: {  	[sflag:s0] =	ssyncadd.s32 @!p0 s1  }
0x48: {  	[bflag:$0x3] =	sbarrier.arrive $0xFFFF  }
0x49: {  	_ =	shalt  }

</sc_bundles>
